<compile_context>
chip_gen: v7x
topology: tpu7x:2x2x1
jax: 0.10.2.dev20260603
libtpu: 0.0.44.dev20260713+nightly
codegen_flags: <defaults>
</compile_context>

<pallas_src>
import functools

import jax
import jax.numpy as jnp
from jax import lax
from jax.experimental import pallas as pl
from jax.experimental.pallas import tpu as pltpu
from jax.experimental.pallas import tpu_sc as plsc

N = 10000
R = 4
E = 150000
D = 128

NC = 2
NS = 16
NW = NC * NS
LANES = 16

C = 240
CHUNKS_PER_REL = E // C
TOTAL_CHUNKS = R * CHUNKS_PER_REL
ITERS = (TOTAL_CHUNKS + NW - 1) // NW
ROW_STRIDE = 624
ROW_SPAN = N - ROW_STRIDE * (NS - 1)

_sc_mesh = plsc.VectorSubcoreMesh(core_axis_name="c", subcore_axis_name="s")


@functools.partial(
    pl.kernel,
    out_type=jax.ShapeDtypeStruct((NC * N, D), jnp.float32),
    mesh=_sc_mesh,
    scratch_types=[
        pltpu.VMEM((C,), jnp.int32),
        pltpu.VMEM((C,), jnp.int32),
        pltpu.VMEM((C,), jnp.float32),
        pltpu.VMEM((C, D), jnp.float32),
        pltpu.VMEM_SHARED((N, D), jnp.float32),
        pltpu.SemaphoreType.DMA,
    ],
)
def _sc_aggregate(table, srcs, dsts, ws, out, idx_v, dst_v, w_v, rows_v,
                  agg, sem):
    c = lax.axis_index("c")
    s = lax.axis_index("s")
    wid = s * NC + c

    def _zero_row(e, carry):
        for j in range(D // LANES):
            rows_v[e, pl.ds(j * LANES, LANES)] = jnp.zeros((LANES,),
                                                           jnp.float32)
        return carry

    lax.fori_loop(0, C, _zero_row, 0)
    base = s * ROW_STRIDE
    off = 0
    while off < ROW_SPAN:
        size = min(C, ROW_SPAN - off)
        pltpu.sync_copy(rows_v.at[pl.ds(0, size)],
                        agg.at[pl.ds(base + off, size)])
        off += size
    plsc.subcore_barrier()

    def _chunk(it, carry):
        k = wid + it * NW

        @pl.when(k < TOTAL_CHUNKS)
        def _():
            r = k // CHUNKS_PER_REL
            off = k * C
            pltpu.sync_copy(srcs.at[pl.ds(off, C)], idx_v)
            pltpu.sync_copy(dsts.at[pl.ds(off, C)], dst_v)
            pltpu.sync_copy(ws.at[pl.ds(off, C)], w_v)
            shift = r * N
            for i in range(C // LANES):
                sl = pl.ds(i * LANES, LANES)
                idx_v[sl] = idx_v[sl] + shift
            pltpu.async_copy(table.at[idx_v], rows_v, sem).wait()
            def _scale(g, carry2):
                wvec = w_v[pl.ds(g * LANES, LANES)]
                for e16 in range(LANES):
                    row = g * LANES + e16
                    wv = wvec[e16]
                    for j in range(D // LANES):
                        sl = pl.ds(j * LANES, LANES)
                        rows_v[row, sl] = rows_v[row, sl] * wv
                return carry2

            lax.fori_loop(0, C // LANES, _scale, 0)
            pltpu.sync_copy(rows_v, agg.at[dst_v], add=True)

        return carry

    lax.fori_loop(0, ITERS, _chunk, 0)
    plsc.subcore_barrier()
    pltpu.sync_copy(agg.at[pl.ds(base, ROW_SPAN)],
                    out.at[pl.ds(c * N + base, ROW_SPAN)])


BM = 1000


def _first_tables_body(x_ref, e_ref, w_ref, o_ref):
    emb = jnp.dot(x_ref[...], e_ref[...], preferred_element_type=jnp.float32)
    for r in range(R):
        o_ref[r] = lax.dot_general(emb, w_ref[r], (((1,), (1,)), ((), ())),
                                   preferred_element_type=jnp.float32)


def _first_tables(x, ent_emb, w):
    return pl.pallas_call(
        _first_tables_body,
        grid=(N // BM,),
        in_specs=[
            pl.BlockSpec((BM, D), lambda i: (i, 0)),
            pl.BlockSpec((D, D), lambda i: (0, 0)),
            pl.BlockSpec((R, D, D), lambda i: (0, 0, 0)),
        ],
        out_specs=pl.BlockSpec((R, BM, D), lambda i: (0, i, 0)),
        out_shape=jax.ShapeDtypeStruct((R, N, D), jnp.float32),
    )(x, ent_emb, w)


def _mid_tables_body(p_ref, w_ref, o_ref):
    emb = jax.nn.relu(p_ref[0] + p_ref[1])
    for r in range(R):
        o_ref[r] = lax.dot_general(emb, w_ref[r], (((1,), (1,)), ((), ())),
                                   preferred_element_type=jnp.float32)


def _mid_tables(p, w):
    return pl.pallas_call(
        _mid_tables_body,
        grid=(N // BM,),
        in_specs=[
            pl.BlockSpec((NC, BM, D), lambda i: (0, i, 0)),
            pl.BlockSpec((R, D, D), lambda i: (0, 0, 0)),
        ],
        out_specs=pl.BlockSpec((R, BM, D), lambda i: (0, i, 0)),
        out_shape=jax.ShapeDtypeStruct((R, N, D), jnp.float32),
    )(p, w)


def _finalize_body(p_ref, o_ref):
    emb = jax.nn.relu(p_ref[0] + p_ref[1])
    nrm = jnp.sqrt(jnp.sum(emb * emb, axis=1, keepdims=True))
    o_ref[...] = emb / jnp.maximum(nrm, 1e-12)


def _finalize(p):
    return pl.pallas_call(
        _finalize_body,
        grid=(N // BM,),
        in_specs=[pl.BlockSpec((NC, BM, D), lambda i: (0, i, 0))],
        out_specs=pl.BlockSpec((BM, D), lambda i: (i, 0)),
        out_shape=jax.ShapeDtypeStruct((N, D), jnp.float32),
    )(p)


def kernel(x, edge_index, edge_weight, ent_emb, rel_trans):
    srcs = edge_index[:, 1, :].reshape(-1)
    dsts = edge_index[:, 0, :].reshape(-1)
    ws = edge_weight.reshape(-1)
    n_layers = rel_trans.shape[0]
    tables = _first_tables(x, ent_emb, rel_trans[0])
    for l in range(n_layers):
        partial = _sc_aggregate(tables.reshape(R * N, D), srcs, dsts, ws)
        partial = partial.reshape(NC, N, D)
        if l + 1 < n_layers:
            tables = _mid_tables(partial, rel_trans[l + 1])
        else:
            return _finalize(partial)

# --- scband reference (transcript-rebuilt; emitter-appended) ---
"""Pipeline reference for scband-gcn-8048768712757 (READ-ONLY COPY).

The authoritative reference and input builder live on the scoring server;
editing this copy changes nothing except your own understanding.
"""

import jax, jax.numpy as jnp
import numpy as np

N = 10000      # total_ent
R = 4          # total_rel
E = 150000     # edges per relation
D = 128        # emb_dim
F_IN = 128     # feat_in
L = 2          # gcn_layers


def setup_inputs(seed: int = 0) -> dict:
    key = jax.random.key(seed)
    k = jax.random.split(key, 5)
    x = jax.random.normal(k[0], (N, F_IN), dtype=jnp.float32)
    # edge_index[r] = [dst_row; src_col] for sparse adjacency matrix of relation r
    edge_index = jax.random.randint(k[1], (R, 2, E), 0, N, dtype=jnp.int32)
    edge_weight = jax.random.uniform(k[2], (R, E), dtype=jnp.float32)
    # learned parameters (xavier uniform init, matching nn.init.xavier_uniform_)
    a1 = float(np.sqrt(6.0 / (F_IN + D)))
    ent_emb = jax.random.uniform(k[3], (F_IN, D), minval=-a1, maxval=a1, dtype=jnp.float32)
    a2 = float(np.sqrt(6.0 / (D + D)))
    rel_trans = jax.random.uniform(k[4], (L, R, D, D), minval=-a2, maxval=a2, dtype=jnp.float32)
    return {"x": x, "edge_index": edge_index, "edge_weight": edge_weight,
            "ent_emb": ent_emb, "rel_trans": rel_trans}


def reference(x, edge_index, edge_weight, ent_emb, rel_trans):
    # emb = x @ ent_emb
    emb = x @ ent_emb
    n_layers = rel_trans.shape[0]
    n_rel = edge_index.shape[0]
    for l in range(n_layers):
        agg = None
        for r in range(n_rel):
            dst = edge_index[r, 0]
            src = edge_index[r, 1]
            # torch.sparse.mm(mat, emb): out[dst] += w * emb[src]
            msg = emb[src] * edge_weight[r][:, None]
            acc = jnp.zeros((emb.shape[0], emb.shape[1]), dtype=emb.dtype).at[dst].add(msg)
            # tmp[r] = (rel_trans[l, r] @ acc^T)^T = acc @ rel_trans[l, r]^T
            t = acc @ rel_trans[l, r].T
            agg = t if agg is None else agg + t
        emb = jax.nn.relu(agg)
    # F.normalize(emb): L2 normalize rows with eps=1e-12
    norm = jnp.linalg.norm(emb, axis=1, keepdims=True)
    emb = emb / jnp.maximum(norm, 1e-12)
    return emb

if __name__ == "__main__":
    import jax
    _d = setup_inputs()
    print(jax.jit(kernel)(*tuple(_d.values())))

</pallas_src>

<mosaic_0001>
#map = affine_map<(d0, d1) -> (0, 0)>
#map1 = affine_map<(d0, d1) -> (0)>
module attributes {stable_mosaic.version = 14 : i64} {
  func.func @_sc_aggregate(%arg0: i32, %arg1: i32, %arg2: memref<40000x128xf32, #tpu.memory_space<hbm>>, %arg3: memref<600000xi32, #tpu.memory_space<hbm>>, %arg4: memref<600000xi32, #tpu.memory_space<hbm>>, %arg5: memref<600000xf32, #tpu.memory_space<hbm>>, %arg6: memref<20000x128xf32, #tpu.memory_space<hbm>>, %arg7: memref<240xi32, #tpu.memory_space<vmem>>, %arg8: memref<240xi32, #tpu.memory_space<vmem>>, %arg9: memref<240xf32, #tpu.memory_space<vmem>>, %arg10: memref<240x128xf32, #tpu.memory_space<vmem>>, %arg11: memref<10000x128xf32, #tpu.memory_space<vmem_shared>>, %arg12: memref<!tpu.dma_semaphore, #tpu.memory_space<semaphore_mem>>) attributes {dimension_semantics = [#tpu.dimension_semantics<core_parallel>, #tpu.dimension_semantics<subcore_parallel>], iteration_bounds = array<i64: 2, 16>, scalar_prefetch = 0 : i64, scratch_operands = 6 : i64, tpu.core_type = #tpu.core_type<sc_vector_subcore>, window_params = [{transform_indices = #map}, {transform_indices = #map1}, {transform_indices = #map1}, {transform_indices = #map1}, {transform_indices = #map}]} {
    %mul3A = arith.constant 2 : i32
    %mul3A_0 = arith.muli %arg1, %mul3A : i32
    %add3A = arith.addi %mul3A_0, %arg0 : i32
    %scan3A = arith.constant 0 : i32
    %scan3A_1 = arith.constant 0 : i32
    %scan3A_2 = arith.constant 240 : i32
    %scan3A_3 = arith.addi %scan3A_1, %scan3A_2 : i32
    %scan3A_4 = arith.constant 1 : i32
    scf.for %scan3A_24 = %scan3A_1 to %scan3A_3 step %scan3A_4  : i32 {
      %broadcast_in_dim3A = arith.constant 0.000000e+00 : f32
      %broadcast_in_dim3A_25 = vector.broadcast %broadcast_in_dim3A : f32 to vector<16xf32>
      %swap3A = arith.index_cast %scan3A_24 : i32 to index
      %swap3A_26 = arith.constant 0 : index
      %swap3A_27 = tpu.vector_load %arg10[%swap3A, %swap3A_26] {strides = array<i32>} : memref<240x128xf32, #tpu.memory_space<vmem>>, vector<1x16xf32>,
      %swap3A_28 = vector.shape_cast %swap3A_27 : vector<1x16xf32> to vector<16xf32>
      %swap3A_29 = vector.shape_cast %broadcast_in_dim3A_25 : vector<16xf32> to vector<1x16xf32>
      tpu.vector_store %arg10[%swap3A, %swap3A_26], %swap3A_29 {strides = array<i32>} : memref<240x128xf32, #tpu.memory_space<vmem>>, vector<1x16xf32>,
      %broadcast_in_dim3A_30 = arith.constant 0.000000e+00 : f32
      %broadcast_in_dim3A_31 = vector.broadcast %broadcast_in_dim3A_30 : f32 to vector<16xf32>
      %swap3A_32 = arith.index_cast %scan3A_24 : i32 to index
      %swap3A_33 = arith.constant 16 : index
      %swap3A_34 = tpu.vector_load %arg10[%swap3A_32, %swap3A_33] {strides = array<i32>} : memref<240x128xf32, #tpu.memory_space<vmem>>, vector<1x16xf32>,
      %swap3A_35 = vector.shape_cast %swap3A_34 : vector<1x16xf32> to vector<16xf32>
      %swap3A_36 = vector.shape_cast %broadcast_in_dim3A_31 : vector<16xf32> to vector<1x16xf32>
      tpu.vector_store %arg10[%swap3A_32, %swap3A_33], %swap3A_36 {strides = array<i32>} : memref<240x128xf32, #tpu.memory_space<vmem>>, vector<1x16xf32>,
      %broadcast_in_dim3A_37 = arith.constant 0.000000e+00 : f32
      %broadcast_in_dim3A_38 = vector.broadcast %broadcast_in_dim3A_37 : f32 to vector<16xf32>
      %swap3A_39 = arith.index_cast %scan3A_24 : i32 to index
      %swap3A_40 = arith.constant 32 : index
      %swap3A_41 = tpu.vector_load %arg10[%swap3A_39, %swap3A_40] {strides = array<i32>} : memref<240x128xf32, #tpu.memory_space<vmem>>, vector<1x16xf32>,
      %swap3A_42 = vector.shape_cast %swap3A_41 : vector<1x16xf32> to vector<16xf32>
      %swap3A_43 = vector.shape_cast %broadcast_in_dim3A_38 : vector<16xf32> to vector<1x16xf32>
      tpu.vector_store %arg10[%swap3A_39, %swap3A_40], %swap3A_43 {strides = array<i32>} : memref<240x128xf32, #tpu.memory_space<vmem>>, vector<1x16xf32>,
      %broadcast_in_dim3A_44 = arith.constant 0.000000e+00 : f32
      %broadcast_in_dim3A_45 = vector.broadcast %broadcast_in_dim3A_44 : f32 to vector<16xf32>
      %swap3A_46 = arith.index_cast %scan3A_24 : i32 to index
      %swap3A_47 = arith.constant 48 : index
      %swap3A_48 = tpu.vector_load %arg10[%swap3A_46, %swap3A_47] {strides = array<i32>} : memref<240x128xf32, #tpu.memory_space<vmem>>, vector<1x16xf32>,
      %swap3A_49 = vector.shape_cast %swap3A_48 : vector<1x16xf32> to vector<16xf32>
      %swap3A_50 = vector.shape_cast %broadcast_in_dim3A_45 : vector<16xf32> to vector<1x16xf32>
      tpu.vector_store %arg10[%swap3A_46, %swap3A_47], %swap3A_50 {strides = array<i32>} : memref<240x128xf32, #tpu.memory_space<vmem>>, vector<1x16xf32>,
      %broadcast_in_dim3A_51 = arith.constant 0.000000e+00 : f32
      %broadcast_in_dim3A_52 = vector.broadcast %broadcast_in_dim3A_51 : f32 to vector<16xf32>
      %swap3A_53 = arith.index_cast %scan3A_24 : i32 to index
      %swap3A_54 = arith.constant 64 : index
      %swap3A_55 = tpu.vector_load %arg10[%swap3A_53, %swap3A_54] {strides = array<i32>} : memref<240x128xf32, #tpu.memory_space<vmem>>, vector<1x16xf32>,
      %swap3A_56 = vector.shape_cast %swap3A_55 : vector<1x16xf32> to vector<16xf32>
      %swap3A_57 = vector.shape_cast %broadcast_in_dim3A_52 : vector<16xf32> to vector<1x16xf32>
      tpu.vector_store %arg10[%swap3A_53, %swap3A_54], %swap3A_57 {strides = array<i32>} : memref<240x128xf32, #tpu.memory_space<vmem>>, vector<1x16xf32>,
      %broadcast_in_dim3A_58 = arith.constant 0.000000e+00 : f32
      %broadcast_in_dim3A_59 = vector.broadcast %broadcast_in_dim3A_58 : f32 to vector<16xf32>
      %swap3A_60 = arith.index_cast %scan3A_24 : i32 to index
      %swap3A_61 = arith.constant 80 : index
      %swap3A_62 = tpu.vector_load %arg10[%swap3A_60, %swap3A_61] {strides = array<i32>} : memref<240x128xf32, #tpu.memory_space<vmem>>, vector<1x16xf32>,
      %swap3A_63 = vector.shape_cast %swap3A_62 : vector<1x16xf32> to vector<16xf32>
      %swap3A_64 = vector.shape_cast %broadcast_in_dim3A_59 : vector<16xf32> to vector<1x16xf32>
      tpu.vector_store %arg10[%swap3A_60, %swap3A_61], %swap3A_64 {strides = array<i32>} : memref<240x128xf32, #tpu.memory_space<vmem>>, vector<1x16xf32>,
      %broadcast_in_dim3A_65 = arith.constant 0.000000e+00 : f32
      %broadcast_in_dim3A_66 = vector.broadcast %broadcast_in_dim3A_65 : f32 to vector<16xf32>
      %swap3A_67 = arith.index_cast %scan3A_24 : i32 to index
      %swap3A_68 = arith.constant 96 : index
      %swap3A_69 = tpu.vector_load %arg10[%swap3A_67, %swap3A_68] {strides = array<i32>} : memref<240x128xf32, #tpu.memory_space<vmem>>, vector<1x16xf32>,
      %swap3A_70 = vector.shape_cast %swap3A_69 : vector<1x16xf32> to vector<16xf32>
      %swap3A_71 = vector.shape_cast %broadcast_in_dim3A_66 : vector<16xf32> to vector<1x16xf32>
      tpu.vector_store %arg10[%swap3A_67, %swap3A_68], %swap3A_71 {strides = array<i32>} : memref<240x128xf32, #tpu.memory_space<vmem>>, vector<1x16xf32>,
      %broadcast_in_dim3A_72 = arith.constant 0.000000e+00 : f32
      %broadcast_in_dim3A_73 = vector.broadcast %broadcast_in_dim3A_72 : f32 to vector<16xf32>
      %swap3A_74 = arith.index_cast %scan3A_24 : i32 to index
      %swap3A_75 = arith.constant 112 : index
      %swap3A_76 = tpu.vector_load %arg10[%swap3A_74, %swap3A_75] {strides = array<i32>} : memref<240x128xf32, #tpu.memory_space<vmem>>, vector<1x16xf32>,
      %swap3A_77 = vector.shape_cast %swap3A_76 : vector<1x16xf32> to vector<16xf32>
      %swap3A_78 = vector.shape_cast %broadcast_in_dim3A_73 : vector<16xf32> to vector<1x16xf32>
      tpu.vector_store %arg10[%swap3A_74, %swap3A_75], %swap3A_78 {strides = array<i32>} : memref<240x128xf32, #tpu.memory_space<vmem>>, vector<1x16xf32>,
    }
    %scan3A_5 = arith.constant 240 : i32
    %mul3A_6 = arith.constant 624 : i32
    %mul3A_7 = arith.muli %arg1, %mul3A_6 : i32
    %add3A_8 = arith.constant 0 : i32
    %add3A_9 = arith.addi %mul3A_7, %add3A_8 : i32
    "tpu.region"() ({
      %run_scoped3A = tpu.sem_alloc : memref<!tpu.dma_semaphore, #tpu.memory_space<semaphore_mem>>
      %dma_start3A = arith.constant 0 : i32
      %dma_start3A_24 = arith.constant 0 : i32
      %dma_start3A_25 = tpu.memref_slice %arg10[%dma_start3A, %dma_start3A_24] : memref<240x128xf32, #tpu.memory_space<vmem>> -> memref<240x128xf32, #tpu.memory_space<vmem>>
      %dma_start3A_26 = arith.constant 0 : i32
      %dma_start3A_27 = tpu.memref_slice %arg11[%add3A_9, %dma_start3A_26] : memref<10000x128xf32, #tpu.memory_space<vmem_shared>> -> memref<240x128xf32, #tpu.memory_space<vmem_shared>>
      %dma_start3A_28 = arith.constant 0 : i32
      %dma_start3A_29 = tpu.memref_slice %arg11[%add3A_9, %dma_start3A_28] : memref<10000x128xf32, #tpu.memory_space<vmem_shared>> -> memref<240x128xf32, #tpu.memory_space<vmem_shared>>
      %dma_start3A_30 = arith.constant 0 : i32
      %dma_start3A_31 = arith.constant 0 : i32
      %dma_start3A_32 = tpu.memref_slice %arg10[%dma_start3A_30, %dma_start3A_31] : memref<240x128xf32, #tpu.memory_space<vmem>> -> memref<240x128xf32, #tpu.memory_space<vmem>>
      tpu.enqueue_dma source(%dma_start3A_32 : memref<240x128xf32, #tpu.memory_space<vmem>>) target(%dma_start3A_29 : memref<240x128xf32, #tpu.memory_space<vmem_shared>>) target_semaphore(%run_scoped3A : memref<!tpu.dma_semaphore, #tpu.memory_space<semaphore_mem>>)
      %dma_wait3A = arith.constant 0 : i32
      %dma_wait3A_33 = arith.constant 0 : i32
      %dma_wait3A_34 = tpu.memref_slice %arg10[%dma_wait3A, %dma_wait3A_33] : memref<240x128xf32, #tpu.memory_space<vmem>> -> memref<240x128xf32, #tpu.memory_space<vmem>>
      %dma_wait3A_35 = arith.constant 0 : i32
      %dma_wait3A_36 = tpu.memref_slice %arg11[%add3A_9, %dma_wait3A_35] : memref<10000x128xf32, #tpu.memory_space<vmem_shared>> -> memref<240x128xf32, #tpu.memory_space<vmem_shared>>
      %dma_wait3A_37 = arith.constant 0 : i32
      %dma_wait3A_38 = tpu.memref_slice %arg11[%add3A_9, %dma_wait3A_37] : memref<10000x128xf32, #tpu.memory_space<vmem_shared>> -> memref<240x128xf32, #tpu.memory_space<vmem_shared>>
      %dma_wait3A_39 = arith.constant 0 : i32
      %dma_wait3A_40 = arith.constant 0 : i32
      %dma_wait3A_41 = tpu.memref_slice %arg10[%dma_wait3A_39, %dma_wait3A_40] : memref<240x128xf32, #tpu.memory_space<vmem>> -> memref<240x128xf32, #tpu.memory_space<vmem>>
      tpu.wait_dma2 semaphore(%run_scoped3A : memref<!tpu.dma_semaphore, #tpu.memory_space<semaphore_mem>>) src(%dma_wait3A_41 : memref<240x128xf32, #tpu.memory_space<vmem>>) dst(%dma_wait3A_38 : memref<240x128xf32, #tpu.memory_space<vmem_shared>>)
      tpu.yield
    }) : () -> ()
    %add3A_10 = arith.constant 240 : i32
    %add3A_11 = arith.addi %mul3A_7, %add3A_10 : i32
    "tpu.region"() ({
      %run_scoped3A = tpu.sem_alloc : memref<!tpu.dma_semaphore, #tpu.memory_space<semaphore_mem>>
      %dma_start3A = arith.constant 0 : i32
      %dma_start3A_24 = arith.constant 0 : i32
      %dma_start3A_25 = tpu.memref_slice %arg10[%dma_start3A, %dma_start3A_24] : memref<240x128xf32, #tpu.memory_space<vmem>> -> memref<240x128xf32, #tpu.memory_space<vmem>>
      %dma_start3A_26 = arith.constant 0 : i32
      %dma_start3A_27 = tpu.memref_slice %arg11[%add3A_11, %dma_start3A_26] : memref<10000x128xf32, #tpu.memory_space<vmem_shared>> -> memref<240x128xf32, #tpu.memory_space<vmem_shared>>
      %dma_start3A_28 = arith.constant 0 : i32
      %dma_start3A_29 = tpu.memref_slice %arg11[%add3A_11, %dma_start3A_28] : memref<10000x128xf32, #tpu.memory_space<vmem_shared>> -> memref<240x128xf32, #tpu.memory_space<vmem_shared>>
      %dma_start3A_30 = arith.constant 0 : i32
      %dma_start3A_31 = arith.constant 0 : i32
      %dma_start3A_32 = tpu.memref_slice %arg10[%dma_start3A_30, %dma_start3A_31] : memref<240x128xf32, #tpu.memory_space<vmem>> -> memref<240x128xf32, #tpu.memory_space<vmem>>
      tpu.enqueue_dma source(%dma_start3A_32 : memref<240x128xf32, #tpu.memory_space<vmem>>) target(%dma_start3A_29 : memref<240x128xf32, #tpu.memory_space<vmem_shared>>) target_semaphore(%run_scoped3A : memref<!tpu.dma_semaphore, #tpu.memory_space<semaphore_mem>>)
      %dma_wait3A = arith.constant 0 : i32
      %dma_wait3A_33 = arith.constant 0 : i32
      %dma_wait3A_34 = tpu.memref_slice %arg10[%dma_wait3A, %dma_wait3A_33] : memref<240x128xf32, #tpu.memory_space<vmem>> -> memref<240x128xf32, #tpu.memory_space<vmem>>
      %dma_wait3A_35 = arith.constant 0 : i32
      %dma_wait3A_36 = tpu.memref_slice %arg11[%add3A_11, %dma_wait3A_35] : memref<10000x128xf32, #tpu.memory_space<vmem_shared>> -> memref<240x128xf32, #tpu.memory_space<vmem_shared>>
      %dma_wait3A_37 = arith.constant 0 : i32
      %dma_wait3A_38 = tpu.memref_slice %arg11[%add3A_11, %dma_wait3A_37] : memref<10000x128xf32, #tpu.memory_space<vmem_shared>> -> memref<240x128xf32, #tpu.memory_space<vmem_shared>>
      %dma_wait3A_39 = arith.constant 0 : i32
      %dma_wait3A_40 = arith.constant 0 : i32
      %dma_wait3A_41 = tpu.memref_slice %arg10[%dma_wait3A_39, %dma_wait3A_40] : memref<240x128xf32, #tpu.memory_space<vmem>> -> memref<240x128xf32, #tpu.memory_space<vmem>>
      tpu.wait_dma2 semaphore(%run_scoped3A : memref<!tpu.dma_semaphore, #tpu.memory_space<semaphore_mem>>) src(%dma_wait3A_41 : memref<240x128xf32, #tpu.memory_space<vmem>>) dst(%dma_wait3A_38 : memref<240x128xf32, #tpu.memory_space<vmem_shared>>)
      tpu.yield
    }) : () -> ()
    %add3A_12 = arith.constant 480 : i32
    %add3A_13 = arith.addi %mul3A_7, %add3A_12 : i32
    "tpu.region"() ({
      %run_scoped3A = tpu.sem_alloc : memref<!tpu.dma_semaphore, #tpu.memory_space<semaphore_mem>>
      %dma_start3A = arith.constant 0 : i32
      %dma_start3A_24 = arith.constant 0 : i32
      %dma_start3A_25 = tpu.memref_slice %arg10[%dma_start3A, %dma_start3A_24] : memref<240x128xf32, #tpu.memory_space<vmem>> -> memref<160x128xf32, #tpu.memory_space<vmem>>
      %dma_start3A_26 = arith.constant 0 : i32
      %dma_start3A_27 = tpu.memref_slice %arg11[%add3A_13, %dma_start3A_26] : memref<10000x128xf32, #tpu.memory_space<vmem_shared>> -> memref<160x128xf32, #tpu.memory_space<vmem_shared>>
      %dma_start3A_28 = arith.constant 0 : i32
      %dma_start3A_29 = tpu.memref_slice %arg11[%add3A_13, %dma_start3A_28] : memref<10000x128xf32, #tpu.memory_space<vmem_shared>> -> memref<160x128xf32, #tpu.memory_space<vmem_shared>>
      %dma_start3A_30 = arith.constant 0 : i32
      %dma_start3A_31 = arith.constant 0 : i32
      %dma_start3A_32 = tpu.memref_slice %arg10[%dma_start3A_30, %dma_start3A_31] : memref<240x128xf32, #tpu.memory_space<vmem>> -> memref<160x128xf32, #tpu.memory_space<vmem>>
      tpu.enqueue_dma source(%dma_start3A_32 : memref<160x128xf32, #tpu.memory_space<vmem>>) target(%dma_start3A_29 : memref<160x128xf32, #tpu.memory_space<vmem_shared>>) target_semaphore(%run_scoped3A : memref<!tpu.dma_semaphore, #tpu.memory_space<semaphore_mem>>)
      %dma_wait3A = arith.constant 0 : i32
      %dma_wait3A_33 = arith.constant 0 : i32
      %dma_wait3A_34 = tpu.memref_slice %arg10[%dma_wait3A, %dma_wait3A_33] : memref<240x128xf32, #tpu.memory_space<vmem>> -> memref<160x128xf32, #tpu.memory_space<vmem>>
      %dma_wait3A_35 = arith.constant 0 : i32
      %dma_wait3A_36 = tpu.memref_slice %arg11[%add3A_13, %dma_wait3A_35] : memref<10000x128xf32, #tpu.memory_space<vmem_shared>> -> memref<160x128xf32, #tpu.memory_space<vmem_shared>>
      %dma_wait3A_37 = arith.constant 0 : i32
      %dma_wait3A_38 = tpu.memref_slice %arg11[%add3A_13, %dma_wait3A_37] : memref<10000x128xf32, #tpu.memory_space<vmem_shared>> -> memref<160x128xf32, #tpu.memory_space<vmem_shared>>
      %dma_wait3A_39 = arith.constant 0 : i32
      %dma_wait3A_40 = arith.constant 0 : i32
      %dma_wait3A_41 = tpu.memref_slice %arg10[%dma_wait3A_39, %dma_wait3A_40] : memref<240x128xf32, #tpu.memory_space<vmem>> -> memref<160x128xf32, #tpu.memory_space<vmem>>
      tpu.wait_dma2 semaphore(%run_scoped3A : memref<!tpu.dma_semaphore, #tpu.memory_space<semaphore_mem>>) src(%dma_wait3A_41 : memref<160x128xf32, #tpu.memory_space<vmem>>) dst(%dma_wait3A_38 : memref<160x128xf32, #tpu.memory_space<vmem_shared>>)
      tpu.yield
    }) : () -> ()
    %barrier3A = arith.constant 0 : index
    tpu.barrier barrier_id(%barrier3A)
    %scan3A_14 = arith.constant 0 : i32
    %scan3A_15 = arith.constant 0 : i32
    %scan3A_16 = arith.constant 79 : i32
    %scan3A_17 = arith.addi %scan3A_15, %scan3A_16 : i32
    %scan3A_18 = arith.constant 1 : i32
    scf.for %scan3A_24 = %scan3A_15 to %scan3A_17 step %scan3A_18  : i32 {
      %mul3A_25 = arith.constant 32 : i32
      %mul3A_26 = arith.muli %scan3A_24, %mul3A_25 : i32
      %add3A_27 = arith.addi %add3A, %mul3A_26 : i32
      %lt3A = arith.constant 2500 : i32
      %lt3A_28 = arith.cmpi slt, %add3A_27, %lt3A : i32
      %convert_element_type3A = arith.extui %lt3A_28 : i1 to i32
      %cond3A = arith.constant 0 : i32
      %cond3A_29 = arith.cmpi ne, %convert_element_type3A, %cond3A : i32
      scf.if %cond3A_29 {
        %jit3A = arith.constant 625 : i32
        %div3A = arith.divsi %add3A_27, %jit3A : i32
        %sign3A = arith.constant 0 : i32
        %sign3A_30 = arith.cmpi sgt, %add3A_27, %sign3A : i32
        %sign3A_31 = arith.extui %sign3A_30 : i1 to i32
        %sign3A_32 = arith.constant 0 : i32
        %sign3A_33 = arith.cmpi slt, %add3A_27, %sign3A_32 : i32
        %sign3A_34 = arith.extui %sign3A_33 : i1 to i32
        %sign3A_35 = arith.subi %sign3A_31, %sign3A_34 : i32
        %sign3A_36 = arith.constant 0 : i32
        %sign3A_37 = arith.cmpi sgt, %jit3A, %sign3A_36 : i32
        %sign3A_38 = arith.extui %sign3A_37 : i1 to i32
        %sign3A_39 = arith.constant 0 : i32
        %sign3A_40 = arith.cmpi slt, %jit3A, %sign3A_39 : i32
        %sign3A_41 = arith.extui %sign3A_40 : i1 to i32
        %sign3A_42 = arith.subi %sign3A_38, %sign3A_41 : i32
        %ne3A = arith.cmpi ne, %sign3A_35, %sign3A_42 : i32
        %rem3A = arith.remsi %add3A_27, %jit3A : i32
        %ne3A_43 = arith.constant 0 : i32
        %ne3A_44 = arith.cmpi ne, %rem3A, %ne3A_43 : i32
        %and3A = arith.andi %ne3A, %ne3A_44 : i1
        %sub3A = arith.constant 1 : i32
        %sub3A_45 = arith.subi %div3A, %sub3A : i32
        %select_n3A = arith.select %and3A, %sub3A_45, %div3A : i32
        %mul3A_46 = arith.constant 240 : i32
        %mul3A_47 = arith.muli %add3A_27, %mul3A_46 : i32
        "tpu.region"() ({
          %run_scoped3A = tpu.sem_alloc : memref<!tpu.dma_semaphore, #tpu.memory_space<semaphore_mem>>
          %dma_start3A_193 = tpu.memref_slice %arg3[%mul3A_47] : memref<600000xi32, #tpu.memory_space<hbm>> -> memref<240xi32, #tpu.memory_space<hbm>>
          %dma_start3A_194 = tpu.memref_slice %arg3[%mul3A_47] : memref<600000xi32, #tpu.memory_space<hbm>> -> memref<240xi32, #tpu.memory_space<hbm>>
          tpu.enqueue_dma source(%dma_start3A_194 : memref<240xi32, #tpu.memory_space<hbm>>) target(%arg7 : memref<240xi32, #tpu.memory_space<vmem>>) target_semaphore(%run_scoped3A : memref<!tpu.dma_semaphore, #tpu.memory_space<semaphore_mem>>)
          %dma_wait3A_195 = tpu.memref_slice %arg3[%mul3A_47] : memref<600000xi32, #tpu.memory_space<hbm>> -> memref<240xi32, #tpu.memory_space<hbm>>
          %dma_wait3A_196 = tpu.memref_slice %arg3[%mul3A_47] : memref<600000xi32, #tpu.memory_space<hbm>> -> memref<240xi32, #tpu.memory_space<hbm>>
          tpu.wait_dma2 semaphore(%run_scoped3A : memref<!tpu.dma_semaphore, #tpu.memory_space<semaphore_mem>>) src(%dma_wait3A_196 : memref<240xi32, #tpu.memory_space<hbm>>) dst(%arg7 : memref<240xi32, #tpu.memory_space<vmem>>)
          tpu.yield
        }) : () -> ()
        "tpu.region"() ({
          %run_scoped3A = tpu.sem_alloc : memref<!tpu.dma_semaphore, #tpu.memory_space<semaphore_mem>>
          %dma_start3A_193 = tpu.memref_slice %arg4[%mul3A_47] : memref<600000xi32, #tpu.memory_space<hbm>> -> memref<240xi32, #tpu.memory_space<hbm>>
          %dma_start3A_194 = tpu.memref_slice %arg4[%mul3A_47] : memref<600000xi32, #tpu.memory_space<hbm>> -> memref<240xi32, #tpu.memory_space<hbm>>
          tpu.enqueue_dma source(%dma_start3A_194 : memref<240xi32, #tpu.memory_space<hbm>>) target(%arg8 : memref<240xi32, #tpu.memory_space<vmem>>) target_semaphore(%run_scoped3A : memref<!tpu.dma_semaphore, #tpu.memory_space<semaphore_mem>>)
          %dma_wait3A_195 = tpu.memref_slice %arg4[%mul3A_47] : memref<600000xi32, #tpu.memory_space<hbm>> -> memref<240xi32, #tpu.memory_space<hbm>>
          %dma_wait3A_196 = tpu.memref_slice %arg4[%mul3A_47] : memref<600000xi32, #tpu.memory_space<hbm>> -> memref<240xi32, #tpu.memory_space<hbm>>
          tpu.wait_dma2 semaphore(%run_scoped3A : memref<!tpu.dma_semaphore, #tpu.memory_space<semaphore_mem>>) src(%dma_wait3A_196 : memref<240xi32, #tpu.memory_space<hbm>>) dst(%arg8 : memref<240xi32, #tpu.memory_space<vmem>>)
          tpu.yield
        }) : () -> ()
        "tpu.region"() ({
          %run_scoped3A = tpu.sem_alloc : memref<!tpu.dma_semaphore, #tpu.memory_space<semaphore_mem>>
          %dma_start3A_193 = tpu.memref_slice %arg5[%mul3A_47] : memref<600000xf32, #tpu.memory_space<hbm>> -> memref<240xf32, #tpu.memory_space<hbm>>
          %dma_start3A_194 = tpu.memref_slice %arg5[%mul3A_47] : memref<600000xf32, #tpu.memory_space<hbm>> -> memref<240xf32, #tpu.memory_space<hbm>>
          tpu.enqueue_dma source(%dma_start3A_194 : memref<240xf32, #tpu.memory_space<hbm>>) target(%arg9 : memref<240xf32, #tpu.memory_space<vmem>>) target_semaphore(%run_scoped3A : memref<!tpu.dma_semaphore, #tpu.memory_space<semaphore_mem>>)
          %dma_wait3A_195 = tpu.memref_slice %arg5[%mul3A_47] : memref<600000xf32, #tpu.memory_space<hbm>> -> memref<240xf32, #tpu.memory_space<hbm>>
          %dma_wait3A_196 = tpu.memref_slice %arg5[%mul3A_47] : memref<600000xf32, #tpu.memory_space<hbm>> -> memref<240xf32, #tpu.memory_space<hbm>>
          tpu.wait_dma2 semaphore(%run_scoped3A : memref<!tpu.dma_semaphore, #tpu.memory_space<semaphore_mem>>) src(%dma_wait3A_196 : memref<240xf32, #tpu.memory_space<hbm>>) dst(%arg9 : memref<240xf32, #tpu.memory_space<vmem>>)
          tpu.yield
        }) : () -> ()
        %mul3A_48 = arith.constant 10000 : i32
        %mul3A_49 = arith.muli %select_n3A, %mul3A_48 : i32
        %get3A = arith.constant 0 : index
        %get3A_50 = tpu.vector_load %arg7[%get3A] {strides = array<i32>} : memref<240xi32, #tpu.memory_space<vmem>>, vector<16xi32>,
        %get3A_51 = vector.shape_cast %get3A_50 : vector<16xi32> to vector<16xi32>
        %add3A_52 = vector.broadcast %mul3A_49 : i32 to vector<16xi32>
        %add3A_53 = arith.addi %get3A_51, %add3A_52 : vector<16xi32>
        %swap3A = arith.constant 0 : index
        %swap3A_54 = tpu.vector_load %arg7[%swap3A] {strides = array<i32>} : memref<240xi32, #tpu.memory_space<vmem>>, vector<16xi32>,
        %swap3A_55 = vector.shape_cast %swap3A_54 : vector<16xi32> to vector<16xi32>
        %swap3A_56 = vector.shape_cast %add3A_53 : vector<16xi32> to vector<16xi32>
        tpu.vector_store %arg7[%swap3A], %swap3A_56 {strides = array<i32>} : memref<240xi32, #tpu.memory_space<vmem>>, vector<16xi32>,
        %get3A_57 = arith.constant 16 : index
        %get3A_58 = tpu.vector_load %arg7[%get3A_57] {strides = array<i32>} : memref<240xi32, #tpu.memory_space<vmem>>, vector<16xi32>,
        %get3A_59 = vector.shape_cast %get3A_58 : vector<16xi32> to vector<16xi32>
        %add3A_60 = vector.broadcast %mul3A_49 : i32 to vector<16xi32>
        %add3A_61 = arith.addi %get3A_59, %add3A_60 : vector<16xi32>
        %swap3A_62 = arith.constant 16 : index
        %swap3A_63 = tpu.vector_load %arg7[%swap3A_62] {strides = array<i32>} : memref<240xi32, #tpu.memory_space<vmem>>, vector<16xi32>,
        %swap3A_64 = vector.shape_cast %swap3A_63 : vector<16xi32> to vector<16xi32>
        %swap3A_65 = vector.shape_cast %add3A_61 : vector<16xi32> to vector<16xi32>
        tpu.vector_store %arg7[%swap3A_62], %swap3A_65 {strides = array<i32>} : memref<240xi32, #tpu.memory_space<vmem>>, vector<16xi32>,
        %get3A_66 = arith.constant 32 : index
        %get3A_67 = tpu.vector_load %arg7[%get3A_66] {strides = array<i32>} : memref<240xi32, #tpu.memory_space<vmem>>, vector<16xi32>,
        %get3A_68 = vector.shape_cast %get3A_67 : vector<16xi32> to vector<16xi32>
        %add3A_69 = vector.broadcast %mul3A_49 : i32 to vector<16xi32>
        %add3A_70 = arith.addi %get3A_68, %add3A_69 : vector<16xi32>
        %swap3A_71 = arith.constant 32 : index
        %swap3A_72 = tpu.vector_load %arg7[%swap3A_71] {strides = array<i32>} : memref<240xi32, #tpu.memory_space<vmem>>, vector<16xi32>,
        %swap3A_73 = vector.shape_cast %swap3A_72 : vector<16xi32> to vector<16xi32>
        %swap3A_74 = vector.shape_cast %add3A_70 : vector<16xi32> to vector<16xi32>
        tpu.vector_store %arg7[%swap3A_71], %swap3A_74 {strides = array<i32>} : memref<240xi32, #tpu.memory_space<vmem>>, vector<16xi32>,
        %get3A_75 = arith.constant 48 : index
        %get3A_76 = tpu.vector_load %arg7[%get3A_75] {strides = array<i32>} : memref<240xi32, #tpu.memory_space<vmem>>, vector<16xi32>,
        %get3A_77 = vector.shape_cast %get3A_76 : vector<16xi32> to vector<16xi32>
        %add3A_78 = vector.broadcast %mul3A_49 : i32 to vector<16xi32>
        %add3A_79 = arith.addi %get3A_77, %add3A_78 : vector<16xi32>
        %swap3A_80 = arith.constant 48 : index
        %swap3A_81 = tpu.vector_load %arg7[%swap3A_80] {strides = array<i32>} : memref<240xi32, #tpu.memory_space<vmem>>, vector<16xi32>,
        %swap3A_82 = vector.shape_cast %swap3A_81 : vector<16xi32> to vector<16xi32>
        %swap3A_83 = vector.shape_cast %add3A_79 : vector<16xi32> to vector<16xi32>
        tpu.vector_store %arg7[%swap3A_80], %swap3A_83 {strides = array<i32>} : memref<240xi32, #tpu.memory_space<vmem>>, vector<16xi32>,
        %get3A_84 = arith.constant 64 : index
        %get3A_85 = tpu.vector_load %arg7[%get3A_84] {strides = array<i32>} : memref<240xi32, #tpu.memory_space<vmem>>, vector<16xi32>,
        %get3A_86 = vector.shape_cast %get3A_85 : vector<16xi32> to vector<16xi32>
        %add3A_87 = vector.broadcast %mul3A_49 : i32 to vector<16xi32>
        %add3A_88 = arith.addi %get3A_86, %add3A_87 : vector<16xi32>
        %swap3A_89 = arith.constant 64 : index
        %swap3A_90 = tpu.vector_load %arg7[%swap3A_89] {strides = array<i32>} : memref<240xi32, #tpu.memory_space<vmem>>, vector<16xi32>,
        %swap3A_91 = vector.shape_cast %swap3A_90 : vector<16xi32> to vector<16xi32>
        %swap3A_92 = vector.shape_cast %add3A_88 : vector<16xi32> to vector<16xi32>
        tpu.vector_store %arg7[%swap3A_89], %swap3A_92 {strides = array<i32>} : memref<240xi32, #tpu.memory_space<vmem>>, vector<16xi32>,
        %get3A_93 = arith.constant 80 : index
        %get3A_94 = tpu.vector_load %arg7[%get3A_93] {strides = array<i32>} : memref<240xi32, #tpu.memory_space<vmem>>, vector<16xi32>,
        %get3A_95 = vector.shape_cast %get3A_94 : vector<16xi32> to vector<16xi32>
        %add3A_96 = vector.broadcast %mul3A_49 : i32 to vector<16xi32>
        %add3A_97 = arith.addi %get3A_95, %add3A_96 : vector<16xi32>
        %swap3A_98 = arith.constant 80 : index
        %swap3A_99 = tpu.vector_load %arg7[%swap3A_98] {strides = array<i32>} : memref<240xi32, #tpu.memory_space<vmem>>, vector<16xi32>,
        %swap3A_100 = vector.shape_cast %swap3A_99 : vector<16xi32> to vector<16xi32>
        %swap3A_101 = vector.shape_cast %add3A_97 : vector<16xi32> to vector<16xi32>
        tpu.vector_store %arg7[%swap3A_98], %swap3A_101 {strides = array<i32>} : memref<240xi32, #tpu.memory_space<vmem>>, vector<16xi32>,
        %get3A_102 = arith.constant 96 : index
        %get3A_103 = tpu.vector_load %arg7[%get3A_102] {strides = array<i32>} : memref<240xi32, #tpu.memory_space<vmem>>, vector<16xi32>,
        %get3A_104 = vector.shape_cast %get3A_103 : vector<16xi32> to vector<16xi32>
        %add3A_105 = vector.broadcast %mul3A_49 : i32 to vector<16xi32>
        %add3A_106 = arith.addi %get3A_104, %add3A_105 : vector<16xi32>
        %swap3A_107 = arith.constant 96 : index
        %swap3A_108 = tpu.vector_load %arg7[%swap3A_107] {strides = array<i32>} : memref<240xi32, #tpu.memory_space<vmem>>, vector<16xi32>,
        %swap3A_109 = vector.shape_cast %swap3A_108 : vector<16xi32> to vector<16xi32>
        %swap3A_110 = vector.shape_cast %add3A_106 : vector<16xi32> to vector<16xi32>
        tpu.vector_store %arg7[%swap3A_107], %swap3A_110 {strides = array<i32>} : memref<240xi32, #tpu.memory_space<vmem>>, vector<16xi32>,
        %get3A_111 = arith.constant 112 : index
        %get3A_112 = tpu.vector_load %arg7[%get3A_111] {strides = array<i32>} : memref<240xi32, #tpu.memory_space<vmem>>, vector<16xi32>,
        %get3A_113 = vector.shape_cast %get3A_112 : vector<16xi32> to vector<16xi32>
        %add3A_114 = vector.broadcast %mul3A_49 : i32 to vector<16xi32>
        %add3A_115 = arith.addi %get3A_113, %add3A_114 : vector<16xi32>
        %swap3A_116 = arith.constant 112 : index
        %swap3A_117 = tpu.vector_load %arg7[%swap3A_116] {strides = array<i32>} : memref<240xi32, #tpu.memory_space<vmem>>, vector<16xi32>,
        %swap3A_118 = vector.shape_cast %swap3A_117 : vector<16xi32> to vector<16xi32>
        %swap3A_119 = vector.shape_cast %add3A_115 : vector<16xi32> to vector<16xi32>
        tpu.vector_store %arg7[%swap3A_116], %swap3A_119 {strides = array<i32>} : memref<240xi32, #tpu.memory_space<vmem>>, vector<16xi32>,
        %get3A_120 = arith.constant 128 : index
        %get3A_121 = tpu.vector_load %arg7[%get3A_120] {strides = array<i32>} : memref<240xi32, #tpu.memory_space<vmem>>, vector<16xi32>,
        %get3A_122 = vector.shape_cast %get3A_121 : vector<16xi32> to vector<16xi32>
        %add3A_123 = vector.broadcast %mul3A_49 : i32 to vector<16xi32>
        %add3A_124 = arith.addi %get3A_122, %add3A_123 : vector<16xi32>
        %swap3A_125 = arith.constant 128 : index
        %swap3A_126 = tpu.vector_load %arg7[%swap3A_125] {strides = array<i32>} : memref<240xi32, #tpu.memory_space<vmem>>, vector<16xi32>,
        %swap3A_127 = vector.shape_cast %swap3A_126 : vector<16xi32> to vector<16xi32>
        %swap3A_128 = vector.shape_cast %add3A_124 : vector<16xi32> to vector<16xi32>
        tpu.vector_store %arg7[%swap3A_125], %swap3A_128 {strides = array<i32>} : memref<240xi32, #tpu.memory_space<vmem>>, vector<16xi32>,
        %get3A_129 = arith.constant 144 : index
        %get3A_130 = tpu.vector_load %arg7[%get3A_129] {strides = array<i32>} : memref<240xi32, #tpu.memory_space<vmem>>, vector<16xi32>,
        %get3A_131 = vector.shape_cast %get3A_130 : vector<16xi32> to vector<16xi32>
        %add3A_132 = vector.broadcast %mul3A_49 : i32 to vector<16xi32>
        %add3A_133 = arith.addi %get3A_131, %add3A_132 : vector<16xi32>
        %swap3A_134 = arith.constant 144 : index
        %swap3A_135 = tpu.vector_load %arg7[%swap3A_134] {strides = array<i32>} : memref<240xi32, #tpu.memory_space<vmem>>, vector<16xi32>,
        %swap3A_136 = vector.shape_cast %swap3A_135 : vector<16xi32> to vector<16xi32>
        %swap3A_137 = vector.shape_cast %add3A_133 : vector<16xi32> to vector<16xi32>
        tpu.vector_store %arg7[%swap3A_134], %swap3A_137 {strides = array<i32>} : memref<240xi32, #tpu.memory_space<vmem>>, vector<16xi32>,
        %get3A_138 = arith.constant 160 : index
        %get3A_139 = tpu.vector_load %arg7[%get3A_138] {strides = array<i32>} : memref<240xi32, #tpu.memory_space<vmem>>, vector<16xi32>,
        %get3A_140 = vector.shape_cast %get3A_139 : vector<16xi32> to vector<16xi32>
        %add3A_141 = vector.broadcast %mul3A_49 : i32 to vector<16xi32>
        %add3A_142 = arith.addi %get3A_140, %add3A_141 : vector<16xi32>
        %swap3A_143 = arith.constant 160 : index
        %swap3A_144 = tpu.vector_load %arg7[%swap3A_143] {strides = array<i32>} : memref<240xi32, #tpu.memory_space<vmem>>, vector<16xi32>,
        %swap3A_145 = vector.shape_cast %swap3A_144 : vector<16xi32> to vector<16xi32>
        %swap3A_146 = vector.shape_cast %add3A_142 : vector<16xi32> to vector<16xi32>
        tpu.vector_store %arg7[%swap3A_143], %swap3A_146 {strides = array<i32>} : memref<240xi32, #tpu.memory_space<vmem>>, vector<16xi32>,
        %get3A_147 = arith.constant 176 : index
        %get3A_148 = tpu.vector_load %arg7[%get3A_147] {strides = array<i32>} : memref<240xi32, #tpu.memory_space<vmem>>, vector<16xi32>,
        %get3A_149 = vector.shape_cast %get3A_148 : vector<16xi32> to vector<16xi32>
        %add3A_150 = vector.broadcast %mul3A_49 : i32 to vector<16xi32>
        %add3A_151 = arith.addi %get3A_149, %add3A_150 : vector<16xi32>
        %swap3A_152 = arith.constant 176 : index
        %swap3A_153 = tpu.vector_load %arg7[%swap3A_152] {strides = array<i32>} : memref<240xi32, #tpu.memory_space<vmem>>, vector<16xi32>,
        %swap3A_154 = vector.shape_cast %swap3A_153 : vector<16xi32> to vector<16xi32>
        %swap3A_155 = vector.shape_cast %add3A_151 : vector<16xi32> to vector<16xi32>
        tpu.vector_store %arg7[%swap3A_152], %swap3A_155 {strides = array<i32>} : memref<240xi32, #tpu.memory_space<vmem>>, vector<16xi32>,
        %get3A_156 = arith.constant 192 : index
        %get3A_157 = tpu.vector_load %arg7[%get3A_156] {strides = array<i32>} : memref<240xi32, #tpu.memory_space<vmem>>, vector<16xi32>,
        %get3A_158 = vector.shape_cast %get3A_157 : vector<16xi32> to vector<16xi32>
        %add3A_159 = vector.broadcast %mul3A_49 : i32 to vector<16xi32>
        %add3A_160 = arith.addi %get3A_158, %add3A_159 : vector<16xi32>
        %swap3A_161 = arith.constant 192 : index
        %swap3A_162 = tpu.vector_load %arg7[%swap3A_161] {strides = array<i32>} : memref<240xi32, #tpu.memory_space<vmem>>, vector<16xi32>,
        %swap3A_163 = vector.shape_cast %swap3A_162 : vector<16xi32> to vector<16xi32>
        %swap3A_164 = vector.shape_cast %add3A_160 : vector<16xi32> to vector<16xi32>
        tpu.vector_store %arg7[%swap3A_161], %swap3A_164 {strides = array<i32>} : memref<240xi32, #tpu.memory_space<vmem>>, vector<16xi32>,
        %get3A_165 = arith.constant 208 : index
        %get3A_166 = tpu.vector_load %arg7[%get3A_165] {strides = array<i32>} : memref<240xi32, #tpu.memory_space<vmem>>, vector<16xi32>,
        %get3A_167 = vector.shape_cast %get3A_166 : vector<16xi32> to vector<16xi32>
        %add3A_168 = vector.broadcast %mul3A_49 : i32 to vector<16xi32>
        %add3A_169 = arith.addi %get3A_167, %add3A_168 : vector<16xi32>
        %swap3A_170 = arith.constant 208 : index
        %swap3A_171 = tpu.vector_load %arg7[%swap3A_170] {strides = array<i32>} : memref<240xi32, #tpu.memory_space<vmem>>, vector<16xi32>,
        %swap3A_172 = vector.shape_cast %swap3A_171 : vector<16xi32> to vector<16xi32>
        %swap3A_173 = vector.shape_cast %add3A_169 : vector<16xi32> to vector<16xi32>
        tpu.vector_store %arg7[%swap3A_170], %swap3A_173 {strides = array<i32>} : memref<240xi32, #tpu.memory_space<vmem>>, vector<16xi32>,
        %get3A_174 = arith.constant 224 : index
        %get3A_175 = tpu.vector_load %arg7[%get3A_174] {strides = array<i32>} : memref<240xi32, #tpu.memory_space<vmem>>, vector<16xi32>,
        %get3A_176 = vector.shape_cast %get3A_175 : vector<16xi32> to vector<16xi32>
        %add3A_177 = vector.broadcast %mul3A_49 : i32 to vector<16xi32>
        %add3A_178 = arith.addi %get3A_176, %add3A_177 : vector<16xi32>
        %swap3A_179 = arith.constant 224 : index
        %swap3A_180 = tpu.vector_load %arg7[%swap3A_179] {strides = array<i32>} : memref<240xi32, #tpu.memory_space<vmem>>, vector<16xi32>,
        %swap3A_181 = vector.shape_cast %swap3A_180 : vector<16xi32> to vector<16xi32>
        %swap3A_182 = vector.shape_cast %add3A_178 : vector<16xi32> to vector<16xi32>
        tpu.vector_store %arg7[%swap3A_179], %swap3A_182 {strides = array<i32>} : memref<240xi32, #tpu.memory_space<vmem>>, vector<16xi32>,
        %dma_start3A = arith.constant 0 : i32
        %dma_start3A_183 = arith.constant 0 : i32
        %dma_start3A_184 = tpu.memref_slice %arg2[%dma_start3A, %dma_start3A_183] : memref<40000x128xf32, #tpu.memory_space<hbm>> -> memref<40000x128xf32, #tpu.memory_space<hbm>>
        tpu.enqueue_indirect_dma source(%dma_start3A_184 : memref<40000x128xf32, #tpu.memory_space<hbm>>) target(%arg10 : memref<240x128xf32, #tpu.memory_space<vmem>>) offsets(%arg7 : memref<240xi32, #tpu.memory_space<vmem>>) semaphore(%arg12 : memref<!tpu.dma_semaphore, #tpu.memory_space<semaphore_mem>>)
        %dma_wait3A = arith.constant 0 : i32
        %dma_wait3A_185 = arith.constant 0 : i32
        %dma_wait3A_186 = tpu.memref_slice %arg2[%dma_wait3A, %dma_wait3A_185] : memref<40000x128xf32, #tpu.memory_space<hbm>> -> memref<40000x128xf32, #tpu.memory_space<hbm>>
        tpu.wait_indirect_dma semaphore(%arg12 : memref<!tpu.dma_semaphore, #tpu.memory_space<semaphore_mem>>) src(%dma_wait3A_186 : memref<40000x128xf32, #tpu.memory_space<hbm>>) dst(%arg10 : memref<240x128xf32, #tpu.memory_space<vmem>>)
        %scan3A_187 = arith.constant 0 : i32
        %scan3A_188 = arith.constant 0 : i32
        %scan3A_189 = arith.constant 15 : i32
        %scan3A_190 = arith.addi %scan3A_188, %scan3A_189 : i32
        %scan3A_191 = arith.constant 1 : i32
        scf.for %scan3A_193 = %scan3A_188 to %scan3A_190 step %scan3A_191  : i32 {
          %mul3A_194 = arith.constant 16 : i32
          %mul3A_195 = arith.muli %scan3A_193, %mul3A_194 : i32
          %get3A_196 = arith.index_cast %mul3A_195 : i32 to index
          %get3A_197 = tpu.vector_load %arg9[%get3A_196] {strides = array<i32>} : memref<240xf32, #tpu.memory_space<vmem>>, vector<16xf32>,
          %get3A_198 = vector.shape_cast %get3A_197 : vector<16xf32> to vector<16xf32>
          %mul3A_199 = arith.constant 16 : i32
          %mul3A_200 = arith.muli %scan3A_193, %mul3A_199 : i32
          %add3A_201 = arith.constant 0 : i32
          %add3A_202 = arith.addi %mul3A_200, %add3A_201 : i32
          %slice3A = vector.extract_strided_slice %get3A_198 {offsets = [0], sizes = [1], strides = [1]} : vector<16xf32> to vector<1xf32>
          %squeeze3A = vector.extract %slice3A[0] : f32 from vector<1xf32>
          %get3A_203 = arith.index_cast %add3A_202 : i32 to index
          %get3A_204 = arith.constant 0 : index
          %get3A_205 = tpu.vector_load %arg10[%get3A_203, %get3A_204] {strides = array<i32>} : memref<240x128xf32, #tpu.memory_space<vmem>>, vector<1x16xf32>,
          %get3A_206 = vector.shape_cast %get3A_205 : vector<1x16xf32> to vector<16xf32>
          %mul3A_207 = vector.broadcast %squeeze3A : f32 to vector<16xf32>
          %mul3A_208 = arith.mulf %get3A_206, %mul3A_207 : vector<16xf32>
          %swap3A_209 = arith.index_cast %add3A_202 : i32 to index
          %swap3A_210 = arith.constant 0 : index
          %swap3A_211 = tpu.vector_load %arg10[%swap3A_209, %swap3A_210] {strides = array<i32>} : memref<240x128xf32, #tpu.memory_space<vmem>>, vector<1x16xf32>,
          %swap3A_212 = vector.shape_cast %swap3A_211 : vector<1x16xf32> to vector<16xf32>
          %swap3A_213 = vector.shape_cast %mul3A_208 : vector<16xf32> to vector<1x16xf32>
          tpu.vector_store %arg10[%swap3A_209, %swap3A_210], %swap3A_213 {strides = array<i32>} : memref<240x128xf32, #tpu.memory_space<vmem>>, vector<1x16xf32>,
          %get3A_214 = arith.index_cast %add3A_202 : i32 to index
          %get3A_215 = arith.constant 16 : index
          %get3A_216 = tpu.vector_load %arg10[%get3A_214, %get3A_215] {strides = array<i32>} : memref<240x128xf32, #tpu.memory_space<vmem>>, vector<1x16xf32>,
          %get3A_217 = vector.shape_cast %get3A_216 : vector<1x16xf32> to vector<16xf32>
          %mul3A_218 = vector.broadcast %squeeze3A : f32 to vector<16xf32>
          %mul3A_219 = arith.mulf %get3A_217, %mul3A_218 : vector<16xf32>
          %swap3A_220 = arith.index_cast %add3A_202 : i32 to index
          %swap3A_221 = arith.constant 16 : index
          %swap3A_222 = tpu.vector_load %arg10[%swap3A_220, %swap3A_221] {strides = array<i32>} : memref<240x128xf32, #tpu.memory_space<vmem>>, vector<1x16xf32>,
          %swap3A_223 = vector.shape_cast %swap3A_222 : vector<1x16xf32> to vector<16xf32>
          %swap3A_224 = vector.shape_cast %mul3A_219 : vector<16xf32> to vector<1x16xf32>
          tpu.vector_store %arg10[%swap3A_220, %swap3A_221], %swap3A_224 {strides = array<i32>} : memref<240x128xf32, #tpu.memory_space<vmem>>, vector<1x16xf32>,
          %get3A_225 = arith.index_cast %add3A_202 : i32 to index
          %get3A_226 = arith.constant 32 : index
          %get3A_227 = tpu.vector_load %arg10[%get3A_225, %get3A_226] {strides = array<i32>} : memref<240x128xf32, #tpu.memory_space<vmem>>, vector<1x16xf32>,
          %get3A_228 = vector.shape_cast %get3A_227 : vector<1x16xf32> to vector<16xf32>
          %mul3A_229 = vector.broadcast %squeeze3A : f32 to vector<16xf32>
          %mul3A_230 = arith.mulf %get3A_228, %mul3A_229 : vector<16xf32>
          %swap3A_231 = arith.index_cast %add3A_202 : i32 to index
          %swap3A_232 = arith.constant 32 : index
          %swap3A_233 = tpu.vector_load %arg10[%swap3A_231, %swap3A_232] {strides = array<i32>} : memref<240x128xf32, #tpu.memory_space<vmem>>, vector<1x16xf32>,
          %swap3A_234 = vector.shape_cast %swap3A_233 : vector<1x16xf32> to vector<16xf32>
          %swap3A_235 = vector.shape_cast %mul3A_230 : vector<16xf32> to vector<1x16xf32>
          tpu.vector_store %arg10[%swap3A_231, %swap3A_232], %swap3A_235 {strides = array<i32>} : memref<240x128xf32, #tpu.memory_space<vmem>>, vector<1x16xf32>,
          %get3A_236 = arith.index_cast %add3A_202 : i32 to index
          %get3A_237 = arith.constant 48 : index
          %get3A_238 = tpu.vector_load %arg10[%get3A_236, %get3A_237] {strides = array<i32>} : memref<240x128xf32, #tpu.memory_space<vmem>>, vector<1x16xf32>,
          %get3A_239 = vector.shape_cast %get3A_238 : vector<1x16xf32> to vector<16xf32>
          %mul3A_240 = vector.broadcast %squeeze3A : f32 to vector<16xf32>
          %mul3A_241 = arith.mulf %get3A_239, %mul3A_240 : vector<16xf32>
          %swap3A_242 = arith.index_cast %add3A_202 : i32 to index
          %swap3A_243 = arith.constant 48 : index
          %swap3A_244 = tpu.vector_load %arg10[%swap3A_242, %swap3A_243] {strides = array<i32>} : memref<240x128xf32, #tpu.memory_space<vmem>>, vector<1x16xf32>,
          %swap3A_245 = vector.shape_cast %swap3A_244 : vector<1x16xf32> to vector<16xf32>
          %swap3A_246 = vector.shape_cast %mul3A_241 : vector<16xf32> to vector<1x16xf32>
          tpu.vector_store %arg10[%swap3A_242, %swap3A_243], %swap3A_246 {strides = array<i32>} : memref<240x128xf32, #tpu.memory_space<vmem>>, vector<1x16xf32>,
          %get3A_247 = arith.index_cast %add3A_202 : i32 to index
          %get3A_248 = arith.constant 64 : index
          %get3A_249 = tpu.vector_load %arg10[%get3A_247, %get3A_248] {strides = array<i32>} : memref<240x128xf32, #tpu.memory_space<vmem>>, vector<1x16xf32>,
          %get3A_250 = vector.shape_cast %get3A_249 : vector<1x16xf32> to vector<16xf32>
          %mul3A_251 = vector.broadcast %squeeze3A : f32 to vector<16xf32>
          %mul3A_252 = arith.mulf %get3A_250, %mul3A_251 : vector<16xf32>
          %swap3A_253 = arith.index_cast %add3A_202 : i32 to index
          %swap3A_254 = arith.constant 64 : index
          %swap3A_255 = tpu.vector_load %arg10[%swap3A_253, %swap3A_254] {strides = array<i32>} : memref<240x128xf32, #tpu.memory_space<vmem>>, vector<1x16xf32>,
          %swap3A_256 = vector.shape_cast %swap3A_255 : vector<1x16xf32> to vector<16xf32>
          %swap3A_257 = vector.shape_cast %mul3A_252 : vector<16xf32> to vector<1x16xf32>
          tpu.vector_store %arg10[%swap3A_253, %swap3A_254], %swap3A_257 {strides = array<i32>} : memref<240x128xf32, #tpu.memory_space<vmem>>, vector<1x16xf32>,
          %get3A_258 = arith.index_cast %add3A_202 : i32 to index
          %get3A_259 = arith.constant 80 : index
          %get3A_260 = tpu.vector_load %arg10[%get3A_258, %get3A_259] {strides = array<i32>} : memref<240x128xf32, #tpu.memory_space<vmem>>, vector<1x16xf32>,
          %get3A_261 = vector.shape_cast %get3A_260 : vector<1x16xf32> to vector<16xf32>
          %mul3A_262 = vector.broadcast %squeeze3A : f32 to vector<16xf32>
          %mul3A_263 = arith.mulf %get3A_261, %mul3A_262 : vector<16xf32>
          %swap3A_264 = arith.index_cast %add3A_202 : i32 to index
          %swap3A_265 = arith.constant 80 : index
          %swap3A_266 = tpu.vector_load %arg10[%swap3A_264, %swap3A_265] {strides = array<i32>} : memref<240x128xf32, #tpu.memory_space<vmem>>, vector<1x16xf32>,
          %swap3A_267 = vector.shape_cast %swap3A_266 : vector<1x16xf32> to vector<16xf32>
          %swap3A_268 = vector.shape_cast %mul3A_263 : vector<16xf32> to vector<1x16xf32>
          tpu.vector_store %arg10[%swap3A_264, %swap3A_265], %swap3A_268 {strides = array<i32>} : memref<240x128xf32, #tpu.memory_space<vmem>>, vector<1x16xf32>,
          %get3A_269 = arith.index_cast %add3A_202 : i32 to index
          %get3A_270 = arith.constant 96 : index
          %get3A_271 = tpu.vector_load %arg10[%get3A_269, %get3A_270] {strides = array<i32>} : memref<240x128xf32, #tpu.memory_space<vmem>>, vector<1x16xf32>,
          %get3A_272 = vector.shape_cast %get3A_271 : vector<1x16xf32> to vector<16xf32>
          %mul3A_273 = vector.broadcast %squeeze3A : f32 to vector<16xf32>
          %mul3A_274 = arith.mulf %get3A_272, %mul3A_273 : vector<16xf32>
          %swap3A_275 = arith.index_cast %add3A_202 : i32 to index
          %swap3A_276 = arith.constant 96 : index
          %swap3A_277 = tpu.vector_load %arg10[%swap3A_275, %swap3A_276] {strides = array<i32>} : memref<240x128xf32, #tpu.memory_space<vmem>>, vector<1x16xf32>,
          %swap3A_278 = vector.shape_cast %swap3A_277 : vector<1x16xf32> to vector<16xf32>
          %swap3A_279 = vector.shape_cast %mul3A_274 : vector<16xf32> to vector<1x16xf32>
          tpu.vector_store %arg10[%swap3A_275, %swap3A_276], %swap3A_279 {strides = array<i32>} : memref<240x128xf32, #tpu.memory_space<vmem>>, vector<1x16xf32>,
          %get3A_280 = arith.index_cast %add3A_202 : i32 to index
          %get3A_281 = arith.constant 112 : index
          %get3A_282 = tpu.vector_load %arg10[%get3A_280, %get3A_281] {strides = array<i32>} : memref<240x128xf32, #tpu.memory_space<vmem>>, vector<1x16xf32>,
          %get3A_283 = vector.shape_cast %get3A_282 : vector<1x16xf32> to vector<16xf32>
          %mul3A_284 = vector.broadcast %squeeze3A : f32 to vector<16xf32>
          %mul3A_285 = arith.mulf %get3A_283, %mul3A_284 : vector<16xf32>
          %swap3A_286 = arith.index_cast %add3A_202 : i32 to index
          %swap3A_287 = arith.constant 112 : index
          %swap3A_288 = tpu.vector_load %arg10[%swap3A_286, %swap3A_287] {strides = array<i32>} : memref<240x128xf32, #tpu.memory_space<vmem>>, vector<1x16xf32>,
          %swap3A_289 = vector.shape_cast %swap3A_288 : vector<1x16xf32> to vector<16xf32>
          %swap3A_290 = vector.shape_cast %mul3A_285 : vector<16xf32> to vector<1x16xf32>
          tpu.vector_store %arg10[%swap3A_286, %swap3A_287], %swap3A_290 {strides = array<i32>} : memref<240x128xf32, #tpu.memory_space<vmem>>, vector<1x16xf32>,
          %mul3A_291 = arith.constant 16 : i32
          %mul3A_292 = arith.muli %scan3A_193, %mul3A_291 : i32
          %add3A_293 = arith.constant 1 : i32
          %add3A_294 = arith.addi %mul3A_292, %add3A_293 : i32
          %slice3A_295 = vector.extract_strided_slice %get3A_198 {offsets = [1], sizes = [1], strides = [1]} : vector<16xf32> to vector<1xf32>
          %squeeze3A_296 = vector.extract %slice3A_295[0] : f32 from vector<1xf32>
          %get3A_297 = arith.index_cast %add3A_294 : i32 to index
          %get3A_298 = arith.constant 0 : index
          %get3A_299 = tpu.vector_load %arg10[%get3A_297, %get3A_298] {strides = array<i32>} : memref<240x128xf32, #tpu.memory_space<vmem>>, vector<1x16xf32>,
          %get3A_300 = vector.shape_cast %get3A_299 : vector<1x16xf32> to vector<16xf32>
          %mul3A_301 = vector.broadcast %squeeze3A_296 : f32 to vector<16xf32>
          %mul3A_302 = arith.mulf %get3A_300, %mul3A_301 : vector<16xf32>
          %swap3A_303 = arith.index_cast %add3A_294 : i32 to index
          %swap3A_304 = arith.constant 0 : index
          %swap3A_305 = tpu.vector_load %arg10[%swap3A_303, %swap3A_304] {strides = array<i32>} : memref<240x128xf32, #tpu.memory_space<vmem>>, vector<1x16xf32>,
          %swap3A_306 = vector.shape_cast %swap3A_305 : vector<1x16xf32> to vector<16xf32>
          %swap3A_307 = vector.shape_cast %mul3A_302 : vector<16xf32> to vector<1x16xf32>
          tpu.vector_store %arg10[%swap3A_303, %swap3A_304], %swap3A_307 {strides = array<i32>} : memref<240x128xf32, #tpu.memory_space<vmem>>, vector<1x16xf32>,
          %get3A_308 = arith.index_cast %add3A_294 : i32 to index
          %get3A_309 = arith.constant 16 : index
          %get3A_310 = tpu.vector_load %arg10[%get3A_308, %get3A_309] {strides = array<i32>} : memref<240x128xf32, #tpu.memory_space<vmem>>, vector<1x16xf32>,
          %get3A_311 = vector.shape_cast %get3A_310 : vector<1x16xf32> to vector<16xf32>
          %mul3A_312 = vector.broadcast %squeeze3A_296 : f32 to vector<16xf32>
          %mul3A_313 = arith.mulf %get3A_311, %mul3A_312 : vector<16xf32>
          %swap3A_314 = arith.index_cast %add3A_294 : i32 to index
          %swap3A_315 = arith.constant 16 : index
          %swap3A_316 = tpu.vector_load %arg10[%swap3A_314, %swap3A_315] {strides = array<i32>} : memref<240x128xf32, #tpu.memory_space<vmem>>, vector<1x16xf32>,
          %swap3A_317 = vector.shape_cast %swap3A_316 : vector<1x16xf32> to vector<16xf32>
          %swap3A_318 = vector.shape_cast %mul3A_313 : vector<16xf32> to vector<1x16xf32>
          tpu.vector_store %arg10[%swap3A_314, %swap3A_315], %swap3A_318 {strides = array<i32>} : memref<240x128xf32, #tpu.memory_space<vmem>>, vector<1x16xf32>,
          %get3A_319 = arith.index_cast %add3A_294 : i32 to index
          %get3A_320 = arith.constant 32 : index
          %get3A_321 = tpu.vector_load %arg10[%get3A_319, %get3A_320] {strides = array<i32>} : memref<240x128xf32, #tpu.memory_space<vmem>>, vector<1x16xf32>,
          %get3A_322 = vector.shape_cast %get3A_321 : vector<1x16xf32> to vector<16xf32>
          %mul3A_323 = vector.broadcast %squeeze3A_296 : f32 to vector<16xf32>
          %mul3A_324 = arith.mulf %get3A_322, %mul3A_323 : vector<16xf32>
          %swap3A_325 = arith.index_cast %add3A_294 : i32 to index
          %swap3A_326 = arith.constant 32 : index
          %swap3A_327 = tpu.vector_load %arg10[%swap3A_325, %swap3A_326] {strides = array<i32>} : memref<240x128xf32, #tpu.memory_space<vmem>>, vector<1x16xf32>,
          %swap3A_328 = vector.shape_cast %swap3A_327 : vector<1x16xf32> to vector<16xf32>
          %swap3A_329 = vector.shape_cast %mul3A_324 : vector<16xf32> to vector<1x16xf32>
          tpu.vector_store %arg10[%swap3A_325, %swap3A_326], %swap3A_329 {strides = array<i32>} : memref<240x128xf32, #tpu.memory_space<vmem>>, vector<1x16xf32>,
          %get3A_330 = arith.index_cast %add3A_294 : i32 to index
          %get3A_331 = arith.constant 48 : index
          %get3A_332 = tpu.vector_load %arg10[%get3A_330, %get3A_331] {strides = array<i32>} : memref<240x128xf32, #tpu.memory_space<vmem>>, vector<1x16xf32>,
          %get3A_333 = vector.shape_cast %get3A_332 : vector<1x16xf32> to vector<16xf32>
          %mul3A_334 = vector.broadcast %squeeze3A_296 : f32 to vector<16xf32>
          %mul3A_335 = arith.mulf %get3A_333, %mul3A_334 : vector<16xf32>
          %swap3A_336 = arith.index_cast %add3A_294 : i32 to index
          %swap3A_337 = arith.constant 48 : index
          %swap3A_338 = tpu.vector_load %arg10[%swap3A_336, %swap3A_337] {strides = array<i32>} : memref<240x128xf32, #tpu.memory_space<vmem>>, vector<1x16xf32>,
          %swap3A_339 = vector.shape_cast %swap3A_338 : vector<1x16xf32> to vector<16xf32>
          %swap3A_340 = vector.shape_cast %mul3A_335 : vector<16xf32> to vector<1x16xf32>
          tpu.vector_store %arg10[%swap3A_336, %swap3A_337], %swap3A_340 {strides = array<i32>} : memref<240x128xf32, #tpu.memory_space<vmem>>, vector<1x16xf32>,
          %get3A_341 = arith.index_cast %add3A_294 : i32 to index
          %get3A_342 = arith.constant 64 : index
          %get3A_343 = tpu.vector_load %arg10[%get3A_341, %get3A_342] {strides = array<i32>} : memref<240x128xf32, #tpu.memory_space<vmem>>, vector<1x16xf32>,
          %get3A_344 = vector.shape_cast %get3A_343 : vector<1x16xf32> to vector<16xf32>
          %mul3A_345 = vector.broadcast %squeeze3A_296 : f32 to vector<16xf32>
          %mul3A_346 = arith.mulf %get3A_344, %mul3A_345 : vector<16xf32>
          %swap3A_347 = arith.index_cast %add3A_294 : i32 to index
          %swap3A_348 = arith.constant 64 : index
          %swap3A_349 = tpu.vector_load %arg10[%swap3A_347, %swap3A_348] {strides = array<i32>} : memref<240x128xf32, #tpu.memory_space<vmem>>, vector<1x16xf32>,
          %swap3A_350 = vector.shape_cast %swap3A_349 : vector<1x16xf32> to vector<16xf32>
          %swap3A_351 = vector.shape_cast %mul3A_346 : vector<16xf32> to vector<1x16xf32>
          tpu.vector_store %arg10[%swap3A_347, %swap3A_348], %swap3A_351 {strides = array<i32>} : memref<240x128xf32, #tpu.memory_space<vmem>>, vector<1x16xf32>,
          %get3A_352 = arith.index_cast %add3A_294 : i32 to index
          %get3A_353 = arith.constant 80 : index
          %get3A_354 = tpu.vector_load %arg10[%get3A_352, %get3A_353] {strides = array<i32>} : memref<240x128xf32, #tpu.memory_space<vmem>>, vector<1x16xf32>,
          %get3A_355 = vector.shape_cast %get3A_354 : vector<1x16xf32> to vector<16xf32>
          %mul3A_356 = vector.broadcast %squeeze3A_296 : f32 to vector<16xf32>
          %mul3A_357 = arith.mulf %get3A_355, %mul3A_356 : vector<16xf32>
          %swap3A_358 = arith.index_cast %add3A_294 : i32 to index
          %swap3A_359 = arith.constant 80 : index
          %swap3A_360 = tpu.vector_load %arg10[%swap3A_358, %swap3A_359] {strides = array<i32>} : memref<240x128xf32, #tpu.memory_space<vmem>>, vector<1x16xf32>,
          %swap3A_361 = vector.shape_cast %swap3A_360 : vector<1x16xf32> to vector<16xf32>
          %swap3A_362 = vector.shape_cast %mul3A_357 : vector<16xf32> to vector<1x16xf32>
          tpu.vector_store %arg10[%swap3A_358, %swap3A_359], %swap3A_362 {strides = array<i32>} : memref<240x128xf32, #tpu.memory_space<vmem>>, vector<1x16xf32>,
          %get3A_363 = arith.index_cast %add3A_294 : i32 to index
          %get3A_364 = arith.constant 96 : index
          %get3A_365 = tpu.vector_load %arg10[%get3A_363, %get3A_364] {strides = array<i32>} : memref<240x128xf32, #tpu.memory_space<vmem>>, vector<1x16xf32>,
          %get3A_366 = vector.shape_cast %get3A_365 : vector<1x16xf32> to vector<16xf32>
          %mul3A_367 = vector.broadcast %squeeze3A_296 : f32 to vector<16xf32>
          %mul3A_368 = arith.mulf %get3A_366, %mul3A_367 : vector<16xf32>
          %swap3A_369 = arith.index_cast %add3A_294 : i32 to index
          %swap3A_370 = arith.constant 96 : index
          %swap3A_371 = tpu.vector_load %arg10[%swap3A_369, %swap3A_370] {strides = array<i32>} : memref<240x128xf32, #tpu.memory_space<vmem>>, vector<1x16xf32>,
          %swap3A_372 = vector.shape_cast %swap3A_371 : vector<1x16xf32> to vector<16xf32>
          %swap3A_373 = vector.shape_cast %mul3A_368 : vector<16xf32> to vector<1x16xf32>
          tpu.vector_store %arg10[%swap3A_369, %swap3A_370], %swap3A_373 {strides = array<i32>} : memref<240x128xf32, #tpu.memory_space<vmem>>, vector<1x16xf32>,
          %get3A_374 = arith.index_cast %add3A_294 : i32 to index
          %get3A_375 = arith.constant 112 : index
          %get3A_376 = tpu.vector_load %arg10[%get3A_374, %get3A_375] {strides = array<i32>} : memref<240x128xf32, #tpu.memory_space<vmem>>, vector<1x16xf32>,
          %get3A_377 = vector.shape_cast %get3A_376 : vector<1x16xf32> to vector<16xf32>
          %mul3A_378 = vector.broadcast %squeeze3A_296 : f32 to vector<16xf32>
          %mul3A_379 = arith.mulf %get3A_377, %mul3A_378 : vector<16xf32>
          %swap3A_380 = arith.index_cast %add3A_294 : i32 to index
          %swap3A_381 = arith.constant 112 : index
          %swap3A_382 = tpu.vector_load %arg10[%swap3A_380, %swap3A_381] {strides = array<i32>} : memref<240x128xf32, #tpu.memory_space<vmem>>, vector<1x16xf32>,
          %swap3A_383 = vector.shape_cast %swap3A_382 : vector<1x16xf32> to vector<16xf32>
          %swap3A_384 = vector.shape_cast %mul3A_379 : vector<16xf32> to vector<1x16xf32>
          tpu.vector_store %arg10[%swap3A_380, %swap3A_381], %swap3A_384 {strides = array<i32>} : memref<240x128xf32, #tpu.memory_space<vmem>>, vector<1x16xf32>,
          %mul3A_385 = arith.constant 16 : i32
          %mul3A_386 = arith.muli %scan3A_193, %mul3A_385 : i32
          %add3A_387 = arith.constant 2 : i32
          %add3A_388 = arith.addi %mul3A_386, %add3A_387 : i32
          %slice3A_389 = vector.extract_strided_slice %get3A_198 {offsets = [2], sizes = [1], strides = [1]} : vector<16xf32> to vector<1xf32>
          %squeeze3A_390 = vector.extract %slice3A_389[0] : f32 from vector<1xf32>
          %get3A_391 = arith.index_cast %add3A_388 : i32 to index
          %get3A_392 = arith.constant 0 : index
          %get3A_393 = tpu.vector_load %arg10[%get3A_391, %get3A_392] {strides = array<i32>} : memref<240x128xf32, #tpu.memory_space<vmem>>, vector<1x16xf32>,
          %get3A_394 = vector.shape_cast %get3A_393 : vector<1x16xf32> to vector<16xf32>
          %mul3A_395 = vector.broadcast %squeeze3A_390 : f32 to vector<16xf32>
          %mul3A_396 = arith.mulf %get3A_394, %mul3A_395 : vector<16xf32>
          %swap3A_397 = arith.index_cast %add3A_388 : i32 to index
          %swap3A_398 = arith.constant 0 : index
          %swap3A_399 = tpu.vector_load %arg10[%swap3A_397, %swap3A_398] {strides = array<i32>} : memref<240x128xf32, #tpu.memory_space<vmem>>, vector<1x16xf32>,
          %swap3A_400 = vector.shape_cast %swap3A_399 : vector<1x16xf32> to vector<16xf32>
          %swap3A_401 = vector.shape_cast %mul3A_396 : vector<16xf32> to vector<1x16xf32>
          tpu.vector_store %arg10[%swap3A_397, %swap3A_398], %swap3A_401 {strides = array<i32>} : memref<240x128xf32, #tpu.memory_space<vmem>>, vector<1x16xf32>,
          %get3A_402 = arith.index_cast %add3A_388 : i32 to index
          %get3A_403 = arith.constant 16 : index
          %get3A_404 = tpu.vector_load %arg10[%get3A_402, %get3A_403] {strides = array<i32>} : memref<240x128xf32, #tpu.memory_space<vmem>>, vector<1x16xf32>,
          %get3A_405 = vector.shape_cast %get3A_404 : vector<1x16xf32> to vector<16xf32>
          %mul3A_406 = vector.broadcast %squeeze3A_390 : f32 to vector<16xf32>
          %mul3A_407 = arith.mulf %get3A_405, %mul3A_406 : vector<16xf32>
          %swap3A_408 = arith.index_cast %add3A_388 : i32 to index
          %swap3A_409 = arith.constant 16 : index
          %swap3A_410 = tpu.vector_load %arg10[%swap3A_408, %swap3A_409] {strides = array<i32>} : memref<240x128xf32, #tpu.memory_space<vmem>>, vector<1x16xf32>,
          %swap3A_411 = vector.shape_cast %swap3A_410 : vector<1x16xf32> to vector<16xf32>
          %swap3A_412 = vector.shape_cast %mul3A_407 : vector<16xf32> to vector<1x16xf32>
          tpu.vector_store %arg10[%swap3A_408, %swap3A_409], %swap3A_412 {strides = array<i32>} : memref<240x128xf32, #tpu.memory_space<vmem>>, vector<1x16xf32>,
          %get3A_413 = arith.index_cast %add3A_388 : i32 to index
          %get3A_414 = arith.constant 32 : index
          %get3A_415 = tpu.vector_load %arg10[%get3A_413, %get3A_414] {strides = array<i32>} : memref<240x128xf32, #tpu.memory_space<vmem>>, vector<1x16xf32>,
          %get3A_416 = vector.shape_cast %get3A_415 : vector<1x16xf32> to vector<16xf32>
          %mul3A_417 = vector.broadcast %squeeze3A_390 : f32 to vector<16xf32>
          %mul3A_418 = arith.mulf %get3A_416, %mul3A_417 : vector<16xf32>
          %swap3A_419 = arith.index_cast %add3A_388 : i32 to index
          %swap3A_420 = arith.constant 32 : index
          %swap3A_421 = tpu.vector_load %arg10[%swap3A_419, %swap3A_420] {strides = array<i32>} : memref<240x128xf32, #tpu.memory_space<vmem>>, vector<1x16xf32>,
          %swap3A_422 = vector.shape_cast %swap3A_421 : vector<1x16xf32> to vector<16xf32>
          %swap3A_423 = vector.shape_cast %mul3A_418 : vector<16xf32> to vector<1x16xf32>
          tpu.vector_store %arg10[%swap3A_419, %swap3A_420], %swap3A_423 {strides = array<i32>} : memref<240x128xf32, #tpu.memory_space<vmem>>, vector<1x16xf32>,
          %get3A_424 = arith.index_cast %add3A_388 : i32 to index
          %get3A_425 = arith.constant 48 : index
          %get3A_426 = tpu.vector_load %arg10[%get3A_424, %get3A_425] {strides = array<i32>} : memref<240x128xf32, #tpu.memory_space<vmem>>, vector<1x16xf32>,
          %get3A_427 = vector.shape_cast %get3A_426 : vector<1x16xf32> to vector<16xf32>
          %mul3A_428 = vector.broadcast %squeeze3A_390 : f32 to vector<16xf32>
          %mul3A_429 = arith.mulf %get3A_427, %mul3A_428 : vector<16xf32>
          %swap3A_430 = arith.index_cast %add3A_388 : i32 to index
          %swap3A_431 = arith.constant 48 : index
          %swap3A_432 = tpu.vector_load %arg10[%swap3A_430, %swap3A_431] {strides = array<i32>} : memref<240x128xf32, #tpu.memory_space<vmem>>, vector<1x16xf32>,
          %swap3A_433 = vector.shape_cast %swap3A_432 : vector<1x16xf32> to vector<16xf32>
          %swap3A_434 = vector.shape_cast %mul3A_429 : vector<16xf32> to vector<1x16xf32>
          tpu.vector_store %arg10[%swap3A_430, %swap3A_431], %swap3A_434 {strides = array<i32>} : memref<240x128xf32, #tpu.memory_space<vmem>>, vector<1x16xf32>,
          %get3A_435 = arith.index_cast %add3A_388 : i32 to index
          %get3A_436 = arith.constant 64 : index
          %get3A_437 = tpu.vector_load %arg10[%get3A_435, %get3A_436] {strides = array<i32>} : memref<240x128xf32, #tpu.memory_space<vmem>>, vector<1x16xf32>,
          %get3A_438 = vector.shape_cast %get3A_437 : vector<1x16xf32> to vector<16xf32>
          %mul3A_439 = vector.broadcast %squeeze3A_390 : f32 to vector<16xf32>
          %mul3A_440 = arith.mulf %get3A_438, %mul3A_439 : vector<16xf32>
          %swap3A_441 = arith.index_cast %add3A_388 : i32 to index
          %swap3A_442 = arith.constant 64 : index
          %swap3A_443 = tpu.vector_load %arg10[%swap3A_441, %swap3A_442] {strides = array<i32>} : memref<240x128xf32, #tpu.memory_space<vmem>>, vector<1x16xf32>,
          %swap3A_444 = vector.shape_cast %swap3A_443 : vector<1x16xf32> to vector<16xf32>
          %swap3A_445 = vector.shape_cast %mul3A_440 : vector<16xf32> to vector<1x16xf32>
          tpu.vector_store %arg10[%swap3A_441, %swap3A_442], %swap3A_445 {strides = array<i32>} : memref<240x128xf32, #tpu.memory_space<vmem>>, vector<1x16xf32>,
          %get3A_446 = arith.index_cast %add3A_388 : i32 to index
          %get3A_447 = arith.constant 80 : index
          %get3A_448 = tpu.vector_load %arg10[%get3A_446, %get3A_447] {strides = array<i32>} : memref<240x128xf32, #tpu.memory_space<vmem>>, vector<1x16xf32>,
          %get3A_449 = vector.shape_cast %get3A_448 : vector<1x16xf32> to vector<16xf32>
          %mul3A_450 = vector.broadcast %squeeze3A_390 : f32 to vector<16xf32>
          %mul3A_451 = arith.mulf %get3A_449, %mul3A_450 : vector<16xf32>
          %swap3A_452 = arith.index_cast %add3A_388 : i32 to index
          %swap3A_453 = arith.constant 80 : index
          %swap3A_454 = tpu.vector_load %arg10[%swap3A_452, %swap3A_453] {strides = array<i32>} : memref<240x128xf32, #tpu.memory_space<vmem>>, vector<1x16xf32>,
          %swap3A_455 = vector.shape_cast %swap3A_454 : vector<1x16xf32> to vector<16xf32>
          %swap3A_456 = vector.shape_cast %mul3A_451 : vector<16xf32> to vector<1x16xf32>
          tpu.vector_store %arg10[%swap3A_452, %swap3A_453], %swap3A_456 {strides = array<i32>} : memref<240x128xf32, #tpu.memory_space<vmem>>, vector<1x16xf32>,
          %get3A_457 = arith.index_cast %add3A_388 : i32 to index
          %get3A_458 = arith.constant 96 : index
          %get3A_459 = tpu.vector_load %arg10[%get3A_457, %get3A_458] {strides = array<i32>} : memref<240x128xf32, #tpu.memory_space<vmem>>, vector<1x16xf32>,
          %get3A_460 = vector.shape_cast %get3A_459 : vector<1x16xf32> to vector<16xf32>
          %mul3A_461 = vector.broadcast %squeeze3A_390 : f32 to vector<16xf32>
          %mul3A_462 = arith.mulf %get3A_460, %mul3A_461 : vector<16xf32>
          %swap3A_463 = arith.index_cast %add3A_388 : i32 to index
          %swap3A_464 = arith.constant 96 : index
          %swap3A_465 = tpu.vector_load %arg10[%swap3A_463, %swap3A_464] {strides = array<i32>} : memref<240x128xf32, #tpu.memory_space<vmem>>, vector<1x16xf32>,
          %swap3A_466 = vector.shape_cast %swap3A_465 : vector<1x16xf32> to vector<16xf32>
          %swap3A_467 = vector.shape_cast %mul3A_462 : vector<16xf32> to vector<1x16xf32>
          tpu.vector_store %arg10[%swap3A_463, %swap3A_464], %swap3A_467 {strides = array<i32>} : memref<240x128xf32, #tpu.memory_space<vmem>>, vector<1x16xf32>,
          %get3A_468 = arith.index_cast %add3A_388 : i32 to index
          %get3A_469 = arith.constant 112 : index
          %get3A_470 = tpu.vector_load %arg10[%get3A_468, %get3A_469] {strides = array<i32>} : memref<240x128xf32, #tpu.memory_space<vmem>>, vector<1x16xf32>,
          %get3A_471 = vector.shape_cast %get3A_470 : vector<1x16xf32> to vector<16xf32>
          %mul3A_472 = vector.broadcast %squeeze3A_390 : f32 to vector<16xf32>
          %mul3A_473 = arith.mulf %get3A_471, %mul3A_472 : vector<16xf32>
          %swap3A_474 = arith.index_cast %add3A_388 : i32 to index
          %swap3A_475 = arith.constant 112 : index
          %swap3A_476 = tpu.vector_load %arg10[%swap3A_474, %swap3A_475] {strides = array<i32>} : memref<240x128xf32, #tpu.memory_space<vmem>>, vector<1x16xf32>,
          %swap3A_477 = vector.shape_cast %swap3A_476 : vector<1x16xf32> to vector<16xf32>
          %swap3A_478 = vector.shape_cast %mul3A_473 : vector<16xf32> to vector<1x16xf32>
          tpu.vector_store %arg10[%swap3A_474, %swap3A_475], %swap3A_478 {strides = array<i32>} : memref<240x128xf32, #tpu.memory_space<vmem>>, vector<1x16xf32>,
          %mul3A_479 = arith.constant 16 : i32
          %mul3A_480 = arith.muli %scan3A_193, %mul3A_479 : i32
          %add3A_481 = arith.constant 3 : i32
          %add3A_482 = arith.addi %mul3A_480, %add3A_481 : i32
          %slice3A_483 = vector.extract_strided_slice %get3A_198 {offsets = [3], sizes = [1], strides = [1]} : vector<16xf32> to vector<1xf32>
          %squeeze3A_484 = vector.extract %slice3A_483[0] : f32 from vector<1xf32>
          %get3A_485 = arith.index_cast %add3A_482 : i32 to index
          %get3A_486 = arith.constant 0 : index
          %get3A_487 = tpu.vector_load %arg10[%get3A_485, %get3A_486] {strides = array<i32>} : memref<240x128xf32, #tpu.memory_space<vmem>>, vector<1x16xf32>,
          %get3A_488 = vector.shape_cast %get3A_487 : vector<1x16xf32> to vector<16xf32>
          %mul3A_489 = vector.broadcast %squeeze3A_484 : f32 to vector<16xf32>
          %mul3A_490 = arith.mulf %get3A_488, %mul3A_489 : vector<16xf32>
          %swap3A_491 = arith.index_cast %add3A_482 : i32 to index
          %swap3A_492 = arith.constant 0 : index
          %swap3A_493 = tpu.vector_load %arg10[%swap3A_491, %swap3A_492] {strides = array<i32>} : memref<240x128xf32, #tpu.memory_space<vmem>>, vector<1x16xf32>,
          %swap3A_494 = vector.shape_cast %swap3A_493 : vector<1x16xf32> to vector<16xf32>
          %swap3A_495 = vector.shape_cast %mul3A_490 : vector<16xf32> to vector<1x16xf32>
          tpu.vector_store %arg10[%swap3A_491, %swap3A_492], %swap3A_495 {strides = array<i32>} : memref<240x128xf32, #tpu.memory_space<vmem>>, vector<1x16xf32>,
          %get3A_496 = arith.index_cast %add3A_482 : i32 to index
          %get3A_497 = arith.constant 16 : index
          %get3A_498 = tpu.vector_load %arg10[%get3A_496, %get3A_497] {strides = array<i32>} : memref<240x128xf32, #tpu.memory_space<vmem>>, vector<1x16xf32>,
          %get3A_499 = vector.shape_cast %get3A_498 : vector<1x16xf32> to vector<16xf32>
          %mul3A_500 = vector.broadcast %squeeze3A_484 : f32 to vector<16xf32>
          %mul3A_501 = arith.mulf %get3A_499, %mul3A_500 : vector<16xf32>
          %swap3A_502 = arith.index_cast %add3A_482 : i32 to index
          %swap3A_503 = arith.constant 16 : index
          %swap3A_504 = tpu.vector_load %arg10[%swap3A_502, %swap3A_503] {strides = array<i32>} : memref<240x128xf32, #tpu.memory_space<vmem>>, vector<1x16xf32>,
          %swap3A_505 = vector.shape_cast %swap3A_504 : vector<1x16xf32> to vector<16xf32>
          %swap3A_506 = vector.shape_cast %mul3A_501 : vector<16xf32> to vector<1x16xf32>
          tpu.vector_store %arg10[%swap3A_502, %swap3A_503], %swap3A_506 {strides = array<i32>} : memref<240x128xf32, #tpu.memory_space<vmem>>, vector<1x16xf32>,
          %get3A_507 = arith.index_cast %add3A_482 : i32 to index
          %get3A_508 = arith.constant 32 : index
          %get3A_509 = tpu.vector_load %arg10[%get3A_507, %get3A_508] {strides = array<i32>} : memref<240x128xf32, #tpu.memory_space<vmem>>, vector<1x16xf32>,
          %get3A_510 = vector.shape_cast %get3A_509 : vector<1x16xf32> to vector<16xf32>
          %mul3A_511 = vector.broadcast %squeeze3A_484 : f32 to vector<16xf32>
          %mul3A_512 = arith.mulf %get3A_510, %mul3A_511 : vector<16xf32>
          %swap3A_513 = arith.index_cast %add3A_482 : i32 to index
          %swap3A_514 = arith.constant 32 : index
          %swap3A_515 = tpu.vector_load %arg10[%swap3A_513, %swap3A_514] {strides = array<i32>} : memref<240x128xf32, #tpu.memory_space<vmem>>, vector<1x16xf32>,
          %swap3A_516 = vector.shape_cast %swap3A_515 : vector<1x16xf32> to vector<16xf32>
          %swap3A_517 = vector.shape_cast %mul3A_512 : vector<16xf32> to vector<1x16xf32>
          tpu.vector_store %arg10[%swap3A_513, %swap3A_514], %swap3A_517 {strides = array<i32>} : memref<240x128xf32, #tpu.memory_space<vmem>>, vector<1x16xf32>,
          %get3A_518 = arith.index_cast %add3A_482 : i32 to index
          %get3A_519 = arith.constant 48 : index
          %get3A_520 = tpu.vector_load %arg10[%get3A_518, %get3A_519] {strides = array<i32>} : memref<240x128xf32, #tpu.memory_space<vmem>>, vector<1x16xf32>,
          %get3A_521 = vector.shape_cast %get3A_520 : vector<1x16xf32> to vector<16xf32>
          %mul3A_522 = vector.broadcast %squeeze3A_484 : f32 to vector<16xf32>
          %mul3A_523 = arith.mulf %get3A_521, %mul3A_522 : vector<16xf32>
          %swap3A_524 = arith.index_cast %add3A_482 : i32 to index
          %swap3A_525 = arith.constant 48 : index
          %swap3A_526 = tpu.vector_load %arg10[%swap3A_524, %swap3A_525] {strides = array<i32>} : memref<240x128xf32, #tpu.memory_space<vmem>>, vector<1x16xf32>,
          %swap3A_527 = vector.shape_cast %swap3A_526 : vector<1x16xf32> to vector<16xf32>
          %swap3A_528 = vector.shape_cast %mul3A_523 : vector<16xf32> to vector<1x16xf32>
          tpu.vector_store %arg10[%swap3A_524, %swap3A_525], %swap3A_528 {strides = array<i32>} : memref<240x128xf32, #tpu.memory_space<vmem>>, vector<1x16xf32>,
          %get3A_529 = arith.index_cast %add3A_482 : i32 to index
          %get3A_530 = arith.constant 64 : index
          %get3A_531 = tpu.vector_load %arg10[%get3A_529, %get3A_530] {strides = array<i32>} : memref<240x128xf32, #tpu.memory_space<vmem>>, vector<1x16xf32>,
          %get3A_532 = vector.shape_cast %get3A_531 : vector<1x16xf32> to vector<16xf32>
          %mul3A_533 = vector.broadcast %squeeze3A_484 : f32 to vector<16xf32>
          %mul3A_534 = arith.mulf %get3A_532, %mul3A_533 : vector<16xf32>
          %swap3A_535 = arith.index_cast %add3A_482 : i32 to index
          %swap3A_536 = arith.constant 64 : index
          %swap3A_537 = tpu.vector_load %arg10[%swap3A_535, %swap3A_536] {strides = array<i32>} : memref<240x128xf32, #tpu.memory_space<vmem>>, vector<1x16xf32>,
          %swap3A_538 = vector.shape_cast %swap3A_537 : vector<1x16xf32> to vector<16xf32>
          %swap3A_539 = vector.shape_cast %mul3A_534 : vector<16xf32> to vector<1x16xf32>
          tpu.vector_store %arg10[%swap3A_535, %swap3A_536], %swap3A_539 {strides = array<i32>} : memref<240x128xf32, #tpu.memory_space<vmem>>, vector<1x16xf32>,
          %get3A_540 = arith.index_cast %add3A_482 : i32 to index
          %get3A_541 = arith.constant 80 : index
          %get3A_542 = tpu.vector_load %arg10[%get3A_540, %get3A_541] {strides = array<i32>} : memref<240x128xf32, #tpu.memory_space<vmem>>, vector<1x16xf32>,
          %get3A_543 = vector.shape_cast %get3A_542 : vector<1x16xf32> to vector<16xf32>
          %mul3A_544 = vector.broadcast %squeeze3A_484 : f32 to vector<16xf32>
          %mul3A_545 = arith.mulf %get3A_543, %mul3A_544 : vector<16xf32>
          %swap3A_546 = arith.index_cast %add3A_482 : i32 to index
          %swap3A_547 = arith.constant 80 : index
          %swap3A_548 = tpu.vector_load %arg10[%swap3A_546, %swap3A_547] {strides = array<i32>} : memref<240x128xf32, #tpu.memory_space<vmem>>, vector<1x16xf32>,
          %swap3A_549 = vector.shape_cast %swap3A_548 : vector<1x16xf32> to vector<16xf32>
          %swap3A_550 = vector.shape_cast %mul3A_545 : vector<16xf32> to vector<1x16xf32>
          tpu.vector_store %arg10[%swap3A_546, %swap3A_547], %swap3A_550 {strides = array<i32>} : memref<240x128xf32, #tpu.memory_space<vmem>>, vector<1x16xf32>,
          %get3A_551 = arith.index_cast %add3A_482 : i32 to index
          %get3A_552 = arith.constant 96 : index
          %get3A_553 = tpu.vector_load %arg10[%get3A_551, %get3A_552] {strides = array<i32>} : memref<240x128xf32, #tpu.memory_space<vmem>>, vector<1x16xf32>,
          %get3A_554 = vector.shape_cast %get3A_553 : vector<1x16xf32> to vector<16xf32>
          %mul3A_555 = vector.broadcast %squeeze3A_484 : f32 to vector<16xf32>
          %mul3A_556 = arith.mulf %get3A_554, %mul3A_555 : vector<16xf32>
          %swap3A_557 = arith.index_cast %add3A_482 : i32 to index
          %swap3A_558 = arith.constant 96 : index
          %swap3A_559 = tpu.vector_load %arg10[%swap3A_557, %swap3A_558] {strides = array<i32>} : memref<240x128xf32, #tpu.memory_space<vmem>>, vector<1x16xf32>,
          %swap3A_560 = vector.shape_cast %swap3A_559 : vector<1x16xf32> to vector<16xf32>
          %swap3A_561 = vector.shape_cast %mul3A_556 : vector<16xf32> to vector<1x16xf32>
          tpu.vector_store %arg10[%swap3A_557, %swap3A_558], %swap3A_561 {strides = array<i32>} : memref<240x128xf32, #tpu.memory_space<vmem>>, vector<1x16xf32>,
          %get3A_562 = arith.index_cast %add3A_482 : i32 to index
          %get3A_563 = arith.constant 112 : index
          %get3A_564 = tpu.vector_load %arg10[%get3A_562, %get3A_563] {strides = array<i32>} : memref<240x128xf32, #tpu.memory_space<vmem>>, vector<1x16xf32>,
          %get3A_565 = vector.shape_cast %get3A_564 : vector<1x16xf32> to vector<16xf32>
          %mul3A_566 = vector.broadcast %squeeze3A_484 : f32 to vector<16xf32>
          %mul3A_567 = arith.mulf %get3A_565, %mul3A_566 : vector<16xf32>
          %swap3A_568 = arith.index_cast %add3A_482 : i32 to index
          %swap3A_569 = arith.constant 112 : index
          %swap3A_570 = tpu.vector_load %arg10[%swap3A_568, %swap3A_569] {strides = array<i32>} : memref<240x128xf32, #tpu.memory_space<vmem>>, vector<1x16xf32>,
          %swap3A_571 = vector.shape_cast %swap3A_570 : vector<1x16xf32> to vector<16xf32>
          %swap3A_572 = vector.shape_cast %mul3A_567 : vector<16xf32> to vector<1x16xf32>
          tpu.vector_store %arg10[%swap3A_568, %swap3A_569], %swap3A_572 {strides = array<i32>} : memref<240x128xf32, #tpu.memory_space<vmem>>, vector<1x16xf32>,
          %mul3A_573 = arith.constant 16 : i32
          %mul3A_574 = arith.muli %scan3A_193, %mul3A_573 : i32
          %add3A_575 = arith.constant 4 : i32
          %add3A_576 = arith.addi %mul3A_574, %add3A_575 : i32
          %slice3A_577 = vector.extract_strided_slice %get3A_198 {offsets = [4], sizes = [1], strides = [1]} : vector<16xf32> to vector<1xf32>
          %squeeze3A_578 = vector.extract %slice3A_577[0] : f32 from vector<1xf32>
          %get3A_579 = arith.index_cast %add3A_576 : i32 to index
          %get3A_580 = arith.constant 0 : index
          %get3A_581 = tpu.vector_load %arg10[%get3A_579, %get3A_580] {strides = array<i32>} : memref<240x128xf32, #tpu.memory_space<vmem>>, vector<1x16xf32>,
          %get3A_582 = vector.shape_cast %get3A_581 : vector<1x16xf32> to vector<16xf32>
          %mul3A_583 = vector.broadcast %squeeze3A_578 : f32 to vector<16xf32>
          %mul3A_584 = arith.mulf %get3A_582, %mul3A_583 : vector<16xf32>
          %swap3A_585 = arith.index_cast %add3A_576 : i32 to index
          %swap3A_586 = arith.constant 0 : index
          %swap3A_587 = tpu.vector_load %arg10[%swap3A_585, %swap3A_586] {strides = array<i32>} : memref<240x128xf32, #tpu.memory_space<vmem>>, vector<1x16xf32>,
          %swap3A_588 = vector.shape_cast %swap3A_587 : vector<1x16xf32> to vector<16xf32>
          %swap3A_589 = vector.shape_cast %mul3A_584 : vector<16xf32> to vector<1x16xf32>
          tpu.vector_store %arg10[%swap3A_585, %swap3A_586], %swap3A_589 {strides = array<i32>} : memref<240x128xf32, #tpu.memory_space<vmem>>, vector<1x16xf32>,
          %get3A_590 = arith.index_cast %add3A_576 : i32 to index
          %get3A_591 = arith.constant 16 : index
          %get3A_592 = tpu.vector_load %arg10[%get3A_590, %get3A_591] {strides = array<i32>} : memref<240x128xf32, #tpu.memory_space<vmem>>, vector<1x16xf32>,
          %get3A_593 = vector.shape_cast %get3A_592 : vector<1x16xf32> to vector<16xf32>
          %mul3A_594 = vector.broadcast %squeeze3A_578 : f32 to vector<16xf32>
          %mul3A_595 = arith.mulf %get3A_593, %mul3A_594 : vector<16xf32>
          %swap3A_596 = arith.index_cast %add3A_576 : i32 to index
          %swap3A_597 = arith.constant 16 : index
          %swap3A_598 = tpu.vector_load %arg10[%swap3A_596, %swap3A_597] {strides = array<i32>} : memref<240x128xf32, #tpu.memory_space<vmem>>, vector<1x16xf32>,
          %swap3A_599 = vector.shape_cast %swap3A_598 : vector<1x16xf32> to vector<16xf32>
          %swap3A_600 = vector.shape_cast %mul3A_595 : vector<16xf32> to vector<1x16xf32>
          tpu.vector_store %arg10[%swap3A_596, %swap3A_597], %swap3A_600 {strides = array<i32>} : memref<240x128xf32, #tpu.memory_space<vmem>>, vector<1x16xf32>,
          %get3A_601 = arith.index_cast %add3A_576 : i32 to index
          %get3A_602 = arith.constant 32 : index
          %get3A_603 = tpu.vector_load %arg10[%get3A_601, %get3A_602] {strides = array<i32>} : memref<240x128xf32, #tpu.memory_space<vmem>>, vector<1x16xf32>,
          %get3A_604 = vector.shape_cast %get3A_603 : vector<1x16xf32> to vector<16xf32>
          %mul3A_605 = vector.broadcast %squeeze3A_578 : f32 to vector<16xf32>
          %mul3A_606 = arith.mulf %get3A_604, %mul3A_605 : vector<16xf32>
          %swap3A_607 = arith.index_cast %add3A_576 : i32 to index
          %swap3A_608 = arith.constant 32 : index
          %swap3A_609 = tpu.vector_load %arg10[%swap3A_607, %swap3A_608] {strides = array<i32>} : memref<240x128xf32, #tpu.memory_space<vmem>>, vector<1x16xf32>,
          %swap3A_610 = vector.shape_cast %swap3A_609 : vector<1x16xf32> to vector<16xf32>
          %swap3A_611 = vector.shape_cast %mul3A_606 : vector<16xf32> to vector<1x16xf32>
          tpu.vector_store %arg10[%swap3A_607, %swap3A_608], %swap3A_611 {strides = array<i32>} : memref<240x128xf32, #tpu.memory_space<vmem>>, vector<1x16xf32>,
          %get3A_612 = arith.index_cast %add3A_576 : i32 to index
          %get3A_613 = arith.constant 48 : index
          %get3A_614 = tpu.vector_load %arg10[%get3A_612, %get3A_613] {strides = array<i32>} : memref<240x128xf32, #tpu.memory_space<vmem>>, vector<1x16xf32>,
          %get3A_615 = vector.shape_cast %get3A_614 : vector<1x16xf32> to vector<16xf32>
          %mul3A_616 = vector.broadcast %squeeze3A_578 : f32 to vector<16xf32>
          %mul3A_617 = arith.mulf %get3A_615, %mul3A_616 : vector<16xf32>
          %swap3A_618 = arith.index_cast %add3A_576 : i32 to index
          %swap3A_619 = arith.constant 48 : index
          %swap3A_620 = tpu.vector_load %arg10[%swap3A_618, %swap3A_619] {strides = array<i32>} : memref<240x128xf32, #tpu.memory_space<vmem>>, vector<1x16xf32>,
          %swap3A_621 = vector.shape_cast %swap3A_620 : vector<1x16xf32> to vector<16xf32>
          %swap3A_622 = vector.shape_cast %mul3A_617 : vector<16xf32> to vector<1x16xf32>
          tpu.vector_store %arg10[%swap3A_618, %swap3A_619], %swap3A_622 {strides = array<i32>} : memref<240x128xf32, #tpu.memory_space<vmem>>, vector<1x16xf32>,
          %get3A_623 = arith.index_cast %add3A_576 : i32 to index
          %get3A_624 = arith.constant 64 : index
          %get3A_625 = tpu.vector_load %arg10[%get3A_623, %get3A_624] {strides = array<i32>} : memref<240x128xf32, #tpu.memory_space<vmem>>, vector<1x16xf32>,
          %get3A_626 = vector.shape_cast %get3A_625 : vector<1x16xf32> to vector<16xf32>
          %mul3A_627 = vector.broadcast %squeeze3A_578 : f32 to vector<16xf32>
          %mul3A_628 = arith.mulf %get3A_626, %mul3A_627 : vector<16xf32>
          %swap3A_629 = arith.index_cast %add3A_576 : i32 to index
          %swap3A_630 = arith.constant 64 : index
          %swap3A_631 = tpu.vector_load %arg10[%swap3A_629, %swap3A_630] {strides = array<i32>} : memref<240x128xf32, #tpu.memory_space<vmem>>, vector<1x16xf32>,
          %swap3A_632 = vector.shape_cast %swap3A_631 : vector<1x16xf32> to vector<16xf32>
          %swap3A_633 = vector.shape_cast %mul3A_628 : vector<16xf32> to vector<1x16xf32>
          tpu.vector_store %arg10[%swap3A_629, %swap3A_630], %swap3A_633 {strides = array<i32>} : memref<240x128xf32, #tpu.memory_space<vmem>>, vector<1x16xf32>,
          %get3A_634 = arith.index_cast %add3A_576 : i32 to index
          %get3A_635 = arith.constant 80 : index
          %get3A_636 = tpu.vector_load %arg10[%get3A_634, %get3A_635] {strides = array<i32>} : memref<240x128xf32, #tpu.memory_space<vmem>>, vector<1x16xf32>,
          %get3A_637 = vector.shape_cast %get3A_636 : vector<1x16xf32> to vector<16xf32>
          %mul3A_638 = vector.broadcast %squeeze3A_578 : f32 to vector<16xf32>
          %mul3A_639 = arith.mulf %get3A_637, %mul3A_638 : vector<16xf32>
          %swap3A_640 = arith.index_cast %add3A_576 : i32 to index
          %swap3A_641 = arith.constant 80 : index
          %swap3A_642 = tpu.vector_load %arg10[%swap3A_640, %swap3A_641] {strides = array<i32>} : memref<240x128xf32, #tpu.memory_space<vmem>>, vector<1x16xf32>,
          %swap3A_643 = vector.shape_cast %swap3A_642 : vector<1x16xf32> to vector<16xf32>
          %swap3A_644 = vector.shape_cast %mul3A_639 : vector<16xf32> to vector<1x16xf32>
          tpu.vector_store %arg10[%swap3A_640, %swap3A_641], %swap3A_644 {strides = array<i32>} : memref<240x128xf32, #tpu.memory_space<vmem>>, vector<1x16xf32>,
          %get3A_645 = arith.index_cast %add3A_576 : i32 to index
          %get3A_646 = arith.constant 96 : index
          %get3A_647 = tpu.vector_load %arg10[%get3A_645, %get3A_646] {strides = array<i32>} : memref<240x128xf32, #tpu.memory_space<vmem>>, vector<1x16xf32>,
          %get3A_648 = vector.shape_cast %get3A_647 : vector<1x16xf32> to vector<16xf32>
          %mul3A_649 = vector.broadcast %squeeze3A_578 : f32 to vector<16xf32>
          %mul3A_650 = arith.mulf %get3A_648, %mul3A_649 : vector<16xf32>
          %swap3A_651 = arith.index_cast %add3A_576 : i32 to index
          %swap3A_652 = arith.constant 96 : index
          %swap3A_653 = tpu.vector_load %arg10[%swap3A_651, %swap3A_652] {strides = array<i32>} : memref<240x128xf32, #tpu.memory_space<vmem>>, vector<1x16xf32>,
          %swap3A_654 = vector.shape_cast %swap3A_653 : vector<1x16xf32> to vector<16xf32>
          %swap3A_655 = vector.shape_cast %mul3A_650 : vector<16xf32> to vector<1x16xf32>
          tpu.vector_store %arg10[%swap3A_651, %swap3A_652], %swap3A_655 {strides = array<i32>} : memref<240x128xf32, #tpu.memory_space<vmem>>, vector<1x16xf32>,
          %get3A_656 = arith.index_cast %add3A_576 : i32 to index
          %get3A_657 = arith.constant 112 : index
          %get3A_658 = tpu.vector_load %arg10[%get3A_656, %get3A_657] {strides = array<i32>} : memref<240x128xf32, #tpu.memory_space<vmem>>, vector<1x16xf32>,
          %get3A_659 = vector.shape_cast %get3A_658 : vector<1x16xf32> to vector<16xf32>
          %mul3A_660 = vector.broadcast %squeeze3A_578 : f32 to vector<16xf32>
          %mul3A_661 = arith.mulf %get3A_659, %mul3A_660 : vector<16xf32>
          %swap3A_662 = arith.index_cast %add3A_576 : i32 to index
          %swap3A_663 = arith.constant 112 : index
          %swap3A_664 = tpu.vector_load %arg10[%swap3A_662, %swap3A_663] {strides = array<i32>} : memref<240x128xf32, #tpu.memory_space<vmem>>, vector<1x16xf32>,
          %swap3A_665 = vector.shape_cast %swap3A_664 : vector<1x16xf32> to vector<16xf32>
          %swap3A_666 = vector.shape_cast %mul3A_661 : vector<16xf32> to vector<1x16xf32>
          tpu.vector_store %arg10[%swap3A_662, %swap3A_663], %swap3A_666 {strides = array<i32>} : memref<240x128xf32, #tpu.memory_space<vmem>>, vector<1x16xf32>,
          %mul3A_667 = arith.constant 16 : i32
          %mul3A_668 = arith.muli %scan3A_193, %mul3A_667 : i32
          %add3A_669 = arith.constant 5 : i32
          %add3A_670 = arith.addi %mul3A_668, %add3A_669 : i32
          %slice3A_671 = vector.extract_strided_slice %get3A_198 {offsets = [5], sizes = [1], strides = [1]} : vector<16xf32> to vector<1xf32>
          %squeeze3A_672 = vector.extract %slice3A_671[0] : f32 from vector<1xf32>
          %get3A_673 = arith.index_cast %add3A_670 : i32 to index
          %get3A_674 = arith.constant 0 : index
          %get3A_675 = tpu.vector_load %arg10[%get3A_673, %get3A_674] {strides = array<i32>} : memref<240x128xf32, #tpu.memory_space<vmem>>, vector<1x16xf32>,
          %get3A_676 = vector.shape_cast %get3A_675 : vector<1x16xf32> to vector<16xf32>
          %mul3A_677 = vector.broadcast %squeeze3A_672 : f32 to vector<16xf32>
          %mul3A_678 = arith.mulf %get3A_676, %mul3A_677 : vector<16xf32>
          %swap3A_679 = arith.index_cast %add3A_670 : i32 to index
          %swap3A_680 = arith.constant 0 : index
          %swap3A_681 = tpu.vector_load %arg10[%swap3A_679, %swap3A_680] {strides = array<i32>} : memref<240x128xf32, #tpu.memory_space<vmem>>, vector<1x16xf32>,
          %swap3A_682 = vector.shape_cast %swap3A_681 : vector<1x16xf32> to vector<16xf32>
          %swap3A_683 = vector.shape_cast %mul3A_678 : vector<16xf32> to vector<1x16xf32>
          tpu.vector_store %arg10[%swap3A_679, %swap3A_680], %swap3A_683 {strides = array<i32>} : memref<240x128xf32, #tpu.memory_space<vmem>>, vector<1x16xf32>,
          %get3A_684 = arith.index_cast %add3A_670 : i32 to index
          %get3A_685 = arith.constant 16 : index
          %get3A_686 = tpu.vector_load %arg10[%get3A_684, %get3A_685] {strides = array<i32>} : memref<240x128xf32, #tpu.memory_space<vmem>>, vector<1x16xf32>,
          %get3A_687 = vector.shape_cast %get3A_686 : vector<1x16xf32> to vector<16xf32>
          %mul3A_688 = vector.broadcast %squeeze3A_672 : f32 to vector<16xf32>
          %mul3A_689 = arith.mulf %get3A_687, %mul3A_688 : vector<16xf32>
          %swap3A_690 = arith.index_cast %add3A_670 : i32 to index
          %swap3A_691 = arith.constant 16 : index
          %swap3A_692 = tpu.vector_load %arg10[%swap3A_690, %swap3A_691] {strides = array<i32>} : memref<240x128xf32, #tpu.memory_space<vmem>>, vector<1x16xf32>,
          %swap3A_693 = vector.shape_cast %swap3A_692 : vector<1x16xf32> to vector<16xf32>
          %swap3A_694 = vector.shape_cast %mul3A_689 : vector<16xf32> to vector<1x16xf32>
          tpu.vector_store %arg10[%swap3A_690, %swap3A_691], %swap3A_694 {strides = array<i32>} : memref<240x128xf32, #tpu.memory_space<vmem>>, vector<1x16xf32>,
          %get3A_695 = arith.index_cast %add3A_670 : i32 to index
          %get3A_696 = arith.constant 32 : index
          %get3A_697 = tpu.vector_load %arg10[%get3A_695, %get3A_696] {strides = array<i32>} : memref<240x128xf32, #tpu.memory_space<vmem>>, vector<1x16xf32>,
          %get3A_698 = vector.shape_cast %get3A_697 : vector<1x16xf32> to vector<16xf32>
          %mul3A_699 = vector.broadcast %squeeze3A_672 : f32 to vector<16xf32>
          %mul3A_700 = arith.mulf %get3A_698, %mul3A_699 : vector<16xf32>
          %swap3A_701 = arith.index_cast %add3A_670 : i32 to index
          %swap3A_702 = arith.constant 32 : index
          %swap3A_703 = tpu.vector_load %arg10[%swap3A_701, %swap3A_702] {strides = array<i32>} : memref<240x128xf32, #tpu.memory_space<vmem>>, vector<1x16xf32>,
          %swap3A_704 = vector.shape_cast %swap3A_703 : vector<1x16xf32> to vector<16xf32>
          %swap3A_705 = vector.shape_cast %mul3A_700 : vector<16xf32> to vector<1x16xf32>
          tpu.vector_store %arg10[%swap3A_701, %swap3A_702], %swap3A_705 {strides = array<i32>} : memref<240x128xf32, #tpu.memory_space<vmem>>, vector<1x16xf32>,
          %get3A_706 = arith.index_cast %add3A_670 : i32 to index
          %get3A_707 = arith.constant 48 : index
          %get3A_708 = tpu.vector_load %arg10[%get3A_706, %get3A_707] {strides = array<i32>} : memref<240x128xf32, #tpu.memory_space<vmem>>, vector<1x16xf32>,
          %get3A_709 = vector.shape_cast %get3A_708 : vector<1x16xf32> to vector<16xf32>
          %mul3A_710 = vector.broadcast %squeeze3A_672 : f32 to vector<16xf32>
          %mul3A_711 = arith.mulf %get3A_709, %mul3A_710 : vector<16xf32>
          %swap3A_712 = arith.index_cast %add3A_670 : i32 to index
          %swap3A_713 = arith.constant 48 : index
          %swap3A_714 = tpu.vector_load %arg10[%swap3A_712, %swap3A_713] {strides = array<i32>} : memref<240x128xf32, #tpu.memory_space<vmem>>, vector<1x16xf32>,
          %swap3A_715 = vector.shape_cast %swap3A_714 : vector<1x16xf32> to vector<16xf32>
          %swap3A_716 = vector.shape_cast %mul3A_711 : vector<16xf32> to vector<1x16xf32>
          tpu.vector_store %arg10[%swap3A_712, %swap3A_713], %swap3A_716 {strides = array<i32>} : memref<240x128xf32, #tpu.memory_space<vmem>>, vector<1x16xf32>,
          %get3A_717 = arith.index_cast %add3A_670 : i32 to index
          %get3A_718 = arith.constant 64 : index
          %get3A_719 = tpu.vector_load %arg10[%get3A_717, %get3A_718] {strides = array<i32>} : memref<240x128xf32, #tpu.memory_space<vmem>>, vector<1x16xf32>,
          %get3A_720 = vector.shape_cast %get3A_719 : vector<1x16xf32> to vector<16xf32>
          %mul3A_721 = vector.broadcast %squeeze3A_672 : f32 to vector<16xf32>
          %mul3A_722 = arith.mulf %get3A_720, %mul3A_721 : vector<16xf32>
          %swap3A_723 = arith.index_cast %add3A_670 : i32 to index
          %swap3A_724 = arith.constant 64 : index
          %swap3A_725 = tpu.vector_load %arg10[%swap3A_723, %swap3A_724] {strides = array<i32>} : memref<240x128xf32, #tpu.memory_space<vmem>>, vector<1x16xf32>,
          %swap3A_726 = vector.shape_cast %swap3A_725 : vector<1x16xf32> to vector<16xf32>
          %swap3A_727 = vector.shape_cast %mul3A_722 : vector<16xf32> to vector<1x16xf32>
          tpu.vector_store %arg10[%swap3A_723, %swap3A_724], %swap3A_727 {strides = array<i32>} : memref<240x128xf32, #tpu.memory_space<vmem>>, vector<1x16xf32>,
          %get3A_728 = arith.index_cast %add3A_670 : i32 to index
          %get3A_729 = arith.constant 80 : index
          %get3A_730 = tpu.vector_load %arg10[%get3A_728, %get3A_729] {strides = array<i32>} : memref<240x128xf32, #tpu.memory_space<vmem>>, vector<1x16xf32>,
          %get3A_731 = vector.shape_cast %get3A_730 : vector<1x16xf32> to vector<16xf32>
          %mul3A_732 = vector.broadcast %squeeze3A_672 : f32 to vector<16xf32>
          %mul3A_733 = arith.mulf %get3A_731, %mul3A_732 : vector<16xf32>
          %swap3A_734 = arith.index_cast %add3A_670 : i32 to index
          %swap3A_735 = arith.constant 80 : index
          %swap3A_736 = tpu.vector_load %arg10[%swap3A_734, %swap3A_735] {strides = array<i32>} : memref<240x128xf32, #tpu.memory_space<vmem>>, vector<1x16xf32>,
          %swap3A_737 = vector.shape_cast %swap3A_736 : vector<1x16xf32> to vector<16xf32>
          %swap3A_738 = vector.shape_cast %mul3A_733 : vector<16xf32> to vector<1x16xf32>
          tpu.vector_store %arg10[%swap3A_734, %swap3A_735], %swap3A_738 {strides = array<i32>} : memref<240x128xf32, #tpu.memory_space<vmem>>, vector<1x16xf32>,
          %get3A_739 = arith.index_cast %add3A_670 : i32 to index
          %get3A_740 = arith.constant 96 : index
          %get3A_741 = tpu.vector_load %arg10[%get3A_739, %get3A_740] {strides = array<i32>} : memref<240x128xf32, #tpu.memory_space<vmem>>, vector<1x16xf32>,
          %get3A_742 = vector.shape_cast %get3A_741 : vector<1x16xf32> to vector<16xf32>
          %mul3A_743 = vector.broadcast %squeeze3A_672 : f32 to vector<16xf32>
          %mul3A_744 = arith.mulf %get3A_742, %mul3A_743 : vector<16xf32>
          %swap3A_745 = arith.index_cast %add3A_670 : i32 to index
          %swap3A_746 = arith.constant 96 : index
          %swap3A_747 = tpu.vector_load %arg10[%swap3A_745, %swap3A_746] {strides = array<i32>} : memref<240x128xf32, #tpu.memory_space<vmem>>, vector<1x16xf32>,
          %swap3A_748 = vector.shape_cast %swap3A_747 : vector<1x16xf32> to vector<16xf32>
          %swap3A_749 = vector.shape_cast %mul3A_744 : vector<16xf32> to vector<1x16xf32>
          tpu.vector_store %arg10[%swap3A_745, %swap3A_746], %swap3A_749 {strides = array<i32>} : memref<240x128xf32, #tpu.memory_space<vmem>>, vector<1x16xf32>,
          %get3A_750 = arith.index_cast %add3A_670 : i32 to index
          %get3A_751 = arith.constant 112 : index
          %get3A_752 = tpu.vector_load %arg10[%get3A_750, %get3A_751] {strides = array<i32>} : memref<240x128xf32, #tpu.memory_space<vmem>>, vector<1x16xf32>,
          %get3A_753 = vector.shape_cast %get3A_752 : vector<1x16xf32> to vector<16xf32>
          %mul3A_754 = vector.broadcast %squeeze3A_672 : f32 to vector<16xf32>
          %mul3A_755 = arith.mulf %get3A_753, %mul3A_754 : vector<16xf32>
          %swap3A_756 = arith.index_cast %add3A_670 : i32 to index
          %swap3A_757 = arith.constant 112 : index
          %swap3A_758 = tpu.vector_load %arg10[%swap3A_756, %swap3A_757] {strides = array<i32>} : memref<240x128xf32, #tpu.memory_space<vmem>>, vector<1x16xf32>,
          %swap3A_759 = vector.shape_cast %swap3A_758 : vector<1x16xf32> to vector<16xf32>
          %swap3A_760 = vector.shape_cast %mul3A_755 : vector<16xf32> to vector<1x16xf32>
          tpu.vector_store %arg10[%swap3A_756, %swap3A_757], %swap3A_760 {strides = array<i32>} : memref<240x128xf32, #tpu.memory_space<vmem>>, vector<1x16xf32>,
          %mul3A_761 = arith.constant 16 : i32
          %mul3A_762 = arith.muli %scan3A_193, %mul3A_761 : i32
          %add3A_763 = arith.constant 6 : i32
          %add3A_764 = arith.addi %mul3A_762, %add3A_763 : i32
          %slice3A_765 = vector.extract_strided_slice %get3A_198 {offsets = [6], sizes = [1], strides = [1]} : vector<16xf32> to vector<1xf32>
          %squeeze3A_766 = vector.extract %slice3A_765[0] : f32 from vector<1xf32>
          %get3A_767 = arith.index_cast %add3A_764 : i32 to index
          %get3A_768 = arith.constant 0 : index
          %get3A_769 = tpu.vector_load %arg10[%get3A_767, %get3A_768] {strides = array<i32>} : memref<240x128xf32, #tpu.memory_space<vmem>>, vector<1x16xf32>,
          %get3A_770 = vector.shape_cast %get3A_769 : vector<1x16xf32> to vector<16xf32>
          %mul3A_771 = vector.broadcast %squeeze3A_766 : f32 to vector<16xf32>
          %mul3A_772 = arith.mulf %get3A_770, %mul3A_771 : vector<16xf32>
          %swap3A_773 = arith.index_cast %add3A_764 : i32 to index
          %swap3A_774 = arith.constant 0 : index
          %swap3A_775 = tpu.vector_load %arg10[%swap3A_773, %swap3A_774] {strides = array<i32>} : memref<240x128xf32, #tpu.memory_space<vmem>>, vector<1x16xf32>,
          %swap3A_776 = vector.shape_cast %swap3A_775 : vector<1x16xf32> to vector<16xf32>
          %swap3A_777 = vector.shape_cast %mul3A_772 : vector<16xf32> to vector<1x16xf32>
          tpu.vector_store %arg10[%swap3A_773, %swap3A_774], %swap3A_777 {strides = array<i32>} : memref<240x128xf32, #tpu.memory_space<vmem>>, vector<1x16xf32>,
          %get3A_778 = arith.index_cast %add3A_764 : i32 to index
          %get3A_779 = arith.constant 16 : index
          %get3A_780 = tpu.vector_load %arg10[%get3A_778, %get3A_779] {strides = array<i32>} : memref<240x128xf32, #tpu.memory_space<vmem>>, vector<1x16xf32>,
          %get3A_781 = vector.shape_cast %get3A_780 : vector<1x16xf32> to vector<16xf32>
          %mul3A_782 = vector.broadcast %squeeze3A_766 : f32 to vector<16xf32>
          %mul3A_783 = arith.mulf %get3A_781, %mul3A_782 : vector<16xf32>
          %swap3A_784 = arith.index_cast %add3A_764 : i32 to index
          %swap3A_785 = arith.constant 16 : index
          %swap3A_786 = tpu.vector_load %arg10[%swap3A_784, %swap3A_785] {strides = array<i32>} : memref<240x128xf32, #tpu.memory_space<vmem>>, vector<1x16xf32>,
          %swap3A_787 = vector.shape_cast %swap3A_786 : vector<1x16xf32> to vector<16xf32>
          %swap3A_788 = vector.shape_cast %mul3A_783 : vector<16xf32> to vector<1x16xf32>
          tpu.vector_store %arg10[%swap3A_784, %swap3A_785], %swap3A_788 {strides = array<i32>} : memref<240x128xf32, #tpu.memory_space<vmem>>, vector<1x16xf32>,
          %get3A_789 = arith.index_cast %add3A_764 : i32 to index
          %get3A_790 = arith.constant 32 : index
          %get3A_791 = tpu.vector_load %arg10[%get3A_789, %get3A_790] {strides = array<i32>} : memref<240x128xf32, #tpu.memory_space<vmem>>, vector<1x16xf32>,
          %get3A_792 = vector.shape_cast %get3A_791 : vector<1x16xf32> to vector<16xf32>
          %mul3A_793 = vector.broadcast %squeeze3A_766 : f32 to vector<16xf32>
          %mul3A_794 = arith.mulf %get3A_792, %mul3A_793 : vector<16xf32>
          %swap3A_795 = arith.index_cast %add3A_764 : i32 to index
          %swap3A_796 = arith.constant 32 : index
          %swap3A_797 = tpu.vector_load %arg10[%swap3A_795, %swap3A_796] {strides = array<i32>} : memref<240x128xf32, #tpu.memory_space<vmem>>, vector<1x16xf32>,
          %swap3A_798 = vector.shape_cast %swap3A_797 : vector<1x16xf32> to vector<16xf32>
          %swap3A_799 = vector.shape_cast %mul3A_794 : vector<16xf32> to vector<1x16xf32>
          tpu.vector_store %arg10[%swap3A_795, %swap3A_796], %swap3A_799 {strides = array<i32>} : memref<240x128xf32, #tpu.memory_space<vmem>>, vector<1x16xf32>,
          %get3A_800 = arith.index_cast %add3A_764 : i32 to index
          %get3A_801 = arith.constant 48 : index
          %get3A_802 = tpu.vector_load %arg10[%get3A_800, %get3A_801] {strides = array<i32>} : memref<240x128xf32, #tpu.memory_space<vmem>>, vector<1x16xf32>,
          %get3A_803 = vector.shape_cast %get3A_802 : vector<1x16xf32> to vector<16xf32>
          %mul3A_804 = vector.broadcast %squeeze3A_766 : f32 to vector<16xf32>
          %mul3A_805 = arith.mulf %get3A_803, %mul3A_804 : vector<16xf32>
          %swap3A_806 = arith.index_cast %add3A_764 : i32 to index
          %swap3A_807 = arith.constant 48 : index
          %swap3A_808 = tpu.vector_load %arg10[%swap3A_806, %swap3A_807] {strides = array<i32>} : memref<240x128xf32, #tpu.memory_space<vmem>>, vector<1x16xf32>,
          %swap3A_809 = vector.shape_cast %swap3A_808 : vector<1x16xf32> to vector<16xf32>
          %swap3A_810 = vector.shape_cast %mul3A_805 : vector<16xf32> to vector<1x16xf32>
          tpu.vector_store %arg10[%swap3A_806, %swap3A_807], %swap3A_810 {strides = array<i32>} : memref<240x128xf32, #tpu.memory_space<vmem>>, vector<1x16xf32>,
          %get3A_811 = arith.index_cast %add3A_764 : i32 to index
          %get3A_812 = arith.constant 64 : index
          %get3A_813 = tpu.vector_load %arg10[%get3A_811, %get3A_812] {strides = array<i32>} : memref<240x128xf32, #tpu.memory_space<vmem>>, vector<1x16xf32>,
          %get3A_814 = vector.shape_cast %get3A_813 : vector<1x16xf32> to vector<16xf32>
          %mul3A_815 = vector.broadcast %squeeze3A_766 : f32 to vector<16xf32>
          %mul3A_816 = arith.mulf %get3A_814, %mul3A_815 : vector<16xf32>
          %swap3A_817 = arith.index_cast %add3A_764 : i32 to index
          %swap3A_818 = arith.constant 64 : index
          %swap3A_819 = tpu.vector_load %arg10[%swap3A_817, %swap3A_818] {strides = array<i32>} : memref<240x128xf32, #tpu.memory_space<vmem>>, vector<1x16xf32>,
          %swap3A_820 = vector.shape_cast %swap3A_819 : vector<1x16xf32> to vector<16xf32>
          %swap3A_821 = vector.shape_cast %mul3A_816 : vector<16xf32> to vector<1x16xf32>
          tpu.vector_store %arg10[%swap3A_817, %swap3A_818], %swap3A_821 {strides = array<i32>} : memref<240x128xf32, #tpu.memory_space<vmem>>, vector<1x16xf32>,
          %get3A_822 = arith.index_cast %add3A_764 : i32 to index
          %get3A_823 = arith.constant 80 : index
          %get3A_824 = tpu.vector_load %arg10[%get3A_822, %get3A_823] {strides = array<i32>} : memref<240x128xf32, #tpu.memory_space<vmem>>, vector<1x16xf32>,
          %get3A_825 = vector.shape_cast %get3A_824 : vector<1x16xf32> to vector<16xf32>
          %mul3A_826 = vector.broadcast %squeeze3A_766 : f32 to vector<16xf32>
          %mul3A_827 = arith.mulf %get3A_825, %mul3A_826 : vector<16xf32>
          %swap3A_828 = arith.index_cast %add3A_764 : i32 to index
          %swap3A_829 = arith.constant 80 : index
          %swap3A_830 = tpu.vector_load %arg10[%swap3A_828, %swap3A_829] {strides = array<i32>} : memref<240x128xf32, #tpu.memory_space<vmem>>, vector<1x16xf32>,
          %swap3A_831 = vector.shape_cast %swap3A_830 : vector<1x16xf32> to vector<16xf32>
          %swap3A_832 = vector.shape_cast %mul3A_827 : vector<16xf32> to vector<1x16xf32>
          tpu.vector_store %arg10[%swap3A_828, %swap3A_829], %swap3A_832 {strides = array<i32>} : memref<240x128xf32, #tpu.memory_space<vmem>>, vector<1x16xf32>,
          %get3A_833 = arith.index_cast %add3A_764 : i32 to index
          %get3A_834 = arith.constant 96 : index
          %get3A_835 = tpu.vector_load %arg10[%get3A_833, %get3A_834] {strides = array<i32>} : memref<240x128xf32, #tpu.memory_space<vmem>>, vector<1x16xf32>,
          %get3A_836 = vector.shape_cast %get3A_835 : vector<1x16xf32> to vector<16xf32>
          %mul3A_837 = vector.broadcast %squeeze3A_766 : f32 to vector<16xf32>
          %mul3A_838 = arith.mulf %get3A_836, %mul3A_837 : vector<16xf32>
          %swap3A_839 = arith.index_cast %add3A_764 : i32 to index
          %swap3A_840 = arith.constant 96 : index
          %swap3A_841 = tpu.vector_load %arg10[%swap3A_839, %swap3A_840] {strides = array<i32>} : memref<240x128xf32, #tpu.memory_space<vmem>>, vector<1x16xf32>,
          %swap3A_842 = vector.shape_cast %swap3A_841 : vector<1x16xf32> to vector<16xf32>
          %swap3A_843 = vector.shape_cast %mul3A_838 : vector<16xf32> to vector<1x16xf32>
          tpu.vector_store %arg10[%swap3A_839, %swap3A_840], %swap3A_843 {strides = array<i32>} : memref<240x128xf32, #tpu.memory_space<vmem>>, vector<1x16xf32>,
          %get3A_844 = arith.index_cast %add3A_764 : i32 to index
          %get3A_845 = arith.constant 112 : index
          %get3A_846 = tpu.vector_load %arg10[%get3A_844, %get3A_845] {strides = array<i32>} : memref<240x128xf32, #tpu.memory_space<vmem>>, vector<1x16xf32>,
          %get3A_847 = vector.shape_cast %get3A_846 : vector<1x16xf32> to vector<16xf32>
          %mul3A_848 = vector.broadcast %squeeze3A_766 : f32 to vector<16xf32>
          %mul3A_849 = arith.mulf %get3A_847, %mul3A_848 : vector<16xf32>
          %swap3A_850 = arith.index_cast %add3A_764 : i32 to index
          %swap3A_851 = arith.constant 112 : index
          %swap3A_852 = tpu.vector_load %arg10[%swap3A_850, %swap3A_851] {strides = array<i32>} : memref<240x128xf32, #tpu.memory_space<vmem>>, vector<1x16xf32>,
          %swap3A_853 = vector.shape_cast %swap3A_852 : vector<1x16xf32> to vector<16xf32>
          %swap3A_854 = vector.shape_cast %mul3A_849 : vector<16xf32> to vector<1x16xf32>
          tpu.vector_store %arg10[%swap3A_850, %swap3A_851], %swap3A_854 {strides = array<i32>} : memref<240x128xf32, #tpu.memory_space<vmem>>, vector<1x16xf32>,
          %mul3A_855 = arith.constant 16 : i32
          %mul3A_856 = arith.muli %scan3A_193, %mul3A_855 : i32
          %add3A_857 = arith.constant 7 : i32
          %add3A_858 = arith.addi %mul3A_856, %add3A_857 : i32
          %slice3A_859 = vector.extract_strided_slice %get3A_198 {offsets = [7], sizes = [1], strides = [1]} : vector<16xf32> to vector<1xf32>
          %squeeze3A_860 = vector.extract %slice3A_859[0] : f32 from vector<1xf32>
          %get3A_861 = arith.index_cast %add3A_858 : i32 to index
          %get3A_862 = arith.constant 0 : index
          %get3A_863 = tpu.vector_load %arg10[%get3A_861, %get3A_862] {strides = array<i32>} : memref<240x128xf32, #tpu.memory_space<vmem>>, vector<1x16xf32>,
          %get3A_864 = vector.shape_cast %get3A_863 : vector<1x16xf32> to vector<16xf32>
          %mul3A_865 = vector.broadcast %squeeze3A_860 : f32 to vector<16xf32>
          %mul3A_866 = arith.mulf %get3A_864, %mul3A_865 : vector<16xf32>
          %swap3A_867 = arith.index_cast %add3A_858 : i32 to index
          %swap3A_868 = arith.constant 0 : index
          %swap3A_869 = tpu.vector_load %arg10[%swap3A_867, %swap3A_868] {strides = array<i32>} : memref<240x128xf32, #tpu.memory_space<vmem>>, vector<1x16xf32>,
          %swap3A_870 = vector.shape_cast %swap3A_869 : vector<1x16xf32> to vector<16xf32>
          %swap3A_871 = vector.shape_cast %mul3A_866 : vector<16xf32> to vector<1x16xf32>
          tpu.vector_store %arg10[%swap3A_867, %swap3A_868], %swap3A_871 {strides = array<i32>} : memref<240x128xf32, #tpu.memory_space<vmem>>, vector<1x16xf32>,
          %get3A_872 = arith.index_cast %add3A_858 : i32 to index
          %get3A_873 = arith.constant 16 : index
          %get3A_874 = tpu.vector_load %arg10[%get3A_872, %get3A_873] {strides = array<i32>} : memref<240x128xf32, #tpu.memory_space<vmem>>, vector<1x16xf32>,
          %get3A_875 = vector.shape_cast %get3A_874 : vector<1x16xf32> to vector<16xf32>
          %mul3A_876 = vector.broadcast %squeeze3A_860 : f32 to vector<16xf32>
          %mul3A_877 = arith.mulf %get3A_875, %mul3A_876 : vector<16xf32>
          %swap3A_878 = arith.index_cast %add3A_858 : i32 to index
          %swap3A_879 = arith.constant 16 : index
          %swap3A_880 = tpu.vector_load %arg10[%swap3A_878, %swap3A_879] {strides = array<i32>} : memref<240x128xf32, #tpu.memory_space<vmem>>, vector<1x16xf32>,
          %swap3A_881 = vector.shape_cast %swap3A_880 : vector<1x16xf32> to vector<16xf32>
          %swap3A_882 = vector.shape_cast %mul3A_877 : vector<16xf32> to vector<1x16xf32>
          tpu.vector_store %arg10[%swap3A_878, %swap3A_879], %swap3A_882 {strides = array<i32>} : memref<240x128xf32, #tpu.memory_space<vmem>>, vector<1x16xf32>,
          %get3A_883 = arith.index_cast %add3A_858 : i32 to index
          %get3A_884 = arith.constant 32 : index
          %get3A_885 = tpu.vector_load %arg10[%get3A_883, %get3A_884] {strides = array<i32>} : memref<240x128xf32, #tpu.memory_space<vmem>>, vector<1x16xf32>,
          %get3A_886 = vector.shape_cast %get3A_885 : vector<1x16xf32> to vector<16xf32>
          %mul3A_887 = vector.broadcast %squeeze3A_860 : f32 to vector<16xf32>
          %mul3A_888 = arith.mulf %get3A_886, %mul3A_887 : vector<16xf32>
          %swap3A_889 = arith.index_cast %add3A_858 : i32 to index
          %swap3A_890 = arith.constant 32 : index
          %swap3A_891 = tpu.vector_load %arg10[%swap3A_889, %swap3A_890] {strides = array<i32>} : memref<240x128xf32, #tpu.memory_space<vmem>>, vector<1x16xf32>,
          %swap3A_892 = vector.shape_cast %swap3A_891 : vector<1x16xf32> to vector<16xf32>
          %swap3A_893 = vector.shape_cast %mul3A_888 : vector<16xf32> to vector<1x16xf32>
          tpu.vector_store %arg10[%swap3A_889, %swap3A_890], %swap3A_893 {strides = array<i32>} : memref<240x128xf32, #tpu.memory_space<vmem>>, vector<1x16xf32>,
          %get3A_894 = arith.index_cast %add3A_858 : i32 to index
          %get3A_895 = arith.constant 48 : index
          %get3A_896 = tpu.vector_load %arg10[%get3A_894, %get3A_895] {strides = array<i32>} : memref<240x128xf32, #tpu.memory_space<vmem>>, vector<1x16xf32>,
          %get3A_897 = vector.shape_cast %get3A_896 : vector<1x16xf32> to vector<16xf32>
          %mul3A_898 = vector.broadcast %squeeze3A_860 : f32 to vector<16xf32>
          %mul3A_899 = arith.mulf %get3A_897, %mul3A_898 : vector<16xf32>
          %swap3A_900 = arith.index_cast %add3A_858 : i32 to index
          %swap3A_901 = arith.constant 48 : index
          %swap3A_902 = tpu.vector_load %arg10[%swap3A_900, %swap3A_901] {strides = array<i32>} : memref<240x128xf32, #tpu.memory_space<vmem>>, vector<1x16xf32>,
          %swap3A_903 = vector.shape_cast %swap3A_902 : vector<1x16xf32> to vector<16xf32>
          %swap3A_904 = vector.shape_cast %mul3A_899 : vector<16xf32> to vector<1x16xf32>
          tpu.vector_store %arg10[%swap3A_900, %swap3A_901], %swap3A_904 {strides = array<i32>} : memref<240x128xf32, #tpu.memory_space<vmem>>, vector<1x16xf32>,
          %get3A_905 = arith.index_cast %add3A_858 : i32 to index
          %get3A_906 = arith.constant 64 : index
          %get3A_907 = tpu.vector_load %arg10[%get3A_905, %get3A_906] {strides = array<i32>} : memref<240x128xf32, #tpu.memory_space<vmem>>, vector<1x16xf32>,
          %get3A_908 = vector.shape_cast %get3A_907 : vector<1x16xf32> to vector<16xf32>
          %mul3A_909 = vector.broadcast %squeeze3A_860 : f32 to vector<16xf32>
          %mul3A_910 = arith.mulf %get3A_908, %mul3A_909 : vector<16xf32>
          %swap3A_911 = arith.index_cast %add3A_858 : i32 to index
          %swap3A_912 = arith.constant 64 : index
          %swap3A_913 = tpu.vector_load %arg10[%swap3A_911, %swap3A_912] {strides = array<i32>} : memref<240x128xf32, #tpu.memory_space<vmem>>, vector<1x16xf32>,
          %swap3A_914 = vector.shape_cast %swap3A_913 : vector<1x16xf32> to vector<16xf32>
          %swap3A_915 = vector.shape_cast %mul3A_910 : vector<16xf32> to vector<1x16xf32>
          tpu.vector_store %arg10[%swap3A_911, %swap3A_912], %swap3A_915 {strides = array<i32>} : memref<240x128xf32, #tpu.memory_space<vmem>>, vector<1x16xf32>,
          %get3A_916 = arith.index_cast %add3A_858 : i32 to index
          %get3A_917 = arith.constant 80 : index
          %get3A_918 = tpu.vector_load %arg10[%get3A_916, %get3A_917] {strides = array<i32>} : memref<240x128xf32, #tpu.memory_space<vmem>>, vector<1x16xf32>,
          %get3A_919 = vector.shape_cast %get3A_918 : vector<1x16xf32> to vector<16xf32>
          %mul3A_920 = vector.broadcast %squeeze3A_860 : f32 to vector<16xf32>
          %mul3A_921 = arith.mulf %get3A_919, %mul3A_920 : vector<16xf32>
          %swap3A_922 = arith.index_cast %add3A_858 : i32 to index
          %swap3A_923 = arith.constant 80 : index
          %swap3A_924 = tpu.vector_load %arg10[%swap3A_922, %swap3A_923] {strides = array<i32>} : memref<240x128xf32, #tpu.memory_space<vmem>>, vector<1x16xf32>,
          %swap3A_925 = vector.shape_cast %swap3A_924 : vector<1x16xf32> to vector<16xf32>
          %swap3A_926 = vector.shape_cast %mul3A_921 : vector<16xf32> to vector<1x16xf32>
          tpu.vector_store %arg10[%swap3A_922, %swap3A_923], %swap3A_926 {strides = array<i32>} : memref<240x128xf32, #tpu.memory_space<vmem>>, vector<1x16xf32>,
          %get3A_927 = arith.index_cast %add3A_858 : i32 to index
          %get3A_928 = arith.constant 96 : index
          %get3A_929 = tpu.vector_load %arg10[%get3A_927, %get3A_928] {strides = array<i32>} : memref<240x128xf32, #tpu.memory_space<vmem>>, vector<1x16xf32>,
          %get3A_930 = vector.shape_cast %get3A_929 : vector<1x16xf32> to vector<16xf32>
          %mul3A_931 = vector.broadcast %squeeze3A_860 : f32 to vector<16xf32>
          %mul3A_932 = arith.mulf %get3A_930, %mul3A_931 : vector<16xf32>
          %swap3A_933 = arith.index_cast %add3A_858 : i32 to index
          %swap3A_934 = arith.constant 96 : index
          %swap3A_935 = tpu.vector_load %arg10[%swap3A_933, %swap3A_934] {strides = array<i32>} : memref<240x128xf32, #tpu.memory_space<vmem>>, vector<1x16xf32>,
          %swap3A_936 = vector.shape_cast %swap3A_935 : vector<1x16xf32> to vector<16xf32>
          %swap3A_937 = vector.shape_cast %mul3A_932 : vector<16xf32> to vector<1x16xf32>
          tpu.vector_store %arg10[%swap3A_933, %swap3A_934], %swap3A_937 {strides = array<i32>} : memref<240x128xf32, #tpu.memory_space<vmem>>, vector<1x16xf32>,
          %get3A_938 = arith.index_cast %add3A_858 : i32 to index
          %get3A_939 = arith.constant 112 : index
          %get3A_940 = tpu.vector_load %arg10[%get3A_938, %get3A_939] {strides = array<i32>} : memref<240x128xf32, #tpu.memory_space<vmem>>, vector<1x16xf32>,
          %get3A_941 = vector.shape_cast %get3A_940 : vector<1x16xf32> to vector<16xf32>
          %mul3A_942 = vector.broadcast %squeeze3A_860 : f32 to vector<16xf32>
          %mul3A_943 = arith.mulf %get3A_941, %mul3A_942 : vector<16xf32>
          %swap3A_944 = arith.index_cast %add3A_858 : i32 to index
          %swap3A_945 = arith.constant 112 : index
          %swap3A_946 = tpu.vector_load %arg10[%swap3A_944, %swap3A_945] {strides = array<i32>} : memref<240x128xf32, #tpu.memory_space<vmem>>, vector<1x16xf32>,
          %swap3A_947 = vector.shape_cast %swap3A_946 : vector<1x16xf32> to vector<16xf32>
          %swap3A_948 = vector.shape_cast %mul3A_943 : vector<16xf32> to vector<1x16xf32>
          tpu.vector_store %arg10[%swap3A_944, %swap3A_945], %swap3A_948 {strides = array<i32>} : memref<240x128xf32, #tpu.memory_space<vmem>>, vector<1x16xf32>,
          %mul3A_949 = arith.constant 16 : i32
          %mul3A_950 = arith.muli %scan3A_193, %mul3A_949 : i32
          %add3A_951 = arith.constant 8 : i32
          %add3A_952 = arith.addi %mul3A_950, %add3A_951 : i32
          %slice3A_953 = vector.extract_strided_slice %get3A_198 {offsets = [8], sizes = [1], strides = [1]} : vector<16xf32> to vector<1xf32>
          %squeeze3A_954 = vector.extract %slice3A_953[0] : f32 from vector<1xf32>
          %get3A_955 = arith.index_cast %add3A_952 : i32 to index
          %get3A_956 = arith.constant 0 : index
          %get3A_957 = tpu.vector_load %arg10[%get3A_955, %get3A_956] {strides = array<i32>} : memref<240x128xf32, #tpu.memory_space<vmem>>, vector<1x16xf32>,
          %get3A_958 = vector.shape_cast %get3A_957 : vector<1x16xf32> to vector<16xf32>
          %mul3A_959 = vector.broadcast %squeeze3A_954 : f32 to vector<16xf32>
          %mul3A_960 = arith.mulf %get3A_958, %mul3A_959 : vector<16xf32>
          %swap3A_961 = arith.index_cast %add3A_952 : i32 to index
          %swap3A_962 = arith.constant 0 : index
          %swap3A_963 = tpu.vector_load %arg10[%swap3A_961, %swap3A_962] {strides = array<i32>} : memref<240x128xf32, #tpu.memory_space<vmem>>, vector<1x16xf32>,
          %swap3A_964 = vector.shape_cast %swap3A_963 : vector<1x16xf32> to vector<16xf32>
          %swap3A_965 = vector.shape_cast %mul3A_960 : vector<16xf32> to vector<1x16xf32>
          tpu.vector_store %arg10[%swap3A_961, %swap3A_962], %swap3A_965 {strides = array<i32>} : memref<240x128xf32, #tpu.memory_space<vmem>>, vector<1x16xf32>,
          %get3A_966 = arith.index_cast %add3A_952 : i32 to index
          %get3A_967 = arith.constant 16 : index
          %get3A_968 = tpu.vector_load %arg10[%get3A_966, %get3A_967] {strides = array<i32>} : memref<240x128xf32, #tpu.memory_space<vmem>>, vector<1x16xf32>,
          %get3A_969 = vector.shape_cast %get3A_968 : vector<1x16xf32> to vector<16xf32>
          %mul3A_970 = vector.broadcast %squeeze3A_954 : f32 to vector<16xf32>
          %mul3A_971 = arith.mulf %get3A_969, %mul3A_970 : vector<16xf32>
          %swap3A_972 = arith.index_cast %add3A_952 : i32 to index
          %swap3A_973 = arith.constant 16 : index
          %swap3A_974 = tpu.vector_load %arg10[%swap3A_972, %swap3A_973] {strides = array<i32>} : memref<240x128xf32, #tpu.memory_space<vmem>>, vector<1x16xf32>,
          %swap3A_975 = vector.shape_cast %swap3A_974 : vector<1x16xf32> to vector<16xf32>
          %swap3A_976 = vector.shape_cast %mul3A_971 : vector<16xf32> to vector<1x16xf32>
          tpu.vector_store %arg10[%swap3A_972, %swap3A_973], %swap3A_976 {strides = array<i32>} : memref<240x128xf32, #tpu.memory_space<vmem>>, vector<1x16xf32>,
          %get3A_977 = arith.index_cast %add3A_952 : i32 to index
          %get3A_978 = arith.constant 32 : index
          %get3A_979 = tpu.vector_load %arg10[%get3A_977, %get3A_978] {strides = array<i32>} : memref<240x128xf32, #tpu.memory_space<vmem>>, vector<1x16xf32>,
          %get3A_980 = vector.shape_cast %get3A_979 : vector<1x16xf32> to vector<16xf32>
          %mul3A_981 = vector.broadcast %squeeze3A_954 : f32 to vector<16xf32>
          %mul3A_982 = arith.mulf %get3A_980, %mul3A_981 : vector<16xf32>
          %swap3A_983 = arith.index_cast %add3A_952 : i32 to index
          %swap3A_984 = arith.constant 32 : index
          %swap3A_985 = tpu.vector_load %arg10[%swap3A_983, %swap3A_984] {strides = array<i32>} : memref<240x128xf32, #tpu.memory_space<vmem>>, vector<1x16xf32>,
          %swap3A_986 = vector.shape_cast %swap3A_985 : vector<1x16xf32> to vector<16xf32>
          %swap3A_987 = vector.shape_cast %mul3A_982 : vector<16xf32> to vector<1x16xf32>
          tpu.vector_store %arg10[%swap3A_983, %swap3A_984], %swap3A_987 {strides = array<i32>} : memref<240x128xf32, #tpu.memory_space<vmem>>, vector<1x16xf32>,
          %get3A_988 = arith.index_cast %add3A_952 : i32 to index
          %get3A_989 = arith.constant 48 : index
          %get3A_990 = tpu.vector_load %arg10[%get3A_988, %get3A_989] {strides = array<i32>} : memref<240x128xf32, #tpu.memory_space<vmem>>, vector<1x16xf32>,
          %get3A_991 = vector.shape_cast %get3A_990 : vector<1x16xf32> to vector<16xf32>
          %mul3A_992 = vector.broadcast %squeeze3A_954 : f32 to vector<16xf32>
          %mul3A_993 = arith.mulf %get3A_991, %mul3A_992 : vector<16xf32>
          %swap3A_994 = arith.index_cast %add3A_952 : i32 to index
          %swap3A_995 = arith.constant 48 : index
          %swap3A_996 = tpu.vector_load %arg10[%swap3A_994, %swap3A_995] {strides = array<i32>} : memref<240x128xf32, #tpu.memory_space<vmem>>, vector<1x16xf32>,
          %swap3A_997 = vector.shape_cast %swap3A_996 : vector<1x16xf32> to vector<16xf32>
          %swap3A_998 = vector.shape_cast %mul3A_993 : vector<16xf32> to vector<1x16xf32>
          tpu.vector_store %arg10[%swap3A_994, %swap3A_995], %swap3A_998 {strides = array<i32>} : memref<240x128xf32, #tpu.memory_space<vmem>>, vector<1x16xf32>,
          %get3A_999 = arith.index_cast %add3A_952 : i32 to index
          %get3A_1000 = arith.constant 64 : index
          %get3A_1001 = tpu.vector_load %arg10[%get3A_999, %get3A_1000] {strides = array<i32>} : memref<240x128xf32, #tpu.memory_space<vmem>>, vector<1x16xf32>,
          %get3A_1002 = vector.shape_cast %get3A_1001 : vector<1x16xf32> to vector<16xf32>
          %mul3A_1003 = vector.broadcast %squeeze3A_954 : f32 to vector<16xf32>
          %mul3A_1004 = arith.mulf %get3A_1002, %mul3A_1003 : vector<16xf32>
          %swap3A_1005 = arith.index_cast %add3A_952 : i32 to index
          %swap3A_1006 = arith.constant 64 : index
          %swap3A_1007 = tpu.vector_load %arg10[%swap3A_1005, %swap3A_1006] {strides = array<i32>} : memref<240x128xf32, #tpu.memory_space<vmem>>, vector<1x16xf32>,
          %swap3A_1008 = vector.shape_cast %swap3A_1007 : vector<1x16xf32> to vector<16xf32>
          %swap3A_1009 = vector.shape_cast %mul3A_1004 : vector<16xf32> to vector<1x16xf32>
          tpu.vector_store %arg10[%swap3A_1005, %swap3A_1006], %swap3A_1009 {strides = array<i32>} : memref<240x128xf32, #tpu.memory_space<vmem>>, vector<1x16xf32>,
          %get3A_1010 = arith.index_cast %add3A_952 : i32 to index
          %get3A_1011 = arith.constant 80 : index
          %get3A_1012 = tpu.vector_load %arg10[%get3A_1010, %get3A_1011] {strides = array<i32>} : memref<240x128xf32, #tpu.memory_space<vmem>>, vector<1x16xf32>,
          %get3A_1013 = vector.shape_cast %get3A_1012 : vector<1x16xf32> to vector<16xf32>
          %mul3A_1014 = vector.broadcast %squeeze3A_954 : f32 to vector<16xf32>
          %mul3A_1015 = arith.mulf %get3A_1013, %mul3A_1014 : vector<16xf32>
          %swap3A_1016 = arith.index_cast %add3A_952 : i32 to index
          %swap3A_1017 = arith.constant 80 : index
          %swap3A_1018 = tpu.vector_load %arg10[%swap3A_1016, %swap3A_1017] {strides = array<i32>} : memref<240x128xf32, #tpu.memory_space<vmem>>, vector<1x16xf32>,
          %swap3A_1019 = vector.shape_cast %swap3A_1018 : vector<1x16xf32> to vector<16xf32>
          %swap3A_1020 = vector.shape_cast %mul3A_1015 : vector<16xf32> to vector<1x16xf32>
          tpu.vector_store %arg10[%swap3A_1016, %swap3A_1017], %swap3A_1020 {strides = array<i32>} : memref<240x128xf32, #tpu.memory_space<vmem>>, vector<1x16xf32>,
          %get3A_1021 = arith.index_cast %add3A_952 : i32 to index
          %get3A_1022 = arith.constant 96 : index
          %get3A_1023 = tpu.vector_load %arg10[%get3A_1021, %get3A_1022] {strides = array<i32>} : memref<240x128xf32, #tpu.memory_space<vmem>>, vector<1x16xf32>,
          %get3A_1024 = vector.shape_cast %get3A_1023 : vector<1x16xf32> to vector<16xf32>
          %mul3A_1025 = vector.broadcast %squeeze3A_954 : f32 to vector<16xf32>
          %mul3A_1026 = arith.mulf %get3A_1024, %mul3A_1025 : vector<16xf32>
          %swap3A_1027 = arith.index_cast %add3A_952 : i32 to index
          %swap3A_1028 = arith.constant 96 : index
          %swap3A_1029 = tpu.vector_load %arg10[%swap3A_1027, %swap3A_1028] {strides = array<i32>} : memref<240x128xf32, #tpu.memory_space<vmem>>, vector<1x16xf32>,
          %swap3A_1030 = vector.shape_cast %swap3A_1029 : vector<1x16xf32> to vector<16xf32>
          %swap3A_1031 = vector.shape_cast %mul3A_1026 : vector<16xf32> to vector<1x16xf32>
          tpu.vector_store %arg10[%swap3A_1027, %swap3A_1028], %swap3A_1031 {strides = array<i32>} : memref<240x128xf32, #tpu.memory_space<vmem>>, vector<1x16xf32>,
          %get3A_1032 = arith.index_cast %add3A_952 : i32 to index
          %get3A_1033 = arith.constant 112 : index
          %get3A_1034 = tpu.vector_load %arg10[%get3A_1032, %get3A_1033] {strides = array<i32>} : memref<240x128xf32, #tpu.memory_space<vmem>>, vector<1x16xf32>,
          %get3A_1035 = vector.shape_cast %get3A_1034 : vector<1x16xf32> to vector<16xf32>
          %mul3A_1036 = vector.broadcast %squeeze3A_954 : f32 to vector<16xf32>
          %mul3A_1037 = arith.mulf %get3A_1035, %mul3A_1036 : vector<16xf32>
          %swap3A_1038 = arith.index_cast %add3A_952 : i32 to index
          %swap3A_1039 = arith.constant 112 : index
          %swap3A_1040 = tpu.vector_load %arg10[%swap3A_1038, %swap3A_1039] {strides = array<i32>} : memref<240x128xf32, #tpu.memory_space<vmem>>, vector<1x16xf32>,
          %swap3A_1041 = vector.shape_cast %swap3A_1040 : vector<1x16xf32> to vector<16xf32>
          %swap3A_1042 = vector.shape_cast %mul3A_1037 : vector<16xf32> to vector<1x16xf32>
          tpu.vector_store %arg10[%swap3A_1038, %swap3A_1039], %swap3A_1042 {strides = array<i32>} : memref<240x128xf32, #tpu.memory_space<vmem>>, vector<1x16xf32>,
          %mul3A_1043 = arith.constant 16 : i32
          %mul3A_1044 = arith.muli %scan3A_193, %mul3A_1043 : i32
          %add3A_1045 = arith.constant 9 : i32
          %add3A_1046 = arith.addi %mul3A_1044, %add3A_1045 : i32
          %slice3A_1047 = vector.extract_strided_slice %get3A_198 {offsets = [9], sizes = [1], strides = [1]} : vector<16xf32> to vector<1xf32>
          %squeeze3A_1048 = vector.extract %slice3A_1047[0] : f32 from vector<1xf32>
          %get3A_1049 = arith.index_cast %add3A_1046 : i32 to index
          %get3A_1050 = arith.constant 0 : index
          %get3A_1051 = tpu.vector_load %arg10[%get3A_1049, %get3A_1050] {strides = array<i32>} : memref<240x128xf32, #tpu.memory_space<vmem>>, vector<1x16xf32>,
          %get3A_1052 = vector.shape_cast %get3A_1051 : vector<1x16xf32> to vector<16xf32>
          %mul3A_1053 = vector.broadcast %squeeze3A_1048 : f32 to vector<16xf32>
          %mul3A_1054 = arith.mulf %get3A_1052, %mul3A_1053 : vector<16xf32>
          %swap3A_1055 = arith.index_cast %add3A_1046 : i32 to index
          %swap3A_1056 = arith.constant 0 : index
          %swap3A_1057 = tpu.vector_load %arg10[%swap3A_1055, %swap3A_1056] {strides = array<i32>} : memref<240x128xf32, #tpu.memory_space<vmem>>, vector<1x16xf32>,
          %swap3A_1058 = vector.shape_cast %swap3A_1057 : vector<1x16xf32> to vector<16xf32>
          %swap3A_1059 = vector.shape_cast %mul3A_1054 : vector<16xf32> to vector<1x16xf32>
          tpu.vector_store %arg10[%swap3A_1055, %swap3A_1056], %swap3A_1059 {strides = array<i32>} : memref<240x128xf32, #tpu.memory_space<vmem>>, vector<1x16xf32>,
          %get3A_1060 = arith.index_cast %add3A_1046 : i32 to index
          %get3A_1061 = arith.constant 16 : index
          %get3A_1062 = tpu.vector_load %arg10[%get3A_1060, %get3A_1061] {strides = array<i32>} : memref<240x128xf32, #tpu.memory_space<vmem>>, vector<1x16xf32>,
          %get3A_1063 = vector.shape_cast %get3A_1062 : vector<1x16xf32> to vector<16xf32>
          %mul3A_1064 = vector.broadcast %squeeze3A_1048 : f32 to vector<16xf32>
          %mul3A_1065 = arith.mulf %get3A_1063, %mul3A_1064 : vector<16xf32>
          %swap3A_1066 = arith.index_cast %add3A_1046 : i32 to index
          %swap3A_1067 = arith.constant 16 : index
          %swap3A_1068 = tpu.vector_load %arg10[%swap3A_1066, %swap3A_1067] {strides = array<i32>} : memref<240x128xf32, #tpu.memory_space<vmem>>, vector<1x16xf32>,
          %swap3A_1069 = vector.shape_cast %swap3A_1068 : vector<1x16xf32> to vector<16xf32>
          %swap3A_1070 = vector.shape_cast %mul3A_1065 : vector<16xf32> to vector<1x16xf32>
          tpu.vector_store %arg10[%swap3A_1066, %swap3A_1067], %swap3A_1070 {strides = array<i32>} : memref<240x128xf32, #tpu.memory_space<vmem>>, vector<1x16xf32>,
          %get3A_1071 = arith.index_cast %add3A_1046 : i32 to index
          %get3A_1072 = arith.constant 32 : index
          %get3A_1073 = tpu.vector_load %arg10[%get3A_1071, %get3A_1072] {strides = array<i32>} : memref<240x128xf32, #tpu.memory_space<vmem>>, vector<1x16xf32>,
          %get3A_1074 = vector.shape_cast %get3A_1073 : vector<1x16xf32> to vector<16xf32>
          %mul3A_1075 = vector.broadcast %squeeze3A_1048 : f32 to vector<16xf32>
          %mul3A_1076 = arith.mulf %get3A_1074, %mul3A_1075 : vector<16xf32>
          %swap3A_1077 = arith.index_cast %add3A_1046 : i32 to index
          %swap3A_1078 = arith.constant 32 : index
          %swap3A_1079 = tpu.vector_load %arg10[%swap3A_1077, %swap3A_1078] {strides = array<i32>} : memref<240x128xf32, #tpu.memory_space<vmem>>, vector<1x16xf32>,
          %swap3A_1080 = vector.shape_cast %swap3A_1079 : vector<1x16xf32> to vector<16xf32>
          %swap3A_1081 = vector.shape_cast %mul3A_1076 : vector<16xf32> to vector<1x16xf32>
          tpu.vector_store %arg10[%swap3A_1077, %swap3A_1078], %swap3A_1081 {strides = array<i32>} : memref<240x128xf32, #tpu.memory_space<vmem>>, vector<1x16xf32>,
          %get3A_1082 = arith.index_cast %add3A_1046 : i32 to index
          %get3A_1083 = arith.constant 48 : index
          %get3A_1084 = tpu.vector_load %arg10[%get3A_1082, %get3A_1083] {strides = array<i32>} : memref<240x128xf32, #tpu.memory_space<vmem>>, vector<1x16xf32>,
          %get3A_1085 = vector.shape_cast %get3A_1084 : vector<1x16xf32> to vector<16xf32>
          %mul3A_1086 = vector.broadcast %squeeze3A_1048 : f32 to vector<16xf32>
          %mul3A_1087 = arith.mulf %get3A_1085, %mul3A_1086 : vector<16xf32>
          %swap3A_1088 = arith.index_cast %add3A_1046 : i32 to index
          %swap3A_1089 = arith.constant 48 : index
          %swap3A_1090 = tpu.vector_load %arg10[%swap3A_1088, %swap3A_1089] {strides = array<i32>} : memref<240x128xf32, #tpu.memory_space<vmem>>, vector<1x16xf32>,
          %swap3A_1091 = vector.shape_cast %swap3A_1090 : vector<1x16xf32> to vector<16xf32>
          %swap3A_1092 = vector.shape_cast %mul3A_1087 : vector<16xf32> to vector<1x16xf32>
          tpu.vector_store %arg10[%swap3A_1088, %swap3A_1089], %swap3A_1092 {strides = array<i32>} : memref<240x128xf32, #tpu.memory_space<vmem>>, vector<1x16xf32>,
          %get3A_1093 = arith.index_cast %add3A_1046 : i32 to index
          %get3A_1094 = arith.constant 64 : index
          %get3A_1095 = tpu.vector_load %arg10[%get3A_1093, %get3A_1094] {strides = array<i32>} : memref<240x128xf32, #tpu.memory_space<vmem>>, vector<1x16xf32>,
          %get3A_1096 = vector.shape_cast %get3A_1095 : vector<1x16xf32> to vector<16xf32>
          %mul3A_1097 = vector.broadcast %squeeze3A_1048 : f32 to vector<16xf32>
          %mul3A_1098 = arith.mulf %get3A_1096, %mul3A_1097 : vector<16xf32>
          %swap3A_1099 = arith.index_cast %add3A_1046 : i32 to index
          %swap3A_1100 = arith.constant 64 : index
          %swap3A_1101 = tpu.vector_load %arg10[%swap3A_1099, %swap3A_1100] {strides = array<i32>} : memref<240x128xf32, #tpu.memory_space<vmem>>, vector<1x16xf32>,
          %swap3A_1102 = vector.shape_cast %swap3A_1101 : vector<1x16xf32> to vector<16xf32>
          %swap3A_1103 = vector.shape_cast %mul3A_1098 : vector<16xf32> to vector<1x16xf32>
          tpu.vector_store %arg10[%swap3A_1099, %swap3A_1100], %swap3A_1103 {strides = array<i32>} : memref<240x128xf32, #tpu.memory_space<vmem>>, vector<1x16xf32>,
          %get3A_1104 = arith.index_cast %add3A_1046 : i32 to index
          %get3A_1105 = arith.constant 80 : index
          %get3A_1106 = tpu.vector_load %arg10[%get3A_1104, %get3A_1105] {strides = array<i32>} : memref<240x128xf32, #tpu.memory_space<vmem>>, vector<1x16xf32>,
          %get3A_1107 = vector.shape_cast %get3A_1106 : vector<1x16xf32> to vector<16xf32>
          %mul3A_1108 = vector.broadcast %squeeze3A_1048 : f32 to vector<16xf32>
          %mul3A_1109 = arith.mulf %get3A_1107, %mul3A_1108 : vector<16xf32>
          %swap3A_1110 = arith.index_cast %add3A_1046 : i32 to index
          %swap3A_1111 = arith.constant 80 : index
          %swap3A_1112 = tpu.vector_load %arg10[%swap3A_1110, %swap3A_1111] {strides = array<i32>} : memref<240x128xf32, #tpu.memory_space<vmem>>, vector<1x16xf32>,
          %swap3A_1113 = vector.shape_cast %swap3A_1112 : vector<1x16xf32> to vector<16xf32>
          %swap3A_1114 = vector.shape_cast %mul3A_1109 : vector<16xf32> to vector<1x16xf32>
          tpu.vector_store %arg10[%swap3A_1110, %swap3A_1111], %swap3A_1114 {strides = array<i32>} : memref<240x128xf32, #tpu.memory_space<vmem>>, vector<1x16xf32>,
          %get3A_1115 = arith.index_cast %add3A_1046 : i32 to index
          %get3A_1116 = arith.constant 96 : index
          %get3A_1117 = tpu.vector_load %arg10[%get3A_1115, %get3A_1116] {strides = array<i32>} : memref<240x128xf32, #tpu.memory_space<vmem>>, vector<1x16xf32>,
          %get3A_1118 = vector.shape_cast %get3A_1117 : vector<1x16xf32> to vector<16xf32>
          %mul3A_1119 = vector.broadcast %squeeze3A_1048 : f32 to vector<16xf32>
          %mul3A_1120 = arith.mulf %get3A_1118, %mul3A_1119 : vector<16xf32>
          %swap3A_1121 = arith.index_cast %add3A_1046 : i32 to index
          %swap3A_1122 = arith.constant 96 : index
          %swap3A_1123 = tpu.vector_load %arg10[%swap3A_1121, %swap3A_1122] {strides = array<i32>} : memref<240x128xf32, #tpu.memory_space<vmem>>, vector<1x16xf32>,
          %swap3A_1124 = vector.shape_cast %swap3A_1123 : vector<1x16xf32> to vector<16xf32>
          %swap3A_1125 = vector.shape_cast %mul3A_1120 : vector<16xf32> to vector<1x16xf32>
          tpu.vector_store %arg10[%swap3A_1121, %swap3A_1122], %swap3A_1125 {strides = array<i32>} : memref<240x128xf32, #tpu.memory_space<vmem>>, vector<1x16xf32>,
          %get3A_1126 = arith.index_cast %add3A_1046 : i32 to index
          %get3A_1127 = arith.constant 112 : index
          %get3A_1128 = tpu.vector_load %arg10[%get3A_1126, %get3A_1127] {strides = array<i32>} : memref<240x128xf32, #tpu.memory_space<vmem>>, vector<1x16xf32>,
          %get3A_1129 = vector.shape_cast %get3A_1128 : vector<1x16xf32> to vector<16xf32>
          %mul3A_1130 = vector.broadcast %squeeze3A_1048 : f32 to vector<16xf32>
          %mul3A_1131 = arith.mulf %get3A_1129, %mul3A_1130 : vector<16xf32>
          %swap3A_1132 = arith.index_cast %add3A_1046 : i32 to index
          %swap3A_1133 = arith.constant 112 : index
          %swap3A_1134 = tpu.vector_load %arg10[%swap3A_1132, %swap3A_1133] {strides = array<i32>} : memref<240x128xf32, #tpu.memory_space<vmem>>, vector<1x16xf32>,
          %swap3A_1135 = vector.shape_cast %swap3A_1134 : vector<1x16xf32> to vector<16xf32>
          %swap3A_1136 = vector.shape_cast %mul3A_1131 : vector<16xf32> to vector<1x16xf32>
          tpu.vector_store %arg10[%swap3A_1132, %swap3A_1133], %swap3A_1136 {strides = array<i32>} : memref<240x128xf32, #tpu.memory_space<vmem>>, vector<1x16xf32>,
          %mul3A_1137 = arith.constant 16 : i32
          %mul3A_1138 = arith.muli %scan3A_193, %mul3A_1137 : i32
          %add3A_1139 = arith.constant 10 : i32
          %add3A_1140 = arith.addi %mul3A_1138, %add3A_1139 : i32
          %slice3A_1141 = vector.extract_strided_slice %get3A_198 {offsets = [10], sizes = [1], strides = [1]} : vector<16xf32> to vector<1xf32>
          %squeeze3A_1142 = vector.extract %slice3A_1141[0] : f32 from vector<1xf32>
          %get3A_1143 = arith.index_cast %add3A_1140 : i32 to index
          %get3A_1144 = arith.constant 0 : index
          %get3A_1145 = tpu.vector_load %arg10[%get3A_1143, %get3A_1144] {strides = array<i32>} : memref<240x128xf32, #tpu.memory_space<vmem>>, vector<1x16xf32>,
          %get3A_1146 = vector.shape_cast %get3A_1145 : vector<1x16xf32> to vector<16xf32>
          %mul3A_1147 = vector.broadcast %squeeze3A_1142 : f32 to vector<16xf32>
          %mul3A_1148 = arith.mulf %get3A_1146, %mul3A_1147 : vector<16xf32>
          %swap3A_1149 = arith.index_cast %add3A_1140 : i32 to index
          %swap3A_1150 = arith.constant 0 : index
          %swap3A_1151 = tpu.vector_load %arg10[%swap3A_1149, %swap3A_1150] {strides = array<i32>} : memref<240x128xf32, #tpu.memory_space<vmem>>, vector<1x16xf32>,
          %swap3A_1152 = vector.shape_cast %swap3A_1151 : vector<1x16xf32> to vector<16xf32>
          %swap3A_1153 = vector.shape_cast %mul3A_1148 : vector<16xf32> to vector<1x16xf32>
          tpu.vector_store %arg10[%swap3A_1149, %swap3A_1150], %swap3A_1153 {strides = array<i32>} : memref<240x128xf32, #tpu.memory_space<vmem>>, vector<1x16xf32>,
          %get3A_1154 = arith.index_cast %add3A_1140 : i32 to index
          %get3A_1155 = arith.constant 16 : index
          %get3A_1156 = tpu.vector_load %arg10[%get3A_1154, %get3A_1155] {strides = array<i32>} : memref<240x128xf32, #tpu.memory_space<vmem>>, vector<1x16xf32>,
          %get3A_1157 = vector.shape_cast %get3A_1156 : vector<1x16xf32> to vector<16xf32>
          %mul3A_1158 = vector.broadcast %squeeze3A_1142 : f32 to vector<16xf32>
          %mul3A_1159 = arith.mulf %get3A_1157, %mul3A_1158 : vector<16xf32>
          %swap3A_1160 = arith.index_cast %add3A_1140 : i32 to index
          %swap3A_1161 = arith.constant 16 : index
          %swap3A_1162 = tpu.vector_load %arg10[%swap3A_1160, %swap3A_1161] {strides = array<i32>} : memref<240x128xf32, #tpu.memory_space<vmem>>, vector<1x16xf32>,
          %swap3A_1163 = vector.shape_cast %swap3A_1162 : vector<1x16xf32> to vector<16xf32>
          %swap3A_1164 = vector.shape_cast %mul3A_1159 : vector<16xf32> to vector<1x16xf32>
          tpu.vector_store %arg10[%swap3A_1160, %swap3A_1161], %swap3A_1164 {strides = array<i32>} : memref<240x128xf32, #tpu.memory_space<vmem>>, vector<1x16xf32>,
          %get3A_1165 = arith.index_cast %add3A_1140 : i32 to index
          %get3A_1166 = arith.constant 32 : index
          %get3A_1167 = tpu.vector_load %arg10[%get3A_1165, %get3A_1166] {strides = array<i32>} : memref<240x128xf32, #tpu.memory_space<vmem>>, vector<1x16xf32>,
          %get3A_1168 = vector.shape_cast %get3A_1167 : vector<1x16xf32> to vector<16xf32>
          %mul3A_1169 = vector.broadcast %squeeze3A_1142 : f32 to vector<16xf32>
          %mul3A_1170 = arith.mulf %get3A_1168, %mul3A_1169 : vector<16xf32>
          %swap3A_1171 = arith.index_cast %add3A_1140 : i32 to index
          %swap3A_1172 = arith.constant 32 : index
          %swap3A_1173 = tpu.vector_load %arg10[%swap3A_1171, %swap3A_1172] {strides = array<i32>} : memref<240x128xf32, #tpu.memory_space<vmem>>, vector<1x16xf32>,
          %swap3A_1174 = vector.shape_cast %swap3A_1173 : vector<1x16xf32> to vector<16xf32>
          %swap3A_1175 = vector.shape_cast %mul3A_1170 : vector<16xf32> to vector<1x16xf32>
          tpu.vector_store %arg10[%swap3A_1171, %swap3A_1172], %swap3A_1175 {strides = array<i32>} : memref<240x128xf32, #tpu.memory_space<vmem>>, vector<1x16xf32>,
          %get3A_1176 = arith.index_cast %add3A_1140 : i32 to index
          %get3A_1177 = arith.constant 48 : index
          %get3A_1178 = tpu.vector_load %arg10[%get3A_1176, %get3A_1177] {strides = array<i32>} : memref<240x128xf32, #tpu.memory_space<vmem>>, vector<1x16xf32>,
          %get3A_1179 = vector.shape_cast %get3A_1178 : vector<1x16xf32> to vector<16xf32>
          %mul3A_1180 = vector.broadcast %squeeze3A_1142 : f32 to vector<16xf32>
          %mul3A_1181 = arith.mulf %get3A_1179, %mul3A_1180 : vector<16xf32>
          %swap3A_1182 = arith.index_cast %add3A_1140 : i32 to index
          %swap3A_1183 = arith.constant 48 : index
          %swap3A_1184 = tpu.vector_load %arg10[%swap3A_1182, %swap3A_1183] {strides = array<i32>} : memref<240x128xf32, #tpu.memory_space<vmem>>, vector<1x16xf32>,
          %swap3A_1185 = vector.shape_cast %swap3A_1184 : vector<1x16xf32> to vector<16xf32>
          %swap3A_1186 = vector.shape_cast %mul3A_1181 : vector<16xf32> to vector<1x16xf32>
          tpu.vector_store %arg10[%swap3A_1182, %swap3A_1183], %swap3A_1186 {strides = array<i32>} : memref<240x128xf32, #tpu.memory_space<vmem>>, vector<1x16xf32>,
          %get3A_1187 = arith.index_cast %add3A_1140 : i32 to index
          %get3A_1188 = arith.constant 64 : index
          %get3A_1189 = tpu.vector_load %arg10[%get3A_1187, %get3A_1188] {strides = array<i32>} : memref<240x128xf32, #tpu.memory_space<vmem>>, vector<1x16xf32>,
          %get3A_1190 = vector.shape_cast %get3A_1189 : vector<1x16xf32> to vector<16xf32>
          %mul3A_1191 = vector.broadcast %squeeze3A_1142 : f32 to vector<16xf32>
          %mul3A_1192 = arith.mulf %get3A_1190, %mul3A_1191 : vector<16xf32>
          %swap3A_1193 = arith.index_cast %add3A_1140 : i32 to index
          %swap3A_1194 = arith.constant 64 : index
          %swap3A_1195 = tpu.vector_load %arg10[%swap3A_1193, %swap3A_1194] {strides = array<i32>} : memref<240x128xf32, #tpu.memory_space<vmem>>, vector<1x16xf32>,
          %swap3A_1196 = vector.shape_cast %swap3A_1195 : vector<1x16xf32> to vector<16xf32>
          %swap3A_1197 = vector.shape_cast %mul3A_1192 : vector<16xf32> to vector<1x16xf32>
          tpu.vector_store %arg10[%swap3A_1193, %swap3A_1194], %swap3A_1197 {strides = array<i32>} : memref<240x128xf32, #tpu.memory_space<vmem>>, vector<1x16xf32>,
          %get3A_1198 = arith.index_cast %add3A_1140 : i32 to index
          %get3A_1199 = arith.constant 80 : index
          %get3A_1200 = tpu.vector_load %arg10[%get3A_1198, %get3A_1199] {strides = array<i32>} : memref<240x128xf32, #tpu.memory_space<vmem>>, vector<1x16xf32>,
          %get3A_1201 = vector.shape_cast %get3A_1200 : vector<1x16xf32> to vector<16xf32>
          %mul3A_1202 = vector.broadcast %squeeze3A_1142 : f32 to vector<16xf32>
          %mul3A_1203 = arith.mulf %get3A_1201, %mul3A_1202 : vector<16xf32>
          %swap3A_1204 = arith.index_cast %add3A_1140 : i32 to index
          %swap3A_1205 = arith.constant 80 : index
          %swap3A_1206 = tpu.vector_load %arg10[%swap3A_1204, %swap3A_1205] {strides = array<i32>} : memref<240x128xf32, #tpu.memory_space<vmem>>, vector<1x16xf32>,
          %swap3A_1207 = vector.shape_cast %swap3A_1206 : vector<1x16xf32> to vector<16xf32>
          %swap3A_1208 = vector.shape_cast %mul3A_1203 : vector<16xf32> to vector<1x16xf32>
          tpu.vector_store %arg10[%swap3A_1204, %swap3A_1205], %swap3A_1208 {strides = array<i32>} : memref<240x128xf32, #tpu.memory_space<vmem>>, vector<1x16xf32>,
          %get3A_1209 = arith.index_cast %add3A_1140 : i32 to index
          %get3A_1210 = arith.constant 96 : index
          %get3A_1211 = tpu.vector_load %arg10[%get3A_1209, %get3A_1210] {strides = array<i32>} : memref<240x128xf32, #tpu.memory_space<vmem>>, vector<1x16xf32>,
          %get3A_1212 = vector.shape_cast %get3A_1211 : vector<1x16xf32> to vector<16xf32>
          %mul3A_1213 = vector.broadcast %squeeze3A_1142 : f32 to vector<16xf32>
          %mul3A_1214 = arith.mulf %get3A_1212, %mul3A_1213 : vector<16xf32>
          %swap3A_1215 = arith.index_cast %add3A_1140 : i32 to index
          %swap3A_1216 = arith.constant 96 : index
          %swap3A_1217 = tpu.vector_load %arg10[%swap3A_1215, %swap3A_1216] {strides = array<i32>} : memref<240x128xf32, #tpu.memory_space<vmem>>, vector<1x16xf32>,
          %swap3A_1218 = vector.shape_cast %swap3A_1217 : vector<1x16xf32> to vector<16xf32>
          %swap3A_1219 = vector.shape_cast %mul3A_1214 : vector<16xf32> to vector<1x16xf32>
          tpu.vector_store %arg10[%swap3A_1215, %swap3A_1216], %swap3A_1219 {strides = array<i32>} : memref<240x128xf32, #tpu.memory_space<vmem>>, vector<1x16xf32>,
          %get3A_1220 = arith.index_cast %add3A_1140 : i32 to index
          %get3A_1221 = arith.constant 112 : index
          %get3A_1222 = tpu.vector_load %arg10[%get3A_1220, %get3A_1221] {strides = array<i32>} : memref<240x128xf32, #tpu.memory_space<vmem>>, vector<1x16xf32>,
          %get3A_1223 = vector.shape_cast %get3A_1222 : vector<1x16xf32> to vector<16xf32>
          %mul3A_1224 = vector.broadcast %squeeze3A_1142 : f32 to vector<16xf32>
          %mul3A_1225 = arith.mulf %get3A_1223, %mul3A_1224 : vector<16xf32>
          %swap3A_1226 = arith.index_cast %add3A_1140 : i32 to index
          %swap3A_1227 = arith.constant 112 : index
          %swap3A_1228 = tpu.vector_load %arg10[%swap3A_1226, %swap3A_1227] {strides = array<i32>} : memref<240x128xf32, #tpu.memory_space<vmem>>, vector<1x16xf32>,
          %swap3A_1229 = vector.shape_cast %swap3A_1228 : vector<1x16xf32> to vector<16xf32>
          %swap3A_1230 = vector.shape_cast %mul3A_1225 : vector<16xf32> to vector<1x16xf32>
          tpu.vector_store %arg10[%swap3A_1226, %swap3A_1227], %swap3A_1230 {strides = array<i32>} : memref<240x128xf32, #tpu.memory_space<vmem>>, vector<1x16xf32>,
          %mul3A_1231 = arith.constant 16 : i32
          %mul3A_1232 = arith.muli %scan3A_193, %mul3A_1231 : i32
          %add3A_1233 = arith.constant 11 : i32
          %add3A_1234 = arith.addi %mul3A_1232, %add3A_1233 : i32
          %slice3A_1235 = vector.extract_strided_slice %get3A_198 {offsets = [11], sizes = [1], strides = [1]} : vector<16xf32> to vector<1xf32>
          %squeeze3A_1236 = vector.extract %slice3A_1235[0] : f32 from vector<1xf32>
          %get3A_1237 = arith.index_cast %add3A_1234 : i32 to index
          %get3A_1238 = arith.constant 0 : index
          %get3A_1239 = tpu.vector_load %arg10[%get3A_1237, %get3A_1238] {strides = array<i32>} : memref<240x128xf32, #tpu.memory_space<vmem>>, vector<1x16xf32>,
          %get3A_1240 = vector.shape_cast %get3A_1239 : vector<1x16xf32> to vector<16xf32>
          %mul3A_1241 = vector.broadcast %squeeze3A_1236 : f32 to vector<16xf32>
          %mul3A_1242 = arith.mulf %get3A_1240, %mul3A_1241 : vector<16xf32>
          %swap3A_1243 = arith.index_cast %add3A_1234 : i32 to index
          %swap3A_1244 = arith.constant 0 : index
          %swap3A_1245 = tpu.vector_load %arg10[%swap3A_1243, %swap3A_1244] {strides = array<i32>} : memref<240x128xf32, #tpu.memory_space<vmem>>, vector<1x16xf32>,
          %swap3A_1246 = vector.shape_cast %swap3A_1245 : vector<1x16xf32> to vector<16xf32>
          %swap3A_1247 = vector.shape_cast %mul3A_1242 : vector<16xf32> to vector<1x16xf32>
          tpu.vector_store %arg10[%swap3A_1243, %swap3A_1244], %swap3A_1247 {strides = array<i32>} : memref<240x128xf32, #tpu.memory_space<vmem>>, vector<1x16xf32>,
          %get3A_1248 = arith.index_cast %add3A_1234 : i32 to index
          %get3A_1249 = arith.constant 16 : index
          %get3A_1250 = tpu.vector_load %arg10[%get3A_1248, %get3A_1249] {strides = array<i32>} : memref<240x128xf32, #tpu.memory_space<vmem>>, vector<1x16xf32>,
          %get3A_1251 = vector.shape_cast %get3A_1250 : vector<1x16xf32> to vector<16xf32>
          %mul3A_1252 = vector.broadcast %squeeze3A_1236 : f32 to vector<16xf32>
          %mul3A_1253 = arith.mulf %get3A_1251, %mul3A_1252 : vector<16xf32>
          %swap3A_1254 = arith.index_cast %add3A_1234 : i32 to index
          %swap3A_1255 = arith.constant 16 : index
          %swap3A_1256 = tpu.vector_load %arg10[%swap3A_1254, %swap3A_1255] {strides = array<i32>} : memref<240x128xf32, #tpu.memory_space<vmem>>, vector<1x16xf32>,
          %swap3A_1257 = vector.shape_cast %swap3A_1256 : vector<1x16xf32> to vector<16xf32>
          %swap3A_1258 = vector.shape_cast %mul3A_1253 : vector<16xf32> to vector<1x16xf32>
          tpu.vector_store %arg10[%swap3A_1254, %swap3A_1255], %swap3A_1258 {strides = array<i32>} : memref<240x128xf32, #tpu.memory_space<vmem>>, vector<1x16xf32>,
          %get3A_1259 = arith.index_cast %add3A_1234 : i32 to index
          %get3A_1260 = arith.constant 32 : index
          %get3A_1261 = tpu.vector_load %arg10[%get3A_1259, %get3A_1260] {strides = array<i32>} : memref<240x128xf32, #tpu.memory_space<vmem>>, vector<1x16xf32>,
          %get3A_1262 = vector.shape_cast %get3A_1261 : vector<1x16xf32> to vector<16xf32>
          %mul3A_1263 = vector.broadcast %squeeze3A_1236 : f32 to vector<16xf32>
          %mul3A_1264 = arith.mulf %get3A_1262, %mul3A_1263 : vector<16xf32>
          %swap3A_1265 = arith.index_cast %add3A_1234 : i32 to index
          %swap3A_1266 = arith.constant 32 : index
          %swap3A_1267 = tpu.vector_load %arg10[%swap3A_1265, %swap3A_1266] {strides = array<i32>} : memref<240x128xf32, #tpu.memory_space<vmem>>, vector<1x16xf32>,
          %swap3A_1268 = vector.shape_cast %swap3A_1267 : vector<1x16xf32> to vector<16xf32>
          %swap3A_1269 = vector.shape_cast %mul3A_1264 : vector<16xf32> to vector<1x16xf32>
          tpu.vector_store %arg10[%swap3A_1265, %swap3A_1266], %swap3A_1269 {strides = array<i32>} : memref<240x128xf32, #tpu.memory_space<vmem>>, vector<1x16xf32>,
          %get3A_1270 = arith.index_cast %add3A_1234 : i32 to index
          %get3A_1271 = arith.constant 48 : index
          %get3A_1272 = tpu.vector_load %arg10[%get3A_1270, %get3A_1271] {strides = array<i32>} : memref<240x128xf32, #tpu.memory_space<vmem>>, vector<1x16xf32>,
          %get3A_1273 = vector.shape_cast %get3A_1272 : vector<1x16xf32> to vector<16xf32>
          %mul3A_1274 = vector.broadcast %squeeze3A_1236 : f32 to vector<16xf32>
          %mul3A_1275 = arith.mulf %get3A_1273, %mul3A_1274 : vector<16xf32>
          %swap3A_1276 = arith.index_cast %add3A_1234 : i32 to index
          %swap3A_1277 = arith.constant 48 : index
          %swap3A_1278 = tpu.vector_load %arg10[%swap3A_1276, %swap3A_1277] {strides = array<i32>} : memref<240x128xf32, #tpu.memory_space<vmem>>, vector<1x16xf32>,
          %swap3A_1279 = vector.shape_cast %swap3A_1278 : vector<1x16xf32> to vector<16xf32>
          %swap3A_1280 = vector.shape_cast %mul3A_1275 : vector<16xf32> to vector<1x16xf32>
          tpu.vector_store %arg10[%swap3A_1276, %swap3A_1277], %swap3A_1280 {strides = array<i32>} : memref<240x128xf32, #tpu.memory_space<vmem>>, vector<1x16xf32>,
          %get3A_1281 = arith.index_cast %add3A_1234 : i32 to index
          %get3A_1282 = arith.constant 64 : index
          %get3A_1283 = tpu.vector_load %arg10[%get3A_1281, %get3A_1282] {strides = array<i32>} : memref<240x128xf32, #tpu.memory_space<vmem>>, vector<1x16xf32>,
          %get3A_1284 = vector.shape_cast %get3A_1283 : vector<1x16xf32> to vector<16xf32>
          %mul3A_1285 = vector.broadcast %squeeze3A_1236 : f32 to vector<16xf32>
          %mul3A_1286 = arith.mulf %get3A_1284, %mul3A_1285 : vector<16xf32>
          %swap3A_1287 = arith.index_cast %add3A_1234 : i32 to index
          %swap3A_1288 = arith.constant 64 : index
          %swap3A_1289 = tpu.vector_load %arg10[%swap3A_1287, %swap3A_1288] {strides = array<i32>} : memref<240x128xf32, #tpu.memory_space<vmem>>, vector<1x16xf32>,
          %swap3A_1290 = vector.shape_cast %swap3A_1289 : vector<1x16xf32> to vector<16xf32>
          %swap3A_1291 = vector.shape_cast %mul3A_1286 : vector<16xf32> to vector<1x16xf32>
          tpu.vector_store %arg10[%swap3A_1287, %swap3A_1288], %swap3A_1291 {strides = array<i32>} : memref<240x128xf32, #tpu.memory_space<vmem>>, vector<1x16xf32>,
          %get3A_1292 = arith.index_cast %add3A_1234 : i32 to index
          %get3A_1293 = arith.constant 80 : index
          %get3A_1294 = tpu.vector_load %arg10[%get3A_1292, %get3A_1293] {strides = array<i32>} : memref<240x128xf32, #tpu.memory_space<vmem>>, vector<1x16xf32>,
          %get3A_1295 = vector.shape_cast %get3A_1294 : vector<1x16xf32> to vector<16xf32>
          %mul3A_1296 = vector.broadcast %squeeze3A_1236 : f32 to vector<16xf32>
          %mul3A_1297 = arith.mulf %get3A_1295, %mul3A_1296 : vector<16xf32>
          %swap3A_1298 = arith.index_cast %add3A_1234 : i32 to index
          %swap3A_1299 = arith.constant 80 : index
          %swap3A_1300 = tpu.vector_load %arg10[%swap3A_1298, %swap3A_1299] {strides = array<i32>} : memref<240x128xf32, #tpu.memory_space<vmem>>, vector<1x16xf32>,
          %swap3A_1301 = vector.shape_cast %swap3A_1300 : vector<1x16xf32> to vector<16xf32>
          %swap3A_1302 = vector.shape_cast %mul3A_1297 : vector<16xf32> to vector<1x16xf32>
          tpu.vector_store %arg10[%swap3A_1298, %swap3A_1299], %swap3A_1302 {strides = array<i32>} : memref<240x128xf32, #tpu.memory_space<vmem>>, vector<1x16xf32>,
          %get3A_1303 = arith.index_cast %add3A_1234 : i32 to index
          %get3A_1304 = arith.constant 96 : index
          %get3A_1305 = tpu.vector_load %arg10[%get3A_1303, %get3A_1304] {strides = array<i32>} : memref<240x128xf32, #tpu.memory_space<vmem>>, vector<1x16xf32>,
          %get3A_1306 = vector.shape_cast %get3A_1305 : vector<1x16xf32> to vector<16xf32>
          %mul3A_1307 = vector.broadcast %squeeze3A_1236 : f32 to vector<16xf32>
          %mul3A_1308 = arith.mulf %get3A_1306, %mul3A_1307 : vector<16xf32>
          %swap3A_1309 = arith.index_cast %add3A_1234 : i32 to index
          %swap3A_1310 = arith.constant 96 : index
          %swap3A_1311 = tpu.vector_load %arg10[%swap3A_1309, %swap3A_1310] {strides = array<i32>} : memref<240x128xf32, #tpu.memory_space<vmem>>, vector<1x16xf32>,
          %swap3A_1312 = vector.shape_cast %swap3A_1311 : vector<1x16xf32> to vector<16xf32>
          %swap3A_1313 = vector.shape_cast %mul3A_1308 : vector<16xf32> to vector<1x16xf32>
          tpu.vector_store %arg10[%swap3A_1309, %swap3A_1310], %swap3A_1313 {strides = array<i32>} : memref<240x128xf32, #tpu.memory_space<vmem>>, vector<1x16xf32>,
          %get3A_1314 = arith.index_cast %add3A_1234 : i32 to index
          %get3A_1315 = arith.constant 112 : index
          %get3A_1316 = tpu.vector_load %arg10[%get3A_1314, %get3A_1315] {strides = array<i32>} : memref<240x128xf32, #tpu.memory_space<vmem>>, vector<1x16xf32>,
          %get3A_1317 = vector.shape_cast %get3A_1316 : vector<1x16xf32> to vector<16xf32>
          %mul3A_1318 = vector.broadcast %squeeze3A_1236 : f32 to vector<16xf32>
          %mul3A_1319 = arith.mulf %get3A_1317, %mul3A_1318 : vector<16xf32>
          %swap3A_1320 = arith.index_cast %add3A_1234 : i32 to index
          %swap3A_1321 = arith.constant 112 : index
          %swap3A_1322 = tpu.vector_load %arg10[%swap3A_1320, %swap3A_1321] {strides = array<i32>} : memref<240x128xf32, #tpu.memory_space<vmem>>, vector<1x16xf32>,
          %swap3A_1323 = vector.shape_cast %swap3A_1322 : vector<1x16xf32> to vector<16xf32>
          %swap3A_1324 = vector.shape_cast %mul3A_1319 : vector<16xf32> to vector<1x16xf32>
          tpu.vector_store %arg10[%swap3A_1320, %swap3A_1321], %swap3A_1324 {strides = array<i32>} : memref<240x128xf32, #tpu.memory_space<vmem>>, vector<1x16xf32>,
          %mul3A_1325 = arith.constant 16 : i32
          %mul3A_1326 = arith.muli %scan3A_193, %mul3A_1325 : i32
          %add3A_1327 = arith.constant 12 : i32
          %add3A_1328 = arith.addi %mul3A_1326, %add3A_1327 : i32
          %slice3A_1329 = vector.extract_strided_slice %get3A_198 {offsets = [12], sizes = [1], strides = [1]} : vector<16xf32> to vector<1xf32>
          %squeeze3A_1330 = vector.extract %slice3A_1329[0] : f32 from vector<1xf32>
          %get3A_1331 = arith.index_cast %add3A_1328 : i32 to index
          %get3A_1332 = arith.constant 0 : index
          %get3A_1333 = tpu.vector_load %arg10[%get3A_1331, %get3A_1332] {strides = array<i32>} : memref<240x128xf32, #tpu.memory_space<vmem>>, vector<1x16xf32>,
          %get3A_1334 = vector.shape_cast %get3A_1333 : vector<1x16xf32> to vector<16xf32>
          %mul3A_1335 = vector.broadcast %squeeze3A_1330 : f32 to vector<16xf32>
          %mul3A_1336 = arith.mulf %get3A_1334, %mul3A_1335 : vector<16xf32>
          %swap3A_1337 = arith.index_cast %add3A_1328 : i32 to index
          %swap3A_1338 = arith.constant 0 : index
          %swap3A_1339 = tpu.vector_load %arg10[%swap3A_1337, %swap3A_1338] {strides = array<i32>} : memref<240x128xf32, #tpu.memory_space<vmem>>, vector<1x16xf32>,
          %swap3A_1340 = vector.shape_cast %swap3A_1339 : vector<1x16xf32> to vector<16xf32>
          %swap3A_1341 = vector.shape_cast %mul3A_1336 : vector<16xf32> to vector<1x16xf32>
          tpu.vector_store %arg10[%swap3A_1337, %swap3A_1338], %swap3A_1341 {strides = array<i32>} : memref<240x128xf32, #tpu.memory_space<vmem>>, vector<1x16xf32>,
          %get3A_1342 = arith.index_cast %add3A_1328 : i32 to index
          %get3A_1343 = arith.constant 16 : index
          %get3A_1344 = tpu.vector_load %arg10[%get3A_1342, %get3A_1343] {strides = array<i32>} : memref<240x128xf32, #tpu.memory_space<vmem>>, vector<1x16xf32>,
          %get3A_1345 = vector.shape_cast %get3A_1344 : vector<1x16xf32> to vector<16xf32>
          %mul3A_1346 = vector.broadcast %squeeze3A_1330 : f32 to vector<16xf32>
          %mul3A_1347 = arith.mulf %get3A_1345, %mul3A_1346 : vector<16xf32>
          %swap3A_1348 = arith.index_cast %add3A_1328 : i32 to index
          %swap3A_1349 = arith.constant 16 : index
          %swap3A_1350 = tpu.vector_load %arg10[%swap3A_1348, %swap3A_1349] {strides = array<i32>} : memref<240x128xf32, #tpu.memory_space<vmem>>, vector<1x16xf32>,
          %swap3A_1351 = vector.shape_cast %swap3A_1350 : vector<1x16xf32> to vector<16xf32>
          %swap3A_1352 = vector.shape_cast %mul3A_1347 : vector<16xf32> to vector<1x16xf32>
          tpu.vector_store %arg10[%swap3A_1348, %swap3A_1349], %swap3A_1352 {strides = array<i32>} : memref<240x128xf32, #tpu.memory_space<vmem>>, vector<1x16xf32>,
          %get3A_1353 = arith.index_cast %add3A_1328 : i32 to index
          %get3A_1354 = arith.constant 32 : index
          %get3A_1355 = tpu.vector_load %arg10[%get3A_1353, %get3A_1354] {strides = array<i32>} : memref<240x128xf32, #tpu.memory_space<vmem>>, vector<1x16xf32>,
          %get3A_1356 = vector.shape_cast %get3A_1355 : vector<1x16xf32> to vector<16xf32>
          %mul3A_1357 = vector.broadcast %squeeze3A_1330 : f32 to vector<16xf32>
          %mul3A_1358 = arith.mulf %get3A_1356, %mul3A_1357 : vector<16xf32>
          %swap3A_1359 = arith.index_cast %add3A_1328 : i32 to index
          %swap3A_1360 = arith.constant 32 : index
          %swap3A_1361 = tpu.vector_load %arg10[%swap3A_1359, %swap3A_1360] {strides = array<i32>} : memref<240x128xf32, #tpu.memory_space<vmem>>, vector<1x16xf32>,
          %swap3A_1362 = vector.shape_cast %swap3A_1361 : vector<1x16xf32> to vector<16xf32>
          %swap3A_1363 = vector.shape_cast %mul3A_1358 : vector<16xf32> to vector<1x16xf32>
          tpu.vector_store %arg10[%swap3A_1359, %swap3A_1360], %swap3A_1363 {strides = array<i32>} : memref<240x128xf32, #tpu.memory_space<vmem>>, vector<1x16xf32>,
          %get3A_1364 = arith.index_cast %add3A_1328 : i32 to index
          %get3A_1365 = arith.constant 48 : index
          %get3A_1366 = tpu.vector_load %arg10[%get3A_1364, %get3A_1365] {strides = array<i32>} : memref<240x128xf32, #tpu.memory_space<vmem>>, vector<1x16xf32>,
          %get3A_1367 = vector.shape_cast %get3A_1366 : vector<1x16xf32> to vector<16xf32>
          %mul3A_1368 = vector.broadcast %squeeze3A_1330 : f32 to vector<16xf32>
          %mul3A_1369 = arith.mulf %get3A_1367, %mul3A_1368 : vector<16xf32>
          %swap3A_1370 = arith.index_cast %add3A_1328 : i32 to index
          %swap3A_1371 = arith.constant 48 : index
          %swap3A_1372 = tpu.vector_load %arg10[%swap3A_1370, %swap3A_1371] {strides = array<i32>} : memref<240x128xf32, #tpu.memory_space<vmem>>, vector<1x16xf32>,
          %swap3A_1373 = vector.shape_cast %swap3A_1372 : vector<1x16xf32> to vector<16xf32>
          %swap3A_1374 = vector.shape_cast %mul3A_1369 : vector<16xf32> to vector<1x16xf32>
          tpu.vector_store %arg10[%swap3A_1370, %swap3A_1371], %swap3A_1374 {strides = array<i32>} : memref<240x128xf32, #tpu.memory_space<vmem>>, vector<1x16xf32>,
          %get3A_1375 = arith.index_cast %add3A_1328 : i32 to index
          %get3A_1376 = arith.constant 64 : index
          %get3A_1377 = tpu.vector_load %arg10[%get3A_1375, %get3A_1376] {strides = array<i32>} : memref<240x128xf32, #tpu.memory_space<vmem>>, vector<1x16xf32>,
          %get3A_1378 = vector.shape_cast %get3A_1377 : vector<1x16xf32> to vector<16xf32>
          %mul3A_1379 = vector.broadcast %squeeze3A_1330 : f32 to vector<16xf32>
          %mul3A_1380 = arith.mulf %get3A_1378, %mul3A_1379 : vector<16xf32>
          %swap3A_1381 = arith.index_cast %add3A_1328 : i32 to index
          %swap3A_1382 = arith.constant 64 : index
          %swap3A_1383 = tpu.vector_load %arg10[%swap3A_1381, %swap3A_1382] {strides = array<i32>} : memref<240x128xf32, #tpu.memory_space<vmem>>, vector<1x16xf32>,
          %swap3A_1384 = vector.shape_cast %swap3A_1383 : vector<1x16xf32> to vector<16xf32>
          %swap3A_1385 = vector.shape_cast %mul3A_1380 : vector<16xf32> to vector<1x16xf32>
          tpu.vector_store %arg10[%swap3A_1381, %swap3A_1382], %swap3A_1385 {strides = array<i32>} : memref<240x128xf32, #tpu.memory_space<vmem>>, vector<1x16xf32>,
          %get3A_1386 = arith.index_cast %add3A_1328 : i32 to index
          %get3A_1387 = arith.constant 80 : index
          %get3A_1388 = tpu.vector_load %arg10[%get3A_1386, %get3A_1387] {strides = array<i32>} : memref<240x128xf32, #tpu.memory_space<vmem>>, vector<1x16xf32>,
          %get3A_1389 = vector.shape_cast %get3A_1388 : vector<1x16xf32> to vector<16xf32>
          %mul3A_1390 = vector.broadcast %squeeze3A_1330 : f32 to vector<16xf32>
          %mul3A_1391 = arith.mulf %get3A_1389, %mul3A_1390 : vector<16xf32>
          %swap3A_1392 = arith.index_cast %add3A_1328 : i32 to index
          %swap3A_1393 = arith.constant 80 : index
          %swap3A_1394 = tpu.vector_load %arg10[%swap3A_1392, %swap3A_1393] {strides = array<i32>} : memref<240x128xf32, #tpu.memory_space<vmem>>, vector<1x16xf32>,
          %swap3A_1395 = vector.shape_cast %swap3A_1394 : vector<1x16xf32> to vector<16xf32>
          %swap3A_1396 = vector.shape_cast %mul3A_1391 : vector<16xf32> to vector<1x16xf32>
          tpu.vector_store %arg10[%swap3A_1392, %swap3A_1393], %swap3A_1396 {strides = array<i32>} : memref<240x128xf32, #tpu.memory_space<vmem>>, vector<1x16xf32>,
          %get3A_1397 = arith.index_cast %add3A_1328 : i32 to index
          %get3A_1398 = arith.constant 96 : index
          %get3A_1399 = tpu.vector_load %arg10[%get3A_1397, %get3A_1398] {strides = array<i32>} : memref<240x128xf32, #tpu.memory_space<vmem>>, vector<1x16xf32>,
          %get3A_1400 = vector.shape_cast %get3A_1399 : vector<1x16xf32> to vector<16xf32>
          %mul3A_1401 = vector.broadcast %squeeze3A_1330 : f32 to vector<16xf32>
          %mul3A_1402 = arith.mulf %get3A_1400, %mul3A_1401 : vector<16xf32>
          %swap3A_1403 = arith.index_cast %add3A_1328 : i32 to index
          %swap3A_1404 = arith.constant 96 : index
          %swap3A_1405 = tpu.vector_load %arg10[%swap3A_1403, %swap3A_1404] {strides = array<i32>} : memref<240x128xf32, #tpu.memory_space<vmem>>, vector<1x16xf32>,
          %swap3A_1406 = vector.shape_cast %swap3A_1405 : vector<1x16xf32> to vector<16xf32>
          %swap3A_1407 = vector.shape_cast %mul3A_1402 : vector<16xf32> to vector<1x16xf32>
          tpu.vector_store %arg10[%swap3A_1403, %swap3A_1404], %swap3A_1407 {strides = array<i32>} : memref<240x128xf32, #tpu.memory_space<vmem>>, vector<1x16xf32>,
          %get3A_1408 = arith.index_cast %add3A_1328 : i32 to index
          %get3A_1409 = arith.constant 112 : index
          %get3A_1410 = tpu.vector_load %arg10[%get3A_1408, %get3A_1409] {strides = array<i32>} : memref<240x128xf32, #tpu.memory_space<vmem>>, vector<1x16xf32>,
          %get3A_1411 = vector.shape_cast %get3A_1410 : vector<1x16xf32> to vector<16xf32>
          %mul3A_1412 = vector.broadcast %squeeze3A_1330 : f32 to vector<16xf32>
          %mul3A_1413 = arith.mulf %get3A_1411, %mul3A_1412 : vector<16xf32>
          %swap3A_1414 = arith.index_cast %add3A_1328 : i32 to index
          %swap3A_1415 = arith.constant 112 : index
          %swap3A_1416 = tpu.vector_load %arg10[%swap3A_1414, %swap3A_1415] {strides = array<i32>} : memref<240x128xf32, #tpu.memory_space<vmem>>, vector<1x16xf32>,
          %swap3A_1417 = vector.shape_cast %swap3A_1416 : vector<1x16xf32> to vector<16xf32>
          %swap3A_1418 = vector.shape_cast %mul3A_1413 : vector<16xf32> to vector<1x16xf32>
          tpu.vector_store %arg10[%swap3A_1414, %swap3A_1415], %swap3A_1418 {strides = array<i32>} : memref<240x128xf32, #tpu.memory_space<vmem>>, vector<1x16xf32>,
          %mul3A_1419 = arith.constant 16 : i32
          %mul3A_1420 = arith.muli %scan3A_193, %mul3A_1419 : i32
          %add3A_1421 = arith.constant 13 : i32
          %add3A_1422 = arith.addi %mul3A_1420, %add3A_1421 : i32
          %slice3A_1423 = vector.extract_strided_slice %get3A_198 {offsets = [13], sizes = [1], strides = [1]} : vector<16xf32> to vector<1xf32>
          %squeeze3A_1424 = vector.extract %slice3A_1423[0] : f32 from vector<1xf32>
          %get3A_1425 = arith.index_cast %add3A_1422 : i32 to index
          %get3A_1426 = arith.constant 0 : index
          %get3A_1427 = tpu.vector_load %arg10[%get3A_1425, %get3A_1426] {strides = array<i32>} : memref<240x128xf32, #tpu.memory_space<vmem>>, vector<1x16xf32>,
          %get3A_1428 = vector.shape_cast %get3A_1427 : vector<1x16xf32> to vector<16xf32>
          %mul3A_1429 = vector.broadcast %squeeze3A_1424 : f32 to vector<16xf32>
          %mul3A_1430 = arith.mulf %get3A_1428, %mul3A_1429 : vector<16xf32>
          %swap3A_1431 = arith.index_cast %add3A_1422 : i32 to index
          %swap3A_1432 = arith.constant 0 : index
          %swap3A_1433 = tpu.vector_load %arg10[%swap3A_1431, %swap3A_1432] {strides = array<i32>} : memref<240x128xf32, #tpu.memory_space<vmem>>, vector<1x16xf32>,
          %swap3A_1434 = vector.shape_cast %swap3A_1433 : vector<1x16xf32> to vector<16xf32>
          %swap3A_1435 = vector.shape_cast %mul3A_1430 : vector<16xf32> to vector<1x16xf32>
          tpu.vector_store %arg10[%swap3A_1431, %swap3A_1432], %swap3A_1435 {strides = array<i32>} : memref<240x128xf32, #tpu.memory_space<vmem>>, vector<1x16xf32>,
          %get3A_1436 = arith.index_cast %add3A_1422 : i32 to index
          %get3A_1437 = arith.constant 16 : index
          %get3A_1438 = tpu.vector_load %arg10[%get3A_1436, %get3A_1437] {strides = array<i32>} : memref<240x128xf32, #tpu.memory_space<vmem>>, vector<1x16xf32>,
          %get3A_1439 = vector.shape_cast %get3A_1438 : vector<1x16xf32> to vector<16xf32>
          %mul3A_1440 = vector.broadcast %squeeze3A_1424 : f32 to vector<16xf32>
          %mul3A_1441 = arith.mulf %get3A_1439, %mul3A_1440 : vector<16xf32>
          %swap3A_1442 = arith.index_cast %add3A_1422 : i32 to index
          %swap3A_1443 = arith.constant 16 : index
          %swap3A_1444 = tpu.vector_load %arg10[%swap3A_1442, %swap3A_1443] {strides = array<i32>} : memref<240x128xf32, #tpu.memory_space<vmem>>, vector<1x16xf32>,
          %swap3A_1445 = vector.shape_cast %swap3A_1444 : vector<1x16xf32> to vector<16xf32>
          %swap3A_1446 = vector.shape_cast %mul3A_1441 : vector<16xf32> to vector<1x16xf32>
          tpu.vector_store %arg10[%swap3A_1442, %swap3A_1443], %swap3A_1446 {strides = array<i32>} : memref<240x128xf32, #tpu.memory_space<vmem>>, vector<1x16xf32>,
          %get3A_1447 = arith.index_cast %add3A_1422 : i32 to index
          %get3A_1448 = arith.constant 32 : index
          %get3A_1449 = tpu.vector_load %arg10[%get3A_1447, %get3A_1448] {strides = array<i32>} : memref<240x128xf32, #tpu.memory_space<vmem>>, vector<1x16xf32>,
          %get3A_1450 = vector.shape_cast %get3A_1449 : vector<1x16xf32> to vector<16xf32>
          %mul3A_1451 = vector.broadcast %squeeze3A_1424 : f32 to vector<16xf32>
          %mul3A_1452 = arith.mulf %get3A_1450, %mul3A_1451 : vector<16xf32>
          %swap3A_1453 = arith.index_cast %add3A_1422 : i32 to index
          %swap3A_1454 = arith.constant 32 : index
          %swap3A_1455 = tpu.vector_load %arg10[%swap3A_1453, %swap3A_1454] {strides = array<i32>} : memref<240x128xf32, #tpu.memory_space<vmem>>, vector<1x16xf32>,
          %swap3A_1456 = vector.shape_cast %swap3A_1455 : vector<1x16xf32> to vector<16xf32>
          %swap3A_1457 = vector.shape_cast %mul3A_1452 : vector<16xf32> to vector<1x16xf32>
          tpu.vector_store %arg10[%swap3A_1453, %swap3A_1454], %swap3A_1457 {strides = array<i32>} : memref<240x128xf32, #tpu.memory_space<vmem>>, vector<1x16xf32>,
          %get3A_1458 = arith.index_cast %add3A_1422 : i32 to index
          %get3A_1459 = arith.constant 48 : index
          %get3A_1460 = tpu.vector_load %arg10[%get3A_1458, %get3A_1459] {strides = array<i32>} : memref<240x128xf32, #tpu.memory_space<vmem>>, vector<1x16xf32>,
          %get3A_1461 = vector.shape_cast %get3A_1460 : vector<1x16xf32> to vector<16xf32>
          %mul3A_1462 = vector.broadcast %squeeze3A_1424 : f32 to vector<16xf32>
          %mul3A_1463 = arith.mulf %get3A_1461, %mul3A_1462 : vector<16xf32>
          %swap3A_1464 = arith.index_cast %add3A_1422 : i32 to index
          %swap3A_1465 = arith.constant 48 : index
          %swap3A_1466 = tpu.vector_load %arg10[%swap3A_1464, %swap3A_1465] {strides = array<i32>} : memref<240x128xf32, #tpu.memory_space<vmem>>, vector<1x16xf32>,
          %swap3A_1467 = vector.shape_cast %swap3A_1466 : vector<1x16xf32> to vector<16xf32>
          %swap3A_1468 = vector.shape_cast %mul3A_1463 : vector<16xf32> to vector<1x16xf32>
          tpu.vector_store %arg10[%swap3A_1464, %swap3A_1465], %swap3A_1468 {strides = array<i32>} : memref<240x128xf32, #tpu.memory_space<vmem>>, vector<1x16xf32>,
          %get3A_1469 = arith.index_cast %add3A_1422 : i32 to index
          %get3A_1470 = arith.constant 64 : index
          %get3A_1471 = tpu.vector_load %arg10[%get3A_1469, %get3A_1470] {strides = array<i32>} : memref<240x128xf32, #tpu.memory_space<vmem>>, vector<1x16xf32>,
          %get3A_1472 = vector.shape_cast %get3A_1471 : vector<1x16xf32> to vector<16xf32>
          %mul3A_1473 = vector.broadcast %squeeze3A_1424 : f32 to vector<16xf32>
          %mul3A_1474 = arith.mulf %get3A_1472, %mul3A_1473 : vector<16xf32>
          %swap3A_1475 = arith.index_cast %add3A_1422 : i32 to index
          %swap3A_1476 = arith.constant 64 : index
          %swap3A_1477 = tpu.vector_load %arg10[%swap3A_1475, %swap3A_1476] {strides = array<i32>} : memref<240x128xf32, #tpu.memory_space<vmem>>, vector<1x16xf32>,
          %swap3A_1478 = vector.shape_cast %swap3A_1477 : vector<1x16xf32> to vector<16xf32>
          %swap3A_1479 = vector.shape_cast %mul3A_1474 : vector<16xf32> to vector<1x16xf32>
          tpu.vector_store %arg10[%swap3A_1475, %swap3A_1476], %swap3A_1479 {strides = array<i32>} : memref<240x128xf32, #tpu.memory_space<vmem>>, vector<1x16xf32>,
          %get3A_1480 = arith.index_cast %add3A_1422 : i32 to index
          %get3A_1481 = arith.constant 80 : index
          %get3A_1482 = tpu.vector_load %arg10[%get3A_1480, %get3A_1481] {strides = array<i32>} : memref<240x128xf32, #tpu.memory_space<vmem>>, vector<1x16xf32>,
          %get3A_1483 = vector.shape_cast %get3A_1482 : vector<1x16xf32> to vector<16xf32>
          %mul3A_1484 = vector.broadcast %squeeze3A_1424 : f32 to vector<16xf32>
          %mul3A_1485 = arith.mulf %get3A_1483, %mul3A_1484 : vector<16xf32>
          %swap3A_1486 = arith.index_cast %add3A_1422 : i32 to index
          %swap3A_1487 = arith.constant 80 : index
          %swap3A_1488 = tpu.vector_load %arg10[%swap3A_1486, %swap3A_1487] {strides = array<i32>} : memref<240x128xf32, #tpu.memory_space<vmem>>, vector<1x16xf32>,
          %swap3A_1489 = vector.shape_cast %swap3A_1488 : vector<1x16xf32> to vector<16xf32>
          %swap3A_1490 = vector.shape_cast %mul3A_1485 : vector<16xf32> to vector<1x16xf32>
          tpu.vector_store %arg10[%swap3A_1486, %swap3A_1487], %swap3A_1490 {strides = array<i32>} : memref<240x128xf32, #tpu.memory_space<vmem>>, vector<1x16xf32>,
          %get3A_1491 = arith.index_cast %add3A_1422 : i32 to index
          %get3A_1492 = arith.constant 96 : index
          %get3A_1493 = tpu.vector_load %arg10[%get3A_1491, %get3A_1492] {strides = array<i32>} : memref<240x128xf32, #tpu.memory_space<vmem>>, vector<1x16xf32>,
          %get3A_1494 = vector.shape_cast %get3A_1493 : vector<1x16xf32> to vector<16xf32>
          %mul3A_1495 = vector.broadcast %squeeze3A_1424 : f32 to vector<16xf32>
          %mul3A_1496 = arith.mulf %get3A_1494, %mul3A_1495 : vector<16xf32>
          %swap3A_1497 = arith.index_cast %add3A_1422 : i32 to index
          %swap3A_1498 = arith.constant 96 : index
          %swap3A_1499 = tpu.vector_load %arg10[%swap3A_1497, %swap3A_1498] {strides = array<i32>} : memref<240x128xf32, #tpu.memory_space<vmem>>, vector<1x16xf32>,
          %swap3A_1500 = vector.shape_cast %swap3A_1499 : vector<1x16xf32> to vector<16xf32>
          %swap3A_1501 = vector.shape_cast %mul3A_1496 : vector<16xf32> to vector<1x16xf32>
          tpu.vector_store %arg10[%swap3A_1497, %swap3A_1498], %swap3A_1501 {strides = array<i32>} : memref<240x128xf32, #tpu.memory_space<vmem>>, vector<1x16xf32>,
          %get3A_1502 = arith.index_cast %add3A_1422 : i32 to index
          %get3A_1503 = arith.constant 112 : index
          %get3A_1504 = tpu.vector_load %arg10[%get3A_1502, %get3A_1503] {strides = array<i32>} : memref<240x128xf32, #tpu.memory_space<vmem>>, vector<1x16xf32>,
          %get3A_1505 = vector.shape_cast %get3A_1504 : vector<1x16xf32> to vector<16xf32>
          %mul3A_1506 = vector.broadcast %squeeze3A_1424 : f32 to vector<16xf32>
          %mul3A_1507 = arith.mulf %get3A_1505, %mul3A_1506 : vector<16xf32>
          %swap3A_1508 = arith.index_cast %add3A_1422 : i32 to index
          %swap3A_1509 = arith.constant 112 : index
          %swap3A_1510 = tpu.vector_load %arg10[%swap3A_1508, %swap3A_1509] {strides = array<i32>} : memref<240x128xf32, #tpu.memory_space<vmem>>, vector<1x16xf32>,
          %swap3A_1511 = vector.shape_cast %swap3A_1510 : vector<1x16xf32> to vector<16xf32>
          %swap3A_1512 = vector.shape_cast %mul3A_1507 : vector<16xf32> to vector<1x16xf32>
          tpu.vector_store %arg10[%swap3A_1508, %swap3A_1509], %swap3A_1512 {strides = array<i32>} : memref<240x128xf32, #tpu.memory_space<vmem>>, vector<1x16xf32>,
          %mul3A_1513 = arith.constant 16 : i32
          %mul3A_1514 = arith.muli %scan3A_193, %mul3A_1513 : i32
          %add3A_1515 = arith.constant 14 : i32
          %add3A_1516 = arith.addi %mul3A_1514, %add3A_1515 : i32
          %slice3A_1517 = vector.extract_strided_slice %get3A_198 {offsets = [14], sizes = [1], strides = [1]} : vector<16xf32> to vector<1xf32>
          %squeeze3A_1518 = vector.extract %slice3A_1517[0] : f32 from vector<1xf32>
          %get3A_1519 = arith.index_cast %add3A_1516 : i32 to index
          %get3A_1520 = arith.constant 0 : index
          %get3A_1521 = tpu.vector_load %arg10[%get3A_1519, %get3A_1520] {strides = array<i32>} : memref<240x128xf32, #tpu.memory_space<vmem>>, vector<1x16xf32>,
          %get3A_1522 = vector.shape_cast %get3A_1521 : vector<1x16xf32> to vector<16xf32>
          %mul3A_1523 = vector.broadcast %squeeze3A_1518 : f32 to vector<16xf32>
          %mul3A_1524 = arith.mulf %get3A_1522, %mul3A_1523 : vector<16xf32>
          %swap3A_1525 = arith.index_cast %add3A_1516 : i32 to index
          %swap3A_1526 = arith.constant 0 : index
          %swap3A_1527 = tpu.vector_load %arg10[%swap3A_1525, %swap3A_1526] {strides = array<i32>} : memref<240x128xf32, #tpu.memory_space<vmem>>, vector<1x16xf32>,
          %swap3A_1528 = vector.shape_cast %swap3A_1527 : vector<1x16xf32> to vector<16xf32>
          %swap3A_1529 = vector.shape_cast %mul3A_1524 : vector<16xf32> to vector<1x16xf32>
          tpu.vector_store %arg10[%swap3A_1525, %swap3A_1526], %swap3A_1529 {strides = array<i32>} : memref<240x128xf32, #tpu.memory_space<vmem>>, vector<1x16xf32>,
          %get3A_1530 = arith.index_cast %add3A_1516 : i32 to index
          %get3A_1531 = arith.constant 16 : index
          %get3A_1532 = tpu.vector_load %arg10[%get3A_1530, %get3A_1531] {strides = array<i32>} : memref<240x128xf32, #tpu.memory_space<vmem>>, vector<1x16xf32>,
          %get3A_1533 = vector.shape_cast %get3A_1532 : vector<1x16xf32> to vector<16xf32>
          %mul3A_1534 = vector.broadcast %squeeze3A_1518 : f32 to vector<16xf32>
          %mul3A_1535 = arith.mulf %get3A_1533, %mul3A_1534 : vector<16xf32>
          %swap3A_1536 = arith.index_cast %add3A_1516 : i32 to index
          %swap3A_1537 = arith.constant 16 : index
          %swap3A_1538 = tpu.vector_load %arg10[%swap3A_1536, %swap3A_1537] {strides = array<i32>} : memref<240x128xf32, #tpu.memory_space<vmem>>, vector<1x16xf32>,
          %swap3A_1539 = vector.shape_cast %swap3A_1538 : vector<1x16xf32> to vector<16xf32>
          %swap3A_1540 = vector.shape_cast %mul3A_1535 : vector<16xf32> to vector<1x16xf32>
          tpu.vector_store %arg10[%swap3A_1536, %swap3A_1537], %swap3A_1540 {strides = array<i32>} : memref<240x128xf32, #tpu.memory_space<vmem>>, vector<1x16xf32>,
          %get3A_1541 = arith.index_cast %add3A_1516 : i32 to index
          %get3A_1542 = arith.constant 32 : index
          %get3A_1543 = tpu.vector_load %arg10[%get3A_1541, %get3A_1542] {strides = array<i32>} : memref<240x128xf32, #tpu.memory_space<vmem>>, vector<1x16xf32>,
          %get3A_1544 = vector.shape_cast %get3A_1543 : vector<1x16xf32> to vector<16xf32>
          %mul3A_1545 = vector.broadcast %squeeze3A_1518 : f32 to vector<16xf32>
          %mul3A_1546 = arith.mulf %get3A_1544, %mul3A_1545 : vector<16xf32>
          %swap3A_1547 = arith.index_cast %add3A_1516 : i32 to index
          %swap3A_1548 = arith.constant 32 : index
          %swap3A_1549 = tpu.vector_load %arg10[%swap3A_1547, %swap3A_1548] {strides = array<i32>} : memref<240x128xf32, #tpu.memory_space<vmem>>, vector<1x16xf32>,
          %swap3A_1550 = vector.shape_cast %swap3A_1549 : vector<1x16xf32> to vector<16xf32>
          %swap3A_1551 = vector.shape_cast %mul3A_1546 : vector<16xf32> to vector<1x16xf32>
          tpu.vector_store %arg10[%swap3A_1547, %swap3A_1548], %swap3A_1551 {strides = array<i32>} : memref<240x128xf32, #tpu.memory_space<vmem>>, vector<1x16xf32>,
          %get3A_1552 = arith.index_cast %add3A_1516 : i32 to index
          %get3A_1553 = arith.constant 48 : index
          %get3A_1554 = tpu.vector_load %arg10[%get3A_1552, %get3A_1553] {strides = array<i32>} : memref<240x128xf32, #tpu.memory_space<vmem>>, vector<1x16xf32>,
          %get3A_1555 = vector.shape_cast %get3A_1554 : vector<1x16xf32> to vector<16xf32>
          %mul3A_1556 = vector.broadcast %squeeze3A_1518 : f32 to vector<16xf32>
          %mul3A_1557 = arith.mulf %get3A_1555, %mul3A_1556 : vector<16xf32>
          %swap3A_1558 = arith.index_cast %add3A_1516 : i32 to index
          %swap3A_1559 = arith.constant 48 : index
          %swap3A_1560 = tpu.vector_load %arg10[%swap3A_1558, %swap3A_1559] {strides = array<i32>} : memref<240x128xf32, #tpu.memory_space<vmem>>, vector<1x16xf32>,
          %swap3A_1561 = vector.shape_cast %swap3A_1560 : vector<1x16xf32> to vector<16xf32>
          %swap3A_1562 = vector.shape_cast %mul3A_1557 : vector<16xf32> to vector<1x16xf32>
          tpu.vector_store %arg10[%swap3A_1558, %swap3A_1559], %swap3A_1562 {strides = array<i32>} : memref<240x128xf32, #tpu.memory_space<vmem>>, vector<1x16xf32>,
          %get3A_1563 = arith.index_cast %add3A_1516 : i32 to index
          %get3A_1564 = arith.constant 64 : index
          %get3A_1565 = tpu.vector_load %arg10[%get3A_1563, %get3A_1564] {strides = array<i32>} : memref<240x128xf32, #tpu.memory_space<vmem>>, vector<1x16xf32>,
          %get3A_1566 = vector.shape_cast %get3A_1565 : vector<1x16xf32> to vector<16xf32>
          %mul3A_1567 = vector.broadcast %squeeze3A_1518 : f32 to vector<16xf32>
          %mul3A_1568 = arith.mulf %get3A_1566, %mul3A_1567 : vector<16xf32>
          %swap3A_1569 = arith.index_cast %add3A_1516 : i32 to index
          %swap3A_1570 = arith.constant 64 : index
          %swap3A_1571 = tpu.vector_load %arg10[%swap3A_1569, %swap3A_1570] {strides = array<i32>} : memref<240x128xf32, #tpu.memory_space<vmem>>, vector<1x16xf32>,
          %swap3A_1572 = vector.shape_cast %swap3A_1571 : vector<1x16xf32> to vector<16xf32>
          %swap3A_1573 = vector.shape_cast %mul3A_1568 : vector<16xf32> to vector<1x16xf32>
          tpu.vector_store %arg10[%swap3A_1569, %swap3A_1570], %swap3A_1573 {strides = array<i32>} : memref<240x128xf32, #tpu.memory_space<vmem>>, vector<1x16xf32>,
          %get3A_1574 = arith.index_cast %add3A_1516 : i32 to index
          %get3A_1575 = arith.constant 80 : index
          %get3A_1576 = tpu.vector_load %arg10[%get3A_1574, %get3A_1575] {strides = array<i32>} : memref<240x128xf32, #tpu.memory_space<vmem>>, vector<1x16xf32>,
          %get3A_1577 = vector.shape_cast %get3A_1576 : vector<1x16xf32> to vector<16xf32>
          %mul3A_1578 = vector.broadcast %squeeze3A_1518 : f32 to vector<16xf32>
          %mul3A_1579 = arith.mulf %get3A_1577, %mul3A_1578 : vector<16xf32>
          %swap3A_1580 = arith.index_cast %add3A_1516 : i32 to index
          %swap3A_1581 = arith.constant 80 : index
          %swap3A_1582 = tpu.vector_load %arg10[%swap3A_1580, %swap3A_1581] {strides = array<i32>} : memref<240x128xf32, #tpu.memory_space<vmem>>, vector<1x16xf32>,
          %swap3A_1583 = vector.shape_cast %swap3A_1582 : vector<1x16xf32> to vector<16xf32>
          %swap3A_1584 = vector.shape_cast %mul3A_1579 : vector<16xf32> to vector<1x16xf32>
          tpu.vector_store %arg10[%swap3A_1580, %swap3A_1581], %swap3A_1584 {strides = array<i32>} : memref<240x128xf32, #tpu.memory_space<vmem>>, vector<1x16xf32>,
          %get3A_1585 = arith.index_cast %add3A_1516 : i32 to index
          %get3A_1586 = arith.constant 96 : index
          %get3A_1587 = tpu.vector_load %arg10[%get3A_1585, %get3A_1586] {strides = array<i32>} : memref<240x128xf32, #tpu.memory_space<vmem>>, vector<1x16xf32>,
          %get3A_1588 = vector.shape_cast %get3A_1587 : vector<1x16xf32> to vector<16xf32>
          %mul3A_1589 = vector.broadcast %squeeze3A_1518 : f32 to vector<16xf32>
          %mul3A_1590 = arith.mulf %get3A_1588, %mul3A_1589 : vector<16xf32>
          %swap3A_1591 = arith.index_cast %add3A_1516 : i32 to index
          %swap3A_1592 = arith.constant 96 : index
          %swap3A_1593 = tpu.vector_load %arg10[%swap3A_1591, %swap3A_1592] {strides = array<i32>} : memref<240x128xf32, #tpu.memory_space<vmem>>, vector<1x16xf32>,
          %swap3A_1594 = vector.shape_cast %swap3A_1593 : vector<1x16xf32> to vector<16xf32>
          %swap3A_1595 = vector.shape_cast %mul3A_1590 : vector<16xf32> to vector<1x16xf32>
          tpu.vector_store %arg10[%swap3A_1591, %swap3A_1592], %swap3A_1595 {strides = array<i32>} : memref<240x128xf32, #tpu.memory_space<vmem>>, vector<1x16xf32>,
          %get3A_1596 = arith.index_cast %add3A_1516 : i32 to index
          %get3A_1597 = arith.constant 112 : index
          %get3A_1598 = tpu.vector_load %arg10[%get3A_1596, %get3A_1597] {strides = array<i32>} : memref<240x128xf32, #tpu.memory_space<vmem>>, vector<1x16xf32>,
          %get3A_1599 = vector.shape_cast %get3A_1598 : vector<1x16xf32> to vector<16xf32>
          %mul3A_1600 = vector.broadcast %squeeze3A_1518 : f32 to vector<16xf32>
          %mul3A_1601 = arith.mulf %get3A_1599, %mul3A_1600 : vector<16xf32>
          %swap3A_1602 = arith.index_cast %add3A_1516 : i32 to index
          %swap3A_1603 = arith.constant 112 : index
          %swap3A_1604 = tpu.vector_load %arg10[%swap3A_1602, %swap3A_1603] {strides = array<i32>} : memref<240x128xf32, #tpu.memory_space<vmem>>, vector<1x16xf32>,
          %swap3A_1605 = vector.shape_cast %swap3A_1604 : vector<1x16xf32> to vector<16xf32>
          %swap3A_1606 = vector.shape_cast %mul3A_1601 : vector<16xf32> to vector<1x16xf32>
          tpu.vector_store %arg10[%swap3A_1602, %swap3A_1603], %swap3A_1606 {strides = array<i32>} : memref<240x128xf32, #tpu.memory_space<vmem>>, vector<1x16xf32>,
          %mul3A_1607 = arith.constant 16 : i32
          %mul3A_1608 = arith.muli %scan3A_193, %mul3A_1607 : i32
          %add3A_1609 = arith.constant 15 : i32
          %add3A_1610 = arith.addi %mul3A_1608, %add3A_1609 : i32
          %slice3A_1611 = vector.extract_strided_slice %get3A_198 {offsets = [15], sizes = [1], strides = [1]} : vector<16xf32> to vector<1xf32>
          %squeeze3A_1612 = vector.extract %slice3A_1611[0] : f32 from vector<1xf32>
          %get3A_1613 = arith.index_cast %add3A_1610 : i32 to index
          %get3A_1614 = arith.constant 0 : index
          %get3A_1615 = tpu.vector_load %arg10[%get3A_1613, %get3A_1614] {strides = array<i32>} : memref<240x128xf32, #tpu.memory_space<vmem>>, vector<1x16xf32>,
          %get3A_1616 = vector.shape_cast %get3A_1615 : vector<1x16xf32> to vector<16xf32>
          %mul3A_1617 = vector.broadcast %squeeze3A_1612 : f32 to vector<16xf32>
          %mul3A_1618 = arith.mulf %get3A_1616, %mul3A_1617 : vector<16xf32>
          %swap3A_1619 = arith.index_cast %add3A_1610 : i32 to index
          %swap3A_1620 = arith.constant 0 : index
          %swap3A_1621 = tpu.vector_load %arg10[%swap3A_1619, %swap3A_1620] {strides = array<i32>} : memref<240x128xf32, #tpu.memory_space<vmem>>, vector<1x16xf32>,
          %swap3A_1622 = vector.shape_cast %swap3A_1621 : vector<1x16xf32> to vector<16xf32>
          %swap3A_1623 = vector.shape_cast %mul3A_1618 : vector<16xf32> to vector<1x16xf32>
          tpu.vector_store %arg10[%swap3A_1619, %swap3A_1620], %swap3A_1623 {strides = array<i32>} : memref<240x128xf32, #tpu.memory_space<vmem>>, vector<1x16xf32>,
          %get3A_1624 = arith.index_cast %add3A_1610 : i32 to index
          %get3A_1625 = arith.constant 16 : index
          %get3A_1626 = tpu.vector_load %arg10[%get3A_1624, %get3A_1625] {strides = array<i32>} : memref<240x128xf32, #tpu.memory_space<vmem>>, vector<1x16xf32>,
          %get3A_1627 = vector.shape_cast %get3A_1626 : vector<1x16xf32> to vector<16xf32>
          %mul3A_1628 = vector.broadcast %squeeze3A_1612 : f32 to vector<16xf32>
          %mul3A_1629 = arith.mulf %get3A_1627, %mul3A_1628 : vector<16xf32>
          %swap3A_1630 = arith.index_cast %add3A_1610 : i32 to index
          %swap3A_1631 = arith.constant 16 : index
          %swap3A_1632 = tpu.vector_load %arg10[%swap3A_1630, %swap3A_1631] {strides = array<i32>} : memref<240x128xf32, #tpu.memory_space<vmem>>, vector<1x16xf32>,
          %swap3A_1633 = vector.shape_cast %swap3A_1632 : vector<1x16xf32> to vector<16xf32>
          %swap3A_1634 = vector.shape_cast %mul3A_1629 : vector<16xf32> to vector<1x16xf32>
          tpu.vector_store %arg10[%swap3A_1630, %swap3A_1631], %swap3A_1634 {strides = array<i32>} : memref<240x128xf32, #tpu.memory_space<vmem>>, vector<1x16xf32>,
          %get3A_1635 = arith.index_cast %add3A_1610 : i32 to index
          %get3A_1636 = arith.constant 32 : index
          %get3A_1637 = tpu.vector_load %arg10[%get3A_1635, %get3A_1636] {strides = array<i32>} : memref<240x128xf32, #tpu.memory_space<vmem>>, vector<1x16xf32>,
          %get3A_1638 = vector.shape_cast %get3A_1637 : vector<1x16xf32> to vector<16xf32>
          %mul3A_1639 = vector.broadcast %squeeze3A_1612 : f32 to vector<16xf32>
          %mul3A_1640 = arith.mulf %get3A_1638, %mul3A_1639 : vector<16xf32>
          %swap3A_1641 = arith.index_cast %add3A_1610 : i32 to index
          %swap3A_1642 = arith.constant 32 : index
          %swap3A_1643 = tpu.vector_load %arg10[%swap3A_1641, %swap3A_1642] {strides = array<i32>} : memref<240x128xf32, #tpu.memory_space<vmem>>, vector<1x16xf32>,
          %swap3A_1644 = vector.shape_cast %swap3A_1643 : vector<1x16xf32> to vector<16xf32>
          %swap3A_1645 = vector.shape_cast %mul3A_1640 : vector<16xf32> to vector<1x16xf32>
          tpu.vector_store %arg10[%swap3A_1641, %swap3A_1642], %swap3A_1645 {strides = array<i32>} : memref<240x128xf32, #tpu.memory_space<vmem>>, vector<1x16xf32>,
          %get3A_1646 = arith.index_cast %add3A_1610 : i32 to index
          %get3A_1647 = arith.constant 48 : index
          %get3A_1648 = tpu.vector_load %arg10[%get3A_1646, %get3A_1647] {strides = array<i32>} : memref<240x128xf32, #tpu.memory_space<vmem>>, vector<1x16xf32>,
          %get3A_1649 = vector.shape_cast %get3A_1648 : vector<1x16xf32> to vector<16xf32>
          %mul3A_1650 = vector.broadcast %squeeze3A_1612 : f32 to vector<16xf32>
          %mul3A_1651 = arith.mulf %get3A_1649, %mul3A_1650 : vector<16xf32>
          %swap3A_1652 = arith.index_cast %add3A_1610 : i32 to index
          %swap3A_1653 = arith.constant 48 : index
          %swap3A_1654 = tpu.vector_load %arg10[%swap3A_1652, %swap3A_1653] {strides = array<i32>} : memref<240x128xf32, #tpu.memory_space<vmem>>, vector<1x16xf32>,
          %swap3A_1655 = vector.shape_cast %swap3A_1654 : vector<1x16xf32> to vector<16xf32>
          %swap3A_1656 = vector.shape_cast %mul3A_1651 : vector<16xf32> to vector<1x16xf32>
          tpu.vector_store %arg10[%swap3A_1652, %swap3A_1653], %swap3A_1656 {strides = array<i32>} : memref<240x128xf32, #tpu.memory_space<vmem>>, vector<1x16xf32>,
          %get3A_1657 = arith.index_cast %add3A_1610 : i32 to index
          %get3A_1658 = arith.constant 64 : index
          %get3A_1659 = tpu.vector_load %arg10[%get3A_1657, %get3A_1658] {strides = array<i32>} : memref<240x128xf32, #tpu.memory_space<vmem>>, vector<1x16xf32>,
          %get3A_1660 = vector.shape_cast %get3A_1659 : vector<1x16xf32> to vector<16xf32>
          %mul3A_1661 = vector.broadcast %squeeze3A_1612 : f32 to vector<16xf32>
          %mul3A_1662 = arith.mulf %get3A_1660, %mul3A_1661 : vector<16xf32>
          %swap3A_1663 = arith.index_cast %add3A_1610 : i32 to index
          %swap3A_1664 = arith.constant 64 : index
          %swap3A_1665 = tpu.vector_load %arg10[%swap3A_1663, %swap3A_1664] {strides = array<i32>} : memref<240x128xf32, #tpu.memory_space<vmem>>, vector<1x16xf32>,
          %swap3A_1666 = vector.shape_cast %swap3A_1665 : vector<1x16xf32> to vector<16xf32>
          %swap3A_1667 = vector.shape_cast %mul3A_1662 : vector<16xf32> to vector<1x16xf32>
          tpu.vector_store %arg10[%swap3A_1663, %swap3A_1664], %swap3A_1667 {strides = array<i32>} : memref<240x128xf32, #tpu.memory_space<vmem>>, vector<1x16xf32>,
          %get3A_1668 = arith.index_cast %add3A_1610 : i32 to index
          %get3A_1669 = arith.constant 80 : index
          %get3A_1670 = tpu.vector_load %arg10[%get3A_1668, %get3A_1669] {strides = array<i32>} : memref<240x128xf32, #tpu.memory_space<vmem>>, vector<1x16xf32>,
          %get3A_1671 = vector.shape_cast %get3A_1670 : vector<1x16xf32> to vector<16xf32>
          %mul3A_1672 = vector.broadcast %squeeze3A_1612 : f32 to vector<16xf32>
          %mul3A_1673 = arith.mulf %get3A_1671, %mul3A_1672 : vector<16xf32>
          %swap3A_1674 = arith.index_cast %add3A_1610 : i32 to index
          %swap3A_1675 = arith.constant 80 : index
          %swap3A_1676 = tpu.vector_load %arg10[%swap3A_1674, %swap3A_1675] {strides = array<i32>} : memref<240x128xf32, #tpu.memory_space<vmem>>, vector<1x16xf32>,
          %swap3A_1677 = vector.shape_cast %swap3A_1676 : vector<1x16xf32> to vector<16xf32>
          %swap3A_1678 = vector.shape_cast %mul3A_1673 : vector<16xf32> to vector<1x16xf32>
          tpu.vector_store %arg10[%swap3A_1674, %swap3A_1675], %swap3A_1678 {strides = array<i32>} : memref<240x128xf32, #tpu.memory_space<vmem>>, vector<1x16xf32>,
          %get3A_1679 = arith.index_cast %add3A_1610 : i32 to index
          %get3A_1680 = arith.constant 96 : index
          %get3A_1681 = tpu.vector_load %arg10[%get3A_1679, %get3A_1680] {strides = array<i32>} : memref<240x128xf32, #tpu.memory_space<vmem>>, vector<1x16xf32>,
          %get3A_1682 = vector.shape_cast %get3A_1681 : vector<1x16xf32> to vector<16xf32>
          %mul3A_1683 = vector.broadcast %squeeze3A_1612 : f32 to vector<16xf32>
          %mul3A_1684 = arith.mulf %get3A_1682, %mul3A_1683 : vector<16xf32>
          %swap3A_1685 = arith.index_cast %add3A_1610 : i32 to index
          %swap3A_1686 = arith.constant 96 : index
          %swap3A_1687 = tpu.vector_load %arg10[%swap3A_1685, %swap3A_1686] {strides = array<i32>} : memref<240x128xf32, #tpu.memory_space<vmem>>, vector<1x16xf32>,
          %swap3A_1688 = vector.shape_cast %swap3A_1687 : vector<1x16xf32> to vector<16xf32>
          %swap3A_1689 = vector.shape_cast %mul3A_1684 : vector<16xf32> to vector<1x16xf32>
          tpu.vector_store %arg10[%swap3A_1685, %swap3A_1686], %swap3A_1689 {strides = array<i32>} : memref<240x128xf32, #tpu.memory_space<vmem>>, vector<1x16xf32>,
          %get3A_1690 = arith.index_cast %add3A_1610 : i32 to index
          %get3A_1691 = arith.constant 112 : index
          %get3A_1692 = tpu.vector_load %arg10[%get3A_1690, %get3A_1691] {strides = array<i32>} : memref<240x128xf32, #tpu.memory_space<vmem>>, vector<1x16xf32>,
          %get3A_1693 = vector.shape_cast %get3A_1692 : vector<1x16xf32> to vector<16xf32>
          %mul3A_1694 = vector.broadcast %squeeze3A_1612 : f32 to vector<16xf32>
          %mul3A_1695 = arith.mulf %get3A_1693, %mul3A_1694 : vector<16xf32>
          %swap3A_1696 = arith.index_cast %add3A_1610 : i32 to index
          %swap3A_1697 = arith.constant 112 : index
          %swap3A_1698 = tpu.vector_load %arg10[%swap3A_1696, %swap3A_1697] {strides = array<i32>} : memref<240x128xf32, #tpu.memory_space<vmem>>, vector<1x16xf32>,
          %swap3A_1699 = vector.shape_cast %swap3A_1698 : vector<1x16xf32> to vector<16xf32>
          %swap3A_1700 = vector.shape_cast %mul3A_1695 : vector<16xf32> to vector<1x16xf32>
          tpu.vector_store %arg10[%swap3A_1696, %swap3A_1697], %swap3A_1700 {strides = array<i32>} : memref<240x128xf32, #tpu.memory_space<vmem>>, vector<1x16xf32>,
        }
        %scan3A_192 = arith.constant 15 : i32
        "tpu.region"() ({
          %run_scoped3A = tpu.sem_alloc : memref<!tpu.dma_semaphore, #tpu.memory_space<semaphore_mem>>
          %dma_start3A_193 = arith.constant 0 : i32
          %dma_start3A_194 = arith.constant 0 : i32
          %dma_start3A_195 = tpu.memref_slice %arg11[%dma_start3A_193, %dma_start3A_194] : memref<10000x128xf32, #tpu.memory_space<vmem_shared>> -> memref<10000x128xf32, #tpu.memory_space<vmem_shared>>
          tpu.enqueue_indirect_dma source(%arg10 : memref<240x128xf32, #tpu.memory_space<vmem>>) target(%dma_start3A_195 : memref<10000x128xf32, #tpu.memory_space<vmem_shared>>) offsets(%arg8 : memref<240xi32, #tpu.memory_space<vmem>>) semaphore(%run_scoped3A : memref<!tpu.dma_semaphore, #tpu.memory_space<semaphore_mem>>) {add = true}
          %dma_wait3A_196 = arith.constant 0 : i32
          %dma_wait3A_197 = arith.constant 0 : i32
          %dma_wait3A_198 = tpu.memref_slice %arg11[%dma_wait3A_196, %dma_wait3A_197] : memref<10000x128xf32, #tpu.memory_space<vmem_shared>> -> memref<10000x128xf32, #tpu.memory_space<vmem_shared>>
          tpu.wait_indirect_dma semaphore(%run_scoped3A : memref<!tpu.dma_semaphore, #tpu.memory_space<semaphore_mem>>) src(%arg10 : memref<240x128xf32, #tpu.memory_space<vmem>>) dst(%dma_wait3A_198 : memref<10000x128xf32, #tpu.memory_space<vmem_shared>>)
          tpu.yield
        }) : () -> ()
      } else {
      }
    }
    %scan3A_19 = arith.constant 79 : i32
    %barrier3A_20 = arith.constant 0 : index
    tpu.barrier barrier_id(%barrier3A_20)
    %mul3A_21 = arith.constant 10000 : i32
    %mul3A_22 = arith.muli %arg0, %mul3A_21 : i32
    %add3A_23 = arith.addi %mul3A_22, %mul3A_7 : i32
    "tpu.region"() ({
      %run_scoped3A = tpu.sem_alloc : memref<!tpu.dma_semaphore, #tpu.memory_space<semaphore_mem>>
      %dma_start3A = arith.constant 0 : i32
      %dma_start3A_24 = tpu.memref_slice %arg6[%add3A_23, %dma_start3A] : memref<20000x128xf32, #tpu.memory_space<hbm>> -> memref<640x128xf32, #tpu.memory_space<hbm>>
      %dma_start3A_25 = arith.constant 0 : i32
      %dma_start3A_26 = tpu.memref_slice %arg11[%mul3A_7, %dma_start3A_25] : memref<10000x128xf32, #tpu.memory_space<vmem_shared>> -> memref<640x128xf32, #tpu.memory_space<vmem_shared>>
      tpu.enqueue_dma source(%dma_start3A_26 : memref<640x128xf32, #tpu.memory_space<vmem_shared>>) target(%dma_start3A_24 : memref<640x128xf32, #tpu.memory_space<hbm>>) target_semaphore(%run_scoped3A : memref<!tpu.dma_semaphore, #tpu.memory_space<semaphore_mem>>)
      %dma_wait3A = arith.constant 0 : i32
      %dma_wait3A_27 = tpu.memref_slice %arg6[%add3A_23, %dma_wait3A] : memref<20000x128xf32, #tpu.memory_space<hbm>> -> memref<640x128xf32, #tpu.memory_space<hbm>>
      %dma_wait3A_28 = arith.constant 0 : i32
      %dma_wait3A_29 = tpu.memref_slice %arg11[%mul3A_7, %dma_wait3A_28] : memref<10000x128xf32, #tpu.memory_space<vmem_shared>> -> memref<640x128xf32, #tpu.memory_space<vmem_shared>>
      tpu.wait_dma2 semaphore(%run_scoped3A : memref<!tpu.dma_semaphore, #tpu.memory_space<semaphore_mem>>) src(%dma_wait3A_29 : memref<640x128xf32, #tpu.memory_space<vmem_shared>>) dst(%dma_wait3A_27 : memref<640x128xf32, #tpu.memory_space<hbm>>)
      tpu.yield
    }) : () -> ()
    return
  }
}

#map = affine_map<(d0, d1) -> (0, 0)>
#map1 = affine_map<(d0, d1) -> (0)>
module attributes {stable_mosaic.version = 14 : i64} {
  func.func @_sc_aggregate(%arg0: i32, %arg1: i32, %arg2: memref<40000x128xf32, #tpu.memory_space<hbm>>, %arg3: memref<600000xi32, #tpu.memory_space<hbm>>, %arg4: memref<600000xi32, #tpu.memory_space<hbm>>, %arg5: memref<600000xf32, #tpu.memory_space<hbm>>, %arg6: memref<20000x128xf32, #tpu.memory_space<hbm>>, %arg7: memref<240xi32, #tpu.memory_space<vmem>>, %arg8: memref<240xi32, #tpu.memory_space<vmem>>, %arg9: memref<240xf32, #tpu.memory_space<vmem>>, %arg10: memref<240x128xf32, #tpu.memory_space<vmem>>, %arg11: memref<10000x128xf32, #tpu.memory_space<vmem_shared>>, %arg12: memref<!tpu.dma_semaphore, #tpu.memory_space<semaphore_mem>>) attributes {dimension_semantics = [#tpu.dimension_semantics<core_parallel>, #tpu.dimension_semantics<subcore_parallel>], iteration_bounds = array<i64: 2, 16>, scalar_prefetch = 0 : i64, scratch_operands = 6 : i64, tpu.core_type = #tpu.core_type<sc_vector_subcore>, window_params = [{transform_indices = #map}, {transform_indices = #map1}, {transform_indices = #map1}, {transform_indices = #map1}, {transform_indices = #map}]} {
    %mul3A = arith.constant 2 : i32
    %mul3A_0 = arith.muli %arg1, %mul3A : i32
    %add3A = arith.addi %mul3A_0, %arg0 : i32
    %scan3A = arith.constant 0 : i32
    %scan3A_1 = arith.constant 0 : i32
    %scan3A_2 = arith.constant 240 : i32
    %scan3A_3 = arith.addi %scan3A_1, %scan3A_2 : i32
    %scan3A_4 = arith.constant 1 : i32
    scf.for %scan3A_24 = %scan3A_1 to %scan3A_3 step %scan3A_4  : i32 {
      %broadcast_in_dim3A = arith.constant 0.000000e+00 : f32
      %broadcast_in_dim3A_25 = vector.broadcast %broadcast_in_dim3A : f32 to vector<16xf32>
      %swap3A = arith.index_cast %scan3A_24 : i32 to index
      %swap3A_26 = arith.constant 0 : index
      %swap3A_27 = tpu.vector_load %arg10[%swap3A, %swap3A_26] {strides = array<i32>} : memref<240x128xf32, #tpu.memory_space<vmem>>, vector<1x16xf32>,
      %swap3A_28 = vector.shape_cast %swap3A_27 : vector<1x16xf32> to vector<16xf32>
      %swap3A_29 = vector.shape_cast %broadcast_in_dim3A_25 : vector<16xf32> to vector<1x16xf32>
      tpu.vector_store %arg10[%swap3A, %swap3A_26], %swap3A_29 {strides = array<i32>} : memref<240x128xf32, #tpu.memory_space<vmem>>, vector<1x16xf32>,
      %broadcast_in_dim3A_30 = arith.constant 0.000000e+00 : f32
      %broadcast_in_dim3A_31 = vector.broadcast %broadcast_in_dim3A_30 : f32 to vector<16xf32>
      %swap3A_32 = arith.index_cast %scan3A_24 : i32 to index
      %swap3A_33 = arith.constant 16 : index
      %swap3A_34 = tpu.vector_load %arg10[%swap3A_32, %swap3A_33] {strides = array<i32>} : memref<240x128xf32, #tpu.memory_space<vmem>>, vector<1x16xf32>,
      %swap3A_35 = vector.shape_cast %swap3A_34 : vector<1x16xf32> to vector<16xf32>
      %swap3A_36 = vector.shape_cast %broadcast_in_dim3A_31 : vector<16xf32> to vector<1x16xf32>
      tpu.vector_store %arg10[%swap3A_32, %swap3A_33], %swap3A_36 {strides = array<i32>} : memref<240x128xf32, #tpu.memory_space<vmem>>, vector<1x16xf32>,
      %broadcast_in_dim3A_37 = arith.constant 0.000000e+00 : f32
      %broadcast_in_dim3A_38 = vector.broadcast %broadcast_in_dim3A_37 : f32 to vector<16xf32>
      %swap3A_39 = arith.index_cast %scan3A_24 : i32 to index
      %swap3A_40 = arith.constant 32 : index
      %swap3A_41 = tpu.vector_load %arg10[%swap3A_39, %swap3A_40] {strides = array<i32>} : memref<240x128xf32, #tpu.memory_space<vmem>>, vector<1x16xf32>,
      %swap3A_42 = vector.shape_cast %swap3A_41 : vector<1x16xf32> to vector<16xf32>
      %swap3A_43 = vector.shape_cast %broadcast_in_dim3A_38 : vector<16xf32> to vector<1x16xf32>
      tpu.vector_store %arg10[%swap3A_39, %swap3A_40], %swap3A_43 {strides = array<i32>} : memref<240x128xf32, #tpu.memory_space<vmem>>, vector<1x16xf32>,
      %broadcast_in_dim3A_44 = arith.constant 0.000000e+00 : f32
      %broadcast_in_dim3A_45 = vector.broadcast %broadcast_in_dim3A_44 : f32 to vector<16xf32>
      %swap3A_46 = arith.index_cast %scan3A_24 : i32 to index
      %swap3A_47 = arith.constant 48 : index
      %swap3A_48 = tpu.vector_load %arg10[%swap3A_46, %swap3A_47] {strides = array<i32>} : memref<240x128xf32, #tpu.memory_space<vmem>>, vector<1x16xf32>,
      %swap3A_49 = vector.shape_cast %swap3A_48 : vector<1x16xf32> to vector<16xf32>
      %swap3A_50 = vector.shape_cast %broadcast_in_dim3A_45 : vector<16xf32> to vector<1x16xf32>
      tpu.vector_store %arg10[%swap3A_46, %swap3A_47], %swap3A_50 {strides = array<i32>} : memref<240x128xf32, #tpu.memory_space<vmem>>, vector<1x16xf32>,
      %broadcast_in_dim3A_51 = arith.constant 0.000000e+00 : f32
      %broadcast_in_dim3A_52 = vector.broadcast %broadcast_in_dim3A_51 : f32 to vector<16xf32>
      %swap3A_53 = arith.index_cast %scan3A_24 : i32 to index
      %swap3A_54 = arith.constant 64 : index
      %swap3A_55 = tpu.vector_load %arg10[%swap3A_53, %swap3A_54] {strides = array<i32>} : memref<240x128xf32, #tpu.memory_space<vmem>>, vector<1x16xf32>,
      %swap3A_56 = vector.shape_cast %swap3A_55 : vector<1x16xf32> to vector<16xf32>
      %swap3A_57 = vector.shape_cast %broadcast_in_dim3A_52 : vector<16xf32> to vector<1x16xf32>
      tpu.vector_store %arg10[%swap3A_53, %swap3A_54], %swap3A_57 {strides = array<i32>} : memref<240x128xf32, #tpu.memory_space<vmem>>, vector<1x16xf32>,
      %broadcast_in_dim3A_58 = arith.constant 0.000000e+00 : f32
      %broadcast_in_dim3A_59 = vector.broadcast %broadcast_in_dim3A_58 : f32 to vector<16xf32>
      %swap3A_60 = arith.index_cast %scan3A_24 : i32 to index
      %swap3A_61 = arith.constant 80 : index
      %swap3A_62 = tpu.vector_load %arg10[%swap3A_60, %swap3A_61] {strides = array<i32>} : memref<240x128xf32, #tpu.memory_space<vmem>>, vector<1x16xf32>,
      %swap3A_63 = vector.shape_cast %swap3A_62 : vector<1x16xf32> to vector<16xf32>
      %swap3A_64 = vector.shape_cast %broadcast_in_dim3A_59 : vector<16xf32> to vector<1x16xf32>
      tpu.vector_store %arg10[%swap3A_60, %swap3A_61], %swap3A_64 {strides = array<i32>} : memref<240x128xf32, #tpu.memory_space<vmem>>, vector<1x16xf32>,
      %broadcast_in_dim3A_65 = arith.constant 0.000000e+00 : f32
      %broadcast_in_dim3A_66 = vector.broadcast %broadcast_in_dim3A_65 : f32 to vector<16xf32>
      %swap3A_67 = arith.index_cast %scan3A_24 : i32 to index
      %swap3A_68 = arith.constant 96 : index
      %swap3A_69 = tpu.vector_load %arg10[%swap3A_67, %swap3A_68] {strides = array<i32>} : memref<240x128xf32, #tpu.memory_space<vmem>>, vector<1x16xf32>,
      %swap3A_70 = vector.shape_cast %swap3A_69 : vector<1x16xf32> to vector<16xf32>
      %swap3A_71 = vector.shape_cast %broadcast_in_dim3A_66 : vector<16xf32> to vector<1x16xf32>
      tpu.vector_store %arg10[%swap3A_67, %swap3A_68], %swap3A_71 {strides = array<i32>} : memref<240x128xf32, #tpu.memory_space<vmem>>, vector<1x16xf32>,
      %broadcast_in_dim3A_72 = arith.constant 0.000000e+00 : f32
      %broadcast_in_dim3A_73 = vector.broadcast %broadcast_in_dim3A_72 : f32 to vector<16xf32>
      %swap3A_74 = arith.index_cast %scan3A_24 : i32 to index
      %swap3A_75 = arith.constant 112 : index
      %swap3A_76 = tpu.vector_load %arg10[%swap3A_74, %swap3A_75] {strides = array<i32>} : memref<240x128xf32, #tpu.memory_space<vmem>>, vector<1x16xf32>,
      %swap3A_77 = vector.shape_cast %swap3A_76 : vector<1x16xf32> to vector<16xf32>
      %swap3A_78 = vector.shape_cast %broadcast_in_dim3A_73 : vector<16xf32> to vector<1x16xf32>
      tpu.vector_store %arg10[%swap3A_74, %swap3A_75], %swap3A_78 {strides = array<i32>} : memref<240x128xf32, #tpu.memory_space<vmem>>, vector<1x16xf32>,
    }
    %scan3A_5 = arith.constant 240 : i32
    %mul3A_6 = arith.constant 624 : i32
    %mul3A_7 = arith.muli %arg1, %mul3A_6 : i32
    %add3A_8 = arith.constant 0 : i32
    %add3A_9 = arith.addi %mul3A_7, %add3A_8 : i32
    "tpu.region"() ({
      %run_scoped3A = tpu.sem_alloc : memref<!tpu.dma_semaphore, #tpu.memory_space<semaphore_mem>>
      %dma_start3A = arith.constant 0 : i32
      %dma_start3A_24 = arith.constant 0 : i32
      %dma_start3A_25 = tpu.memref_slice %arg10[%dma_start3A, %dma_start3A_24] : memref<240x128xf32, #tpu.memory_space<vmem>> -> memref<240x128xf32, #tpu.memory_space<vmem>>
      %dma_start3A_26 = arith.constant 0 : i32
      %dma_start3A_27 = tpu.memref_slice %arg11[%add3A_9, %dma_start3A_26] : memref<10000x128xf32, #tpu.memory_space<vmem_shared>> -> memref<240x128xf32, #tpu.memory_space<vmem_shared>>
      %dma_start3A_28 = arith.constant 0 : i32
      %dma_start3A_29 = tpu.memref_slice %arg11[%add3A_9, %dma_start3A_28] : memref<10000x128xf32, #tpu.memory_space<vmem_shared>> -> memref<240x128xf32, #tpu.memory_space<vmem_shared>>
      %dma_start3A_30 = arith.constant 0 : i32
      %dma_start3A_31 = arith.constant 0 : i32
      %dma_start3A_32 = tpu.memref_slice %arg10[%dma_start3A_30, %dma_start3A_31] : memref<240x128xf32, #tpu.memory_space<vmem>> -> memref<240x128xf32, #tpu.memory_space<vmem>>
      tpu.enqueue_dma source(%dma_start3A_32 : memref<240x128xf32, #tpu.memory_space<vmem>>) target(%dma_start3A_29 : memref<240x128xf32, #tpu.memory_space<vmem_shared>>) target_semaphore(%run_scoped3A : memref<!tpu.dma_semaphore, #tpu.memory_space<semaphore_mem>>)
      %dma_wait3A = arith.constant 0 : i32
      %dma_wait3A_33 = arith.constant 0 : i32
      %dma_wait3A_34 = tpu.memref_slice %arg10[%dma_wait3A, %dma_wait3A_33] : memref<240x128xf32, #tpu.memory_space<vmem>> -> memref<240x128xf32, #tpu.memory_space<vmem>>
      %dma_wait3A_35 = arith.constant 0 : i32
      %dma_wait3A_36 = tpu.memref_slice %arg11[%add3A_9, %dma_wait3A_35] : memref<10000x128xf32, #tpu.memory_space<vmem_shared>> -> memref<240x128xf32, #tpu.memory_space<vmem_shared>>
      %dma_wait3A_37 = arith.constant 0 : i32
      %dma_wait3A_38 = tpu.memref_slice %arg11[%add3A_9, %dma_wait3A_37] : memref<10000x128xf32, #tpu.memory_space<vmem_shared>> -> memref<240x128xf32, #tpu.memory_space<vmem_shared>>
      %dma_wait3A_39 = arith.constant 0 : i32
      %dma_wait3A_40 = arith.constant 0 : i32
      %dma_wait3A_41 = tpu.memref_slice %arg10[%dma_wait3A_39, %dma_wait3A_40] : memref<240x128xf32, #tpu.memory_space<vmem>> -> memref<240x128xf32, #tpu.memory_space<vmem>>
      tpu.wait_dma2 semaphore(%run_scoped3A : memref<!tpu.dma_semaphore, #tpu.memory_space<semaphore_mem>>) src(%dma_wait3A_41 : memref<240x128xf32, #tpu.memory_space<vmem>>) dst(%dma_wait3A_38 : memref<240x128xf32, #tpu.memory_space<vmem_shared>>)
      tpu.yield
    }) : () -> ()
    %add3A_10 = arith.constant 240 : i32
    %add3A_11 = arith.addi %mul3A_7, %add3A_10 : i32
    "tpu.region"() ({
      %run_scoped3A = tpu.sem_alloc : memref<!tpu.dma_semaphore, #tpu.memory_space<semaphore_mem>>
      %dma_start3A = arith.constant 0 : i32
      %dma_start3A_24 = arith.constant 0 : i32
      %dma_start3A_25 = tpu.memref_slice %arg10[%dma_start3A, %dma_start3A_24] : memref<240x128xf32, #tpu.memory_space<vmem>> -> memref<240x128xf32, #tpu.memory_space<vmem>>
      %dma_start3A_26 = arith.constant 0 : i32
      %dma_start3A_27 = tpu.memref_slice %arg11[%add3A_11, %dma_start3A_26] : memref<10000x128xf32, #tpu.memory_space<vmem_shared>> -> memref<240x128xf32, #tpu.memory_space<vmem_shared>>
      %dma_start3A_28 = arith.constant 0 : i32
      %dma_start3A_29 = tpu.memref_slice %arg11[%add3A_11, %dma_start3A_28] : memref<10000x128xf32, #tpu.memory_space<vmem_shared>> -> memref<240x128xf32, #tpu.memory_space<vmem_shared>>
      %dma_start3A_30 = arith.constant 0 : i32
      %dma_start3A_31 = arith.constant 0 : i32
      %dma_start3A_32 = tpu.memref_slice %arg10[%dma_start3A_30, %dma_start3A_31] : memref<240x128xf32, #tpu.memory_space<vmem>> -> memref<240x128xf32, #tpu.memory_space<vmem>>
      tpu.enqueue_dma source(%dma_start3A_32 : memref<240x128xf32, #tpu.memory_space<vmem>>) target(%dma_start3A_29 : memref<240x128xf32, #tpu.memory_space<vmem_shared>>) target_semaphore(%run_scoped3A : memref<!tpu.dma_semaphore, #tpu.memory_space<semaphore_mem>>)
      %dma_wait3A = arith.constant 0 : i32
      %dma_wait3A_33 = arith.constant 0 : i32
      %dma_wait3A_34 = tpu.memref_slice %arg10[%dma_wait3A, %dma_wait3A_33] : memref<240x128xf32, #tpu.memory_space<vmem>> -> memref<240x128xf32, #tpu.memory_space<vmem>>
      %dma_wait3A_35 = arith.constant 0 : i32
      %dma_wait3A_36 = tpu.memref_slice %arg11[%add3A_11, %dma_wait3A_35] : memref<10000x128xf32, #tpu.memory_space<vmem_shared>> -> memref<240x128xf32, #tpu.memory_space<vmem_shared>>
      %dma_wait3A_37 = arith.constant 0 : i32
      %dma_wait3A_38 = tpu.memref_slice %arg11[%add3A_11, %dma_wait3A_37] : memref<10000x128xf32, #tpu.memory_space<vmem_shared>> -> memref<240x128xf32, #tpu.memory_space<vmem_shared>>
      %dma_wait3A_39 = arith.constant 0 : i32
      %dma_wait3A_40 = arith.constant 0 : i32
      %dma_wait3A_41 = tpu.memref_slice %arg10[%dma_wait3A_39, %dma_wait3A_40] : memref<240x128xf32, #tpu.memory_space<vmem>> -> memref<240x128xf32, #tpu.memory_space<vmem>>
      tpu.wait_dma2 semaphore(%run_scoped3A : memref<!tpu.dma_semaphore, #tpu.memory_space<semaphore_mem>>) src(%dma_wait3A_41 : memref<240x128xf32, #tpu.memory_space<vmem>>) dst(%dma_wait3A_38 : memref<240x128xf32, #tpu.memory_space<vmem_shared>>)
      tpu.yield
    }) : () -> ()
    %add3A_12 = arith.constant 480 : i32
    %add3A_13 = arith.addi %mul3A_7, %add3A_12 : i32
    "tpu.region"() ({
      %run_scoped3A = tpu.sem_alloc : memref<!tpu.dma_semaphore, #tpu.memory_space<semaphore_mem>>
      %dma_start3A = arith.constant 0 : i32
      %dma_start3A_24 = arith.constant 0 : i32
      %dma_start3A_25 = tpu.memref_slice %arg10[%dma_start3A, %dma_start3A_24] : memref<240x128xf32, #tpu.memory_space<vmem>> -> memref<160x128xf32, #tpu.memory_space<vmem>>
      %dma_start3A_26 = arith.constant 0 : i32
      %dma_start3A_27 = tpu.memref_slice %arg11[%add3A_13, %dma_start3A_26] : memref<10000x128xf32, #tpu.memory_space<vmem_shared>> -> memref<160x128xf32, #tpu.memory_space<vmem_shared>>
      %dma_start3A_28 = arith.constant 0 : i32
      %dma_start3A_29 = tpu.memref_slice %arg11[%add3A_13, %dma_start3A_28] : memref<10000x128xf32, #tpu.memory_space<vmem_shared>> -> memref<160x128xf32, #tpu.memory_space<vmem_shared>>
      %dma_start3A_30 = arith.constant 0 : i32
      %dma_start3A_31 = arith.constant 0 : i32
      %dma_start3A_32 = tpu.memref_slice %arg10[%dma_start3A_30, %dma_start3A_31] : memref<240x128xf32, #tpu.memory_space<vmem>> -> memref<160x128xf32, #tpu.memory_space<vmem>>
      tpu.enqueue_dma source(%dma_start3A_32 : memref<160x128xf32, #tpu.memory_space<vmem>>) target(%dma_start3A_29 : memref<160x128xf32, #tpu.memory_space<vmem_shared>>) target_semaphore(%run_scoped3A : memref<!tpu.dma_semaphore, #tpu.memory_space<semaphore_mem>>)
      %dma_wait3A = arith.constant 0 : i32
      %dma_wait3A_33 = arith.constant 0 : i32
      %dma_wait3A_34 = tpu.memref_slice %arg10[%dma_wait3A, %dma_wait3A_33] : memref<240x128xf32, #tpu.memory_space<vmem>> -> memref<160x128xf32, #tpu.memory_space<vmem>>
      %dma_wait3A_35 = arith.constant 0 : i32
      %dma_wait3A_36 = tpu.memref_slice %arg11[%add3A_13, %dma_wait3A_35] : memref<10000x128xf32, #tpu.memory_space<vmem_shared>> -> memref<160x128xf32, #tpu.memory_space<vmem_shared>>
      %dma_wait3A_37 = arith.constant 0 : i32
      %dma_wait3A_38 = tpu.memref_slice %arg11[%add3A_13, %dma_wait3A_37] : memref<10000x128xf32, #tpu.memory_space<vmem_shared>> -> memref<160x128xf32, #tpu.memory_space<vmem_shared>>
      %dma_wait3A_39 = arith.constant 0 : i32
      %dma_wait3A_40 = arith.constant 0 : i32
      %dma_wait3A_41 = tpu.memref_slice %arg10[%dma_wait3A_39, %dma_wait3A_40] : memref<240x128xf32, #tpu.memory_space<vmem>> -> memref<160x128xf32, #tpu.memory_space<vmem>>
      tpu.wait_dma2 semaphore(%run_scoped3A : memref<!tpu.dma_semaphore, #tpu.memory_space<semaphore_mem>>) src(%dma_wait3A_41 : memref<160x128xf32, #tpu.memory_space<vmem>>) dst(%dma_wait3A_38 : memref<160x128xf32, #tpu.memory_space<vmem_shared>>)
      tpu.yield
    }) : () -> ()
    %barrier3A = arith.constant 0 : index
    tpu.barrier barrier_id(%barrier3A)
    %scan3A_14 = arith.constant 0 : i32
    %scan3A_15 = arith.constant 0 : i32
    %scan3A_16 = arith.constant 79 : i32
    %scan3A_17 = arith.addi %scan3A_15, %scan3A_16 : i32
    %scan3A_18 = arith.constant 1 : i32
    scf.for %scan3A_24 = %scan3A_15 to %scan3A_17 step %scan3A_18  : i32 {
      %mul3A_25 = arith.constant 32 : i32
      %mul3A_26 = arith.muli %scan3A_24, %mul3A_25 : i32
      %add3A_27 = arith.addi %add3A, %mul3A_26 : i32
      %lt3A = arith.constant 2500 : i32
      %lt3A_28 = arith.cmpi slt, %add3A_27, %lt3A : i32
      %convert_element_type3A = arith.extui %lt3A_28 : i1 to i32
      %cond3A = arith.constant 0 : i32
      %cond3A_29 = arith.cmpi ne, %convert_element_type3A, %cond3A : i32
      scf.if %cond3A_29 {
        %jit3A = arith.constant 625 : i32
        %div3A = arith.divsi %add3A_27, %jit3A : i32
        %sign3A = arith.constant 0 : i32
        %sign3A_30 = arith.cmpi sgt, %add3A_27, %sign3A : i32
        %sign3A_31 = arith.extui %sign3A_30 : i1 to i32
        %sign3A_32 = arith.constant 0 : i32
        %sign3A_33 = arith.cmpi slt, %add3A_27, %sign3A_32 : i32
        %sign3A_34 = arith.extui %sign3A_33 : i1 to i32
        %sign3A_35 = arith.subi %sign3A_31, %sign3A_34 : i32
        %sign3A_36 = arith.constant 0 : i32
        %sign3A_37 = arith.cmpi sgt, %jit3A, %sign3A_36 : i32
        %sign3A_38 = arith.extui %sign3A_37 : i1 to i32
        %sign3A_39 = arith.constant 0 : i32
        %sign3A_40 = arith.cmpi slt, %jit3A, %sign3A_39 : i32
        %sign3A_41 = arith.extui %sign3A_40 : i1 to i32
        %sign3A_42 = arith.subi %sign3A_38, %sign3A_41 : i32
        %ne3A = arith.cmpi ne, %sign3A_35, %sign3A_42 : i32
        %rem3A = arith.remsi %add3A_27, %jit3A : i32
        %ne3A_43 = arith.constant 0 : i32
        %ne3A_44 = arith.cmpi ne, %rem3A, %ne3A_43 : i32
        %and3A = arith.andi %ne3A, %ne3A_44 : i1
        %sub3A = arith.constant 1 : i32
        %sub3A_45 = arith.subi %div3A, %sub3A : i32
        %select_n3A = arith.select %and3A, %sub3A_45, %div3A : i32
        %mul3A_46 = arith.constant 240 : i32
        %mul3A_47 = arith.muli %add3A_27, %mul3A_46 : i32
        "tpu.region"() ({
          %run_scoped3A = tpu.sem_alloc : memref<!tpu.dma_semaphore, #tpu.memory_space<semaphore_mem>>
          %dma_start3A_193 = tpu.memref_slice %arg3[%mul3A_47] : memref<600000xi32, #tpu.memory_space<hbm>> -> memref<240xi32, #tpu.memory_space<hbm>>
          %dma_start3A_194 = tpu.memref_slice %arg3[%mul3A_47] : memref<600000xi32, #tpu.memory_space<hbm>> -> memref<240xi32, #tpu.memory_space<hbm>>
          tpu.enqueue_dma source(%dma_start3A_194 : memref<240xi32, #tpu.memory_space<hbm>>) target(%arg7 : memref<240xi32, #tpu.memory_space<vmem>>) target_semaphore(%run_scoped3A : memref<!tpu.dma_semaphore, #tpu.memory_space<semaphore_mem>>)
          %dma_wait3A_195 = tpu.memref_slice %arg3[%mul3A_47] : memref<600000xi32, #tpu.memory_space<hbm>> -> memref<240xi32, #tpu.memory_space<hbm>>
          %dma_wait3A_196 = tpu.memref_slice %arg3[%mul3A_47] : memref<600000xi32, #tpu.memory_space<hbm>> -> memref<240xi32, #tpu.memory_space<hbm>>
          tpu.wait_dma2 semaphore(%run_scoped3A : memref<!tpu.dma_semaphore, #tpu.memory_space<semaphore_mem>>) src(%dma_wait3A_196 : memref<240xi32, #tpu.memory_space<hbm>>) dst(%arg7 : memref<240xi32, #tpu.memory_space<vmem>>)
          tpu.yield
        }) : () -> ()
        "tpu.region"() ({
          %run_scoped3A = tpu.sem_alloc : memref<!tpu.dma_semaphore, #tpu.memory_space<semaphore_mem>>
          %dma_start3A_193 = tpu.memref_slice %arg4[%mul3A_47] : memref<600000xi32, #tpu.memory_space<hbm>> -> memref<240xi32, #tpu.memory_space<hbm>>
          %dma_start3A_194 = tpu.memref_slice %arg4[%mul3A_47] : memref<600000xi32, #tpu.memory_space<hbm>> -> memref<240xi32, #tpu.memory_space<hbm>>
          tpu.enqueue_dma source(%dma_start3A_194 : memref<240xi32, #tpu.memory_space<hbm>>) target(%arg8 : memref<240xi32, #tpu.memory_space<vmem>>) target_semaphore(%run_scoped3A : memref<!tpu.dma_semaphore, #tpu.memory_space<semaphore_mem>>)
          %dma_wait3A_195 = tpu.memref_slice %arg4[%mul3A_47] : memref<600000xi32, #tpu.memory_space<hbm>> -> memref<240xi32, #tpu.memory_space<hbm>>
          %dma_wait3A_196 = tpu.memref_slice %arg4[%mul3A_47] : memref<600000xi32, #tpu.memory_space<hbm>> -> memref<240xi32, #tpu.memory_space<hbm>>
          tpu.wait_dma2 semaphore(%run_scoped3A : memref<!tpu.dma_semaphore, #tpu.memory_space<semaphore_mem>>) src(%dma_wait3A_196 : memref<240xi32, #tpu.memory_space<hbm>>) dst(%arg8 : memref<240xi32, #tpu.memory_space<vmem>>)
          tpu.yield
        }) : () -> ()
        "tpu.region"() ({
          %run_scoped3A = tpu.sem_alloc : memref<!tpu.dma_semaphore, #tpu.memory_space<semaphore_mem>>
          %dma_start3A_193 = tpu.memref_slice %arg5[%mul3A_47] : memref<600000xf32, #tpu.memory_space<hbm>> -> memref<240xf32, #tpu.memory_space<hbm>>
          %dma_start3A_194 = tpu.memref_slice %arg5[%mul3A_47] : memref<600000xf32, #tpu.memory_space<hbm>> -> memref<240xf32, #tpu.memory_space<hbm>>
          tpu.enqueue_dma source(%dma_start3A_194 : memref<240xf32, #tpu.memory_space<hbm>>) target(%arg9 : memref<240xf32, #tpu.memory_space<vmem>>) target_semaphore(%run_scoped3A : memref<!tpu.dma_semaphore, #tpu.memory_space<semaphore_mem>>)
          %dma_wait3A_195 = tpu.memref_slice %arg5[%mul3A_47] : memref<600000xf32, #tpu.memory_space<hbm>> -> memref<240xf32, #tpu.memory_space<hbm>>
          %dma_wait3A_196 = tpu.memref_slice %arg5[%mul3A_47] : memref<600000xf32, #tpu.memory_space<hbm>> -> memref<240xf32, #tpu.memory_space<hbm>>
          tpu.wait_dma2 semaphore(%run_scoped3A : memref<!tpu.dma_semaphore, #tpu.memory_space<semaphore_mem>>) src(%dma_wait3A_196 : memref<240xf32, #tpu.memory_space<hbm>>) dst(%arg9 : memref<240xf32, #tpu.memory_space<vmem>>)
          tpu.yield
        }) : () -> ()
        %mul3A_48 = arith.constant 10000 : i32
        %mul3A_49 = arith.muli %select_n3A, %mul3A_48 : i32
        %get3A = arith.constant 0 : index
        %get3A_50 = tpu.vector_load %arg7[%get3A] {strides = array<i32>} : memref<240xi32, #tpu.memory_space<vmem>>, vector<16xi32>,
        %get3A_51 = vector.shape_cast %get3A_50 : vector<16xi32> to vector<16xi32>
        %add3A_52 = vector.broadcast %mul3A_49 : i32 to vector<16xi32>
        %add3A_53 = arith.addi %get3A_51, %add3A_52 : vector<16xi32>
        %swap3A = arith.constant 0 : index
        %swap3A_54 = tpu.vector_load %arg7[%swap3A] {strides = array<i32>} : memref<240xi32, #tpu.memory_space<vmem>>, vector<16xi32>,
        %swap3A_55 = vector.shape_cast %swap3A_54 : vector<16xi32> to vector<16xi32>
        %swap3A_56 = vector.shape_cast %add3A_53 : vector<16xi32> to vector<16xi32>
        tpu.vector_store %arg7[%swap3A], %swap3A_56 {strides = array<i32>} : memref<240xi32, #tpu.memory_space<vmem>>, vector<16xi32>,
        %get3A_57 = arith.constant 16 : index
        %get3A_58 = tpu.vector_load %arg7[%get3A_57] {strides = array<i32>} : memref<240xi32, #tpu.memory_space<vmem>>, vector<16xi32>,
        %get3A_59 = vector.shape_cast %get3A_58 : vector<16xi32> to vector<16xi32>
        %add3A_60 = vector.broadcast %mul3A_49 : i32 to vector<16xi32>
        %add3A_61 = arith.addi %get3A_59, %add3A_60 : vector<16xi32>
        %swap3A_62 = arith.constant 16 : index
        %swap3A_63 = tpu.vector_load %arg7[%swap3A_62] {strides = array<i32>} : memref<240xi32, #tpu.memory_space<vmem>>, vector<16xi32>,
        %swap3A_64 = vector.shape_cast %swap3A_63 : vector<16xi32> to vector<16xi32>
        %swap3A_65 = vector.shape_cast %add3A_61 : vector<16xi32> to vector<16xi32>
        tpu.vector_store %arg7[%swap3A_62], %swap3A_65 {strides = array<i32>} : memref<240xi32, #tpu.memory_space<vmem>>, vector<16xi32>,
        %get3A_66 = arith.constant 32 : index
        %get3A_67 = tpu.vector_load %arg7[%get3A_66] {strides = array<i32>} : memref<240xi32, #tpu.memory_space<vmem>>, vector<16xi32>,
        %get3A_68 = vector.shape_cast %get3A_67 : vector<16xi32> to vector<16xi32>
        %add3A_69 = vector.broadcast %mul3A_49 : i32 to vector<16xi32>
        %add3A_70 = arith.addi %get3A_68, %add3A_69 : vector<16xi32>
        %swap3A_71 = arith.constant 32 : index
        %swap3A_72 = tpu.vector_load %arg7[%swap3A_71] {strides = array<i32>} : memref<240xi32, #tpu.memory_space<vmem>>, vector<16xi32>,
        %swap3A_73 = vector.shape_cast %swap3A_72 : vector<16xi32> to vector<16xi32>
        %swap3A_74 = vector.shape_cast %add3A_70 : vector<16xi32> to vector<16xi32>
        tpu.vector_store %arg7[%swap3A_71], %swap3A_74 {strides = array<i32>} : memref<240xi32, #tpu.memory_space<vmem>>, vector<16xi32>,
        %get3A_75 = arith.constant 48 : index
        %get3A_76 = tpu.vector_load %arg7[%get3A_75] {strides = array<i32>} : memref<240xi32, #tpu.memory_space<vmem>>, vector<16xi32>,
        %get3A_77 = vector.shape_cast %get3A_76 : vector<16xi32> to vector<16xi32>
        %add3A_78 = vector.broadcast %mul3A_49 : i32 to vector<16xi32>
        %add3A_79 = arith.addi %get3A_77, %add3A_78 : vector<16xi32>
        %swap3A_80 = arith.constant 48 : index
        %swap3A_81 = tpu.vector_load %arg7[%swap3A_80] {strides = array<i32>} : memref<240xi32, #tpu.memory_space<vmem>>, vector<16xi32>,
        %swap3A_82 = vector.shape_cast %swap3A_81 : vector<16xi32> to vector<16xi32>
        %swap3A_83 = vector.shape_cast %add3A_79 : vector<16xi32> to vector<16xi32>
        tpu.vector_store %arg7[%swap3A_80], %swap3A_83 {strides = array<i32>} : memref<240xi32, #tpu.memory_space<vmem>>, vector<16xi32>,
        %get3A_84 = arith.constant 64 : index
        %get3A_85 = tpu.vector_load %arg7[%get3A_84] {strides = array<i32>} : memref<240xi32, #tpu.memory_space<vmem>>, vector<16xi32>,
        %get3A_86 = vector.shape_cast %get3A_85 : vector<16xi32> to vector<16xi32>
        %add3A_87 = vector.broadcast %mul3A_49 : i32 to vector<16xi32>
        %add3A_88 = arith.addi %get3A_86, %add3A_87 : vector<16xi32>
        %swap3A_89 = arith.constant 64 : index
        %swap3A_90 = tpu.vector_load %arg7[%swap3A_89] {strides = array<i32>} : memref<240xi32, #tpu.memory_space<vmem>>, vector<16xi32>,
        %swap3A_91 = vector.shape_cast %swap3A_90 : vector<16xi32> to vector<16xi32>
        %swap3A_92 = vector.shape_cast %add3A_88 : vector<16xi32> to vector<16xi32>
        tpu.vector_store %arg7[%swap3A_89], %swap3A_92 {strides = array<i32>} : memref<240xi32, #tpu.memory_space<vmem>>, vector<16xi32>,
        %get3A_93 = arith.constant 80 : index
        %get3A_94 = tpu.vector_load %arg7[%get3A_93] {strides = array<i32>} : memref<240xi32, #tpu.memory_space<vmem>>, vector<16xi32>,
        %get3A_95 = vector.shape_cast %get3A_94 : vector<16xi32> to vector<16xi32>
        %add3A_96 = vector.broadcast %mul3A_49 : i32 to vector<16xi32>
        %add3A_97 = arith.addi %get3A_95, %add3A_96 : vector<16xi32>
        %swap3A_98 = arith.constant 80 : index
        %swap3A_99 = tpu.vector_load %arg7[%swap3A_98] {strides = array<i32>} : memref<240xi32, #tpu.memory_space<vmem>>, vector<16xi32>,
        %swap3A_100 = vector.shape_cast %swap3A_99 : vector<16xi32> to vector<16xi32>
        %swap3A_101 = vector.shape_cast %add3A_97 : vector<16xi32> to vector<16xi32>
        tpu.vector_store %arg7[%swap3A_98], %swap3A_101 {strides = array<i32>} : memref<240xi32, #tpu.memory_space<vmem>>, vector<16xi32>,
        %get3A_102 = arith.constant 96 : index
        %get3A_103 = tpu.vector_load %arg7[%get3A_102] {strides = array<i32>} : memref<240xi32, #tpu.memory_space<vmem>>, vector<16xi32>,
        %get3A_104 = vector.shape_cast %get3A_103 : vector<16xi32> to vector<16xi32>
        %add3A_105 = vector.broadcast %mul3A_49 : i32 to vector<16xi32>
        %add3A_106 = arith.addi %get3A_104, %add3A_105 : vector<16xi32>
        %swap3A_107 = arith.constant 96 : index
        %swap3A_108 = tpu.vector_load %arg7[%swap3A_107] {strides = array<i32>} : memref<240xi32, #tpu.memory_space<vmem>>, vector<16xi32>,
        %swap3A_109 = vector.shape_cast %swap3A_108 : vector<16xi32> to vector<16xi32>
        %swap3A_110 = vector.shape_cast %add3A_106 : vector<16xi32> to vector<16xi32>
        tpu.vector_store %arg7[%swap3A_107], %swap3A_110 {strides = array<i32>} : memref<240xi32, #tpu.memory_space<vmem>>, vector<16xi32>,
        %get3A_111 = arith.constant 112 : index
        %get3A_112 = tpu.vector_load %arg7[%get3A_111] {strides = array<i32>} : memref<240xi32, #tpu.memory_space<vmem>>, vector<16xi32>,
        %get3A_113 = vector.shape_cast %get3A_112 : vector<16xi32> to vector<16xi32>
        %add3A_114 = vector.broadcast %mul3A_49 : i32 to vector<16xi32>
        %add3A_115 = arith.addi %get3A_113, %add3A_114 : vector<16xi32>
        %swap3A_116 = arith.constant 112 : index
        %swap3A_117 = tpu.vector_load %arg7[%swap3A_116] {strides = array<i32>} : memref<240xi32, #tpu.memory_space<vmem>>, vector<16xi32>,
        %swap3A_118 = vector.shape_cast %swap3A_117 : vector<16xi32> to vector<16xi32>
        %swap3A_119 = vector.shape_cast %add3A_115 : vector<16xi32> to vector<16xi32>
        tpu.vector_store %arg7[%swap3A_116], %swap3A_119 {strides = array<i32>} : memref<240xi32, #tpu.memory_space<vmem>>, vector<16xi32>,
        %get3A_120 = arith.constant 128 : index
        %get3A_121 = tpu.vector_load %arg7[%get3A_120] {strides = array<i32>} : memref<240xi32, #tpu.memory_space<vmem>>, vector<16xi32>,
        %get3A_122 = vector.shape_cast %get3A_121 : vector<16xi32> to vector<16xi32>
        %add3A_123 = vector.broadcast %mul3A_49 : i32 to vector<16xi32>
        %add3A_124 = arith.addi %get3A_122, %add3A_123 : vector<16xi32>
        %swap3A_125 = arith.constant 128 : index
        %swap3A_126 = tpu.vector_load %arg7[%swap3A_125] {strides = array<i32>} : memref<240xi32, #tpu.memory_space<vmem>>, vector<16xi32>,
        %swap3A_127 = vector.shape_cast %swap3A_126 : vector<16xi32> to vector<16xi32>
        %swap3A_128 = vector.shape_cast %add3A_124 : vector<16xi32> to vector<16xi32>
        tpu.vector_store %arg7[%swap3A_125], %swap3A_128 {strides = array<i32>} : memref<240xi32, #tpu.memory_space<vmem>>, vector<16xi32>,
        %get3A_129 = arith.constant 144 : index
        %get3A_130 = tpu.vector_load %arg7[%get3A_129] {strides = array<i32>} : memref<240xi32, #tpu.memory_space<vmem>>, vector<16xi32>,
        %get3A_131 = vector.shape_cast %get3A_130 : vector<16xi32> to vector<16xi32>
        %add3A_132 = vector.broadcast %mul3A_49 : i32 to vector<16xi32>
        %add3A_133 = arith.addi %get3A_131, %add3A_132 : vector<16xi32>
        %swap3A_134 = arith.constant 144 : index
        %swap3A_135 = tpu.vector_load %arg7[%swap3A_134] {strides = array<i32>} : memref<240xi32, #tpu.memory_space<vmem>>, vector<16xi32>,
        %swap3A_136 = vector.shape_cast %swap3A_135 : vector<16xi32> to vector<16xi32>
        %swap3A_137 = vector.shape_cast %add3A_133 : vector<16xi32> to vector<16xi32>
        tpu.vector_store %arg7[%swap3A_134], %swap3A_137 {strides = array<i32>} : memref<240xi32, #tpu.memory_space<vmem>>, vector<16xi32>,
        %get3A_138 = arith.constant 160 : index
        %get3A_139 = tpu.vector_load %arg7[%get3A_138] {strides = array<i32>} : memref<240xi32, #tpu.memory_space<vmem>>, vector<16xi32>,
        %get3A_140 = vector.shape_cast %get3A_139 : vector<16xi32> to vector<16xi32>
        %add3A_141 = vector.broadcast %mul3A_49 : i32 to vector<16xi32>
        %add3A_142 = arith.addi %get3A_140, %add3A_141 : vector<16xi32>
        %swap3A_143 = arith.constant 160 : index
        %swap3A_144 = tpu.vector_load %arg7[%swap3A_143] {strides = array<i32>} : memref<240xi32, #tpu.memory_space<vmem>>, vector<16xi32>,
        %swap3A_145 = vector.shape_cast %swap3A_144 : vector<16xi32> to vector<16xi32>
        %swap3A_146 = vector.shape_cast %add3A_142 : vector<16xi32> to vector<16xi32>
        tpu.vector_store %arg7[%swap3A_143], %swap3A_146 {strides = array<i32>} : memref<240xi32, #tpu.memory_space<vmem>>, vector<16xi32>,
        %get3A_147 = arith.constant 176 : index
        %get3A_148 = tpu.vector_load %arg7[%get3A_147] {strides = array<i32>} : memref<240xi32, #tpu.memory_space<vmem>>, vector<16xi32>,
        %get3A_149 = vector.shape_cast %get3A_148 : vector<16xi32> to vector<16xi32>
        %add3A_150 = vector.broadcast %mul3A_49 : i32 to vector<16xi32>
        %add3A_151 = arith.addi %get3A_149, %add3A_150 : vector<16xi32>
        %swap3A_152 = arith.constant 176 : index
        %swap3A_153 = tpu.vector_load %arg7[%swap3A_152] {strides = array<i32>} : memref<240xi32, #tpu.memory_space<vmem>>, vector<16xi32>,
        %swap3A_154 = vector.shape_cast %swap3A_153 : vector<16xi32> to vector<16xi32>
        %swap3A_155 = vector.shape_cast %add3A_151 : vector<16xi32> to vector<16xi32>
        tpu.vector_store %arg7[%swap3A_152], %swap3A_155 {strides = array<i32>} : memref<240xi32, #tpu.memory_space<vmem>>, vector<16xi32>,
        %get3A_156 = arith.constant 192 : index
        %get3A_157 = tpu.vector_load %arg7[%get3A_156] {strides = array<i32>} : memref<240xi32, #tpu.memory_space<vmem>>, vector<16xi32>,
        %get3A_158 = vector.shape_cast %get3A_157 : vector<16xi32> to vector<16xi32>
        %add3A_159 = vector.broadcast %mul3A_49 : i32 to vector<16xi32>
        %add3A_160 = arith.addi %get3A_158, %add3A_159 : vector<16xi32>
        %swap3A_161 = arith.constant 192 : index
        %swap3A_162 = tpu.vector_load %arg7[%swap3A_161] {strides = array<i32>} : memref<240xi32, #tpu.memory_space<vmem>>, vector<16xi32>,
        %swap3A_163 = vector.shape_cast %swap3A_162 : vector<16xi32> to vector<16xi32>
        %swap3A_164 = vector.shape_cast %add3A_160 : vector<16xi32> to vector<16xi32>
        tpu.vector_store %arg7[%swap3A_161], %swap3A_164 {strides = array<i32>} : memref<240xi32, #tpu.memory_space<vmem>>, vector<16xi32>,
        %get3A_165 = arith.constant 208 : index
        %get3A_166 = tpu.vector_load %arg7[%get3A_165] {strides = array<i32>} : memref<240xi32, #tpu.memory_space<vmem>>, vector<16xi32>,
        %get3A_167 = vector.shape_cast %get3A_166 : vector<16xi32> to vector<16xi32>
        %add3A_168 = vector.broadcast %mul3A_49 : i32 to vector<16xi32>
        %add3A_169 = arith.addi %get3A_167, %add3A_168 : vector<16xi32>
        %swap3A_170 = arith.constant 208 : index
        %swap3A_171 = tpu.vector_load %arg7[%swap3A_170] {strides = array<i32>} : memref<240xi32, #tpu.memory_space<vmem>>, vector<16xi32>,
        %swap3A_172 = vector.shape_cast %swap3A_171 : vector<16xi32> to vector<16xi32>
        %swap3A_173 = vector.shape_cast %add3A_169 : vector<16xi32> to vector<16xi32>
        tpu.vector_store %arg7[%swap3A_170], %swap3A_173 {strides = array<i32>} : memref<240xi32, #tpu.memory_space<vmem>>, vector<16xi32>,
        %get3A_174 = arith.constant 224 : index
        %get3A_175 = tpu.vector_load %arg7[%get3A_174] {strides = array<i32>} : memref<240xi32, #tpu.memory_space<vmem>>, vector<16xi32>,
        %get3A_176 = vector.shape_cast %get3A_175 : vector<16xi32> to vector<16xi32>
        %add3A_177 = vector.broadcast %mul3A_49 : i32 to vector<16xi32>
        %add3A_178 = arith.addi %get3A_176, %add3A_177 : vector<16xi32>
        %swap3A_179 = arith.constant 224 : index
        %swap3A_180 = tpu.vector_load %arg7[%swap3A_179] {strides = array<i32>} : memref<240xi32, #tpu.memory_space<vmem>>, vector<16xi32>,
        %swap3A_181 = vector.shape_cast %swap3A_180 : vector<16xi32> to vector<16xi32>
        %swap3A_182 = vector.shape_cast %add3A_178 : vector<16xi32> to vector<16xi32>
        tpu.vector_store %arg7[%swap3A_179], %swap3A_182 {strides = array<i32>} : memref<240xi32, #tpu.memory_space<vmem>>, vector<16xi32>,
        %dma_start3A = arith.constant 0 : i32
        %dma_start3A_183 = arith.constant 0 : i32
        %dma_start3A_184 = tpu.memref_slice %arg2[%dma_start3A, %dma_start3A_183] : memref<40000x128xf32, #tpu.memory_space<hbm>> -> memref<40000x128xf32, #tpu.memory_space<hbm>>
        tpu.enqueue_indirect_dma source(%dma_start3A_184 : memref<40000x128xf32, #tpu.memory_space<hbm>>) target(%arg10 : memref<240x128xf32, #tpu.memory_space<vmem>>) offsets(%arg7 : memref<240xi32, #tpu.memory_space<vmem>>) semaphore(%arg12 : memref<!tpu.dma_semaphore, #tpu.memory_space<semaphore_mem>>)
        %dma_wait3A = arith.constant 0 : i32
        %dma_wait3A_185 = arith.constant 0 : i32
        %dma_wait3A_186 = tpu.memref_slice %arg2[%dma_wait3A, %dma_wait3A_185] : memref<40000x128xf32, #tpu.memory_space<hbm>> -> memref<40000x128xf32, #tpu.memory_space<hbm>>
        tpu.wait_indirect_dma semaphore(%arg12 : memref<!tpu.dma_semaphore, #tpu.memory_space<semaphore_mem>>) src(%dma_wait3A_186 : memref<40000x128xf32, #tpu.memory_space<hbm>>) dst(%arg10 : memref<240x128xf32, #tpu.memory_space<vmem>>)
        %scan3A_187 = arith.constant 0 : i32
        %scan3A_188 = arith.constant 0 : i32
        %scan3A_189 = arith.constant 15 : i32
        %scan3A_190 = arith.addi %scan3A_188, %scan3A_189 : i32
        %scan3A_191 = arith.constant 1 : i32
        scf.for %scan3A_193 = %scan3A_188 to %scan3A_190 step %scan3A_191  : i32 {
          %mul3A_194 = arith.constant 16 : i32
          %mul3A_195 = arith.muli %scan3A_193, %mul3A_194 : i32
          %get3A_196 = arith.index_cast %mul3A_195 : i32 to index
          %get3A_197 = tpu.vector_load %arg9[%get3A_196] {strides = array<i32>} : memref<240xf32, #tpu.memory_space<vmem>>, vector<16xf32>,
          %get3A_198 = vector.shape_cast %get3A_197 : vector<16xf32> to vector<16xf32>
          %mul3A_199 = arith.constant 16 : i32
          %mul3A_200 = arith.muli %scan3A_193, %mul3A_199 : i32
          %add3A_201 = arith.constant 0 : i32
          %add3A_202 = arith.addi %mul3A_200, %add3A_201 : i32
          %slice3A = vector.extract_strided_slice %get3A_198 {offsets = [0], sizes = [1], strides = [1]} : vector<16xf32> to vector<1xf32>
          %squeeze3A = vector.extract %slice3A[0] : f32 from vector<1xf32>
          %get3A_203 = arith.index_cast %add3A_202 : i32 to index
          %get3A_204 = arith.constant 0 : index
          %get3A_205 = tpu.vector_load %arg10[%get3A_203, %get3A_204] {strides = array<i32>} : memref<240x128xf32, #tpu.memory_space<vmem>>, vector<1x16xf32>,
          %get3A_206 = vector.shape_cast %get3A_205 : vector<1x16xf32> to vector<16xf32>
          %mul3A_207 = vector.broadcast %squeeze3A : f32 to vector<16xf32>
          %mul3A_208 = arith.mulf %get3A_206, %mul3A_207 : vector<16xf32>
          %swap3A_209 = arith.index_cast %add3A_202 : i32 to index
          %swap3A_210 = arith.constant 0 : index
          %swap3A_211 = tpu.vector_load %arg10[%swap3A_209, %swap3A_210] {strides = array<i32>} : memref<240x128xf32, #tpu.memory_space<vmem>>, vector<1x16xf32>,
          %swap3A_212 = vector.shape_cast %swap3A_211 : vector<1x16xf32> to vector<16xf32>
          %swap3A_213 = vector.shape_cast %mul3A_208 : vector<16xf32> to vector<1x16xf32>
          tpu.vector_store %arg10[%swap3A_209, %swap3A_210], %swap3A_213 {strides = array<i32>} : memref<240x128xf32, #tpu.memory_space<vmem>>, vector<1x16xf32>,
          %get3A_214 = arith.index_cast %add3A_202 : i32 to index
          %get3A_215 = arith.constant 16 : index
          %get3A_216 = tpu.vector_load %arg10[%get3A_214, %get3A_215] {strides = array<i32>} : memref<240x128xf32, #tpu.memory_space<vmem>>, vector<1x16xf32>,
          %get3A_217 = vector.shape_cast %get3A_216 : vector<1x16xf32> to vector<16xf32>
          %mul3A_218 = vector.broadcast %squeeze3A : f32 to vector<16xf32>
          %mul3A_219 = arith.mulf %get3A_217, %mul3A_218 : vector<16xf32>
          %swap3A_220 = arith.index_cast %add3A_202 : i32 to index
          %swap3A_221 = arith.constant 16 : index
          %swap3A_222 = tpu.vector_load %arg10[%swap3A_220, %swap3A_221] {strides = array<i32>} : memref<240x128xf32, #tpu.memory_space<vmem>>, vector<1x16xf32>,
          %swap3A_223 = vector.shape_cast %swap3A_222 : vector<1x16xf32> to vector<16xf32>
          %swap3A_224 = vector.shape_cast %mul3A_219 : vector<16xf32> to vector<1x16xf32>
          tpu.vector_store %arg10[%swap3A_220, %swap3A_221], %swap3A_224 {strides = array<i32>} : memref<240x128xf32, #tpu.memory_space<vmem>>, vector<1x16xf32>,
          %get3A_225 = arith.index_cast %add3A_202 : i32 to index
          %get3A_226 = arith.constant 32 : index
          %get3A_227 = tpu.vector_load %arg10[%get3A_225, %get3A_226] {strides = array<i32>} : memref<240x128xf32, #tpu.memory_space<vmem>>, vector<1x16xf32>,
          %get3A_228 = vector.shape_cast %get3A_227 : vector<1x16xf32> to vector<16xf32>
          %mul3A_229 = vector.broadcast %squeeze3A : f32 to vector<16xf32>
          %mul3A_230 = arith.mulf %get3A_228, %mul3A_229 : vector<16xf32>
          %swap3A_231 = arith.index_cast %add3A_202 : i32 to index
          %swap3A_232 = arith.constant 32 : index
          %swap3A_233 = tpu.vector_load %arg10[%swap3A_231, %swap3A_232] {strides = array<i32>} : memref<240x128xf32, #tpu.memory_space<vmem>>, vector<1x16xf32>,
          %swap3A_234 = vector.shape_cast %swap3A_233 : vector<1x16xf32> to vector<16xf32>
          %swap3A_235 = vector.shape_cast %mul3A_230 : vector<16xf32> to vector<1x16xf32>
          tpu.vector_store %arg10[%swap3A_231, %swap3A_232], %swap3A_235 {strides = array<i32>} : memref<240x128xf32, #tpu.memory_space<vmem>>, vector<1x16xf32>,
          %get3A_236 = arith.index_cast %add3A_202 : i32 to index
          %get3A_237 = arith.constant 48 : index
          %get3A_238 = tpu.vector_load %arg10[%get3A_236, %get3A_237] {strides = array<i32>} : memref<240x128xf32, #tpu.memory_space<vmem>>, vector<1x16xf32>,
          %get3A_239 = vector.shape_cast %get3A_238 : vector<1x16xf32> to vector<16xf32>
          %mul3A_240 = vector.broadcast %squeeze3A : f32 to vector<16xf32>
          %mul3A_241 = arith.mulf %get3A_239, %mul3A_240 : vector<16xf32>
          %swap3A_242 = arith.index_cast %add3A_202 : i32 to index
          %swap3A_243 = arith.constant 48 : index
          %swap3A_244 = tpu.vector_load %arg10[%swap3A_242, %swap3A_243] {strides = array<i32>} : memref<240x128xf32, #tpu.memory_space<vmem>>, vector<1x16xf32>,
          %swap3A_245 = vector.shape_cast %swap3A_244 : vector<1x16xf32> to vector<16xf32>
          %swap3A_246 = vector.shape_cast %mul3A_241 : vector<16xf32> to vector<1x16xf32>
          tpu.vector_store %arg10[%swap3A_242, %swap3A_243], %swap3A_246 {strides = array<i32>} : memref<240x128xf32, #tpu.memory_space<vmem>>, vector<1x16xf32>,
          %get3A_247 = arith.index_cast %add3A_202 : i32 to index
          %get3A_248 = arith.constant 64 : index
          %get3A_249 = tpu.vector_load %arg10[%get3A_247, %get3A_248] {strides = array<i32>} : memref<240x128xf32, #tpu.memory_space<vmem>>, vector<1x16xf32>,
          %get3A_250 = vector.shape_cast %get3A_249 : vector<1x16xf32> to vector<16xf32>
          %mul3A_251 = vector.broadcast %squeeze3A : f32 to vector<16xf32>
          %mul3A_252 = arith.mulf %get3A_250, %mul3A_251 : vector<16xf32>
          %swap3A_253 = arith.index_cast %add3A_202 : i32 to index
          %swap3A_254 = arith.constant 64 : index
          %swap3A_255 = tpu.vector_load %arg10[%swap3A_253, %swap3A_254] {strides = array<i32>} : memref<240x128xf32, #tpu.memory_space<vmem>>, vector<1x16xf32>,
          %swap3A_256 = vector.shape_cast %swap3A_255 : vector<1x16xf32> to vector<16xf32>
          %swap3A_257 = vector.shape_cast %mul3A_252 : vector<16xf32> to vector<1x16xf32>
          tpu.vector_store %arg10[%swap3A_253, %swap3A_254], %swap3A_257 {strides = array<i32>} : memref<240x128xf32, #tpu.memory_space<vmem>>, vector<1x16xf32>,
          %get3A_258 = arith.index_cast %add3A_202 : i32 to index
          %get3A_259 = arith.constant 80 : index
          %get3A_260 = tpu.vector_load %arg10[%get3A_258, %get3A_259] {strides = array<i32>} : memref<240x128xf32, #tpu.memory_space<vmem>>, vector<1x16xf32>,
          %get3A_261 = vector.shape_cast %get3A_260 : vector<1x16xf32> to vector<16xf32>
          %mul3A_262 = vector.broadcast %squeeze3A : f32 to vector<16xf32>
          %mul3A_263 = arith.mulf %get3A_261, %mul3A_262 : vector<16xf32>
          %swap3A_264 = arith.index_cast %add3A_202 : i32 to index
          %swap3A_265 = arith.constant 80 : index
          %swap3A_266 = tpu.vector_load %arg10[%swap3A_264, %swap3A_265] {strides = array<i32>} : memref<240x128xf32, #tpu.memory_space<vmem>>, vector<1x16xf32>,
          %swap3A_267 = vector.shape_cast %swap3A_266 : vector<1x16xf32> to vector<16xf32>
          %swap3A_268 = vector.shape_cast %mul3A_263 : vector<16xf32> to vector<1x16xf32>
          tpu.vector_store %arg10[%swap3A_264, %swap3A_265], %swap3A_268 {strides = array<i32>} : memref<240x128xf32, #tpu.memory_space<vmem>>, vector<1x16xf32>,
          %get3A_269 = arith.index_cast %add3A_202 : i32 to index
          %get3A_270 = arith.constant 96 : index
          %get3A_271 = tpu.vector_load %arg10[%get3A_269, %get3A_270] {strides = array<i32>} : memref<240x128xf32, #tpu.memory_space<vmem>>, vector<1x16xf32>,
          %get3A_272 = vector.shape_cast %get3A_271 : vector<1x16xf32> to vector<16xf32>
          %mul3A_273 = vector.broadcast %squeeze3A : f32 to vector<16xf32>
          %mul3A_274 = arith.mulf %get3A_272, %mul3A_273 : vector<16xf32>
          %swap3A_275 = arith.index_cast %add3A_202 : i32 to index
          %swap3A_276 = arith.constant 96 : index
          %swap3A_277 = tpu.vector_load %arg10[%swap3A_275, %swap3A_276] {strides = array<i32>} : memref<240x128xf32, #tpu.memory_space<vmem>>, vector<1x16xf32>,
          %swap3A_278 = vector.shape_cast %swap3A_277 : vector<1x16xf32> to vector<16xf32>
          %swap3A_279 = vector.shape_cast %mul3A_274 : vector<16xf32> to vector<1x16xf32>
          tpu.vector_store %arg10[%swap3A_275, %swap3A_276], %swap3A_279 {strides = array<i32>} : memref<240x128xf32, #tpu.memory_space<vmem>>, vector<1x16xf32>,
          %get3A_280 = arith.index_cast %add3A_202 : i32 to index
          %get3A_281 = arith.constant 112 : index
          %get3A_282 = tpu.vector_load %arg10[%get3A_280, %get3A_281] {strides = array<i32>} : memref<240x128xf32, #tpu.memory_space<vmem>>, vector<1x16xf32>,
          %get3A_283 = vector.shape_cast %get3A_282 : vector<1x16xf32> to vector<16xf32>
          %mul3A_284 = vector.broadcast %squeeze3A : f32 to vector<16xf32>
          %mul3A_285 = arith.mulf %get3A_283, %mul3A_284 : vector<16xf32>
          %swap3A_286 = arith.index_cast %add3A_202 : i32 to index
          %swap3A_287 = arith.constant 112 : index
          %swap3A_288 = tpu.vector_load %arg10[%swap3A_286, %swap3A_287] {strides = array<i32>} : memref<240x128xf32, #tpu.memory_space<vmem>>, vector<1x16xf32>,
          %swap3A_289 = vector.shape_cast %swap3A_288 : vector<1x16xf32> to vector<16xf32>
          %swap3A_290 = vector.shape_cast %mul3A_285 : vector<16xf32> to vector<1x16xf32>
          tpu.vector_store %arg10[%swap3A_286, %swap3A_287], %swap3A_290 {strides = array<i32>} : memref<240x128xf32, #tpu.memory_space<vmem>>, vector<1x16xf32>,
          %mul3A_291 = arith.constant 16 : i32
          %mul3A_292 = arith.muli %scan3A_193, %mul3A_291 : i32
          %add3A_293 = arith.constant 1 : i32
          %add3A_294 = arith.addi %mul3A_292, %add3A_293 : i32
          %slice3A_295 = vector.extract_strided_slice %get3A_198 {offsets = [1], sizes = [1], strides = [1]} : vector<16xf32> to vector<1xf32>
          %squeeze3A_296 = vector.extract %slice3A_295[0] : f32 from vector<1xf32>
          %get3A_297 = arith.index_cast %add3A_294 : i32 to index
          %get3A_298 = arith.constant 0 : index
          %get3A_299 = tpu.vector_load %arg10[%get3A_297, %get3A_298] {strides = array<i32>} : memref<240x128xf32, #tpu.memory_space<vmem>>, vector<1x16xf32>,
          %get3A_300 = vector.shape_cast %get3A_299 : vector<1x16xf32> to vector<16xf32>
          %mul3A_301 = vector.broadcast %squeeze3A_296 : f32 to vector<16xf32>
          %mul3A_302 = arith.mulf %get3A_300, %mul3A_301 : vector<16xf32>
          %swap3A_303 = arith.index_cast %add3A_294 : i32 to index
          %swap3A_304 = arith.constant 0 : index
          %swap3A_305 = tpu.vector_load %arg10[%swap3A_303, %swap3A_304] {strides = array<i32>} : memref<240x128xf32, #tpu.memory_space<vmem>>, vector<1x16xf32>,
          %swap3A_306 = vector.shape_cast %swap3A_305 : vector<1x16xf32> to vector<16xf32>
          %swap3A_307 = vector.shape_cast %mul3A_302 : vector<16xf32> to vector<1x16xf32>
          tpu.vector_store %arg10[%swap3A_303, %swap3A_304], %swap3A_307 {strides = array<i32>} : memref<240x128xf32, #tpu.memory_space<vmem>>, vector<1x16xf32>,
          %get3A_308 = arith.index_cast %add3A_294 : i32 to index
          %get3A_309 = arith.constant 16 : index
          %get3A_310 = tpu.vector_load %arg10[%get3A_308, %get3A_309] {strides = array<i32>} : memref<240x128xf32, #tpu.memory_space<vmem>>, vector<1x16xf32>,
          %get3A_311 = vector.shape_cast %get3A_310 : vector<1x16xf32> to vector<16xf32>
          %mul3A_312 = vector.broadcast %squeeze3A_296 : f32 to vector<16xf32>
          %mul3A_313 = arith.mulf %get3A_311, %mul3A_312 : vector<16xf32>
          %swap3A_314 = arith.index_cast %add3A_294 : i32 to index
          %swap3A_315 = arith.constant 16 : index
          %swap3A_316 = tpu.vector_load %arg10[%swap3A_314, %swap3A_315] {strides = array<i32>} : memref<240x128xf32, #tpu.memory_space<vmem>>, vector<1x16xf32>,
          %swap3A_317 = vector.shape_cast %swap3A_316 : vector<1x16xf32> to vector<16xf32>
          %swap3A_318 = vector.shape_cast %mul3A_313 : vector<16xf32> to vector<1x16xf32>
          tpu.vector_store %arg10[%swap3A_314, %swap3A_315], %swap3A_318 {strides = array<i32>} : memref<240x128xf32, #tpu.memory_space<vmem>>, vector<1x16xf32>,
          %get3A_319 = arith.index_cast %add3A_294 : i32 to index
          %get3A_320 = arith.constant 32 : index
          %get3A_321 = tpu.vector_load %arg10[%get3A_319, %get3A_320] {strides = array<i32>} : memref<240x128xf32, #tpu.memory_space<vmem>>, vector<1x16xf32>,
          %get3A_322 = vector.shape_cast %get3A_321 : vector<1x16xf32> to vector<16xf32>
          %mul3A_323 = vector.broadcast %squeeze3A_296 : f32 to vector<16xf32>
          %mul3A_324 = arith.mulf %get3A_322, %mul3A_323 : vector<16xf32>
          %swap3A_325 = arith.index_cast %add3A_294 : i32 to index
          %swap3A_326 = arith.constant 32 : index
          %swap3A_327 = tpu.vector_load %arg10[%swap3A_325, %swap3A_326] {strides = array<i32>} : memref<240x128xf32, #tpu.memory_space<vmem>>, vector<1x16xf32>,
          %swap3A_328 = vector.shape_cast %swap3A_327 : vector<1x16xf32> to vector<16xf32>
          %swap3A_329 = vector.shape_cast %mul3A_324 : vector<16xf32> to vector<1x16xf32>
          tpu.vector_store %arg10[%swap3A_325, %swap3A_326], %swap3A_329 {strides = array<i32>} : memref<240x128xf32, #tpu.memory_space<vmem>>, vector<1x16xf32>,
          %get3A_330 = arith.index_cast %add3A_294 : i32 to index
          %get3A_331 = arith.constant 48 : index
          %get3A_332 = tpu.vector_load %arg10[%get3A_330, %get3A_331] {strides = array<i32>} : memref<240x128xf32, #tpu.memory_space<vmem>>, vector<1x16xf32>,
          %get3A_333 = vector.shape_cast %get3A_332 : vector<1x16xf32> to vector<16xf32>
          %mul3A_334 = vector.broadcast %squeeze3A_296 : f32 to vector<16xf32>
          %mul3A_335 = arith.mulf %get3A_333, %mul3A_334 : vector<16xf32>
          %swap3A_336 = arith.index_cast %add3A_294 : i32 to index
          %swap3A_337 = arith.constant 48 : index
          %swap3A_338 = tpu.vector_load %arg10[%swap3A_336, %swap3A_337] {strides = array<i32>} : memref<240x128xf32, #tpu.memory_space<vmem>>, vector<1x16xf32>,
          %swap3A_339 = vector.shape_cast %swap3A_338 : vector<1x16xf32> to vector<16xf32>
          %swap3A_340 = vector.shape_cast %mul3A_335 : vector<16xf32> to vector<1x16xf32>
          tpu.vector_store %arg10[%swap3A_336, %swap3A_337], %swap3A_340 {strides = array<i32>} : memref<240x128xf32, #tpu.memory_space<vmem>>, vector<1x16xf32>,
          %get3A_341 = arith.index_cast %add3A_294 : i32 to index
          %get3A_342 = arith.constant 64 : index
          %get3A_343 = tpu.vector_load %arg10[%get3A_341, %get3A_342] {strides = array<i32>} : memref<240x128xf32, #tpu.memory_space<vmem>>, vector<1x16xf32>,
          %get3A_344 = vector.shape_cast %get3A_343 : vector<1x16xf32> to vector<16xf32>
          %mul3A_345 = vector.broadcast %squeeze3A_296 : f32 to vector<16xf32>
          %mul3A_346 = arith.mulf %get3A_344, %mul3A_345 : vector<16xf32>
          %swap3A_347 = arith.index_cast %add3A_294 : i32 to index
          %swap3A_348 = arith.constant 64 : index
          %swap3A_349 = tpu.vector_load %arg10[%swap3A_347, %swap3A_348] {strides = array<i32>} : memref<240x128xf32, #tpu.memory_space<vmem>>, vector<1x16xf32>,
          %swap3A_350 = vector.shape_cast %swap3A_349 : vector<1x16xf32> to vector<16xf32>
          %swap3A_351 = vector.shape_cast %mul3A_346 : vector<16xf32> to vector<1x16xf32>
          tpu.vector_store %arg10[%swap3A_347, %swap3A_348], %swap3A_351 {strides = array<i32>} : memref<240x128xf32, #tpu.memory_space<vmem>>, vector<1x16xf32>,
          %get3A_352 = arith.index_cast %add3A_294 : i32 to index
          %get3A_353 = arith.constant 80 : index
          %get3A_354 = tpu.vector_load %arg10[%get3A_352, %get3A_353] {strides = array<i32>} : memref<240x128xf32, #tpu.memory_space<vmem>>, vector<1x16xf32>,
          %get3A_355 = vector.shape_cast %get3A_354 : vector<1x16xf32> to vector<16xf32>
          %mul3A_356 = vector.broadcast %squeeze3A_296 : f32 to vector<16xf32>
          %mul3A_357 = arith.mulf %get3A_355, %mul3A_356 : vector<16xf32>
          %swap3A_358 = arith.index_cast %add3A_294 : i32 to index
          %swap3A_359 = arith.constant 80 : index
          %swap3A_360 = tpu.vector_load %arg10[%swap3A_358, %swap3A_359] {strides = array<i32>} : memref<240x128xf32, #tpu.memory_space<vmem>>, vector<1x16xf32>,
          %swap3A_361 = vector.shape_cast %swap3A_360 : vector<1x16xf32> to vector<16xf32>
          %swap3A_362 = vector.shape_cast %mul3A_357 : vector<16xf32> to vector<1x16xf32>
          tpu.vector_store %arg10[%swap3A_358, %swap3A_359], %swap3A_362 {strides = array<i32>} : memref<240x128xf32, #tpu.memory_space<vmem>>, vector<1x16xf32>,
          %get3A_363 = arith.index_cast %add3A_294 : i32 to index
          %get3A_364 = arith.constant 96 : index
          %get3A_365 = tpu.vector_load %arg10[%get3A_363, %get3A_364] {strides = array<i32>} : memref<240x128xf32, #tpu.memory_space<vmem>>, vector<1x16xf32>,
          %get3A_366 = vector.shape_cast %get3A_365 : vector<1x16xf32> to vector<16xf32>
          %mul3A_367 = vector.broadcast %squeeze3A_296 : f32 to vector<16xf32>
          %mul3A_368 = arith.mulf %get3A_366, %mul3A_367 : vector<16xf32>
          %swap3A_369 = arith.index_cast %add3A_294 : i32 to index
          %swap3A_370 = arith.constant 96 : index
          %swap3A_371 = tpu.vector_load %arg10[%swap3A_369, %swap3A_370] {strides = array<i32>} : memref<240x128xf32, #tpu.memory_space<vmem>>, vector<1x16xf32>,
          %swap3A_372 = vector.shape_cast %swap3A_371 : vector<1x16xf32> to vector<16xf32>
          %swap3A_373 = vector.shape_cast %mul3A_368 : vector<16xf32> to vector<1x16xf32>
          tpu.vector_store %arg10[%swap3A_369, %swap3A_370], %swap3A_373 {strides = array<i32>} : memref<240x128xf32, #tpu.memory_space<vmem>>, vector<1x16xf32>,
          %get3A_374 = arith.index_cast %add3A_294 : i32 to index
          %get3A_375 = arith.constant 112 : index
          %get3A_376 = tpu.vector_load %arg10[%get3A_374, %get3A_375] {strides = array<i32>} : memref<240x128xf32, #tpu.memory_space<vmem>>, vector<1x16xf32>,
          %get3A_377 = vector.shape_cast %get3A_376 : vector<1x16xf32> to vector<16xf32>
          %mul3A_378 = vector.broadcast %squeeze3A_296 : f32 to vector<16xf32>
          %mul3A_379 = arith.mulf %get3A_377, %mul3A_378 : vector<16xf32>
          %swap3A_380 = arith.index_cast %add3A_294 : i32 to index
          %swap3A_381 = arith.constant 112 : index
          %swap3A_382 = tpu.vector_load %arg10[%swap3A_380, %swap3A_381] {strides = array<i32>} : memref<240x128xf32, #tpu.memory_space<vmem>>, vector<1x16xf32>,
          %swap3A_383 = vector.shape_cast %swap3A_382 : vector<1x16xf32> to vector<16xf32>
          %swap3A_384 = vector.shape_cast %mul3A_379 : vector<16xf32> to vector<1x16xf32>
          tpu.vector_store %arg10[%swap3A_380, %swap3A_381], %swap3A_384 {strides = array<i32>} : memref<240x128xf32, #tpu.memory_space<vmem>>, vector<1x16xf32>,
          %mul3A_385 = arith.constant 16 : i32
          %mul3A_386 = arith.muli %scan3A_193, %mul3A_385 : i32
          %add3A_387 = arith.constant 2 : i32
          %add3A_388 = arith.addi %mul3A_386, %add3A_387 : i32
          %slice3A_389 = vector.extract_strided_slice %get3A_198 {offsets = [2], sizes = [1], strides = [1]} : vector<16xf32> to vector<1xf32>
          %squeeze3A_390 = vector.extract %slice3A_389[0] : f32 from vector<1xf32>
          %get3A_391 = arith.index_cast %add3A_388 : i32 to index
          %get3A_392 = arith.constant 0 : index
          %get3A_393 = tpu.vector_load %arg10[%get3A_391, %get3A_392] {strides = array<i32>} : memref<240x128xf32, #tpu.memory_space<vmem>>, vector<1x16xf32>,
          %get3A_394 = vector.shape_cast %get3A_393 : vector<1x16xf32> to vector<16xf32>
          %mul3A_395 = vector.broadcast %squeeze3A_390 : f32 to vector<16xf32>
          %mul3A_396 = arith.mulf %get3A_394, %mul3A_395 : vector<16xf32>
          %swap3A_397 = arith.index_cast %add3A_388 : i32 to index
          %swap3A_398 = arith.constant 0 : index
          %swap3A_399 = tpu.vector_load %arg10[%swap3A_397, %swap3A_398] {strides = array<i32>} : memref<240x128xf32, #tpu.memory_space<vmem>>, vector<1x16xf32>,
          %swap3A_400 = vector.shape_cast %swap3A_399 : vector<1x16xf32> to vector<16xf32>
          %swap3A_401 = vector.shape_cast %mul3A_396 : vector<16xf32> to vector<1x16xf32>
          tpu.vector_store %arg10[%swap3A_397, %swap3A_398], %swap3A_401 {strides = array<i32>} : memref<240x128xf32, #tpu.memory_space<vmem>>, vector<1x16xf32>,
          %get3A_402 = arith.index_cast %add3A_388 : i32 to index
          %get3A_403 = arith.constant 16 : index
          %get3A_404 = tpu.vector_load %arg10[%get3A_402, %get3A_403] {strides = array<i32>} : memref<240x128xf32, #tpu.memory_space<vmem>>, vector<1x16xf32>,
          %get3A_405 = vector.shape_cast %get3A_404 : vector<1x16xf32> to vector<16xf32>
          %mul3A_406 = vector.broadcast %squeeze3A_390 : f32 to vector<16xf32>
          %mul3A_407 = arith.mulf %get3A_405, %mul3A_406 : vector<16xf32>
          %swap3A_408 = arith.index_cast %add3A_388 : i32 to index
          %swap3A_409 = arith.constant 16 : index
          %swap3A_410 = tpu.vector_load %arg10[%swap3A_408, %swap3A_409] {strides = array<i32>} : memref<240x128xf32, #tpu.memory_space<vmem>>, vector<1x16xf32>,
          %swap3A_411 = vector.shape_cast %swap3A_410 : vector<1x16xf32> to vector<16xf32>
          %swap3A_412 = vector.shape_cast %mul3A_407 : vector<16xf32> to vector<1x16xf32>
          tpu.vector_store %arg10[%swap3A_408, %swap3A_409], %swap3A_412 {strides = array<i32>} : memref<240x128xf32, #tpu.memory_space<vmem>>, vector<1x16xf32>,
          %get3A_413 = arith.index_cast %add3A_388 : i32 to index
          %get3A_414 = arith.constant 32 : index
          %get3A_415 = tpu.vector_load %arg10[%get3A_413, %get3A_414] {strides = array<i32>} : memref<240x128xf32, #tpu.memory_space<vmem>>, vector<1x16xf32>,
          %get3A_416 = vector.shape_cast %get3A_415 : vector<1x16xf32> to vector<16xf32>
          %mul3A_417 = vector.broadcast %squeeze3A_390 : f32 to vector<16xf32>
          %mul3A_418 = arith.mulf %get3A_416, %mul3A_417 : vector<16xf32>
          %swap3A_419 = arith.index_cast %add3A_388 : i32 to index
          %swap3A_420 = arith.constant 32 : index
          %swap3A_421 = tpu.vector_load %arg10[%swap3A_419, %swap3A_420] {strides = array<i32>} : memref<240x128xf32, #tpu.memory_space<vmem>>, vector<1x16xf32>,
          %swap3A_422 = vector.shape_cast %swap3A_421 : vector<1x16xf32> to vector<16xf32>
          %swap3A_423 = vector.shape_cast %mul3A_418 : vector<16xf32> to vector<1x16xf32>
          tpu.vector_store %arg10[%swap3A_419, %swap3A_420], %swap3A_423 {strides = array<i32>} : memref<240x128xf32, #tpu.memory_space<vmem>>, vector<1x16xf32>,
          %get3A_424 = arith.index_cast %add3A_388 : i32 to index
          %get3A_425 = arith.constant 48 : index
          %get3A_426 = tpu.vector_load %arg10[%get3A_424, %get3A_425] {strides = array<i32>} : memref<240x128xf32, #tpu.memory_space<vmem>>, vector<1x16xf32>,
          %get3A_427 = vector.shape_cast %get3A_426 : vector<1x16xf32> to vector<16xf32>
          %mul3A_428 = vector.broadcast %squeeze3A_390 : f32 to vector<16xf32>
          %mul3A_429 = arith.mulf %get3A_427, %mul3A_428 : vector<16xf32>
          %swap3A_430 = arith.index_cast %add3A_388 : i32 to index
          %swap3A_431 = arith.constant 48 : index
          %swap3A_432 = tpu.vector_load %arg10[%swap3A_430, %swap3A_431] {strides = array<i32>} : memref<240x128xf32, #tpu.memory_space<vmem>>, vector<1x16xf32>,
          %swap3A_433 = vector.shape_cast %swap3A_432 : vector<1x16xf32> to vector<16xf32>
          %swap3A_434 = vector.shape_cast %mul3A_429 : vector<16xf32> to vector<1x16xf32>
          tpu.vector_store %arg10[%swap3A_430, %swap3A_431], %swap3A_434 {strides = array<i32>} : memref<240x128xf32, #tpu.memory_space<vmem>>, vector<1x16xf32>,
          %get3A_435 = arith.index_cast %add3A_388 : i32 to index
          %get3A_436 = arith.constant 64 : index
          %get3A_437 = tpu.vector_load %arg10[%get3A_435, %get3A_436] {strides = array<i32>} : memref<240x128xf32, #tpu.memory_space<vmem>>, vector<1x16xf32>,
          %get3A_438 = vector.shape_cast %get3A_437 : vector<1x16xf32> to vector<16xf32>
          %mul3A_439 = vector.broadcast %squeeze3A_390 : f32 to vector<16xf32>
          %mul3A_440 = arith.mulf %get3A_438, %mul3A_439 : vector<16xf32>
          %swap3A_441 = arith.index_cast %add3A_388 : i32 to index
          %swap3A_442 = arith.constant 64 : index
          %swap3A_443 = tpu.vector_load %arg10[%swap3A_441, %swap3A_442] {strides = array<i32>} : memref<240x128xf32, #tpu.memory_space<vmem>>, vector<1x16xf32>,
          %swap3A_444 = vector.shape_cast %swap3A_443 : vector<1x16xf32> to vector<16xf32>
          %swap3A_445 = vector.shape_cast %mul3A_440 : vector<16xf32> to vector<1x16xf32>
          tpu.vector_store %arg10[%swap3A_441, %swap3A_442], %swap3A_445 {strides = array<i32>} : memref<240x128xf32, #tpu.memory_space<vmem>>, vector<1x16xf32>,
          %get3A_446 = arith.index_cast %add3A_388 : i32 to index
          %get3A_447 = arith.constant 80 : index
          %get3A_448 = tpu.vector_load %arg10[%get3A_446, %get3A_447] {strides = array<i32>} : memref<240x128xf32, #tpu.memory_space<vmem>>, vector<1x16xf32>,
          %get3A_449 = vector.shape_cast %get3A_448 : vector<1x16xf32> to vector<16xf32>
          %mul3A_450 = vector.broadcast %squeeze3A_390 : f32 to vector<16xf32>
          %mul3A_451 = arith.mulf %get3A_449, %mul3A_450 : vector<16xf32>
          %swap3A_452 = arith.index_cast %add3A_388 : i32 to index
          %swap3A_453 = arith.constant 80 : index
          %swap3A_454 = tpu.vector_load %arg10[%swap3A_452, %swap3A_453] {strides = array<i32>} : memref<240x128xf32, #tpu.memory_space<vmem>>, vector<1x16xf32>,
          %swap3A_455 = vector.shape_cast %swap3A_454 : vector<1x16xf32> to vector<16xf32>
          %swap3A_456 = vector.shape_cast %mul3A_451 : vector<16xf32> to vector<1x16xf32>
          tpu.vector_store %arg10[%swap3A_452, %swap3A_453], %swap3A_456 {strides = array<i32>} : memref<240x128xf32, #tpu.memory_space<vmem>>, vector<1x16xf32>,
          %get3A_457 = arith.index_cast %add3A_388 : i32 to index
          %get3A_458 = arith.constant 96 : index
          %get3A_459 = tpu.vector_load %arg10[%get3A_457, %get3A_458] {strides = array<i32>} : memref<240x128xf32, #tpu.memory_space<vmem>>, vector<1x16xf32>,
          %get3A_460 = vector.shape_cast %get3A_459 : vector<1x16xf32> to vector<16xf32>
          %mul3A_461 = vector.broadcast %squeeze3A_390 : f32 to vector<16xf32>
          %mul3A_462 = arith.mulf %get3A_460, %mul3A_461 : vector<16xf32>
          %swap3A_463 = arith.index_cast %add3A_388 : i32 to index
          %swap3A_464 = arith.constant 96 : index
          %swap3A_465 = tpu.vector_load %arg10[%swap3A_463, %swap3A_464] {strides = array<i32>} : memref<240x128xf32, #tpu.memory_space<vmem>>, vector<1x16xf32>,
          %swap3A_466 = vector.shape_cast %swap3A_465 : vector<1x16xf32> to vector<16xf32>
          %swap3A_467 = vector.shape_cast %mul3A_462 : vector<16xf32> to vector<1x16xf32>
          tpu.vector_store %arg10[%swap3A_463, %swap3A_464], %swap3A_467 {strides = array<i32>} : memref<240x128xf32, #tpu.memory_space<vmem>>, vector<1x16xf32>,
          %get3A_468 = arith.index_cast %add3A_388 : i32 to index
          %get3A_469 = arith.constant 112 : index
          %get3A_470 = tpu.vector_load %arg10[%get3A_468, %get3A_469] {strides = array<i32>} : memref<240x128xf32, #tpu.memory_space<vmem>>, vector<1x16xf32>,
          %get3A_471 = vector.shape_cast %get3A_470 : vector<1x16xf32> to vector<16xf32>
          %mul3A_472 = vector.broadcast %squeeze3A_390 : f32 to vector<16xf32>
          %mul3A_473 = arith.mulf %get3A_471, %mul3A_472 : vector<16xf32>
          %swap3A_474 = arith.index_cast %add3A_388 : i32 to index
          %swap3A_475 = arith.constant 112 : index
          %swap3A_476 = tpu.vector_load %arg10[%swap3A_474, %swap3A_475] {strides = array<i32>} : memref<240x128xf32, #tpu.memory_space<vmem>>, vector<1x16xf32>,
          %swap3A_477 = vector.shape_cast %swap3A_476 : vector<1x16xf32> to vector<16xf32>
          %swap3A_478 = vector.shape_cast %mul3A_473 : vector<16xf32> to vector<1x16xf32>
          tpu.vector_store %arg10[%swap3A_474, %swap3A_475], %swap3A_478 {strides = array<i32>} : memref<240x128xf32, #tpu.memory_space<vmem>>, vector<1x16xf32>,
          %mul3A_479 = arith.constant 16 : i32
          %mul3A_480 = arith.muli %scan3A_193, %mul3A_479 : i32
          %add3A_481 = arith.constant 3 : i32
          %add3A_482 = arith.addi %mul3A_480, %add3A_481 : i32
          %slice3A_483 = vector.extract_strided_slice %get3A_198 {offsets = [3], sizes = [1], strides = [1]} : vector<16xf32> to vector<1xf32>
          %squeeze3A_484 = vector.extract %slice3A_483[0] : f32 from vector<1xf32>
          %get3A_485 = arith.index_cast %add3A_482 : i32 to index
          %get3A_486 = arith.constant 0 : index
          %get3A_487 = tpu.vector_load %arg10[%get3A_485, %get3A_486] {strides = array<i32>} : memref<240x128xf32, #tpu.memory_space<vmem>>, vector<1x16xf32>,
          %get3A_488 = vector.shape_cast %get3A_487 : vector<1x16xf32> to vector<16xf32>
          %mul3A_489 = vector.broadcast %squeeze3A_484 : f32 to vector<16xf32>
          %mul3A_490 = arith.mulf %get3A_488, %mul3A_489 : vector<16xf32>
          %swap3A_491 = arith.index_cast %add3A_482 : i32 to index
          %swap3A_492 = arith.constant 0 : index
          %swap3A_493 = tpu.vector_load %arg10[%swap3A_491, %swap3A_492] {strides = array<i32>} : memref<240x128xf32, #tpu.memory_space<vmem>>, vector<1x16xf32>,
          %swap3A_494 = vector.shape_cast %swap3A_493 : vector<1x16xf32> to vector<16xf32>
          %swap3A_495 = vector.shape_cast %mul3A_490 : vector<16xf32> to vector<1x16xf32>
          tpu.vector_store %arg10[%swap3A_491, %swap3A_492], %swap3A_495 {strides = array<i32>} : memref<240x128xf32, #tpu.memory_space<vmem>>, vector<1x16xf32>,
          %get3A_496 = arith.index_cast %add3A_482 : i32 to index
          %get3A_497 = arith.constant 16 : index
          %get3A_498 = tpu.vector_load %arg10[%get3A_496, %get3A_497] {strides = array<i32>} : memref<240x128xf32, #tpu.memory_space<vmem>>, vector<1x16xf32>,
          %get3A_499 = vector.shape_cast %get3A_498 : vector<1x16xf32> to vector<16xf32>
          %mul3A_500 = vector.broadcast %squeeze3A_484 : f32 to vector<16xf32>
          %mul3A_501 = arith.mulf %get3A_499, %mul3A_500 : vector<16xf32>
          %swap3A_502 = arith.index_cast %add3A_482 : i32 to index
          %swap3A_503 = arith.constant 16 : index
          %swap3A_504 = tpu.vector_load %arg10[%swap3A_502, %swap3A_503] {strides = array<i32>} : memref<240x128xf32, #tpu.memory_space<vmem>>, vector<1x16xf32>,
          %swap3A_505 = vector.shape_cast %swap3A_504 : vector<1x16xf32> to vector<16xf32>
          %swap3A_506 = vector.shape_cast %mul3A_501 : vector<16xf32> to vector<1x16xf32>
          tpu.vector_store %arg10[%swap3A_502, %swap3A_503], %swap3A_506 {strides = array<i32>} : memref<240x128xf32, #tpu.memory_space<vmem>>, vector<1x16xf32>,
          %get3A_507 = arith.index_cast %add3A_482 : i32 to index
          %get3A_508 = arith.constant 32 : index
          %get3A_509 = tpu.vector_load %arg10[%get3A_507, %get3A_508] {strides = array<i32>} : memref<240x128xf32, #tpu.memory_space<vmem>>, vector<1x16xf32>,
          %get3A_510 = vector.shape_cast %get3A_509 : vector<1x16xf32> to vector<16xf32>
          %mul3A_511 = vector.broadcast %squeeze3A_484 : f32 to vector<16xf32>
          %mul3A_512 = arith.mulf %get3A_510, %mul3A_511 : vector<16xf32>
          %swap3A_513 = arith.index_cast %add3A_482 : i32 to index
          %swap3A_514 = arith.constant 32 : index
          %swap3A_515 = tpu.vector_load %arg10[%swap3A_513, %swap3A_514] {strides = array<i32>} : memref<240x128xf32, #tpu.memory_space<vmem>>, vector<1x16xf32>,
          %swap3A_516 = vector.shape_cast %swap3A_515 : vector<1x16xf32> to vector<16xf32>
          %swap3A_517 = vector.shape_cast %mul3A_512 : vector<16xf32> to vector<1x16xf32>
          tpu.vector_store %arg10[%swap3A_513, %swap3A_514], %swap3A_517 {strides = array<i32>} : memref<240x128xf32, #tpu.memory_space<vmem>>, vector<1x16xf32>,
          %get3A_518 = arith.index_cast %add3A_482 : i32 to index
          %get3A_519 = arith.constant 48 : index
          %get3A_520 = tpu.vector_load %arg10[%get3A_518, %get3A_519] {strides = array<i32>} : memref<240x128xf32, #tpu.memory_space<vmem>>, vector<1x16xf32>,
          %get3A_521 = vector.shape_cast %get3A_520 : vector<1x16xf32> to vector<16xf32>
          %mul3A_522 = vector.broadcast %squeeze3A_484 : f32 to vector<16xf32>
          %mul3A_523 = arith.mulf %get3A_521, %mul3A_522 : vector<16xf32>
          %swap3A_524 = arith.index_cast %add3A_482 : i32 to index
          %swap3A_525 = arith.constant 48 : index
          %swap3A_526 = tpu.vector_load %arg10[%swap3A_524, %swap3A_525] {strides = array<i32>} : memref<240x128xf32, #tpu.memory_space<vmem>>, vector<1x16xf32>,
          %swap3A_527 = vector.shape_cast %swap3A_526 : vector<1x16xf32> to vector<16xf32>
          %swap3A_528 = vector.shape_cast %mul3A_523 : vector<16xf32> to vector<1x16xf32>
          tpu.vector_store %arg10[%swap3A_524, %swap3A_525], %swap3A_528 {strides = array<i32>} : memref<240x128xf32, #tpu.memory_space<vmem>>, vector<1x16xf32>,
          %get3A_529 = arith.index_cast %add3A_482 : i32 to index
          %get3A_530 = arith.constant 64 : index
          %get3A_531 = tpu.vector_load %arg10[%get3A_529, %get3A_530] {strides = array<i32>} : memref<240x128xf32, #tpu.memory_space<vmem>>, vector<1x16xf32>,
          %get3A_532 = vector.shape_cast %get3A_531 : vector<1x16xf32> to vector<16xf32>
          %mul3A_533 = vector.broadcast %squeeze3A_484 : f32 to vector<16xf32>
          %mul3A_534 = arith.mulf %get3A_532, %mul3A_533 : vector<16xf32>
          %swap3A_535 = arith.index_cast %add3A_482 : i32 to index
          %swap3A_536 = arith.constant 64 : index
          %swap3A_537 = tpu.vector_load %arg10[%swap3A_535, %swap3A_536] {strides = array<i32>} : memref<240x128xf32, #tpu.memory_space<vmem>>, vector<1x16xf32>,
          %swap3A_538 = vector.shape_cast %swap3A_537 : vector<1x16xf32> to vector<16xf32>
          %swap3A_539 = vector.shape_cast %mul3A_534 : vector<16xf32> to vector<1x16xf32>
          tpu.vector_store %arg10[%swap3A_535, %swap3A_536], %swap3A_539 {strides = array<i32>} : memref<240x128xf32, #tpu.memory_space<vmem>>, vector<1x16xf32>,
          %get3A_540 = arith.index_cast %add3A_482 : i32 to index
          %get3A_541 = arith.constant 80 : index
          %get3A_542 = tpu.vector_load %arg10[%get3A_540, %get3A_541] {strides = array<i32>} : memref<240x128xf32, #tpu.memory_space<vmem>>, vector<1x16xf32>,
          %get3A_543 = vector.shape_cast %get3A_542 : vector<1x16xf32> to vector<16xf32>
          %mul3A_544 = vector.broadcast %squeeze3A_484 : f32 to vector<16xf32>
          %mul3A_545 = arith.mulf %get3A_543, %mul3A_544 : vector<16xf32>
          %swap3A_546 = arith.index_cast %add3A_482 : i32 to index
          %swap3A_547 = arith.constant 80 : index
          %swap3A_548 = tpu.vector_load %arg10[%swap3A_546, %swap3A_547] {strides = array<i32>} : memref<240x128xf32, #tpu.memory_space<vmem>>, vector<1x16xf32>,
          %swap3A_549 = vector.shape_cast %swap3A_548 : vector<1x16xf32> to vector<16xf32>
          %swap3A_550 = vector.shape_cast %mul3A_545 : vector<16xf32> to vector<1x16xf32>
          tpu.vector_store %arg10[%swap3A_546, %swap3A_547], %swap3A_550 {strides = array<i32>} : memref<240x128xf32, #tpu.memory_space<vmem>>, vector<1x16xf32>,
          %get3A_551 = arith.index_cast %add3A_482 : i32 to index
          %get3A_552 = arith.constant 96 : index
          %get3A_553 = tpu.vector_load %arg10[%get3A_551, %get3A_552] {strides = array<i32>} : memref<240x128xf32, #tpu.memory_space<vmem>>, vector<1x16xf32>,
          %get3A_554 = vector.shape_cast %get3A_553 : vector<1x16xf32> to vector<16xf32>
          %mul3A_555 = vector.broadcast %squeeze3A_484 : f32 to vector<16xf32>
          %mul3A_556 = arith.mulf %get3A_554, %mul3A_555 : vector<16xf32>
          %swap3A_557 = arith.index_cast %add3A_482 : i32 to index
          %swap3A_558 = arith.constant 96 : index
          %swap3A_559 = tpu.vector_load %arg10[%swap3A_557, %swap3A_558] {strides = array<i32>} : memref<240x128xf32, #tpu.memory_space<vmem>>, vector<1x16xf32>,
          %swap3A_560 = vector.shape_cast %swap3A_559 : vector<1x16xf32> to vector<16xf32>
          %swap3A_561 = vector.shape_cast %mul3A_556 : vector<16xf32> to vector<1x16xf32>
          tpu.vector_store %arg10[%swap3A_557, %swap3A_558], %swap3A_561 {strides = array<i32>} : memref<240x128xf32, #tpu.memory_space<vmem>>, vector<1x16xf32>,
          %get3A_562 = arith.index_cast %add3A_482 : i32 to index
          %get3A_563 = arith.constant 112 : index
          %get3A_564 = tpu.vector_load %arg10[%get3A_562, %get3A_563] {strides = array<i32>} : memref<240x128xf32, #tpu.memory_space<vmem>>, vector<1x16xf32>,
          %get3A_565 = vector.shape_cast %get3A_564 : vector<1x16xf32> to vector<16xf32>
          %mul3A_566 = vector.broadcast %squeeze3A_484 : f32 to vector<16xf32>
          %mul3A_567 = arith.mulf %get3A_565, %mul3A_566 : vector<16xf32>
          %swap3A_568 = arith.index_cast %add3A_482 : i32 to index
          %swap3A_569 = arith.constant 112 : index
          %swap3A_570 = tpu.vector_load %arg10[%swap3A_568, %swap3A_569] {strides = array<i32>} : memref<240x128xf32, #tpu.memory_space<vmem>>, vector<1x16xf32>,
          %swap3A_571 = vector.shape_cast %swap3A_570 : vector<1x16xf32> to vector<16xf32>
          %swap3A_572 = vector.shape_cast %mul3A_567 : vector<16xf32> to vector<1x16xf32>
          tpu.vector_store %arg10[%swap3A_568, %swap3A_569], %swap3A_572 {strides = array<i32>} : memref<240x128xf32, #tpu.memory_space<vmem>>, vector<1x16xf32>,
          %mul3A_573 = arith.constant 16 : i32
          %mul3A_574 = arith.muli %scan3A_193, %mul3A_573 : i32
          %add3A_575 = arith.constant 4 : i32
          %add3A_576 = arith.addi %mul3A_574, %add3A_575 : i32
          %slice3A_577 = vector.extract_strided_slice %get3A_198 {offsets = [4], sizes = [1], strides = [1]} : vector<16xf32> to vector<1xf32>
          %squeeze3A_578 = vector.extract %slice3A_577[0] : f32 from vector<1xf32>
          %get3A_579 = arith.index_cast %add3A_576 : i32 to index
          %get3A_580 = arith.constant 0 : index
          %get3A_581 = tpu.vector_load %arg10[%get3A_579, %get3A_580] {strides = array<i32>} : memref<240x128xf32, #tpu.memory_space<vmem>>, vector<1x16xf32>,
          %get3A_582 = vector.shape_cast %get3A_581 : vector<1x16xf32> to vector<16xf32>
          %mul3A_583 = vector.broadcast %squeeze3A_578 : f32 to vector<16xf32>
          %mul3A_584 = arith.mulf %get3A_582, %mul3A_583 : vector<16xf32>
          %swap3A_585 = arith.index_cast %add3A_576 : i32 to index
          %swap3A_586 = arith.constant 0 : index
          %swap3A_587 = tpu.vector_load %arg10[%swap3A_585, %swap3A_586] {strides = array<i32>} : memref<240x128xf32, #tpu.memory_space<vmem>>, vector<1x16xf32>,
          %swap3A_588 = vector.shape_cast %swap3A_587 : vector<1x16xf32> to vector<16xf32>
          %swap3A_589 = vector.shape_cast %mul3A_584 : vector<16xf32> to vector<1x16xf32>
          tpu.vector_store %arg10[%swap3A_585, %swap3A_586], %swap3A_589 {strides = array<i32>} : memref<240x128xf32, #tpu.memory_space<vmem>>, vector<1x16xf32>,
          %get3A_590 = arith.index_cast %add3A_576 : i32 to index
          %get3A_591 = arith.constant 16 : index
          %get3A_592 = tpu.vector_load %arg10[%get3A_590, %get3A_591] {strides = array<i32>} : memref<240x128xf32, #tpu.memory_space<vmem>>, vector<1x16xf32>,
          %get3A_593 = vector.shape_cast %get3A_592 : vector<1x16xf32> to vector<16xf32>
          %mul3A_594 = vector.broadcast %squeeze3A_578 : f32 to vector<16xf32>
          %mul3A_595 = arith.mulf %get3A_593, %mul3A_594 : vector<16xf32>
          %swap3A_596 = arith.index_cast %add3A_576 : i32 to index
          %swap3A_597 = arith.constant 16 : index
          %swap3A_598 = tpu.vector_load %arg10[%swap3A_596, %swap3A_597] {strides = array<i32>} : memref<240x128xf32, #tpu.memory_space<vmem>>, vector<1x16xf32>,
          %swap3A_599 = vector.shape_cast %swap3A_598 : vector<1x16xf32> to vector<16xf32>
          %swap3A_600 = vector.shape_cast %mul3A_595 : vector<16xf32> to vector<1x16xf32>
          tpu.vector_store %arg10[%swap3A_596, %swap3A_597], %swap3A_600 {strides = array<i32>} : memref<240x128xf32, #tpu.memory_space<vmem>>, vector<1x16xf32>,
          %get3A_601 = arith.index_cast %add3A_576 : i32 to index
          %get3A_602 = arith.constant 32 : index
          %get3A_603 = tpu.vector_load %arg10[%get3A_601, %get3A_602] {strides = array<i32>} : memref<240x128xf32, #tpu.memory_space<vmem>>, vector<1x16xf32>,
          %get3A_604 = vector.shape_cast %get3A_603 : vector<1x16xf32> to vector<16xf32>
          %mul3A_605 = vector.broadcast %squeeze3A_578 : f32 to vector<16xf32>
          %mul3A_606 = arith.mulf %get3A_604, %mul3A_605 : vector<16xf32>
          %swap3A_607 = arith.index_cast %add3A_576 : i32 to index
          %swap3A_608 = arith.constant 32 : index
          %swap3A_609 = tpu.vector_load %arg10[%swap3A_607, %swap3A_608] {strides = array<i32>} : memref<240x128xf32, #tpu.memory_space<vmem>>, vector<1x16xf32>,
          %swap3A_610 = vector.shape_cast %swap3A_609 : vector<1x16xf32> to vector<16xf32>
          %swap3A_611 = vector.shape_cast %mul3A_606 : vector<16xf32> to vector<1x16xf32>
          tpu.vector_store %arg10[%swap3A_607, %swap3A_608], %swap3A_611 {strides = array<i32>} : memref<240x128xf32, #tpu.memory_space<vmem>>, vector<1x16xf32>,
          %get3A_612 = arith.index_cast %add3A_576 : i32 to index
          %get3A_613 = arith.constant 48 : index
          %get3A_614 = tpu.vector_load %arg10[%get3A_612, %get3A_613] {strides = array<i32>} : memref<240x128xf32, #tpu.memory_space<vmem>>, vector<1x16xf32>,
          %get3A_615 = vector.shape_cast %get3A_614 : vector<1x16xf32> to vector<16xf32>
          %mul3A_616 = vector.broadcast %squeeze3A_578 : f32 to vector<16xf32>
          %mul3A_617 = arith.mulf %get3A_615, %mul3A_616 : vector<16xf32>
          %swap3A_618 = arith.index_cast %add3A_576 : i32 to index
          %swap3A_619 = arith.constant 48 : index
          %swap3A_620 = tpu.vector_load %arg10[%swap3A_618, %swap3A_619] {strides = array<i32>} : memref<240x128xf32, #tpu.memory_space<vmem>>, vector<1x16xf32>,
          %swap3A_621 = vector.shape_cast %swap3A_620 : vector<1x16xf32> to vector<16xf32>
          %swap3A_622 = vector.shape_cast %mul3A_617 : vector<16xf32> to vector<1x16xf32>
          tpu.vector_store %arg10[%swap3A_618, %swap3A_619], %swap3A_622 {strides = array<i32>} : memref<240x128xf32, #tpu.memory_space<vmem>>, vector<1x16xf32>,
          %get3A_623 = arith.index_cast %add3A_576 : i32 to index
          %get3A_624 = arith.constant 64 : index
          %get3A_625 = tpu.vector_load %arg10[%get3A_623, %get3A_624] {strides = array<i32>} : memref<240x128xf32, #tpu.memory_space<vmem>>, vector<1x16xf32>,
          %get3A_626 = vector.shape_cast %get3A_625 : vector<1x16xf32> to vector<16xf32>
          %mul3A_627 = vector.broadcast %squeeze3A_578 : f32 to vector<16xf32>
          %mul3A_628 = arith.mulf %get3A_626, %mul3A_627 : vector<16xf32>
          %swap3A_629 = arith.index_cast %add3A_576 : i32 to index
          %swap3A_630 = arith.constant 64 : index
          %swap3A_631 = tpu.vector_load %arg10[%swap3A_629, %swap3A_630] {strides = array<i32>} : memref<240x128xf32, #tpu.memory_space<vmem>>, vector<1x16xf32>,
          %swap3A_632 = vector.shape_cast %swap3A_631 : vector<1x16xf32> to vector<16xf32>
          %swap3A_633 = vector.shape_cast %mul3A_628 : vector<16xf32> to vector<1x16xf32>
          tpu.vector_store %arg10[%swap3A_629, %swap3A_630], %swap3A_633 {strides = array<i32>} : memref<240x128xf32, #tpu.memory_space<vmem>>, vector<1x16xf32>,
          %get3A_634 = arith.index_cast %add3A_576 : i32 to index
          %get3A_635 = arith.constant 80 : index
          %get3A_636 = tpu.vector_load %arg10[%get3A_634, %get3A_635] {strides = array<i32>} : memref<240x128xf32, #tpu.memory_space<vmem>>, vector<1x16xf32>,
          %get3A_637 = vector.shape_cast %get3A_636 : vector<1x16xf32> to vector<16xf32>
          %mul3A_638 = vector.broadcast %squeeze3A_578 : f32 to vector<16xf32>
          %mul3A_639 = arith.mulf %get3A_637, %mul3A_638 : vector<16xf32>
          %swap3A_640 = arith.index_cast %add3A_576 : i32 to index
          %swap3A_641 = arith.constant 80 : index
          %swap3A_642 = tpu.vector_load %arg10[%swap3A_640, %swap3A_641] {strides = array<i32>} : memref<240x128xf32, #tpu.memory_space<vmem>>, vector<1x16xf32>,
          %swap3A_643 = vector.shape_cast %swap3A_642 : vector<1x16xf32> to vector<16xf32>
          %swap3A_644 = vector.shape_cast %mul3A_639 : vector<16xf32> to vector<1x16xf32>
          tpu.vector_store %arg10[%swap3A_640, %swap3A_641], %swap3A_644 {strides = array<i32>} : memref<240x128xf32, #tpu.memory_space<vmem>>, vector<1x16xf32>,
          %get3A_645 = arith.index_cast %add3A_576 : i32 to index
          %get3A_646 = arith.constant 96 : index
          %get3A_647 = tpu.vector_load %arg10[%get3A_645, %get3A_646] {strides = array<i32>} : memref<240x128xf32, #tpu.memory_space<vmem>>, vector<1x16xf32>,
          %get3A_648 = vector.shape_cast %get3A_647 : vector<1x16xf32> to vector<16xf32>
          %mul3A_649 = vector.broadcast %squeeze3A_578 : f32 to vector<16xf32>
          %mul3A_650 = arith.mulf %get3A_648, %mul3A_649 : vector<16xf32>
          %swap3A_651 = arith.index_cast %add3A_576 : i32 to index
          %swap3A_652 = arith.constant 96 : index
          %swap3A_653 = tpu.vector_load %arg10[%swap3A_651, %swap3A_652] {strides = array<i32>} : memref<240x128xf32, #tpu.memory_space<vmem>>, vector<1x16xf32>,
          %swap3A_654 = vector.shape_cast %swap3A_653 : vector<1x16xf32> to vector<16xf32>
          %swap3A_655 = vector.shape_cast %mul3A_650 : vector<16xf32> to vector<1x16xf32>
          tpu.vector_store %arg10[%swap3A_651, %swap3A_652], %swap3A_655 {strides = array<i32>} : memref<240x128xf32, #tpu.memory_space<vmem>>, vector<1x16xf32>,
          %get3A_656 = arith.index_cast %add3A_576 : i32 to index
          %get3A_657 = arith.constant 112 : index
          %get3A_658 = tpu.vector_load %arg10[%get3A_656, %get3A_657] {strides = array<i32>} : memref<240x128xf32, #tpu.memory_space<vmem>>, vector<1x16xf32>,
          %get3A_659 = vector.shape_cast %get3A_658 : vector<1x16xf32> to vector<16xf32>
          %mul3A_660 = vector.broadcast %squeeze3A_578 : f32 to vector<16xf32>
          %mul3A_661 = arith.mulf %get3A_659, %mul3A_660 : vector<16xf32>
          %swap3A_662 = arith.index_cast %add3A_576 : i32 to index
          %swap3A_663 = arith.constant 112 : index
          %swap3A_664 = tpu.vector_load %arg10[%swap3A_662, %swap3A_663] {strides = array<i32>} : memref<240x128xf32, #tpu.memory_space<vmem>>, vector<1x16xf32>,
          %swap3A_665 = vector.shape_cast %swap3A_664 : vector<1x16xf32> to vector<16xf32>
          %swap3A_666 = vector.shape_cast %mul3A_661 : vector<16xf32> to vector<1x16xf32>
          tpu.vector_store %arg10[%swap3A_662, %swap3A_663], %swap3A_666 {strides = array<i32>} : memref<240x128xf32, #tpu.memory_space<vmem>>, vector<1x16xf32>,
          %mul3A_667 = arith.constant 16 : i32
          %mul3A_668 = arith.muli %scan3A_193, %mul3A_667 : i32
          %add3A_669 = arith.constant 5 : i32
          %add3A_670 = arith.addi %mul3A_668, %add3A_669 : i32
          %slice3A_671 = vector.extract_strided_slice %get3A_198 {offsets = [5], sizes = [1], strides = [1]} : vector<16xf32> to vector<1xf32>
          %squeeze3A_672 = vector.extract %slice3A_671[0] : f32 from vector<1xf32>
          %get3A_673 = arith.index_cast %add3A_670 : i32 to index
          %get3A_674 = arith.constant 0 : index
          %get3A_675 = tpu.vector_load %arg10[%get3A_673, %get3A_674] {strides = array<i32>} : memref<240x128xf32, #tpu.memory_space<vmem>>, vector<1x16xf32>,
          %get3A_676 = vector.shape_cast %get3A_675 : vector<1x16xf32> to vector<16xf32>
          %mul3A_677 = vector.broadcast %squeeze3A_672 : f32 to vector<16xf32>
          %mul3A_678 = arith.mulf %get3A_676, %mul3A_677 : vector<16xf32>
          %swap3A_679 = arith.index_cast %add3A_670 : i32 to index
          %swap3A_680 = arith.constant 0 : index
          %swap3A_681 = tpu.vector_load %arg10[%swap3A_679, %swap3A_680] {strides = array<i32>} : memref<240x128xf32, #tpu.memory_space<vmem>>, vector<1x16xf32>,
          %swap3A_682 = vector.shape_cast %swap3A_681 : vector<1x16xf32> to vector<16xf32>
          %swap3A_683 = vector.shape_cast %mul3A_678 : vector<16xf32> to vector<1x16xf32>
          tpu.vector_store %arg10[%swap3A_679, %swap3A_680], %swap3A_683 {strides = array<i32>} : memref<240x128xf32, #tpu.memory_space<vmem>>, vector<1x16xf32>,
          %get3A_684 = arith.index_cast %add3A_670 : i32 to index
          %get3A_685 = arith.constant 16 : index
          %get3A_686 = tpu.vector_load %arg10[%get3A_684, %get3A_685] {strides = array<i32>} : memref<240x128xf32, #tpu.memory_space<vmem>>, vector<1x16xf32>,
          %get3A_687 = vector.shape_cast %get3A_686 : vector<1x16xf32> to vector<16xf32>
          %mul3A_688 = vector.broadcast %squeeze3A_672 : f32 to vector<16xf32>
          %mul3A_689 = arith.mulf %get3A_687, %mul3A_688 : vector<16xf32>
          %swap3A_690 = arith.index_cast %add3A_670 : i32 to index
          %swap3A_691 = arith.constant 16 : index
          %swap3A_692 = tpu.vector_load %arg10[%swap3A_690, %swap3A_691] {strides = array<i32>} : memref<240x128xf32, #tpu.memory_space<vmem>>, vector<1x16xf32>,
          %swap3A_693 = vector.shape_cast %swap3A_692 : vector<1x16xf32> to vector<16xf32>
          %swap3A_694 = vector.shape_cast %mul3A_689 : vector<16xf32> to vector<1x16xf32>
          tpu.vector_store %arg10[%swap3A_690, %swap3A_691], %swap3A_694 {strides = array<i32>} : memref<240x128xf32, #tpu.memory_space<vmem>>, vector<1x16xf32>,
          %get3A_695 = arith.index_cast %add3A_670 : i32 to index
          %get3A_696 = arith.constant 32 : index
          %get3A_697 = tpu.vector_load %arg10[%get3A_695, %get3A_696] {strides = array<i32>} : memref<240x128xf32, #tpu.memory_space<vmem>>, vector<1x16xf32>,
          %get3A_698 = vector.shape_cast %get3A_697 : vector<1x16xf32> to vector<16xf32>
          %mul3A_699 = vector.broadcast %squeeze3A_672 : f32 to vector<16xf32>
          %mul3A_700 = arith.mulf %get3A_698, %mul3A_699 : vector<16xf32>
          %swap3A_701 = arith.index_cast %add3A_670 : i32 to index
          %swap3A_702 = arith.constant 32 : index
          %swap3A_703 = tpu.vector_load %arg10[%swap3A_701, %swap3A_702] {strides = array<i32>} : memref<240x128xf32, #tpu.memory_space<vmem>>, vector<1x16xf32>,
          %swap3A_704 = vector.shape_cast %swap3A_703 : vector<1x16xf32> to vector<16xf32>
          %swap3A_705 = vector.shape_cast %mul3A_700 : vector<16xf32> to vector<1x16xf32>
          tpu.vector_store %arg10[%swap3A_701, %swap3A_702], %swap3A_705 {strides = array<i32>} : memref<240x128xf32, #tpu.memory_space<vmem>>, vector<1x16xf32>,
          %get3A_706 = arith.index_cast %add3A_670 : i32 to index
          %get3A_707 = arith.constant 48 : index
          %get3A_708 = tpu.vector_load %arg10[%get3A_706, %get3A_707] {strides = array<i32>} : memref<240x128xf32, #tpu.memory_space<vmem>>, vector<1x16xf32>,
          %get3A_709 = vector.shape_cast %get3A_708 : vector<1x16xf32> to vector<16xf32>
          %mul3A_710 = vector.broadcast %squeeze3A_672 : f32 to vector<16xf32>
          %mul3A_711 = arith.mulf %get3A_709, %mul3A_710 : vector<16xf32>
          %swap3A_712 = arith.index_cast %add3A_670 : i32 to index
          %swap3A_713 = arith.constant 48 : index
          %swap3A_714 = tpu.vector_load %arg10[%swap3A_712, %swap3A_713] {strides = array<i32>} : memref<240x128xf32, #tpu.memory_space<vmem>>, vector<1x16xf32>,
          %swap3A_715 = vector.shape_cast %swap3A_714 : vector<1x16xf32> to vector<16xf32>
          %swap3A_716 = vector.shape_cast %mul3A_711 : vector<16xf32> to vector<1x16xf32>
          tpu.vector_store %arg10[%swap3A_712, %swap3A_713], %swap3A_716 {strides = array<i32>} : memref<240x128xf32, #tpu.memory_space<vmem>>, vector<1x16xf32>,
          %get3A_717 = arith.index_cast %add3A_670 : i32 to index
          %get3A_718 = arith.constant 64 : index
          %get3A_719 = tpu.vector_load %arg10[%get3A_717, %get3A_718] {strides = array<i32>} : memref<240x128xf32, #tpu.memory_space<vmem>>, vector<1x16xf32>,
          %get3A_720 = vector.shape_cast %get3A_719 : vector<1x16xf32> to vector<16xf32>
          %mul3A_721 = vector.broadcast %squeeze3A_672 : f32 to vector<16xf32>
          %mul3A_722 = arith.mulf %get3A_720, %mul3A_721 : vector<16xf32>
          %swap3A_723 = arith.index_cast %add3A_670 : i32 to index
          %swap3A_724 = arith.constant 64 : index
          %swap3A_725 = tpu.vector_load %arg10[%swap3A_723, %swap3A_724] {strides = array<i32>} : memref<240x128xf32, #tpu.memory_space<vmem>>, vector<1x16xf32>,
          %swap3A_726 = vector.shape_cast %swap3A_725 : vector<1x16xf32> to vector<16xf32>
          %swap3A_727 = vector.shape_cast %mul3A_722 : vector<16xf32> to vector<1x16xf32>
          tpu.vector_store %arg10[%swap3A_723, %swap3A_724], %swap3A_727 {strides = array<i32>} : memref<240x128xf32, #tpu.memory_space<vmem>>, vector<1x16xf32>,
          %get3A_728 = arith.index_cast %add3A_670 : i32 to index
          %get3A_729 = arith.constant 80 : index
          %get3A_730 = tpu.vector_load %arg10[%get3A_728, %get3A_729] {strides = array<i32>} : memref<240x128xf32, #tpu.memory_space<vmem>>, vector<1x16xf32>,
          %get3A_731 = vector.shape_cast %get3A_730 : vector<1x16xf32> to vector<16xf32>
          %mul3A_732 = vector.broadcast %squeeze3A_672 : f32 to vector<16xf32>
          %mul3A_733 = arith.mulf %get3A_731, %mul3A_732 : vector<16xf32>
          %swap3A_734 = arith.index_cast %add3A_670 : i32 to index
          %swap3A_735 = arith.constant 80 : index
          %swap3A_736 = tpu.vector_load %arg10[%swap3A_734, %swap3A_735] {strides = array<i32>} : memref<240x128xf32, #tpu.memory_space<vmem>>, vector<1x16xf32>,
          %swap3A_737 = vector.shape_cast %swap3A_736 : vector<1x16xf32> to vector<16xf32>
          %swap3A_738 = vector.shape_cast %mul3A_733 : vector<16xf32> to vector<1x16xf32>
          tpu.vector_store %arg10[%swap3A_734, %swap3A_735], %swap3A_738 {strides = array<i32>} : memref<240x128xf32, #tpu.memory_space<vmem>>, vector<1x16xf32>,
          %get3A_739 = arith.index_cast %add3A_670 : i32 to index
          %get3A_740 = arith.constant 96 : index
          %get3A_741 = tpu.vector_load %arg10[%get3A_739, %get3A_740] {strides = array<i32>} : memref<240x128xf32, #tpu.memory_space<vmem>>, vector<1x16xf32>,
          %get3A_742 = vector.shape_cast %get3A_741 : vector<1x16xf32> to vector<16xf32>
          %mul3A_743 = vector.broadcast %squeeze3A_672 : f32 to vector<16xf32>
          %mul3A_744 = arith.mulf %get3A_742, %mul3A_743 : vector<16xf32>
          %swap3A_745 = arith.index_cast %add3A_670 : i32 to index
          %swap3A_746 = arith.constant 96 : index
          %swap3A_747 = tpu.vector_load %arg10[%swap3A_745, %swap3A_746] {strides = array<i32>} : memref<240x128xf32, #tpu.memory_space<vmem>>, vector<1x16xf32>,
          %swap3A_748 = vector.shape_cast %swap3A_747 : vector<1x16xf32> to vector<16xf32>
          %swap3A_749 = vector.shape_cast %mul3A_744 : vector<16xf32> to vector<1x16xf32>
          tpu.vector_store %arg10[%swap3A_745, %swap3A_746], %swap3A_749 {strides = array<i32>} : memref<240x128xf32, #tpu.memory_space<vmem>>, vector<1x16xf32>,
          %get3A_750 = arith.index_cast %add3A_670 : i32 to index
          %get3A_751 = arith.constant 112 : index
          %get3A_752 = tpu.vector_load %arg10[%get3A_750, %get3A_751] {strides = array<i32>} : memref<240x128xf32, #tpu.memory_space<vmem>>, vector<1x16xf32>,
          %get3A_753 = vector.shape_cast %get3A_752 : vector<1x16xf32> to vector<16xf32>
          %mul3A_754 = vector.broadcast %squeeze3A_672 : f32 to vector<16xf32>
          %mul3A_755 = arith.mulf %get3A_753, %mul3A_754 : vector<16xf32>
          %swap3A_756 = arith.index_cast %add3A_670 : i32 to index
          %swap3A_757 = arith.constant 112 : index
          %swap3A_758 = tpu.vector_load %arg10[%swap3A_756, %swap3A_757] {strides = array<i32>} : memref<240x128xf32, #tpu.memory_space<vmem>>, vector<1x16xf32>,
          %swap3A_759 = vector.shape_cast %swap3A_758 : vector<1x16xf32> to vector<16xf32>
          %swap3A_760 = vector.shape_cast %mul3A_755 : vector<16xf32> to vector<1x16xf32>
          tpu.vector_store %arg10[%swap3A_756, %swap3A_757], %swap3A_760 {strides = array<i32>} : memref<240x128xf32, #tpu.memory_space<vmem>>, vector<1x16xf32>,
          %mul3A_761 = arith.constant 16 : i32
          %mul3A_762 = arith.muli %scan3A_193, %mul3A_761 : i32
          %add3A_763 = arith.constant 6 : i32
          %add3A_764 = arith.addi %mul3A_762, %add3A_763 : i32
          %slice3A_765 = vector.extract_strided_slice %get3A_198 {offsets = [6], sizes = [1], strides = [1]} : vector<16xf32> to vector<1xf32>
          %squeeze3A_766 = vector.extract %slice3A_765[0] : f32 from vector<1xf32>
          %get3A_767 = arith.index_cast %add3A_764 : i32 to index
          %get3A_768 = arith.constant 0 : index
          %get3A_769 = tpu.vector_load %arg10[%get3A_767, %get3A_768] {strides = array<i32>} : memref<240x128xf32, #tpu.memory_space<vmem>>, vector<1x16xf32>,
          %get3A_770 = vector.shape_cast %get3A_769 : vector<1x16xf32> to vector<16xf32>
          %mul3A_771 = vector.broadcast %squeeze3A_766 : f32 to vector<16xf32>
          %mul3A_772 = arith.mulf %get3A_770, %mul3A_771 : vector<16xf32>
          %swap3A_773 = arith.index_cast %add3A_764 : i32 to index
          %swap3A_774 = arith.constant 0 : index
          %swap3A_775 = tpu.vector_load %arg10[%swap3A_773, %swap3A_774] {strides = array<i32>} : memref<240x128xf32, #tpu.memory_space<vmem>>, vector<1x16xf32>,
          %swap3A_776 = vector.shape_cast %swap3A_775 : vector<1x16xf32> to vector<16xf32>
          %swap3A_777 = vector.shape_cast %mul3A_772 : vector<16xf32> to vector<1x16xf32>
          tpu.vector_store %arg10[%swap3A_773, %swap3A_774], %swap3A_777 {strides = array<i32>} : memref<240x128xf32, #tpu.memory_space<vmem>>, vector<1x16xf32>,
          %get3A_778 = arith.index_cast %add3A_764 : i32 to index
          %get3A_779 = arith.constant 16 : index
          %get3A_780 = tpu.vector_load %arg10[%get3A_778, %get3A_779] {strides = array<i32>} : memref<240x128xf32, #tpu.memory_space<vmem>>, vector<1x16xf32>,
          %get3A_781 = vector.shape_cast %get3A_780 : vector<1x16xf32> to vector<16xf32>
          %mul3A_782 = vector.broadcast %squeeze3A_766 : f32 to vector<16xf32>
          %mul3A_783 = arith.mulf %get3A_781, %mul3A_782 : vector<16xf32>
          %swap3A_784 = arith.index_cast %add3A_764 : i32 to index
          %swap3A_785 = arith.constant 16 : index
          %swap3A_786 = tpu.vector_load %arg10[%swap3A_784, %swap3A_785] {strides = array<i32>} : memref<240x128xf32, #tpu.memory_space<vmem>>, vector<1x16xf32>,
          %swap3A_787 = vector.shape_cast %swap3A_786 : vector<1x16xf32> to vector<16xf32>
          %swap3A_788 = vector.shape_cast %mul3A_783 : vector<16xf32> to vector<1x16xf32>
          tpu.vector_store %arg10[%swap3A_784, %swap3A_785], %swap3A_788 {strides = array<i32>} : memref<240x128xf32, #tpu.memory_space<vmem>>, vector<1x16xf32>,
          %get3A_789 = arith.index_cast %add3A_764 : i32 to index
          %get3A_790 = arith.constant 32 : index
          %get3A_791 = tpu.vector_load %arg10[%get3A_789, %get3A_790] {strides = array<i32>} : memref<240x128xf32, #tpu.memory_space<vmem>>, vector<1x16xf32>,
          %get3A_792 = vector.shape_cast %get3A_791 : vector<1x16xf32> to vector<16xf32>
          %mul3A_793 = vector.broadcast %squeeze3A_766 : f32 to vector<16xf32>
          %mul3A_794 = arith.mulf %get3A_792, %mul3A_793 : vector<16xf32>
          %swap3A_795 = arith.index_cast %add3A_764 : i32 to index
          %swap3A_796 = arith.constant 32 : index
          %swap3A_797 = tpu.vector_load %arg10[%swap3A_795, %swap3A_796] {strides = array<i32>} : memref<240x128xf32, #tpu.memory_space<vmem>>, vector<1x16xf32>,
          %swap3A_798 = vector.shape_cast %swap3A_797 : vector<1x16xf32> to vector<16xf32>
          %swap3A_799 = vector.shape_cast %mul3A_794 : vector<16xf32> to vector<1x16xf32>
          tpu.vector_store %arg10[%swap3A_795, %swap3A_796], %swap3A_799 {strides = array<i32>} : memref<240x128xf32, #tpu.memory_space<vmem>>, vector<1x16xf32>,
          %get3A_800 = arith.index_cast %add3A_764 : i32 to index
          %get3A_801 = arith.constant 48 : index
          %get3A_802 = tpu.vector_load %arg10[%get3A_800, %get3A_801] {strides = array<i32>} : memref<240x128xf32, #tpu.memory_space<vmem>>, vector<1x16xf32>,
          %get3A_803 = vector.shape_cast %get3A_802 : vector<1x16xf32> to vector<16xf32>
          %mul3A_804 = vector.broadcast %squeeze3A_766 : f32 to vector<16xf32>
          %mul3A_805 = arith.mulf %get3A_803, %mul3A_804 : vector<16xf32>
          %swap3A_806 = arith.index_cast %add3A_764 : i32 to index
          %swap3A_807 = arith.constant 48 : index
          %swap3A_808 = tpu.vector_load %arg10[%swap3A_806, %swap3A_807] {strides = array<i32>} : memref<240x128xf32, #tpu.memory_space<vmem>>, vector<1x16xf32>,
          %swap3A_809 = vector.shape_cast %swap3A_808 : vector<1x16xf32> to vector<16xf32>
          %swap3A_810 = vector.shape_cast %mul3A_805 : vector<16xf32> to vector<1x16xf32>
          tpu.vector_store %arg10[%swap3A_806, %swap3A_807], %swap3A_810 {strides = array<i32>} : memref<240x128xf32, #tpu.memory_space<vmem>>, vector<1x16xf32>,
          %get3A_811 = arith.index_cast %add3A_764 : i32 to index
          %get3A_812 = arith.constant 64 : index
          %get3A_813 = tpu.vector_load %arg10[%get3A_811, %get3A_812] {strides = array<i32>} : memref<240x128xf32, #tpu.memory_space<vmem>>, vector<1x16xf32>,
          %get3A_814 = vector.shape_cast %get3A_813 : vector<1x16xf32> to vector<16xf32>
          %mul3A_815 = vector.broadcast %squeeze3A_766 : f32 to vector<16xf32>
          %mul3A_816 = arith.mulf %get3A_814, %mul3A_815 : vector<16xf32>
          %swap3A_817 = arith.index_cast %add3A_764 : i32 to index
          %swap3A_818 = arith.constant 64 : index
          %swap3A_819 = tpu.vector_load %arg10[%swap3A_817, %swap3A_818] {strides = array<i32>} : memref<240x128xf32, #tpu.memory_space<vmem>>, vector<1x16xf32>,
          %swap3A_820 = vector.shape_cast %swap3A_819 : vector<1x16xf32> to vector<16xf32>
          %swap3A_821 = vector.shape_cast %mul3A_816 : vector<16xf32> to vector<1x16xf32>
          tpu.vector_store %arg10[%swap3A_817, %swap3A_818], %swap3A_821 {strides = array<i32>} : memref<240x128xf32, #tpu.memory_space<vmem>>, vector<1x16xf32>,
          %get3A_822 = arith.index_cast %add3A_764 : i32 to index
          %get3A_823 = arith.constant 80 : index
          %get3A_824 = tpu.vector_load %arg10[%get3A_822, %get3A_823] {strides = array<i32>} : memref<240x128xf32, #tpu.memory_space<vmem>>, vector<1x16xf32>,
          %get3A_825 = vector.shape_cast %get3A_824 : vector<1x16xf32> to vector<16xf32>
          %mul3A_826 = vector.broadcast %squeeze3A_766 : f32 to vector<16xf32>
          %mul3A_827 = arith.mulf %get3A_825, %mul3A_826 : vector<16xf32>
          %swap3A_828 = arith.index_cast %add3A_764 : i32 to index
          %swap3A_829 = arith.constant 80 : index
          %swap3A_830 = tpu.vector_load %arg10[%swap3A_828, %swap3A_829] {strides = array<i32>} : memref<240x128xf32, #tpu.memory_space<vmem>>, vector<1x16xf32>,
          %swap3A_831 = vector.shape_cast %swap3A_830 : vector<1x16xf32> to vector<16xf32>
          %swap3A_832 = vector.shape_cast %mul3A_827 : vector<16xf32> to vector<1x16xf32>
          tpu.vector_store %arg10[%swap3A_828, %swap3A_829], %swap3A_832 {strides = array<i32>} : memref<240x128xf32, #tpu.memory_space<vmem>>, vector<1x16xf32>,
          %get3A_833 = arith.index_cast %add3A_764 : i32 to index
          %get3A_834 = arith.constant 96 : index
          %get3A_835 = tpu.vector_load %arg10[%get3A_833, %get3A_834] {strides = array<i32>} : memref<240x128xf32, #tpu.memory_space<vmem>>, vector<1x16xf32>,
          %get3A_836 = vector.shape_cast %get3A_835 : vector<1x16xf32> to vector<16xf32>
          %mul3A_837 = vector.broadcast %squeeze3A_766 : f32 to vector<16xf32>
          %mul3A_838 = arith.mulf %get3A_836, %mul3A_837 : vector<16xf32>
          %swap3A_839 = arith.index_cast %add3A_764 : i32 to index
          %swap3A_840 = arith.constant 96 : index
          %swap3A_841 = tpu.vector_load %arg10[%swap3A_839, %swap3A_840] {strides = array<i32>} : memref<240x128xf32, #tpu.memory_space<vmem>>, vector<1x16xf32>,
          %swap3A_842 = vector.shape_cast %swap3A_841 : vector<1x16xf32> to vector<16xf32>
          %swap3A_843 = vector.shape_cast %mul3A_838 : vector<16xf32> to vector<1x16xf32>
          tpu.vector_store %arg10[%swap3A_839, %swap3A_840], %swap3A_843 {strides = array<i32>} : memref<240x128xf32, #tpu.memory_space<vmem>>, vector<1x16xf32>,
          %get3A_844 = arith.index_cast %add3A_764 : i32 to index
          %get3A_845 = arith.constant 112 : index
          %get3A_846 = tpu.vector_load %arg10[%get3A_844, %get3A_845] {strides = array<i32>} : memref<240x128xf32, #tpu.memory_space<vmem>>, vector<1x16xf32>,
          %get3A_847 = vector.shape_cast %get3A_846 : vector<1x16xf32> to vector<16xf32>
          %mul3A_848 = vector.broadcast %squeeze3A_766 : f32 to vector<16xf32>
          %mul3A_849 = arith.mulf %get3A_847, %mul3A_848 : vector<16xf32>
          %swap3A_850 = arith.index_cast %add3A_764 : i32 to index
          %swap3A_851 = arith.constant 112 : index
          %swap3A_852 = tpu.vector_load %arg10[%swap3A_850, %swap3A_851] {strides = array<i32>} : memref<240x128xf32, #tpu.memory_space<vmem>>, vector<1x16xf32>,
          %swap3A_853 = vector.shape_cast %swap3A_852 : vector<1x16xf32> to vector<16xf32>
          %swap3A_854 = vector.shape_cast %mul3A_849 : vector<16xf32> to vector<1x16xf32>
          tpu.vector_store %arg10[%swap3A_850, %swap3A_851], %swap3A_854 {strides = array<i32>} : memref<240x128xf32, #tpu.memory_space<vmem>>, vector<1x16xf32>,
          %mul3A_855 = arith.constant 16 : i32
          %mul3A_856 = arith.muli %scan3A_193, %mul3A_855 : i32
          %add3A_857 = arith.constant 7 : i32
          %add3A_858 = arith.addi %mul3A_856, %add3A_857 : i32
          %slice3A_859 = vector.extract_strided_slice %get3A_198 {offsets = [7], sizes = [1], strides = [1]} : vector<16xf32> to vector<1xf32>
          %squeeze3A_860 = vector.extract %slice3A_859[0] : f32 from vector<1xf32>
          %get3A_861 = arith.index_cast %add3A_858 : i32 to index
          %get3A_862 = arith.constant 0 : index
          %get3A_863 = tpu.vector_load %arg10[%get3A_861, %get3A_862] {strides = array<i32>} : memref<240x128xf32, #tpu.memory_space<vmem>>, vector<1x16xf32>,
          %get3A_864 = vector.shape_cast %get3A_863 : vector<1x16xf32> to vector<16xf32>
          %mul3A_865 = vector.broadcast %squeeze3A_860 : f32 to vector<16xf32>
          %mul3A_866 = arith.mulf %get3A_864, %mul3A_865 : vector<16xf32>
          %swap3A_867 = arith.index_cast %add3A_858 : i32 to index
          %swap3A_868 = arith.constant 0 : index
          %swap3A_869 = tpu.vector_load %arg10[%swap3A_867, %swap3A_868] {strides = array<i32>} : memref<240x128xf32, #tpu.memory_space<vmem>>, vector<1x16xf32>,
          %swap3A_870 = vector.shape_cast %swap3A_869 : vector<1x16xf32> to vector<16xf32>
          %swap3A_871 = vector.shape_cast %mul3A_866 : vector<16xf32> to vector<1x16xf32>
          tpu.vector_store %arg10[%swap3A_867, %swap3A_868], %swap3A_871 {strides = array<i32>} : memref<240x128xf32, #tpu.memory_space<vmem>>, vector<1x16xf32>,
          %get3A_872 = arith.index_cast %add3A_858 : i32 to index
          %get3A_873 = arith.constant 16 : index
          %get3A_874 = tpu.vector_load %arg10[%get3A_872, %get3A_873] {strides = array<i32>} : memref<240x128xf32, #tpu.memory_space<vmem>>, vector<1x16xf32>,
          %get3A_875 = vector.shape_cast %get3A_874 : vector<1x16xf32> to vector<16xf32>
          %mul3A_876 = vector.broadcast %squeeze3A_860 : f32 to vector<16xf32>
          %mul3A_877 = arith.mulf %get3A_875, %mul3A_876 : vector<16xf32>
          %swap3A_878 = arith.index_cast %add3A_858 : i32 to index
          %swap3A_879 = arith.constant 16 : index
          %swap3A_880 = tpu.vector_load %arg10[%swap3A_878, %swap3A_879] {strides = array<i32>} : memref<240x128xf32, #tpu.memory_space<vmem>>, vector<1x16xf32>,
          %swap3A_881 = vector.shape_cast %swap3A_880 : vector<1x16xf32> to vector<16xf32>
          %swap3A_882 = vector.shape_cast %mul3A_877 : vector<16xf32> to vector<1x16xf32>
          tpu.vector_store %arg10[%swap3A_878, %swap3A_879], %swap3A_882 {strides = array<i32>} : memref<240x128xf32, #tpu.memory_space<vmem>>, vector<1x16xf32>,
          %get3A_883 = arith.index_cast %add3A_858 : i32 to index
          %get3A_884 = arith.constant 32 : index
          %get3A_885 = tpu.vector_load %arg10[%get3A_883, %get3A_884] {strides = array<i32>} : memref<240x128xf32, #tpu.memory_space<vmem>>, vector<1x16xf32>,
          %get3A_886 = vector.shape_cast %get3A_885 : vector<1x16xf32> to vector<16xf32>
          %mul3A_887 = vector.broadcast %squeeze3A_860 : f32 to vector<16xf32>
          %mul3A_888 = arith.mulf %get3A_886, %mul3A_887 : vector<16xf32>
          %swap3A_889 = arith.index_cast %add3A_858 : i32 to index
          %swap3A_890 = arith.constant 32 : index
          %swap3A_891 = tpu.vector_load %arg10[%swap3A_889, %swap3A_890] {strides = array<i32>} : memref<240x128xf32, #tpu.memory_space<vmem>>, vector<1x16xf32>,
          %swap3A_892 = vector.shape_cast %swap3A_891 : vector<1x16xf32> to vector<16xf32>
          %swap3A_893 = vector.shape_cast %mul3A_888 : vector<16xf32> to vector<1x16xf32>
          tpu.vector_store %arg10[%swap3A_889, %swap3A_890], %swap3A_893 {strides = array<i32>} : memref<240x128xf32, #tpu.memory_space<vmem>>, vector<1x16xf32>,
          %get3A_894 = arith.index_cast %add3A_858 : i32 to index
          %get3A_895 = arith.constant 48 : index
          %get3A_896 = tpu.vector_load %arg10[%get3A_894, %get3A_895] {strides = array<i32>} : memref<240x128xf32, #tpu.memory_space<vmem>>, vector<1x16xf32>,
          %get3A_897 = vector.shape_cast %get3A_896 : vector<1x16xf32> to vector<16xf32>
          %mul3A_898 = vector.broadcast %squeeze3A_860 : f32 to vector<16xf32>
          %mul3A_899 = arith.mulf %get3A_897, %mul3A_898 : vector<16xf32>
          %swap3A_900 = arith.index_cast %add3A_858 : i32 to index
          %swap3A_901 = arith.constant 48 : index
          %swap3A_902 = tpu.vector_load %arg10[%swap3A_900, %swap3A_901] {strides = array<i32>} : memref<240x128xf32, #tpu.memory_space<vmem>>, vector<1x16xf32>,
          %swap3A_903 = vector.shape_cast %swap3A_902 : vector<1x16xf32> to vector<16xf32>
          %swap3A_904 = vector.shape_cast %mul3A_899 : vector<16xf32> to vector<1x16xf32>
          tpu.vector_store %arg10[%swap3A_900, %swap3A_901], %swap3A_904 {strides = array<i32>} : memref<240x128xf32, #tpu.memory_space<vmem>>, vector<1x16xf32>,
          %get3A_905 = arith.index_cast %add3A_858 : i32 to index
          %get3A_906 = arith.constant 64 : index
          %get3A_907 = tpu.vector_load %arg10[%get3A_905, %get3A_906] {strides = array<i32>} : memref<240x128xf32, #tpu.memory_space<vmem>>, vector<1x16xf32>,
          %get3A_908 = vector.shape_cast %get3A_907 : vector<1x16xf32> to vector<16xf32>
          %mul3A_909 = vector.broadcast %squeeze3A_860 : f32 to vector<16xf32>
          %mul3A_910 = arith.mulf %get3A_908, %mul3A_909 : vector<16xf32>
          %swap3A_911 = arith.index_cast %add3A_858 : i32 to index
          %swap3A_912 = arith.constant 64 : index
          %swap3A_913 = tpu.vector_load %arg10[%swap3A_911, %swap3A_912] {strides = array<i32>} : memref<240x128xf32, #tpu.memory_space<vmem>>, vector<1x16xf32>,
          %swap3A_914 = vector.shape_cast %swap3A_913 : vector<1x16xf32> to vector<16xf32>
          %swap3A_915 = vector.shape_cast %mul3A_910 : vector<16xf32> to vector<1x16xf32>
          tpu.vector_store %arg10[%swap3A_911, %swap3A_912], %swap3A_915 {strides = array<i32>} : memref<240x128xf32, #tpu.memory_space<vmem>>, vector<1x16xf32>,
          %get3A_916 = arith.index_cast %add3A_858 : i32 to index
          %get3A_917 = arith.constant 80 : index
          %get3A_918 = tpu.vector_load %arg10[%get3A_916, %get3A_917] {strides = array<i32>} : memref<240x128xf32, #tpu.memory_space<vmem>>, vector<1x16xf32>,
          %get3A_919 = vector.shape_cast %get3A_918 : vector<1x16xf32> to vector<16xf32>
          %mul3A_920 = vector.broadcast %squeeze3A_860 : f32 to vector<16xf32>
          %mul3A_921 = arith.mulf %get3A_919, %mul3A_920 : vector<16xf32>
          %swap3A_922 = arith.index_cast %add3A_858 : i32 to index
          %swap3A_923 = arith.constant 80 : index
          %swap3A_924 = tpu.vector_load %arg10[%swap3A_922, %swap3A_923] {strides = array<i32>} : memref<240x128xf32, #tpu.memory_space<vmem>>, vector<1x16xf32>,
          %swap3A_925 = vector.shape_cast %swap3A_924 : vector<1x16xf32> to vector<16xf32>
          %swap3A_926 = vector.shape_cast %mul3A_921 : vector<16xf32> to vector<1x16xf32>
          tpu.vector_store %arg10[%swap3A_922, %swap3A_923], %swap3A_926 {strides = array<i32>} : memref<240x128xf32, #tpu.memory_space<vmem>>, vector<1x16xf32>,
          %get3A_927 = arith.index_cast %add3A_858 : i32 to index
          %get3A_928 = arith.constant 96 : index
          %get3A_929 = tpu.vector_load %arg10[%get3A_927, %get3A_928] {strides = array<i32>} : memref<240x128xf32, #tpu.memory_space<vmem>>, vector<1x16xf32>,
          %get3A_930 = vector.shape_cast %get3A_929 : vector<1x16xf32> to vector<16xf32>
          %mul3A_931 = vector.broadcast %squeeze3A_860 : f32 to vector<16xf32>
          %mul3A_932 = arith.mulf %get3A_930, %mul3A_931 : vector<16xf32>
          %swap3A_933 = arith.index_cast %add3A_858 : i32 to index
          %swap3A_934 = arith.constant 96 : index
          %swap3A_935 = tpu.vector_load %arg10[%swap3A_933, %swap3A_934] {strides = array<i32>} : memref<240x128xf32, #tpu.memory_space<vmem>>, vector<1x16xf32>,
          %swap3A_936 = vector.shape_cast %swap3A_935 : vector<1x16xf32> to vector<16xf32>
          %swap3A_937 = vector.shape_cast %mul3A_932 : vector<16xf32> to vector<1x16xf32>
          tpu.vector_store %arg10[%swap3A_933, %swap3A_934], %swap3A_937 {strides = array<i32>} : memref<240x128xf32, #tpu.memory_space<vmem>>, vector<1x16xf32>,
          %get3A_938 = arith.index_cast %add3A_858 : i32 to index
          %get3A_939 = arith.constant 112 : index
          %get3A_940 = tpu.vector_load %arg10[%get3A_938, %get3A_939] {strides = array<i32>} : memref<240x128xf32, #tpu.memory_space<vmem>>, vector<1x16xf32>,
          %get3A_941 = vector.shape_cast %get3A_940 : vector<1x16xf32> to vector<16xf32>
          %mul3A_942 = vector.broadcast %squeeze3A_860 : f32 to vector<16xf32>
          %mul3A_943 = arith.mulf %get3A_941, %mul3A_942 : vector<16xf32>
          %swap3A_944 = arith.index_cast %add3A_858 : i32 to index
          %swap3A_945 = arith.constant 112 : index
          %swap3A_946 = tpu.vector_load %arg10[%swap3A_944, %swap3A_945] {strides = array<i32>} : memref<240x128xf32, #tpu.memory_space<vmem>>, vector<1x16xf32>,
          %swap3A_947 = vector.shape_cast %swap3A_946 : vector<1x16xf32> to vector<16xf32>
          %swap3A_948 = vector.shape_cast %mul3A_943 : vector<16xf32> to vector<1x16xf32>
          tpu.vector_store %arg10[%swap3A_944, %swap3A_945], %swap3A_948 {strides = array<i32>} : memref<240x128xf32, #tpu.memory_space<vmem>>, vector<1x16xf32>,
          %mul3A_949 = arith.constant 16 : i32
          %mul3A_950 = arith.muli %scan3A_193, %mul3A_949 : i32
          %add3A_951 = arith.constant 8 : i32
          %add3A_952 = arith.addi %mul3A_950, %add3A_951 : i32
          %slice3A_953 = vector.extract_strided_slice %get3A_198 {offsets = [8], sizes = [1], strides = [1]} : vector<16xf32> to vector<1xf32>
          %squeeze3A_954 = vector.extract %slice3A_953[0] : f32 from vector<1xf32>
          %get3A_955 = arith.index_cast %add3A_952 : i32 to index
          %get3A_956 = arith.constant 0 : index
          %get3A_957 = tpu.vector_load %arg10[%get3A_955, %get3A_956] {strides = array<i32>} : memref<240x128xf32, #tpu.memory_space<vmem>>, vector<1x16xf32>,
          %get3A_958 = vector.shape_cast %get3A_957 : vector<1x16xf32> to vector<16xf32>
          %mul3A_959 = vector.broadcast %squeeze3A_954 : f32 to vector<16xf32>
          %mul3A_960 = arith.mulf %get3A_958, %mul3A_959 : vector<16xf32>
          %swap3A_961 = arith.index_cast %add3A_952 : i32 to index
          %swap3A_962 = arith.constant 0 : index
          %swap3A_963 = tpu.vector_load %arg10[%swap3A_961, %swap3A_962] {strides = array<i32>} : memref<240x128xf32, #tpu.memory_space<vmem>>, vector<1x16xf32>,
          %swap3A_964 = vector.shape_cast %swap3A_963 : vector<1x16xf32> to vector<16xf32>
          %swap3A_965 = vector.shape_cast %mul3A_960 : vector<16xf32> to vector<1x16xf32>
          tpu.vector_store %arg10[%swap3A_961, %swap3A_962], %swap3A_965 {strides = array<i32>} : memref<240x128xf32, #tpu.memory_space<vmem>>, vector<1x16xf32>,
          %get3A_966 = arith.index_cast %add3A_952 : i32 to index
          %get3A_967 = arith.constant 16 : index
          %get3A_968 = tpu.vector_load %arg10[%get3A_966, %get3A_967] {strides = array<i32>} : memref<240x128xf32, #tpu.memory_space<vmem>>, vector<1x16xf32>,
          %get3A_969 = vector.shape_cast %get3A_968 : vector<1x16xf32> to vector<16xf32>
          %mul3A_970 = vector.broadcast %squeeze3A_954 : f32 to vector<16xf32>
          %mul3A_971 = arith.mulf %get3A_969, %mul3A_970 : vector<16xf32>
          %swap3A_972 = arith.index_cast %add3A_952 : i32 to index
          %swap3A_973 = arith.constant 16 : index
          %swap3A_974 = tpu.vector_load %arg10[%swap3A_972, %swap3A_973] {strides = array<i32>} : memref<240x128xf32, #tpu.memory_space<vmem>>, vector<1x16xf32>,
          %swap3A_975 = vector.shape_cast %swap3A_974 : vector<1x16xf32> to vector<16xf32>
          %swap3A_976 = vector.shape_cast %mul3A_971 : vector<16xf32> to vector<1x16xf32>
          tpu.vector_store %arg10[%swap3A_972, %swap3A_973], %swap3A_976 {strides = array<i32>} : memref<240x128xf32, #tpu.memory_space<vmem>>, vector<1x16xf32>,
          %get3A_977 = arith.index_cast %add3A_952 : i32 to index
          %get3A_978 = arith.constant 32 : index
          %get3A_979 = tpu.vector_load %arg10[%get3A_977, %get3A_978] {strides = array<i32>} : memref<240x128xf32, #tpu.memory_space<vmem>>, vector<1x16xf32>,
          %get3A_980 = vector.shape_cast %get3A_979 : vector<1x16xf32> to vector<16xf32>
          %mul3A_981 = vector.broadcast %squeeze3A_954 : f32 to vector<16xf32>
          %mul3A_982 = arith.mulf %get3A_980, %mul3A_981 : vector<16xf32>
          %swap3A_983 = arith.index_cast %add3A_952 : i32 to index
          %swap3A_984 = arith.constant 32 : index
          %swap3A_985 = tpu.vector_load %arg10[%swap3A_983, %swap3A_984] {strides = array<i32>} : memref<240x128xf32, #tpu.memory_space<vmem>>, vector<1x16xf32>,
          %swap3A_986 = vector.shape_cast %swap3A_985 : vector<1x16xf32> to vector<16xf32>
          %swap3A_987 = vector.shape_cast %mul3A_982 : vector<16xf32> to vector<1x16xf32>
          tpu.vector_store %arg10[%swap3A_983, %swap3A_984], %swap3A_987 {strides = array<i32>} : memref<240x128xf32, #tpu.memory_space<vmem>>, vector<1x16xf32>,
          %get3A_988 = arith.index_cast %add3A_952 : i32 to index
          %get3A_989 = arith.constant 48 : index
          %get3A_990 = tpu.vector_load %arg10[%get3A_988, %get3A_989] {strides = array<i32>} : memref<240x128xf32, #tpu.memory_space<vmem>>, vector<1x16xf32>,
          %get3A_991 = vector.shape_cast %get3A_990 : vector<1x16xf32> to vector<16xf32>
          %mul3A_992 = vector.broadcast %squeeze3A_954 : f32 to vector<16xf32>
          %mul3A_993 = arith.mulf %get3A_991, %mul3A_992 : vector<16xf32>
          %swap3A_994 = arith.index_cast %add3A_952 : i32 to index
          %swap3A_995 = arith.constant 48 : index
          %swap3A_996 = tpu.vector_load %arg10[%swap3A_994, %swap3A_995] {strides = array<i32>} : memref<240x128xf32, #tpu.memory_space<vmem>>, vector<1x16xf32>,
          %swap3A_997 = vector.shape_cast %swap3A_996 : vector<1x16xf32> to vector<16xf32>
          %swap3A_998 = vector.shape_cast %mul3A_993 : vector<16xf32> to vector<1x16xf32>
          tpu.vector_store %arg10[%swap3A_994, %swap3A_995], %swap3A_998 {strides = array<i32>} : memref<240x128xf32, #tpu.memory_space<vmem>>, vector<1x16xf32>,
          %get3A_999 = arith.index_cast %add3A_952 : i32 to index
          %get3A_1000 = arith.constant 64 : index
          %get3A_1001 = tpu.vector_load %arg10[%get3A_999, %get3A_1000] {strides = array<i32>} : memref<240x128xf32, #tpu.memory_space<vmem>>, vector<1x16xf32>,
          %get3A_1002 = vector.shape_cast %get3A_1001 : vector<1x16xf32> to vector<16xf32>
          %mul3A_1003 = vector.broadcast %squeeze3A_954 : f32 to vector<16xf32>
          %mul3A_1004 = arith.mulf %get3A_1002, %mul3A_1003 : vector<16xf32>
          %swap3A_1005 = arith.index_cast %add3A_952 : i32 to index
          %swap3A_1006 = arith.constant 64 : index
          %swap3A_1007 = tpu.vector_load %arg10[%swap3A_1005, %swap3A_1006] {strides = array<i32>} : memref<240x128xf32, #tpu.memory_space<vmem>>, vector<1x16xf32>,
          %swap3A_1008 = vector.shape_cast %swap3A_1007 : vector<1x16xf32> to vector<16xf32>
          %swap3A_1009 = vector.shape_cast %mul3A_1004 : vector<16xf32> to vector<1x16xf32>
          tpu.vector_store %arg10[%swap3A_1005, %swap3A_1006], %swap3A_1009 {strides = array<i32>} : memref<240x128xf32, #tpu.memory_space<vmem>>, vector<1x16xf32>,
          %get3A_1010 = arith.index_cast %add3A_952 : i32 to index
          %get3A_1011 = arith.constant 80 : index
          %get3A_1012 = tpu.vector_load %arg10[%get3A_1010, %get3A_1011] {strides = array<i32>} : memref<240x128xf32, #tpu.memory_space<vmem>>, vector<1x16xf32>,
          %get3A_1013 = vector.shape_cast %get3A_1012 : vector<1x16xf32> to vector<16xf32>
          %mul3A_1014 = vector.broadcast %squeeze3A_954 : f32 to vector<16xf32>
          %mul3A_1015 = arith.mulf %get3A_1013, %mul3A_1014 : vector<16xf32>
          %swap3A_1016 = arith.index_cast %add3A_952 : i32 to index
          %swap3A_1017 = arith.constant 80 : index
          %swap3A_1018 = tpu.vector_load %arg10[%swap3A_1016, %swap3A_1017] {strides = array<i32>} : memref<240x128xf32, #tpu.memory_space<vmem>>, vector<1x16xf32>,
          %swap3A_1019 = vector.shape_cast %swap3A_1018 : vector<1x16xf32> to vector<16xf32>
          %swap3A_1020 = vector.shape_cast %mul3A_1015 : vector<16xf32> to vector<1x16xf32>
          tpu.vector_store %arg10[%swap3A_1016, %swap3A_1017], %swap3A_1020 {strides = array<i32>} : memref<240x128xf32, #tpu.memory_space<vmem>>, vector<1x16xf32>,
          %get3A_1021 = arith.index_cast %add3A_952 : i32 to index
          %get3A_1022 = arith.constant 96 : index
          %get3A_1023 = tpu.vector_load %arg10[%get3A_1021, %get3A_1022] {strides = array<i32>} : memref<240x128xf32, #tpu.memory_space<vmem>>, vector<1x16xf32>,
          %get3A_1024 = vector.shape_cast %get3A_1023 : vector<1x16xf32> to vector<16xf32>
          %mul3A_1025 = vector.broadcast %squeeze3A_954 : f32 to vector<16xf32>
          %mul3A_1026 = arith.mulf %get3A_1024, %mul3A_1025 : vector<16xf32>
          %swap3A_1027 = arith.index_cast %add3A_952 : i32 to index
          %swap3A_1028 = arith.constant 96 : index
          %swap3A_1029 = tpu.vector_load %arg10[%swap3A_1027, %swap3A_1028] {strides = array<i32>} : memref<240x128xf32, #tpu.memory_space<vmem>>, vector<1x16xf32>,
          %swap3A_1030 = vector.shape_cast %swap3A_1029 : vector<1x16xf32> to vector<16xf32>
          %swap3A_1031 = vector.shape_cast %mul3A_1026 : vector<16xf32> to vector<1x16xf32>
          tpu.vector_store %arg10[%swap3A_1027, %swap3A_1028], %swap3A_1031 {strides = array<i32>} : memref<240x128xf32, #tpu.memory_space<vmem>>, vector<1x16xf32>,
          %get3A_1032 = arith.index_cast %add3A_952 : i32 to index
          %get3A_1033 = arith.constant 112 : index
          %get3A_1034 = tpu.vector_load %arg10[%get3A_1032, %get3A_1033] {strides = array<i32>} : memref<240x128xf32, #tpu.memory_space<vmem>>, vector<1x16xf32>,
          %get3A_1035 = vector.shape_cast %get3A_1034 : vector<1x16xf32> to vector<16xf32>
          %mul3A_1036 = vector.broadcast %squeeze3A_954 : f32 to vector<16xf32>
          %mul3A_1037 = arith.mulf %get3A_1035, %mul3A_1036 : vector<16xf32>
          %swap3A_1038 = arith.index_cast %add3A_952 : i32 to index
          %swap3A_1039 = arith.constant 112 : index
          %swap3A_1040 = tpu.vector_load %arg10[%swap3A_1038, %swap3A_1039] {strides = array<i32>} : memref<240x128xf32, #tpu.memory_space<vmem>>, vector<1x16xf32>,
          %swap3A_1041 = vector.shape_cast %swap3A_1040 : vector<1x16xf32> to vector<16xf32>
          %swap3A_1042 = vector.shape_cast %mul3A_1037 : vector<16xf32> to vector<1x16xf32>
          tpu.vector_store %arg10[%swap3A_1038, %swap3A_1039], %swap3A_1042 {strides = array<i32>} : memref<240x128xf32, #tpu.memory_space<vmem>>, vector<1x16xf32>,
          %mul3A_1043 = arith.constant 16 : i32
          %mul3A_1044 = arith.muli %scan3A_193, %mul3A_1043 : i32
          %add3A_1045 = arith.constant 9 : i32
          %add3A_1046 = arith.addi %mul3A_1044, %add3A_1045 : i32
          %slice3A_1047 = vector.extract_strided_slice %get3A_198 {offsets = [9], sizes = [1], strides = [1]} : vector<16xf32> to vector<1xf32>
          %squeeze3A_1048 = vector.extract %slice3A_1047[0] : f32 from vector<1xf32>
          %get3A_1049 = arith.index_cast %add3A_1046 : i32 to index
          %get3A_1050 = arith.constant 0 : index
          %get3A_1051 = tpu.vector_load %arg10[%get3A_1049, %get3A_1050] {strides = array<i32>} : memref<240x128xf32, #tpu.memory_space<vmem>>, vector<1x16xf32>,
          %get3A_1052 = vector.shape_cast %get3A_1051 : vector<1x16xf32> to vector<16xf32>
          %mul3A_1053 = vector.broadcast %squeeze3A_1048 : f32 to vector<16xf32>
          %mul3A_1054 = arith.mulf %get3A_1052, %mul3A_1053 : vector<16xf32>
          %swap3A_1055 = arith.index_cast %add3A_1046 : i32 to index
          %swap3A_1056 = arith.constant 0 : index
          %swap3A_1057 = tpu.vector_load %arg10[%swap3A_1055, %swap3A_1056] {strides = array<i32>} : memref<240x128xf32, #tpu.memory_space<vmem>>, vector<1x16xf32>,
          %swap3A_1058 = vector.shape_cast %swap3A_1057 : vector<1x16xf32> to vector<16xf32>
          %swap3A_1059 = vector.shape_cast %mul3A_1054 : vector<16xf32> to vector<1x16xf32>
          tpu.vector_store %arg10[%swap3A_1055, %swap3A_1056], %swap3A_1059 {strides = array<i32>} : memref<240x128xf32, #tpu.memory_space<vmem>>, vector<1x16xf32>,
          %get3A_1060 = arith.index_cast %add3A_1046 : i32 to index
          %get3A_1061 = arith.constant 16 : index
          %get3A_1062 = tpu.vector_load %arg10[%get3A_1060, %get3A_1061] {strides = array<i32>} : memref<240x128xf32, #tpu.memory_space<vmem>>, vector<1x16xf32>,
          %get3A_1063 = vector.shape_cast %get3A_1062 : vector<1x16xf32> to vector<16xf32>
          %mul3A_1064 = vector.broadcast %squeeze3A_1048 : f32 to vector<16xf32>
          %mul3A_1065 = arith.mulf %get3A_1063, %mul3A_1064 : vector<16xf32>
          %swap3A_1066 = arith.index_cast %add3A_1046 : i32 to index
          %swap3A_1067 = arith.constant 16 : index
          %swap3A_1068 = tpu.vector_load %arg10[%swap3A_1066, %swap3A_1067] {strides = array<i32>} : memref<240x128xf32, #tpu.memory_space<vmem>>, vector<1x16xf32>,
          %swap3A_1069 = vector.shape_cast %swap3A_1068 : vector<1x16xf32> to vector<16xf32>
          %swap3A_1070 = vector.shape_cast %mul3A_1065 : vector<16xf32> to vector<1x16xf32>
          tpu.vector_store %arg10[%swap3A_1066, %swap3A_1067], %swap3A_1070 {strides = array<i32>} : memref<240x128xf32, #tpu.memory_space<vmem>>, vector<1x16xf32>,
          %get3A_1071 = arith.index_cast %add3A_1046 : i32 to index
          %get3A_1072 = arith.constant 32 : index
          %get3A_1073 = tpu.vector_load %arg10[%get3A_1071, %get3A_1072] {strides = array<i32>} : memref<240x128xf32, #tpu.memory_space<vmem>>, vector<1x16xf32>,
          %get3A_1074 = vector.shape_cast %get3A_1073 : vector<1x16xf32> to vector<16xf32>
          %mul3A_1075 = vector.broadcast %squeeze3A_1048 : f32 to vector<16xf32>
          %mul3A_1076 = arith.mulf %get3A_1074, %mul3A_1075 : vector<16xf32>
          %swap3A_1077 = arith.index_cast %add3A_1046 : i32 to index
          %swap3A_1078 = arith.constant 32 : index
          %swap3A_1079 = tpu.vector_load %arg10[%swap3A_1077, %swap3A_1078] {strides = array<i32>} : memref<240x128xf32, #tpu.memory_space<vmem>>, vector<1x16xf32>,
          %swap3A_1080 = vector.shape_cast %swap3A_1079 : vector<1x16xf32> to vector<16xf32>
          %swap3A_1081 = vector.shape_cast %mul3A_1076 : vector<16xf32> to vector<1x16xf32>
          tpu.vector_store %arg10[%swap3A_1077, %swap3A_1078], %swap3A_1081 {strides = array<i32>} : memref<240x128xf32, #tpu.memory_space<vmem>>, vector<1x16xf32>,
          %get3A_1082 = arith.index_cast %add3A_1046 : i32 to index
          %get3A_1083 = arith.constant 48 : index
          %get3A_1084 = tpu.vector_load %arg10[%get3A_1082, %get3A_1083] {strides = array<i32>} : memref<240x128xf32, #tpu.memory_space<vmem>>, vector<1x16xf32>,
          %get3A_1085 = vector.shape_cast %get3A_1084 : vector<1x16xf32> to vector<16xf32>
          %mul3A_1086 = vector.broadcast %squeeze3A_1048 : f32 to vector<16xf32>
          %mul3A_1087 = arith.mulf %get3A_1085, %mul3A_1086 : vector<16xf32>
          %swap3A_1088 = arith.index_cast %add3A_1046 : i32 to index
          %swap3A_1089 = arith.constant 48 : index
          %swap3A_1090 = tpu.vector_load %arg10[%swap3A_1088, %swap3A_1089] {strides = array<i32>} : memref<240x128xf32, #tpu.memory_space<vmem>>, vector<1x16xf32>,
          %swap3A_1091 = vector.shape_cast %swap3A_1090 : vector<1x16xf32> to vector<16xf32>
          %swap3A_1092 = vector.shape_cast %mul3A_1087 : vector<16xf32> to vector<1x16xf32>
          tpu.vector_store %arg10[%swap3A_1088, %swap3A_1089], %swap3A_1092 {strides = array<i32>} : memref<240x128xf32, #tpu.memory_space<vmem>>, vector<1x16xf32>,
          %get3A_1093 = arith.index_cast %add3A_1046 : i32 to index
          %get3A_1094 = arith.constant 64 : index
          %get3A_1095 = tpu.vector_load %arg10[%get3A_1093, %get3A_1094] {strides = array<i32>} : memref<240x128xf32, #tpu.memory_space<vmem>>, vector<1x16xf32>,
          %get3A_1096 = vector.shape_cast %get3A_1095 : vector<1x16xf32> to vector<16xf32>
          %mul3A_1097 = vector.broadcast %squeeze3A_1048 : f32 to vector<16xf32>
          %mul3A_1098 = arith.mulf %get3A_1096, %mul3A_1097 : vector<16xf32>
          %swap3A_1099 = arith.index_cast %add3A_1046 : i32 to index
          %swap3A_1100 = arith.constant 64 : index
          %swap3A_1101 = tpu.vector_load %arg10[%swap3A_1099, %swap3A_1100] {strides = array<i32>} : memref<240x128xf32, #tpu.memory_space<vmem>>, vector<1x16xf32>,
          %swap3A_1102 = vector.shape_cast %swap3A_1101 : vector<1x16xf32> to vector<16xf32>
          %swap3A_1103 = vector.shape_cast %mul3A_1098 : vector<16xf32> to vector<1x16xf32>
          tpu.vector_store %arg10[%swap3A_1099, %swap3A_1100], %swap3A_1103 {strides = array<i32>} : memref<240x128xf32, #tpu.memory_space<vmem>>, vector<1x16xf32>,
          %get3A_1104 = arith.index_cast %add3A_1046 : i32 to index
          %get3A_1105 = arith.constant 80 : index
          %get3A_1106 = tpu.vector_load %arg10[%get3A_1104, %get3A_1105] {strides = array<i32>} : memref<240x128xf32, #tpu.memory_space<vmem>>, vector<1x16xf32>,
          %get3A_1107 = vector.shape_cast %get3A_1106 : vector<1x16xf32> to vector<16xf32>
          %mul3A_1108 = vector.broadcast %squeeze3A_1048 : f32 to vector<16xf32>
          %mul3A_1109 = arith.mulf %get3A_1107, %mul3A_1108 : vector<16xf32>
          %swap3A_1110 = arith.index_cast %add3A_1046 : i32 to index
          %swap3A_1111 = arith.constant 80 : index
          %swap3A_1112 = tpu.vector_load %arg10[%swap3A_1110, %swap3A_1111] {strides = array<i32>} : memref<240x128xf32, #tpu.memory_space<vmem>>, vector<1x16xf32>,
          %swap3A_1113 = vector.shape_cast %swap3A_1112 : vector<1x16xf32> to vector<16xf32>
          %swap3A_1114 = vector.shape_cast %mul3A_1109 : vector<16xf32> to vector<1x16xf32>
          tpu.vector_store %arg10[%swap3A_1110, %swap3A_1111], %swap3A_1114 {strides = array<i32>} : memref<240x128xf32, #tpu.memory_space<vmem>>, vector<1x16xf32>,
          %get3A_1115 = arith.index_cast %add3A_1046 : i32 to index
          %get3A_1116 = arith.constant 96 : index
          %get3A_1117 = tpu.vector_load %arg10[%get3A_1115, %get3A_1116] {strides = array<i32>} : memref<240x128xf32, #tpu.memory_space<vmem>>, vector<1x16xf32>,
          %get3A_1118 = vector.shape_cast %get3A_1117 : vector<1x16xf32> to vector<16xf32>
          %mul3A_1119 = vector.broadcast %squeeze3A_1048 : f32 to vector<16xf32>
          %mul3A_1120 = arith.mulf %get3A_1118, %mul3A_1119 : vector<16xf32>
          %swap3A_1121 = arith.index_cast %add3A_1046 : i32 to index
          %swap3A_1122 = arith.constant 96 : index
          %swap3A_1123 = tpu.vector_load %arg10[%swap3A_1121, %swap3A_1122] {strides = array<i32>} : memref<240x128xf32, #tpu.memory_space<vmem>>, vector<1x16xf32>,
          %swap3A_1124 = vector.shape_cast %swap3A_1123 : vector<1x16xf32> to vector<16xf32>
          %swap3A_1125 = vector.shape_cast %mul3A_1120 : vector<16xf32> to vector<1x16xf32>
          tpu.vector_store %arg10[%swap3A_1121, %swap3A_1122], %swap3A_1125 {strides = array<i32>} : memref<240x128xf32, #tpu.memory_space<vmem>>, vector<1x16xf32>,
          %get3A_1126 = arith.index_cast %add3A_1046 : i32 to index
          %get3A_1127 = arith.constant 112 : index
          %get3A_1128 = tpu.vector_load %arg10[%get3A_1126, %get3A_1127] {strides = array<i32>} : memref<240x128xf32, #tpu.memory_space<vmem>>, vector<1x16xf32>,
          %get3A_1129 = vector.shape_cast %get3A_1128 : vector<1x16xf32> to vector<16xf32>
          %mul3A_1130 = vector.broadcast %squeeze3A_1048 : f32 to vector<16xf32>
          %mul3A_1131 = arith.mulf %get3A_1129, %mul3A_1130 : vector<16xf32>
          %swap3A_1132 = arith.index_cast %add3A_1046 : i32 to index
          %swap3A_1133 = arith.constant 112 : index
          %swap3A_1134 = tpu.vector_load %arg10[%swap3A_1132, %swap3A_1133] {strides = array<i32>} : memref<240x128xf32, #tpu.memory_space<vmem>>, vector<1x16xf32>,
          %swap3A_1135 = vector.shape_cast %swap3A_1134 : vector<1x16xf32> to vector<16xf32>
          %swap3A_1136 = vector.shape_cast %mul3A_1131 : vector<16xf32> to vector<1x16xf32>
          tpu.vector_store %arg10[%swap3A_1132, %swap3A_1133], %swap3A_1136 {strides = array<i32>} : memref<240x128xf32, #tpu.memory_space<vmem>>, vector<1x16xf32>,
          %mul3A_1137 = arith.constant 16 : i32
          %mul3A_1138 = arith.muli %scan3A_193, %mul3A_1137 : i32
          %add3A_1139 = arith.constant 10 : i32
          %add3A_1140 = arith.addi %mul3A_1138, %add3A_1139 : i32
          %slice3A_1141 = vector.extract_strided_slice %get3A_198 {offsets = [10], sizes = [1], strides = [1]} : vector<16xf32> to vector<1xf32>
          %squeeze3A_1142 = vector.extract %slice3A_1141[0] : f32 from vector<1xf32>
          %get3A_1143 = arith.index_cast %add3A_1140 : i32 to index
          %get3A_1144 = arith.constant 0 : index
          %get3A_1145 = tpu.vector_load %arg10[%get3A_1143, %get3A_1144] {strides = array<i32>} : memref<240x128xf32, #tpu.memory_space<vmem>>, vector<1x16xf32>,
          %get3A_1146 = vector.shape_cast %get3A_1145 : vector<1x16xf32> to vector<16xf32>
          %mul3A_1147 = vector.broadcast %squeeze3A_1142 : f32 to vector<16xf32>
          %mul3A_1148 = arith.mulf %get3A_1146, %mul3A_1147 : vector<16xf32>
          %swap3A_1149 = arith.index_cast %add3A_1140 : i32 to index
          %swap3A_1150 = arith.constant 0 : index
          %swap3A_1151 = tpu.vector_load %arg10[%swap3A_1149, %swap3A_1150] {strides = array<i32>} : memref<240x128xf32, #tpu.memory_space<vmem>>, vector<1x16xf32>,
          %swap3A_1152 = vector.shape_cast %swap3A_1151 : vector<1x16xf32> to vector<16xf32>
          %swap3A_1153 = vector.shape_cast %mul3A_1148 : vector<16xf32> to vector<1x16xf32>
          tpu.vector_store %arg10[%swap3A_1149, %swap3A_1150], %swap3A_1153 {strides = array<i32>} : memref<240x128xf32, #tpu.memory_space<vmem>>, vector<1x16xf32>,
          %get3A_1154 = arith.index_cast %add3A_1140 : i32 to index
          %get3A_1155 = arith.constant 16 : index
          %get3A_1156 = tpu.vector_load %arg10[%get3A_1154, %get3A_1155] {strides = array<i32>} : memref<240x128xf32, #tpu.memory_space<vmem>>, vector<1x16xf32>,
          %get3A_1157 = vector.shape_cast %get3A_1156 : vector<1x16xf32> to vector<16xf32>
          %mul3A_1158 = vector.broadcast %squeeze3A_1142 : f32 to vector<16xf32>
          %mul3A_1159 = arith.mulf %get3A_1157, %mul3A_1158 : vector<16xf32>
          %swap3A_1160 = arith.index_cast %add3A_1140 : i32 to index
          %swap3A_1161 = arith.constant 16 : index
          %swap3A_1162 = tpu.vector_load %arg10[%swap3A_1160, %swap3A_1161] {strides = array<i32>} : memref<240x128xf32, #tpu.memory_space<vmem>>, vector<1x16xf32>,
          %swap3A_1163 = vector.shape_cast %swap3A_1162 : vector<1x16xf32> to vector<16xf32>
          %swap3A_1164 = vector.shape_cast %mul3A_1159 : vector<16xf32> to vector<1x16xf32>
          tpu.vector_store %arg10[%swap3A_1160, %swap3A_1161], %swap3A_1164 {strides = array<i32>} : memref<240x128xf32, #tpu.memory_space<vmem>>, vector<1x16xf32>,
          %get3A_1165 = arith.index_cast %add3A_1140 : i32 to index
          %get3A_1166 = arith.constant 32 : index
          %get3A_1167 = tpu.vector_load %arg10[%get3A_1165, %get3A_1166] {strides = array<i32>} : memref<240x128xf32, #tpu.memory_space<vmem>>, vector<1x16xf32>,
          %get3A_1168 = vector.shape_cast %get3A_1167 : vector<1x16xf32> to vector<16xf32>
          %mul3A_1169 = vector.broadcast %squeeze3A_1142 : f32 to vector<16xf32>
          %mul3A_1170 = arith.mulf %get3A_1168, %mul3A_1169 : vector<16xf32>
          %swap3A_1171 = arith.index_cast %add3A_1140 : i32 to index
          %swap3A_1172 = arith.constant 32 : index
          %swap3A_1173 = tpu.vector_load %arg10[%swap3A_1171, %swap3A_1172] {strides = array<i32>} : memref<240x128xf32, #tpu.memory_space<vmem>>, vector<1x16xf32>,
          %swap3A_1174 = vector.shape_cast %swap3A_1173 : vector<1x16xf32> to vector<16xf32>
          %swap3A_1175 = vector.shape_cast %mul3A_1170 : vector<16xf32> to vector<1x16xf32>
          tpu.vector_store %arg10[%swap3A_1171, %swap3A_1172], %swap3A_1175 {strides = array<i32>} : memref<240x128xf32, #tpu.memory_space<vmem>>, vector<1x16xf32>,
          %get3A_1176 = arith.index_cast %add3A_1140 : i32 to index
          %get3A_1177 = arith.constant 48 : index
          %get3A_1178 = tpu.vector_load %arg10[%get3A_1176, %get3A_1177] {strides = array<i32>} : memref<240x128xf32, #tpu.memory_space<vmem>>, vector<1x16xf32>,
          %get3A_1179 = vector.shape_cast %get3A_1178 : vector<1x16xf32> to vector<16xf32>
          %mul3A_1180 = vector.broadcast %squeeze3A_1142 : f32 to vector<16xf32>
          %mul3A_1181 = arith.mulf %get3A_1179, %mul3A_1180 : vector<16xf32>
          %swap3A_1182 = arith.index_cast %add3A_1140 : i32 to index
          %swap3A_1183 = arith.constant 48 : index
          %swap3A_1184 = tpu.vector_load %arg10[%swap3A_1182, %swap3A_1183] {strides = array<i32>} : memref<240x128xf32, #tpu.memory_space<vmem>>, vector<1x16xf32>,
          %swap3A_1185 = vector.shape_cast %swap3A_1184 : vector<1x16xf32> to vector<16xf32>
          %swap3A_1186 = vector.shape_cast %mul3A_1181 : vector<16xf32> to vector<1x16xf32>
          tpu.vector_store %arg10[%swap3A_1182, %swap3A_1183], %swap3A_1186 {strides = array<i32>} : memref<240x128xf32, #tpu.memory_space<vmem>>, vector<1x16xf32>,
          %get3A_1187 = arith.index_cast %add3A_1140 : i32 to index
          %get3A_1188 = arith.constant 64 : index
          %get3A_1189 = tpu.vector_load %arg10[%get3A_1187, %get3A_1188] {strides = array<i32>} : memref<240x128xf32, #tpu.memory_space<vmem>>, vector<1x16xf32>,
          %get3A_1190 = vector.shape_cast %get3A_1189 : vector<1x16xf32> to vector<16xf32>
          %mul3A_1191 = vector.broadcast %squeeze3A_1142 : f32 to vector<16xf32>
          %mul3A_1192 = arith.mulf %get3A_1190, %mul3A_1191 : vector<16xf32>
          %swap3A_1193 = arith.index_cast %add3A_1140 : i32 to index
          %swap3A_1194 = arith.constant 64 : index
          %swap3A_1195 = tpu.vector_load %arg10[%swap3A_1193, %swap3A_1194] {strides = array<i32>} : memref<240x128xf32, #tpu.memory_space<vmem>>, vector<1x16xf32>,
          %swap3A_1196 = vector.shape_cast %swap3A_1195 : vector<1x16xf32> to vector<16xf32>
          %swap3A_1197 = vector.shape_cast %mul3A_1192 : vector<16xf32> to vector<1x16xf32>
          tpu.vector_store %arg10[%swap3A_1193, %swap3A_1194], %swap3A_1197 {strides = array<i32>} : memref<240x128xf32, #tpu.memory_space<vmem>>, vector<1x16xf32>,
          %get3A_1198 = arith.index_cast %add3A_1140 : i32 to index
          %get3A_1199 = arith.constant 80 : index
          %get3A_1200 = tpu.vector_load %arg10[%get3A_1198, %get3A_1199] {strides = array<i32>} : memref<240x128xf32, #tpu.memory_space<vmem>>, vector<1x16xf32>,
          %get3A_1201 = vector.shape_cast %get3A_1200 : vector<1x16xf32> to vector<16xf32>
          %mul3A_1202 = vector.broadcast %squeeze3A_1142 : f32 to vector<16xf32>
          %mul3A_1203 = arith.mulf %get3A_1201, %mul3A_1202 : vector<16xf32>
          %swap3A_1204 = arith.index_cast %add3A_1140 : i32 to index
          %swap3A_1205 = arith.constant 80 : index
          %swap3A_1206 = tpu.vector_load %arg10[%swap3A_1204, %swap3A_1205] {strides = array<i32>} : memref<240x128xf32, #tpu.memory_space<vmem>>, vector<1x16xf32>,
          %swap3A_1207 = vector.shape_cast %swap3A_1206 : vector<1x16xf32> to vector<16xf32>
          %swap3A_1208 = vector.shape_cast %mul3A_1203 : vector<16xf32> to vector<1x16xf32>
          tpu.vector_store %arg10[%swap3A_1204, %swap3A_1205], %swap3A_1208 {strides = array<i32>} : memref<240x128xf32, #tpu.memory_space<vmem>>, vector<1x16xf32>,
          %get3A_1209 = arith.index_cast %add3A_1140 : i32 to index
          %get3A_1210 = arith.constant 96 : index
          %get3A_1211 = tpu.vector_load %arg10[%get3A_1209, %get3A_1210] {strides = array<i32>} : memref<240x128xf32, #tpu.memory_space<vmem>>, vector<1x16xf32>,
          %get3A_1212 = vector.shape_cast %get3A_1211 : vector<1x16xf32> to vector<16xf32>
          %mul3A_1213 = vector.broadcast %squeeze3A_1142 : f32 to vector<16xf32>
          %mul3A_1214 = arith.mulf %get3A_1212, %mul3A_1213 : vector<16xf32>
          %swap3A_1215 = arith.index_cast %add3A_1140 : i32 to index
          %swap3A_1216 = arith.constant 96 : index
          %swap3A_1217 = tpu.vector_load %arg10[%swap3A_1215, %swap3A_1216] {strides = array<i32>} : memref<240x128xf32, #tpu.memory_space<vmem>>, vector<1x16xf32>,
          %swap3A_1218 = vector.shape_cast %swap3A_1217 : vector<1x16xf32> to vector<16xf32>
          %swap3A_1219 = vector.shape_cast %mul3A_1214 : vector<16xf32> to vector<1x16xf32>
          tpu.vector_store %arg10[%swap3A_1215, %swap3A_1216], %swap3A_1219 {strides = array<i32>} : memref<240x128xf32, #tpu.memory_space<vmem>>, vector<1x16xf32>,
          %get3A_1220 = arith.index_cast %add3A_1140 : i32 to index
          %get3A_1221 = arith.constant 112 : index
          %get3A_1222 = tpu.vector_load %arg10[%get3A_1220, %get3A_1221] {strides = array<i32>} : memref<240x128xf32, #tpu.memory_space<vmem>>, vector<1x16xf32>,
          %get3A_1223 = vector.shape_cast %get3A_1222 : vector<1x16xf32> to vector<16xf32>
          %mul3A_1224 = vector.broadcast %squeeze3A_1142 : f32 to vector<16xf32>
          %mul3A_1225 = arith.mulf %get3A_1223, %mul3A_1224 : vector<16xf32>
          %swap3A_1226 = arith.index_cast %add3A_1140 : i32 to index
          %swap3A_1227 = arith.constant 112 : index
          %swap3A_1228 = tpu.vector_load %arg10[%swap3A_1226, %swap3A_1227] {strides = array<i32>} : memref<240x128xf32, #tpu.memory_space<vmem>>, vector<1x16xf32>,
          %swap3A_1229 = vector.shape_cast %swap3A_1228 : vector<1x16xf32> to vector<16xf32>
          %swap3A_1230 = vector.shape_cast %mul3A_1225 : vector<16xf32> to vector<1x16xf32>
          tpu.vector_store %arg10[%swap3A_1226, %swap3A_1227], %swap3A_1230 {strides = array<i32>} : memref<240x128xf32, #tpu.memory_space<vmem>>, vector<1x16xf32>,
          %mul3A_1231 = arith.constant 16 : i32
          %mul3A_1232 = arith.muli %scan3A_193, %mul3A_1231 : i32
          %add3A_1233 = arith.constant 11 : i32
          %add3A_1234 = arith.addi %mul3A_1232, %add3A_1233 : i32
          %slice3A_1235 = vector.extract_strided_slice %get3A_198 {offsets = [11], sizes = [1], strides = [1]} : vector<16xf32> to vector<1xf32>
          %squeeze3A_1236 = vector.extract %slice3A_1235[0] : f32 from vector<1xf32>
          %get3A_1237 = arith.index_cast %add3A_1234 : i32 to index
          %get3A_1238 = arith.constant 0 : index
          %get3A_1239 = tpu.vector_load %arg10[%get3A_1237, %get3A_1238] {strides = array<i32>} : memref<240x128xf32, #tpu.memory_space<vmem>>, vector<1x16xf32>,
          %get3A_1240 = vector.shape_cast %get3A_1239 : vector<1x16xf32> to vector<16xf32>
          %mul3A_1241 = vector.broadcast %squeeze3A_1236 : f32 to vector<16xf32>
          %mul3A_1242 = arith.mulf %get3A_1240, %mul3A_1241 : vector<16xf32>
          %swap3A_1243 = arith.index_cast %add3A_1234 : i32 to index
          %swap3A_1244 = arith.constant 0 : index
          %swap3A_1245 = tpu.vector_load %arg10[%swap3A_1243, %swap3A_1244] {strides = array<i32>} : memref<240x128xf32, #tpu.memory_space<vmem>>, vector<1x16xf32>,
          %swap3A_1246 = vector.shape_cast %swap3A_1245 : vector<1x16xf32> to vector<16xf32>
          %swap3A_1247 = vector.shape_cast %mul3A_1242 : vector<16xf32> to vector<1x16xf32>
          tpu.vector_store %arg10[%swap3A_1243, %swap3A_1244], %swap3A_1247 {strides = array<i32>} : memref<240x128xf32, #tpu.memory_space<vmem>>, vector<1x16xf32>,
          %get3A_1248 = arith.index_cast %add3A_1234 : i32 to index
          %get3A_1249 = arith.constant 16 : index
          %get3A_1250 = tpu.vector_load %arg10[%get3A_1248, %get3A_1249] {strides = array<i32>} : memref<240x128xf32, #tpu.memory_space<vmem>>, vector<1x16xf32>,
          %get3A_1251 = vector.shape_cast %get3A_1250 : vector<1x16xf32> to vector<16xf32>
          %mul3A_1252 = vector.broadcast %squeeze3A_1236 : f32 to vector<16xf32>
          %mul3A_1253 = arith.mulf %get3A_1251, %mul3A_1252 : vector<16xf32>
          %swap3A_1254 = arith.index_cast %add3A_1234 : i32 to index
          %swap3A_1255 = arith.constant 16 : index
          %swap3A_1256 = tpu.vector_load %arg10[%swap3A_1254, %swap3A_1255] {strides = array<i32>} : memref<240x128xf32, #tpu.memory_space<vmem>>, vector<1x16xf32>,
          %swap3A_1257 = vector.shape_cast %swap3A_1256 : vector<1x16xf32> to vector<16xf32>
          %swap3A_1258 = vector.shape_cast %mul3A_1253 : vector<16xf32> to vector<1x16xf32>
          tpu.vector_store %arg10[%swap3A_1254, %swap3A_1255], %swap3A_1258 {strides = array<i32>} : memref<240x128xf32, #tpu.memory_space<vmem>>, vector<1x16xf32>,
          %get3A_1259 = arith.index_cast %add3A_1234 : i32 to index
          %get3A_1260 = arith.constant 32 : index
          %get3A_1261 = tpu.vector_load %arg10[%get3A_1259, %get3A_1260] {strides = array<i32>} : memref<240x128xf32, #tpu.memory_space<vmem>>, vector<1x16xf32>,
          %get3A_1262 = vector.shape_cast %get3A_1261 : vector<1x16xf32> to vector<16xf32>
          %mul3A_1263 = vector.broadcast %squeeze3A_1236 : f32 to vector<16xf32>
          %mul3A_1264 = arith.mulf %get3A_1262, %mul3A_1263 : vector<16xf32>
          %swap3A_1265 = arith.index_cast %add3A_1234 : i32 to index
          %swap3A_1266 = arith.constant 32 : index
          %swap3A_1267 = tpu.vector_load %arg10[%swap3A_1265, %swap3A_1266] {strides = array<i32>} : memref<240x128xf32, #tpu.memory_space<vmem>>, vector<1x16xf32>,
          %swap3A_1268 = vector.shape_cast %swap3A_1267 : vector<1x16xf32> to vector<16xf32>
          %swap3A_1269 = vector.shape_cast %mul3A_1264 : vector<16xf32> to vector<1x16xf32>
          tpu.vector_store %arg10[%swap3A_1265, %swap3A_1266], %swap3A_1269 {strides = array<i32>} : memref<240x128xf32, #tpu.memory_space<vmem>>, vector<1x16xf32>,
          %get3A_1270 = arith.index_cast %add3A_1234 : i32 to index
          %get3A_1271 = arith.constant 48 : index
          %get3A_1272 = tpu.vector_load %arg10[%get3A_1270, %get3A_1271] {strides = array<i32>} : memref<240x128xf32, #tpu.memory_space<vmem>>, vector<1x16xf32>,
          %get3A_1273 = vector.shape_cast %get3A_1272 : vector<1x16xf32> to vector<16xf32>
          %mul3A_1274 = vector.broadcast %squeeze3A_1236 : f32 to vector<16xf32>
          %mul3A_1275 = arith.mulf %get3A_1273, %mul3A_1274 : vector<16xf32>
          %swap3A_1276 = arith.index_cast %add3A_1234 : i32 to index
          %swap3A_1277 = arith.constant 48 : index
          %swap3A_1278 = tpu.vector_load %arg10[%swap3A_1276, %swap3A_1277] {strides = array<i32>} : memref<240x128xf32, #tpu.memory_space<vmem>>, vector<1x16xf32>,
          %swap3A_1279 = vector.shape_cast %swap3A_1278 : vector<1x16xf32> to vector<16xf32>
          %swap3A_1280 = vector.shape_cast %mul3A_1275 : vector<16xf32> to vector<1x16xf32>
          tpu.vector_store %arg10[%swap3A_1276, %swap3A_1277], %swap3A_1280 {strides = array<i32>} : memref<240x128xf32, #tpu.memory_space<vmem>>, vector<1x16xf32>,
          %get3A_1281 = arith.index_cast %add3A_1234 : i32 to index
          %get3A_1282 = arith.constant 64 : index
          %get3A_1283 = tpu.vector_load %arg10[%get3A_1281, %get3A_1282] {strides = array<i32>} : memref<240x128xf32, #tpu.memory_space<vmem>>, vector<1x16xf32>,
          %get3A_1284 = vector.shape_cast %get3A_1283 : vector<1x16xf32> to vector<16xf32>
          %mul3A_1285 = vector.broadcast %squeeze3A_1236 : f32 to vector<16xf32>
          %mul3A_1286 = arith.mulf %get3A_1284, %mul3A_1285 : vector<16xf32>
          %swap3A_1287 = arith.index_cast %add3A_1234 : i32 to index
          %swap3A_1288 = arith.constant 64 : index
          %swap3A_1289 = tpu.vector_load %arg10[%swap3A_1287, %swap3A_1288] {strides = array<i32>} : memref<240x128xf32, #tpu.memory_space<vmem>>, vector<1x16xf32>,
          %swap3A_1290 = vector.shape_cast %swap3A_1289 : vector<1x16xf32> to vector<16xf32>
          %swap3A_1291 = vector.shape_cast %mul3A_1286 : vector<16xf32> to vector<1x16xf32>
          tpu.vector_store %arg10[%swap3A_1287, %swap3A_1288], %swap3A_1291 {strides = array<i32>} : memref<240x128xf32, #tpu.memory_space<vmem>>, vector<1x16xf32>,
          %get3A_1292 = arith.index_cast %add3A_1234 : i32 to index
          %get3A_1293 = arith.constant 80 : index
          %get3A_1294 = tpu.vector_load %arg10[%get3A_1292, %get3A_1293] {strides = array<i32>} : memref<240x128xf32, #tpu.memory_space<vmem>>, vector<1x16xf32>,
          %get3A_1295 = vector.shape_cast %get3A_1294 : vector<1x16xf32> to vector<16xf32>
          %mul3A_1296 = vector.broadcast %squeeze3A_1236 : f32 to vector<16xf32>
          %mul3A_1297 = arith.mulf %get3A_1295, %mul3A_1296 : vector<16xf32>
          %swap3A_1298 = arith.index_cast %add3A_1234 : i32 to index
          %swap3A_1299 = arith.constant 80 : index
          %swap3A_1300 = tpu.vector_load %arg10[%swap3A_1298, %swap3A_1299] {strides = array<i32>} : memref<240x128xf32, #tpu.memory_space<vmem>>, vector<1x16xf32>,
          %swap3A_1301 = vector.shape_cast %swap3A_1300 : vector<1x16xf32> to vector<16xf32>
          %swap3A_1302 = vector.shape_cast %mul3A_1297 : vector<16xf32> to vector<1x16xf32>
          tpu.vector_store %arg10[%swap3A_1298, %swap3A_1299], %swap3A_1302 {strides = array<i32>} : memref<240x128xf32, #tpu.memory_space<vmem>>, vector<1x16xf32>,
          %get3A_1303 = arith.index_cast %add3A_1234 : i32 to index
          %get3A_1304 = arith.constant 96 : index
          %get3A_1305 = tpu.vector_load %arg10[%get3A_1303, %get3A_1304] {strides = array<i32>} : memref<240x128xf32, #tpu.memory_space<vmem>>, vector<1x16xf32>,
          %get3A_1306 = vector.shape_cast %get3A_1305 : vector<1x16xf32> to vector<16xf32>
          %mul3A_1307 = vector.broadcast %squeeze3A_1236 : f32 to vector<16xf32>
          %mul3A_1308 = arith.mulf %get3A_1306, %mul3A_1307 : vector<16xf32>
          %swap3A_1309 = arith.index_cast %add3A_1234 : i32 to index
          %swap3A_1310 = arith.constant 96 : index
          %swap3A_1311 = tpu.vector_load %arg10[%swap3A_1309, %swap3A_1310] {strides = array<i32>} : memref<240x128xf32, #tpu.memory_space<vmem>>, vector<1x16xf32>,
          %swap3A_1312 = vector.shape_cast %swap3A_1311 : vector<1x16xf32> to vector<16xf32>
          %swap3A_1313 = vector.shape_cast %mul3A_1308 : vector<16xf32> to vector<1x16xf32>
          tpu.vector_store %arg10[%swap3A_1309, %swap3A_1310], %swap3A_1313 {strides = array<i32>} : memref<240x128xf32, #tpu.memory_space<vmem>>, vector<1x16xf32>,
          %get3A_1314 = arith.index_cast %add3A_1234 : i32 to index
          %get3A_1315 = arith.constant 112 : index
          %get3A_1316 = tpu.vector_load %arg10[%get3A_1314, %get3A_1315] {strides = array<i32>} : memref<240x128xf32, #tpu.memory_space<vmem>>, vector<1x16xf32>,
          %get3A_1317 = vector.shape_cast %get3A_1316 : vector<1x16xf32> to vector<16xf32>
          %mul3A_1318 = vector.broadcast %squeeze3A_1236 : f32 to vector<16xf32>
          %mul3A_1319 = arith.mulf %get3A_1317, %mul3A_1318 : vector<16xf32>
          %swap3A_1320 = arith.index_cast %add3A_1234 : i32 to index
          %swap3A_1321 = arith.constant 112 : index
          %swap3A_1322 = tpu.vector_load %arg10[%swap3A_1320, %swap3A_1321] {strides = array<i32>} : memref<240x128xf32, #tpu.memory_space<vmem>>, vector<1x16xf32>,
          %swap3A_1323 = vector.shape_cast %swap3A_1322 : vector<1x16xf32> to vector<16xf32>
          %swap3A_1324 = vector.shape_cast %mul3A_1319 : vector<16xf32> to vector<1x16xf32>
          tpu.vector_store %arg10[%swap3A_1320, %swap3A_1321], %swap3A_1324 {strides = array<i32>} : memref<240x128xf32, #tpu.memory_space<vmem>>, vector<1x16xf32>,
          %mul3A_1325 = arith.constant 16 : i32
          %mul3A_1326 = arith.muli %scan3A_193, %mul3A_1325 : i32
          %add3A_1327 = arith.constant 12 : i32
          %add3A_1328 = arith.addi %mul3A_1326, %add3A_1327 : i32
          %slice3A_1329 = vector.extract_strided_slice %get3A_198 {offsets = [12], sizes = [1], strides = [1]} : vector<16xf32> to vector<1xf32>
          %squeeze3A_1330 = vector.extract %slice3A_1329[0] : f32 from vector<1xf32>
          %get3A_1331 = arith.index_cast %add3A_1328 : i32 to index
          %get3A_1332 = arith.constant 0 : index
          %get3A_1333 = tpu.vector_load %arg10[%get3A_1331, %get3A_1332] {strides = array<i32>} : memref<240x128xf32, #tpu.memory_space<vmem>>, vector<1x16xf32>,
          %get3A_1334 = vector.shape_cast %get3A_1333 : vector<1x16xf32> to vector<16xf32>
          %mul3A_1335 = vector.broadcast %squeeze3A_1330 : f32 to vector<16xf32>
          %mul3A_1336 = arith.mulf %get3A_1334, %mul3A_1335 : vector<16xf32>
          %swap3A_1337 = arith.index_cast %add3A_1328 : i32 to index
          %swap3A_1338 = arith.constant 0 : index
          %swap3A_1339 = tpu.vector_load %arg10[%swap3A_1337, %swap3A_1338] {strides = array<i32>} : memref<240x128xf32, #tpu.memory_space<vmem>>, vector<1x16xf32>,
          %swap3A_1340 = vector.shape_cast %swap3A_1339 : vector<1x16xf32> to vector<16xf32>
          %swap3A_1341 = vector.shape_cast %mul3A_1336 : vector<16xf32> to vector<1x16xf32>
          tpu.vector_store %arg10[%swap3A_1337, %swap3A_1338], %swap3A_1341 {strides = array<i32>} : memref<240x128xf32, #tpu.memory_space<vmem>>, vector<1x16xf32>,
          %get3A_1342 = arith.index_cast %add3A_1328 : i32 to index
          %get3A_1343 = arith.constant 16 : index
          %get3A_1344 = tpu.vector_load %arg10[%get3A_1342, %get3A_1343] {strides = array<i32>} : memref<240x128xf32, #tpu.memory_space<vmem>>, vector<1x16xf32>,
          %get3A_1345 = vector.shape_cast %get3A_1344 : vector<1x16xf32> to vector<16xf32>
          %mul3A_1346 = vector.broadcast %squeeze3A_1330 : f32 to vector<16xf32>
          %mul3A_1347 = arith.mulf %get3A_1345, %mul3A_1346 : vector<16xf32>
          %swap3A_1348 = arith.index_cast %add3A_1328 : i32 to index
          %swap3A_1349 = arith.constant 16 : index
          %swap3A_1350 = tpu.vector_load %arg10[%swap3A_1348, %swap3A_1349] {strides = array<i32>} : memref<240x128xf32, #tpu.memory_space<vmem>>, vector<1x16xf32>,
          %swap3A_1351 = vector.shape_cast %swap3A_1350 : vector<1x16xf32> to vector<16xf32>
          %swap3A_1352 = vector.shape_cast %mul3A_1347 : vector<16xf32> to vector<1x16xf32>
          tpu.vector_store %arg10[%swap3A_1348, %swap3A_1349], %swap3A_1352 {strides = array<i32>} : memref<240x128xf32, #tpu.memory_space<vmem>>, vector<1x16xf32>,
          %get3A_1353 = arith.index_cast %add3A_1328 : i32 to index
          %get3A_1354 = arith.constant 32 : index
          %get3A_1355 = tpu.vector_load %arg10[%get3A_1353, %get3A_1354] {strides = array<i32>} : memref<240x128xf32, #tpu.memory_space<vmem>>, vector<1x16xf32>,
          %get3A_1356 = vector.shape_cast %get3A_1355 : vector<1x16xf32> to vector<16xf32>
          %mul3A_1357 = vector.broadcast %squeeze3A_1330 : f32 to vector<16xf32>
          %mul3A_1358 = arith.mulf %get3A_1356, %mul3A_1357 : vector<16xf32>
          %swap3A_1359 = arith.index_cast %add3A_1328 : i32 to index
          %swap3A_1360 = arith.constant 32 : index
          %swap3A_1361 = tpu.vector_load %arg10[%swap3A_1359, %swap3A_1360] {strides = array<i32>} : memref<240x128xf32, #tpu.memory_space<vmem>>, vector<1x16xf32>,
          %swap3A_1362 = vector.shape_cast %swap3A_1361 : vector<1x16xf32> to vector<16xf32>
          %swap3A_1363 = vector.shape_cast %mul3A_1358 : vector<16xf32> to vector<1x16xf32>
          tpu.vector_store %arg10[%swap3A_1359, %swap3A_1360], %swap3A_1363 {strides = array<i32>} : memref<240x128xf32, #tpu.memory_space<vmem>>, vector<1x16xf32>,
          %get3A_1364 = arith.index_cast %add3A_1328 : i32 to index
          %get3A_1365 = arith.constant 48 : index
          %get3A_1366 = tpu.vector_load %arg10[%get3A_1364, %get3A_1365] {strides = array<i32>} : memref<240x128xf32, #tpu.memory_space<vmem>>, vector<1x16xf32>,
          %get3A_1367 = vector.shape_cast %get3A_1366 : vector<1x16xf32> to vector<16xf32>
          %mul3A_1368 = vector.broadcast %squeeze3A_1330 : f32 to vector<16xf32>
          %mul3A_1369 = arith.mulf %get3A_1367, %mul3A_1368 : vector<16xf32>
          %swap3A_1370 = arith.index_cast %add3A_1328 : i32 to index
          %swap3A_1371 = arith.constant 48 : index
          %swap3A_1372 = tpu.vector_load %arg10[%swap3A_1370, %swap3A_1371] {strides = array<i32>} : memref<240x128xf32, #tpu.memory_space<vmem>>, vector<1x16xf32>,
          %swap3A_1373 = vector.shape_cast %swap3A_1372 : vector<1x16xf32> to vector<16xf32>
          %swap3A_1374 = vector.shape_cast %mul3A_1369 : vector<16xf32> to vector<1x16xf32>
          tpu.vector_store %arg10[%swap3A_1370, %swap3A_1371], %swap3A_1374 {strides = array<i32>} : memref<240x128xf32, #tpu.memory_space<vmem>>, vector<1x16xf32>,
          %get3A_1375 = arith.index_cast %add3A_1328 : i32 to index
          %get3A_1376 = arith.constant 64 : index
          %get3A_1377 = tpu.vector_load %arg10[%get3A_1375, %get3A_1376] {strides = array<i32>} : memref<240x128xf32, #tpu.memory_space<vmem>>, vector<1x16xf32>,
          %get3A_1378 = vector.shape_cast %get3A_1377 : vector<1x16xf32> to vector<16xf32>
          %mul3A_1379 = vector.broadcast %squeeze3A_1330 : f32 to vector<16xf32>
          %mul3A_1380 = arith.mulf %get3A_1378, %mul3A_1379 : vector<16xf32>
          %swap3A_1381 = arith.index_cast %add3A_1328 : i32 to index
          %swap3A_1382 = arith.constant 64 : index
          %swap3A_1383 = tpu.vector_load %arg10[%swap3A_1381, %swap3A_1382] {strides = array<i32>} : memref<240x128xf32, #tpu.memory_space<vmem>>, vector<1x16xf32>,
          %swap3A_1384 = vector.shape_cast %swap3A_1383 : vector<1x16xf32> to vector<16xf32>
          %swap3A_1385 = vector.shape_cast %mul3A_1380 : vector<16xf32> to vector<1x16xf32>
          tpu.vector_store %arg10[%swap3A_1381, %swap3A_1382], %swap3A_1385 {strides = array<i32>} : memref<240x128xf32, #tpu.memory_space<vmem>>, vector<1x16xf32>,
          %get3A_1386 = arith.index_cast %add3A_1328 : i32 to index
          %get3A_1387 = arith.constant 80 : index
          %get3A_1388 = tpu.vector_load %arg10[%get3A_1386, %get3A_1387] {strides = array<i32>} : memref<240x128xf32, #tpu.memory_space<vmem>>, vector<1x16xf32>,
          %get3A_1389 = vector.shape_cast %get3A_1388 : vector<1x16xf32> to vector<16xf32>
          %mul3A_1390 = vector.broadcast %squeeze3A_1330 : f32 to vector<16xf32>
          %mul3A_1391 = arith.mulf %get3A_1389, %mul3A_1390 : vector<16xf32>
          %swap3A_1392 = arith.index_cast %add3A_1328 : i32 to index
          %swap3A_1393 = arith.constant 80 : index
          %swap3A_1394 = tpu.vector_load %arg10[%swap3A_1392, %swap3A_1393] {strides = array<i32>} : memref<240x128xf32, #tpu.memory_space<vmem>>, vector<1x16xf32>,
          %swap3A_1395 = vector.shape_cast %swap3A_1394 : vector<1x16xf32> to vector<16xf32>
          %swap3A_1396 = vector.shape_cast %mul3A_1391 : vector<16xf32> to vector<1x16xf32>
          tpu.vector_store %arg10[%swap3A_1392, %swap3A_1393], %swap3A_1396 {strides = array<i32>} : memref<240x128xf32, #tpu.memory_space<vmem>>, vector<1x16xf32>,
          %get3A_1397 = arith.index_cast %add3A_1328 : i32 to index
          %get3A_1398 = arith.constant 96 : index
          %get3A_1399 = tpu.vector_load %arg10[%get3A_1397, %get3A_1398] {strides = array<i32>} : memref<240x128xf32, #tpu.memory_space<vmem>>, vector<1x16xf32>,
          %get3A_1400 = vector.shape_cast %get3A_1399 : vector<1x16xf32> to vector<16xf32>
          %mul3A_1401 = vector.broadcast %squeeze3A_1330 : f32 to vector<16xf32>
          %mul3A_1402 = arith.mulf %get3A_1400, %mul3A_1401 : vector<16xf32>
          %swap3A_1403 = arith.index_cast %add3A_1328 : i32 to index
          %swap3A_1404 = arith.constant 96 : index
          %swap3A_1405 = tpu.vector_load %arg10[%swap3A_1403, %swap3A_1404] {strides = array<i32>} : memref<240x128xf32, #tpu.memory_space<vmem>>, vector<1x16xf32>,
          %swap3A_1406 = vector.shape_cast %swap3A_1405 : vector<1x16xf32> to vector<16xf32>
          %swap3A_1407 = vector.shape_cast %mul3A_1402 : vector<16xf32> to vector<1x16xf32>
          tpu.vector_store %arg10[%swap3A_1403, %swap3A_1404], %swap3A_1407 {strides = array<i32>} : memref<240x128xf32, #tpu.memory_space<vmem>>, vector<1x16xf32>,
          %get3A_1408 = arith.index_cast %add3A_1328 : i32 to index
          %get3A_1409 = arith.constant 112 : index
          %get3A_1410 = tpu.vector_load %arg10[%get3A_1408, %get3A_1409] {strides = array<i32>} : memref<240x128xf32, #tpu.memory_space<vmem>>, vector<1x16xf32>,
          %get3A_1411 = vector.shape_cast %get3A_1410 : vector<1x16xf32> to vector<16xf32>
          %mul3A_1412 = vector.broadcast %squeeze3A_1330 : f32 to vector<16xf32>
          %mul3A_1413 = arith.mulf %get3A_1411, %mul3A_1412 : vector<16xf32>
          %swap3A_1414 = arith.index_cast %add3A_1328 : i32 to index
          %swap3A_1415 = arith.constant 112 : index
          %swap3A_1416 = tpu.vector_load %arg10[%swap3A_1414, %swap3A_1415] {strides = array<i32>} : memref<240x128xf32, #tpu.memory_space<vmem>>, vector<1x16xf32>,
          %swap3A_1417 = vector.shape_cast %swap3A_1416 : vector<1x16xf32> to vector<16xf32>
          %swap3A_1418 = vector.shape_cast %mul3A_1413 : vector<16xf32> to vector<1x16xf32>
          tpu.vector_store %arg10[%swap3A_1414, %swap3A_1415], %swap3A_1418 {strides = array<i32>} : memref<240x128xf32, #tpu.memory_space<vmem>>, vector<1x16xf32>,
          %mul3A_1419 = arith.constant 16 : i32
          %mul3A_1420 = arith.muli %scan3A_193, %mul3A_1419 : i32
          %add3A_1421 = arith.constant 13 : i32
          %add3A_1422 = arith.addi %mul3A_1420, %add3A_1421 : i32
          %slice3A_1423 = vector.extract_strided_slice %get3A_198 {offsets = [13], sizes = [1], strides = [1]} : vector<16xf32> to vector<1xf32>
          %squeeze3A_1424 = vector.extract %slice3A_1423[0] : f32 from vector<1xf32>
          %get3A_1425 = arith.index_cast %add3A_1422 : i32 to index
          %get3A_1426 = arith.constant 0 : index
          %get3A_1427 = tpu.vector_load %arg10[%get3A_1425, %get3A_1426] {strides = array<i32>} : memref<240x128xf32, #tpu.memory_space<vmem>>, vector<1x16xf32>,
          %get3A_1428 = vector.shape_cast %get3A_1427 : vector<1x16xf32> to vector<16xf32>
          %mul3A_1429 = vector.broadcast %squeeze3A_1424 : f32 to vector<16xf32>
          %mul3A_1430 = arith.mulf %get3A_1428, %mul3A_1429 : vector<16xf32>
          %swap3A_1431 = arith.index_cast %add3A_1422 : i32 to index
          %swap3A_1432 = arith.constant 0 : index
          %swap3A_1433 = tpu.vector_load %arg10[%swap3A_1431, %swap3A_1432] {strides = array<i32>} : memref<240x128xf32, #tpu.memory_space<vmem>>, vector<1x16xf32>,
          %swap3A_1434 = vector.shape_cast %swap3A_1433 : vector<1x16xf32> to vector<16xf32>
          %swap3A_1435 = vector.shape_cast %mul3A_1430 : vector<16xf32> to vector<1x16xf32>
          tpu.vector_store %arg10[%swap3A_1431, %swap3A_1432], %swap3A_1435 {strides = array<i32>} : memref<240x128xf32, #tpu.memory_space<vmem>>, vector<1x16xf32>,
          %get3A_1436 = arith.index_cast %add3A_1422 : i32 to index
          %get3A_1437 = arith.constant 16 : index
          %get3A_1438 = tpu.vector_load %arg10[%get3A_1436, %get3A_1437] {strides = array<i32>} : memref<240x128xf32, #tpu.memory_space<vmem>>, vector<1x16xf32>,
          %get3A_1439 = vector.shape_cast %get3A_1438 : vector<1x16xf32> to vector<16xf32>
          %mul3A_1440 = vector.broadcast %squeeze3A_1424 : f32 to vector<16xf32>
          %mul3A_1441 = arith.mulf %get3A_1439, %mul3A_1440 : vector<16xf32>
          %swap3A_1442 = arith.index_cast %add3A_1422 : i32 to index
          %swap3A_1443 = arith.constant 16 : index
          %swap3A_1444 = tpu.vector_load %arg10[%swap3A_1442, %swap3A_1443] {strides = array<i32>} : memref<240x128xf32, #tpu.memory_space<vmem>>, vector<1x16xf32>,
          %swap3A_1445 = vector.shape_cast %swap3A_1444 : vector<1x16xf32> to vector<16xf32>
          %swap3A_1446 = vector.shape_cast %mul3A_1441 : vector<16xf32> to vector<1x16xf32>
          tpu.vector_store %arg10[%swap3A_1442, %swap3A_1443], %swap3A_1446 {strides = array<i32>} : memref<240x128xf32, #tpu.memory_space<vmem>>, vector<1x16xf32>,
          %get3A_1447 = arith.index_cast %add3A_1422 : i32 to index
          %get3A_1448 = arith.constant 32 : index
          %get3A_1449 = tpu.vector_load %arg10[%get3A_1447, %get3A_1448] {strides = array<i32>} : memref<240x128xf32, #tpu.memory_space<vmem>>, vector<1x16xf32>,
          %get3A_1450 = vector.shape_cast %get3A_1449 : vector<1x16xf32> to vector<16xf32>
          %mul3A_1451 = vector.broadcast %squeeze3A_1424 : f32 to vector<16xf32>
          %mul3A_1452 = arith.mulf %get3A_1450, %mul3A_1451 : vector<16xf32>
          %swap3A_1453 = arith.index_cast %add3A_1422 : i32 to index
          %swap3A_1454 = arith.constant 32 : index
          %swap3A_1455 = tpu.vector_load %arg10[%swap3A_1453, %swap3A_1454] {strides = array<i32>} : memref<240x128xf32, #tpu.memory_space<vmem>>, vector<1x16xf32>,
          %swap3A_1456 = vector.shape_cast %swap3A_1455 : vector<1x16xf32> to vector<16xf32>
          %swap3A_1457 = vector.shape_cast %mul3A_1452 : vector<16xf32> to vector<1x16xf32>
          tpu.vector_store %arg10[%swap3A_1453, %swap3A_1454], %swap3A_1457 {strides = array<i32>} : memref<240x128xf32, #tpu.memory_space<vmem>>, vector<1x16xf32>,
          %get3A_1458 = arith.index_cast %add3A_1422 : i32 to index
          %get3A_1459 = arith.constant 48 : index
          %get3A_1460 = tpu.vector_load %arg10[%get3A_1458, %get3A_1459] {strides = array<i32>} : memref<240x128xf32, #tpu.memory_space<vmem>>, vector<1x16xf32>,
          %get3A_1461 = vector.shape_cast %get3A_1460 : vector<1x16xf32> to vector<16xf32>
          %mul3A_1462 = vector.broadcast %squeeze3A_1424 : f32 to vector<16xf32>
          %mul3A_1463 = arith.mulf %get3A_1461, %mul3A_1462 : vector<16xf32>
          %swap3A_1464 = arith.index_cast %add3A_1422 : i32 to index
          %swap3A_1465 = arith.constant 48 : index
          %swap3A_1466 = tpu.vector_load %arg10[%swap3A_1464, %swap3A_1465] {strides = array<i32>} : memref<240x128xf32, #tpu.memory_space<vmem>>, vector<1x16xf32>,
          %swap3A_1467 = vector.shape_cast %swap3A_1466 : vector<1x16xf32> to vector<16xf32>
          %swap3A_1468 = vector.shape_cast %mul3A_1463 : vector<16xf32> to vector<1x16xf32>
          tpu.vector_store %arg10[%swap3A_1464, %swap3A_1465], %swap3A_1468 {strides = array<i32>} : memref<240x128xf32, #tpu.memory_space<vmem>>, vector<1x16xf32>,
          %get3A_1469 = arith.index_cast %add3A_1422 : i32 to index
          %get3A_1470 = arith.constant 64 : index
          %get3A_1471 = tpu.vector_load %arg10[%get3A_1469, %get3A_1470] {strides = array<i32>} : memref<240x128xf32, #tpu.memory_space<vmem>>, vector<1x16xf32>,
          %get3A_1472 = vector.shape_cast %get3A_1471 : vector<1x16xf32> to vector<16xf32>
          %mul3A_1473 = vector.broadcast %squeeze3A_1424 : f32 to vector<16xf32>
          %mul3A_1474 = arith.mulf %get3A_1472, %mul3A_1473 : vector<16xf32>
          %swap3A_1475 = arith.index_cast %add3A_1422 : i32 to index
          %swap3A_1476 = arith.constant 64 : index
          %swap3A_1477 = tpu.vector_load %arg10[%swap3A_1475, %swap3A_1476] {strides = array<i32>} : memref<240x128xf32, #tpu.memory_space<vmem>>, vector<1x16xf32>,
          %swap3A_1478 = vector.shape_cast %swap3A_1477 : vector<1x16xf32> to vector<16xf32>
          %swap3A_1479 = vector.shape_cast %mul3A_1474 : vector<16xf32> to vector<1x16xf32>
          tpu.vector_store %arg10[%swap3A_1475, %swap3A_1476], %swap3A_1479 {strides = array<i32>} : memref<240x128xf32, #tpu.memory_space<vmem>>, vector<1x16xf32>,
          %get3A_1480 = arith.index_cast %add3A_1422 : i32 to index
          %get3A_1481 = arith.constant 80 : index
          %get3A_1482 = tpu.vector_load %arg10[%get3A_1480, %get3A_1481] {strides = array<i32>} : memref<240x128xf32, #tpu.memory_space<vmem>>, vector<1x16xf32>,
          %get3A_1483 = vector.shape_cast %get3A_1482 : vector<1x16xf32> to vector<16xf32>
          %mul3A_1484 = vector.broadcast %squeeze3A_1424 : f32 to vector<16xf32>
          %mul3A_1485 = arith.mulf %get3A_1483, %mul3A_1484 : vector<16xf32>
          %swap3A_1486 = arith.index_cast %add3A_1422 : i32 to index
          %swap3A_1487 = arith.constant 80 : index
          %swap3A_1488 = tpu.vector_load %arg10[%swap3A_1486, %swap3A_1487] {strides = array<i32>} : memref<240x128xf32, #tpu.memory_space<vmem>>, vector<1x16xf32>,
          %swap3A_1489 = vector.shape_cast %swap3A_1488 : vector<1x16xf32> to vector<16xf32>
          %swap3A_1490 = vector.shape_cast %mul3A_1485 : vector<16xf32> to vector<1x16xf32>
          tpu.vector_store %arg10[%swap3A_1486, %swap3A_1487], %swap3A_1490 {strides = array<i32>} : memref<240x128xf32, #tpu.memory_space<vmem>>, vector<1x16xf32>,
          %get3A_1491 = arith.index_cast %add3A_1422 : i32 to index
          %get3A_1492 = arith.constant 96 : index
          %get3A_1493 = tpu.vector_load %arg10[%get3A_1491, %get3A_1492] {strides = array<i32>} : memref<240x128xf32, #tpu.memory_space<vmem>>, vector<1x16xf32>,
          %get3A_1494 = vector.shape_cast %get3A_1493 : vector<1x16xf32> to vector<16xf32>
          %mul3A_1495 = vector.broadcast %squeeze3A_1424 : f32 to vector<16xf32>
          %mul3A_1496 = arith.mulf %get3A_1494, %mul3A_1495 : vector<16xf32>
          %swap3A_1497 = arith.index_cast %add3A_1422 : i32 to index
          %swap3A_1498 = arith.constant 96 : index
          %swap3A_1499 = tpu.vector_load %arg10[%swap3A_1497, %swap3A_1498] {strides = array<i32>} : memref<240x128xf32, #tpu.memory_space<vmem>>, vector<1x16xf32>,
          %swap3A_1500 = vector.shape_cast %swap3A_1499 : vector<1x16xf32> to vector<16xf32>
          %swap3A_1501 = vector.shape_cast %mul3A_1496 : vector<16xf32> to vector<1x16xf32>
          tpu.vector_store %arg10[%swap3A_1497, %swap3A_1498], %swap3A_1501 {strides = array<i32>} : memref<240x128xf32, #tpu.memory_space<vmem>>, vector<1x16xf32>,
          %get3A_1502 = arith.index_cast %add3A_1422 : i32 to index
          %get3A_1503 = arith.constant 112 : index
          %get3A_1504 = tpu.vector_load %arg10[%get3A_1502, %get3A_1503] {strides = array<i32>} : memref<240x128xf32, #tpu.memory_space<vmem>>, vector<1x16xf32>,
          %get3A_1505 = vector.shape_cast %get3A_1504 : vector<1x16xf32> to vector<16xf32>
          %mul3A_1506 = vector.broadcast %squeeze3A_1424 : f32 to vector<16xf32>
          %mul3A_1507 = arith.mulf %get3A_1505, %mul3A_1506 : vector<16xf32>
          %swap3A_1508 = arith.index_cast %add3A_1422 : i32 to index
          %swap3A_1509 = arith.constant 112 : index
          %swap3A_1510 = tpu.vector_load %arg10[%swap3A_1508, %swap3A_1509] {strides = array<i32>} : memref<240x128xf32, #tpu.memory_space<vmem>>, vector<1x16xf32>,
          %swap3A_1511 = vector.shape_cast %swap3A_1510 : vector<1x16xf32> to vector<16xf32>
          %swap3A_1512 = vector.shape_cast %mul3A_1507 : vector<16xf32> to vector<1x16xf32>
          tpu.vector_store %arg10[%swap3A_1508, %swap3A_1509], %swap3A_1512 {strides = array<i32>} : memref<240x128xf32, #tpu.memory_space<vmem>>, vector<1x16xf32>,
          %mul3A_1513 = arith.constant 16 : i32
          %mul3A_1514 = arith.muli %scan3A_193, %mul3A_1513 : i32
          %add3A_1515 = arith.constant 14 : i32
          %add3A_1516 = arith.addi %mul3A_1514, %add3A_1515 : i32
          %slice3A_1517 = vector.extract_strided_slice %get3A_198 {offsets = [14], sizes = [1], strides = [1]} : vector<16xf32> to vector<1xf32>
          %squeeze3A_1518 = vector.extract %slice3A_1517[0] : f32 from vector<1xf32>
          %get3A_1519 = arith.index_cast %add3A_1516 : i32 to index
          %get3A_1520 = arith.constant 0 : index
          %get3A_1521 = tpu.vector_load %arg10[%get3A_1519, %get3A_1520] {strides = array<i32>} : memref<240x128xf32, #tpu.memory_space<vmem>>, vector<1x16xf32>,
          %get3A_1522 = vector.shape_cast %get3A_1521 : vector<1x16xf32> to vector<16xf32>
          %mul3A_1523 = vector.broadcast %squeeze3A_1518 : f32 to vector<16xf32>
          %mul3A_1524 = arith.mulf %get3A_1522, %mul3A_1523 : vector<16xf32>
          %swap3A_1525 = arith.index_cast %add3A_1516 : i32 to index
          %swap3A_1526 = arith.constant 0 : index
          %swap3A_1527 = tpu.vector_load %arg10[%swap3A_1525, %swap3A_1526] {strides = array<i32>} : memref<240x128xf32, #tpu.memory_space<vmem>>, vector<1x16xf32>,
          %swap3A_1528 = vector.shape_cast %swap3A_1527 : vector<1x16xf32> to vector<16xf32>
          %swap3A_1529 = vector.shape_cast %mul3A_1524 : vector<16xf32> to vector<1x16xf32>
          tpu.vector_store %arg10[%swap3A_1525, %swap3A_1526], %swap3A_1529 {strides = array<i32>} : memref<240x128xf32, #tpu.memory_space<vmem>>, vector<1x16xf32>,
          %get3A_1530 = arith.index_cast %add3A_1516 : i32 to index
          %get3A_1531 = arith.constant 16 : index
          %get3A_1532 = tpu.vector_load %arg10[%get3A_1530, %get3A_1531] {strides = array<i32>} : memref<240x128xf32, #tpu.memory_space<vmem>>, vector<1x16xf32>,
          %get3A_1533 = vector.shape_cast %get3A_1532 : vector<1x16xf32> to vector<16xf32>
          %mul3A_1534 = vector.broadcast %squeeze3A_1518 : f32 to vector<16xf32>
          %mul3A_1535 = arith.mulf %get3A_1533, %mul3A_1534 : vector<16xf32>
          %swap3A_1536 = arith.index_cast %add3A_1516 : i32 to index
          %swap3A_1537 = arith.constant 16 : index
          %swap3A_1538 = tpu.vector_load %arg10[%swap3A_1536, %swap3A_1537] {strides = array<i32>} : memref<240x128xf32, #tpu.memory_space<vmem>>, vector<1x16xf32>,
          %swap3A_1539 = vector.shape_cast %swap3A_1538 : vector<1x16xf32> to vector<16xf32>
          %swap3A_1540 = vector.shape_cast %mul3A_1535 : vector<16xf32> to vector<1x16xf32>
          tpu.vector_store %arg10[%swap3A_1536, %swap3A_1537], %swap3A_1540 {strides = array<i32>} : memref<240x128xf32, #tpu.memory_space<vmem>>, vector<1x16xf32>,
          %get3A_1541 = arith.index_cast %add3A_1516 : i32 to index
          %get3A_1542 = arith.constant 32 : index
          %get3A_1543 = tpu.vector_load %arg10[%get3A_1541, %get3A_1542] {strides = array<i32>} : memref<240x128xf32, #tpu.memory_space<vmem>>, vector<1x16xf32>,
          %get3A_1544 = vector.shape_cast %get3A_1543 : vector<1x16xf32> to vector<16xf32>
          %mul3A_1545 = vector.broadcast %squeeze3A_1518 : f32 to vector<16xf32>
          %mul3A_1546 = arith.mulf %get3A_1544, %mul3A_1545 : vector<16xf32>
          %swap3A_1547 = arith.index_cast %add3A_1516 : i32 to index
          %swap3A_1548 = arith.constant 32 : index
          %swap3A_1549 = tpu.vector_load %arg10[%swap3A_1547, %swap3A_1548] {strides = array<i32>} : memref<240x128xf32, #tpu.memory_space<vmem>>, vector<1x16xf32>,
          %swap3A_1550 = vector.shape_cast %swap3A_1549 : vector<1x16xf32> to vector<16xf32>
          %swap3A_1551 = vector.shape_cast %mul3A_1546 : vector<16xf32> to vector<1x16xf32>
          tpu.vector_store %arg10[%swap3A_1547, %swap3A_1548], %swap3A_1551 {strides = array<i32>} : memref<240x128xf32, #tpu.memory_space<vmem>>, vector<1x16xf32>,
          %get3A_1552 = arith.index_cast %add3A_1516 : i32 to index
          %get3A_1553 = arith.constant 48 : index
          %get3A_1554 = tpu.vector_load %arg10[%get3A_1552, %get3A_1553] {strides = array<i32>} : memref<240x128xf32, #tpu.memory_space<vmem>>, vector<1x16xf32>,
          %get3A_1555 = vector.shape_cast %get3A_1554 : vector<1x16xf32> to vector<16xf32>
          %mul3A_1556 = vector.broadcast %squeeze3A_1518 : f32 to vector<16xf32>
          %mul3A_1557 = arith.mulf %get3A_1555, %mul3A_1556 : vector<16xf32>
          %swap3A_1558 = arith.index_cast %add3A_1516 : i32 to index
          %swap3A_1559 = arith.constant 48 : index
          %swap3A_1560 = tpu.vector_load %arg10[%swap3A_1558, %swap3A_1559] {strides = array<i32>} : memref<240x128xf32, #tpu.memory_space<vmem>>, vector<1x16xf32>,
          %swap3A_1561 = vector.shape_cast %swap3A_1560 : vector<1x16xf32> to vector<16xf32>
          %swap3A_1562 = vector.shape_cast %mul3A_1557 : vector<16xf32> to vector<1x16xf32>
          tpu.vector_store %arg10[%swap3A_1558, %swap3A_1559], %swap3A_1562 {strides = array<i32>} : memref<240x128xf32, #tpu.memory_space<vmem>>, vector<1x16xf32>,
          %get3A_1563 = arith.index_cast %add3A_1516 : i32 to index
          %get3A_1564 = arith.constant 64 : index
          %get3A_1565 = tpu.vector_load %arg10[%get3A_1563, %get3A_1564] {strides = array<i32>} : memref<240x128xf32, #tpu.memory_space<vmem>>, vector<1x16xf32>,
          %get3A_1566 = vector.shape_cast %get3A_1565 : vector<1x16xf32> to vector<16xf32>
          %mul3A_1567 = vector.broadcast %squeeze3A_1518 : f32 to vector<16xf32>
          %mul3A_1568 = arith.mulf %get3A_1566, %mul3A_1567 : vector<16xf32>
          %swap3A_1569 = arith.index_cast %add3A_1516 : i32 to index
          %swap3A_1570 = arith.constant 64 : index
          %swap3A_1571 = tpu.vector_load %arg10[%swap3A_1569, %swap3A_1570] {strides = array<i32>} : memref<240x128xf32, #tpu.memory_space<vmem>>, vector<1x16xf32>,
          %swap3A_1572 = vector.shape_cast %swap3A_1571 : vector<1x16xf32> to vector<16xf32>
          %swap3A_1573 = vector.shape_cast %mul3A_1568 : vector<16xf32> to vector<1x16xf32>
          tpu.vector_store %arg10[%swap3A_1569, %swap3A_1570], %swap3A_1573 {strides = array<i32>} : memref<240x128xf32, #tpu.memory_space<vmem>>, vector<1x16xf32>,
          %get3A_1574 = arith.index_cast %add3A_1516 : i32 to index
          %get3A_1575 = arith.constant 80 : index
          %get3A_1576 = tpu.vector_load %arg10[%get3A_1574, %get3A_1575] {strides = array<i32>} : memref<240x128xf32, #tpu.memory_space<vmem>>, vector<1x16xf32>,
          %get3A_1577 = vector.shape_cast %get3A_1576 : vector<1x16xf32> to vector<16xf32>
          %mul3A_1578 = vector.broadcast %squeeze3A_1518 : f32 to vector<16xf32>
          %mul3A_1579 = arith.mulf %get3A_1577, %mul3A_1578 : vector<16xf32>
          %swap3A_1580 = arith.index_cast %add3A_1516 : i32 to index
          %swap3A_1581 = arith.constant 80 : index
          %swap3A_1582 = tpu.vector_load %arg10[%swap3A_1580, %swap3A_1581] {strides = array<i32>} : memref<240x128xf32, #tpu.memory_space<vmem>>, vector<1x16xf32>,
          %swap3A_1583 = vector.shape_cast %swap3A_1582 : vector<1x16xf32> to vector<16xf32>
          %swap3A_1584 = vector.shape_cast %mul3A_1579 : vector<16xf32> to vector<1x16xf32>
          tpu.vector_store %arg10[%swap3A_1580, %swap3A_1581], %swap3A_1584 {strides = array<i32>} : memref<240x128xf32, #tpu.memory_space<vmem>>, vector<1x16xf32>,
          %get3A_1585 = arith.index_cast %add3A_1516 : i32 to index
          %get3A_1586 = arith.constant 96 : index
          %get3A_1587 = tpu.vector_load %arg10[%get3A_1585, %get3A_1586] {strides = array<i32>} : memref<240x128xf32, #tpu.memory_space<vmem>>, vector<1x16xf32>,
          %get3A_1588 = vector.shape_cast %get3A_1587 : vector<1x16xf32> to vector<16xf32>
          %mul3A_1589 = vector.broadcast %squeeze3A_1518 : f32 to vector<16xf32>
          %mul3A_1590 = arith.mulf %get3A_1588, %mul3A_1589 : vector<16xf32>
          %swap3A_1591 = arith.index_cast %add3A_1516 : i32 to index
          %swap3A_1592 = arith.constant 96 : index
          %swap3A_1593 = tpu.vector_load %arg10[%swap3A_1591, %swap3A_1592] {strides = array<i32>} : memref<240x128xf32, #tpu.memory_space<vmem>>, vector<1x16xf32>,
          %swap3A_1594 = vector.shape_cast %swap3A_1593 : vector<1x16xf32> to vector<16xf32>
          %swap3A_1595 = vector.shape_cast %mul3A_1590 : vector<16xf32> to vector<1x16xf32>
          tpu.vector_store %arg10[%swap3A_1591, %swap3A_1592], %swap3A_1595 {strides = array<i32>} : memref<240x128xf32, #tpu.memory_space<vmem>>, vector<1x16xf32>,
          %get3A_1596 = arith.index_cast %add3A_1516 : i32 to index
          %get3A_1597 = arith.constant 112 : index
          %get3A_1598 = tpu.vector_load %arg10[%get3A_1596, %get3A_1597] {strides = array<i32>} : memref<240x128xf32, #tpu.memory_space<vmem>>, vector<1x16xf32>,
          %get3A_1599 = vector.shape_cast %get3A_1598 : vector<1x16xf32> to vector<16xf32>
          %mul3A_1600 = vector.broadcast %squeeze3A_1518 : f32 to vector<16xf32>
          %mul3A_1601 = arith.mulf %get3A_1599, %mul3A_1600 : vector<16xf32>
          %swap3A_1602 = arith.index_cast %add3A_1516 : i32 to index
          %swap3A_1603 = arith.constant 112 : index
          %swap3A_1604 = tpu.vector_load %arg10[%swap3A_1602, %swap3A_1603] {strides = array<i32>} : memref<240x128xf32, #tpu.memory_space<vmem>>, vector<1x16xf32>,
          %swap3A_1605 = vector.shape_cast %swap3A_1604 : vector<1x16xf32> to vector<16xf32>
          %swap3A_1606 = vector.shape_cast %mul3A_1601 : vector<16xf32> to vector<1x16xf32>
          tpu.vector_store %arg10[%swap3A_1602, %swap3A_1603], %swap3A_1606 {strides = array<i32>} : memref<240x128xf32, #tpu.memory_space<vmem>>, vector<1x16xf32>,
          %mul3A_1607 = arith.constant 16 : i32
          %mul3A_1608 = arith.muli %scan3A_193, %mul3A_1607 : i32
          %add3A_1609 = arith.constant 15 : i32
          %add3A_1610 = arith.addi %mul3A_1608, %add3A_1609 : i32
          %slice3A_1611 = vector.extract_strided_slice %get3A_198 {offsets = [15], sizes = [1], strides = [1]} : vector<16xf32> to vector<1xf32>
          %squeeze3A_1612 = vector.extract %slice3A_1611[0] : f32 from vector<1xf32>
          %get3A_1613 = arith.index_cast %add3A_1610 : i32 to index
          %get3A_1614 = arith.constant 0 : index
          %get3A_1615 = tpu.vector_load %arg10[%get3A_1613, %get3A_1614] {strides = array<i32>} : memref<240x128xf32, #tpu.memory_space<vmem>>, vector<1x16xf32>,
          %get3A_1616 = vector.shape_cast %get3A_1615 : vector<1x16xf32> to vector<16xf32>
          %mul3A_1617 = vector.broadcast %squeeze3A_1612 : f32 to vector<16xf32>
          %mul3A_1618 = arith.mulf %get3A_1616, %mul3A_1617 : vector<16xf32>
          %swap3A_1619 = arith.index_cast %add3A_1610 : i32 to index
          %swap3A_1620 = arith.constant 0 : index
          %swap3A_1621 = tpu.vector_load %arg10[%swap3A_1619, %swap3A_1620] {strides = array<i32>} : memref<240x128xf32, #tpu.memory_space<vmem>>, vector<1x16xf32>,
          %swap3A_1622 = vector.shape_cast %swap3A_1621 : vector<1x16xf32> to vector<16xf32>
          %swap3A_1623 = vector.shape_cast %mul3A_1618 : vector<16xf32> to vector<1x16xf32>
          tpu.vector_store %arg10[%swap3A_1619, %swap3A_1620], %swap3A_1623 {strides = array<i32>} : memref<240x128xf32, #tpu.memory_space<vmem>>, vector<1x16xf32>,
          %get3A_1624 = arith.index_cast %add3A_1610 : i32 to index
          %get3A_1625 = arith.constant 16 : index
          %get3A_1626 = tpu.vector_load %arg10[%get3A_1624, %get3A_1625] {strides = array<i32>} : memref<240x128xf32, #tpu.memory_space<vmem>>, vector<1x16xf32>,
          %get3A_1627 = vector.shape_cast %get3A_1626 : vector<1x16xf32> to vector<16xf32>
          %mul3A_1628 = vector.broadcast %squeeze3A_1612 : f32 to vector<16xf32>
          %mul3A_1629 = arith.mulf %get3A_1627, %mul3A_1628 : vector<16xf32>
          %swap3A_1630 = arith.index_cast %add3A_1610 : i32 to index
          %swap3A_1631 = arith.constant 16 : index
          %swap3A_1632 = tpu.vector_load %arg10[%swap3A_1630, %swap3A_1631] {strides = array<i32>} : memref<240x128xf32, #tpu.memory_space<vmem>>, vector<1x16xf32>,
          %swap3A_1633 = vector.shape_cast %swap3A_1632 : vector<1x16xf32> to vector<16xf32>
          %swap3A_1634 = vector.shape_cast %mul3A_1629 : vector<16xf32> to vector<1x16xf32>
          tpu.vector_store %arg10[%swap3A_1630, %swap3A_1631], %swap3A_1634 {strides = array<i32>} : memref<240x128xf32, #tpu.memory_space<vmem>>, vector<1x16xf32>,
          %get3A_1635 = arith.index_cast %add3A_1610 : i32 to index
          %get3A_1636 = arith.constant 32 : index
          %get3A_1637 = tpu.vector_load %arg10[%get3A_1635, %get3A_1636] {strides = array<i32>} : memref<240x128xf32, #tpu.memory_space<vmem>>, vector<1x16xf32>,
          %get3A_1638 = vector.shape_cast %get3A_1637 : vector<1x16xf32> to vector<16xf32>
          %mul3A_1639 = vector.broadcast %squeeze3A_1612 : f32 to vector<16xf32>
          %mul3A_1640 = arith.mulf %get3A_1638, %mul3A_1639 : vector<16xf32>
          %swap3A_1641 = arith.index_cast %add3A_1610 : i32 to index
          %swap3A_1642 = arith.constant 32 : index
          %swap3A_1643 = tpu.vector_load %arg10[%swap3A_1641, %swap3A_1642] {strides = array<i32>} : memref<240x128xf32, #tpu.memory_space<vmem>>, vector<1x16xf32>,
          %swap3A_1644 = vector.shape_cast %swap3A_1643 : vector<1x16xf32> to vector<16xf32>
          %swap3A_1645 = vector.shape_cast %mul3A_1640 : vector<16xf32> to vector<1x16xf32>
          tpu.vector_store %arg10[%swap3A_1641, %swap3A_1642], %swap3A_1645 {strides = array<i32>} : memref<240x128xf32, #tpu.memory_space<vmem>>, vector<1x16xf32>,
          %get3A_1646 = arith.index_cast %add3A_1610 : i32 to index
          %get3A_1647 = arith.constant 48 : index
          %get3A_1648 = tpu.vector_load %arg10[%get3A_1646, %get3A_1647] {strides = array<i32>} : memref<240x128xf32, #tpu.memory_space<vmem>>, vector<1x16xf32>,
          %get3A_1649 = vector.shape_cast %get3A_1648 : vector<1x16xf32> to vector<16xf32>
          %mul3A_1650 = vector.broadcast %squeeze3A_1612 : f32 to vector<16xf32>
          %mul3A_1651 = arith.mulf %get3A_1649, %mul3A_1650 : vector<16xf32>
          %swap3A_1652 = arith.index_cast %add3A_1610 : i32 to index
          %swap3A_1653 = arith.constant 48 : index
          %swap3A_1654 = tpu.vector_load %arg10[%swap3A_1652, %swap3A_1653] {strides = array<i32>} : memref<240x128xf32, #tpu.memory_space<vmem>>, vector<1x16xf32>,
          %swap3A_1655 = vector.shape_cast %swap3A_1654 : vector<1x16xf32> to vector<16xf32>
          %swap3A_1656 = vector.shape_cast %mul3A_1651 : vector<16xf32> to vector<1x16xf32>
          tpu.vector_store %arg10[%swap3A_1652, %swap3A_1653], %swap3A_1656 {strides = array<i32>} : memref<240x128xf32, #tpu.memory_space<vmem>>, vector<1x16xf32>,
          %get3A_1657 = arith.index_cast %add3A_1610 : i32 to index
          %get3A_1658 = arith.constant 64 : index
          %get3A_1659 = tpu.vector_load %arg10[%get3A_1657, %get3A_1658] {strides = array<i32>} : memref<240x128xf32, #tpu.memory_space<vmem>>, vector<1x16xf32>,
          %get3A_1660 = vector.shape_cast %get3A_1659 : vector<1x16xf32> to vector<16xf32>
          %mul3A_1661 = vector.broadcast %squeeze3A_1612 : f32 to vector<16xf32>
          %mul3A_1662 = arith.mulf %get3A_1660, %mul3A_1661 : vector<16xf32>
          %swap3A_1663 = arith.index_cast %add3A_1610 : i32 to index
          %swap3A_1664 = arith.constant 64 : index
          %swap3A_1665 = tpu.vector_load %arg10[%swap3A_1663, %swap3A_1664] {strides = array<i32>} : memref<240x128xf32, #tpu.memory_space<vmem>>, vector<1x16xf32>,
          %swap3A_1666 = vector.shape_cast %swap3A_1665 : vector<1x16xf32> to vector<16xf32>
          %swap3A_1667 = vector.shape_cast %mul3A_1662 : vector<16xf32> to vector<1x16xf32>
          tpu.vector_store %arg10[%swap3A_1663, %swap3A_1664], %swap3A_1667 {strides = array<i32>} : memref<240x128xf32, #tpu.memory_space<vmem>>, vector<1x16xf32>,
          %get3A_1668 = arith.index_cast %add3A_1610 : i32 to index
          %get3A_1669 = arith.constant 80 : index
          %get3A_1670 = tpu.vector_load %arg10[%get3A_1668, %get3A_1669] {strides = array<i32>} : memref<240x128xf32, #tpu.memory_space<vmem>>, vector<1x16xf32>,
          %get3A_1671 = vector.shape_cast %get3A_1670 : vector<1x16xf32> to vector<16xf32>
          %mul3A_1672 = vector.broadcast %squeeze3A_1612 : f32 to vector<16xf32>
          %mul3A_1673 = arith.mulf %get3A_1671, %mul3A_1672 : vector<16xf32>
          %swap3A_1674 = arith.index_cast %add3A_1610 : i32 to index
          %swap3A_1675 = arith.constant 80 : index
          %swap3A_1676 = tpu.vector_load %arg10[%swap3A_1674, %swap3A_1675] {strides = array<i32>} : memref<240x128xf32, #tpu.memory_space<vmem>>, vector<1x16xf32>,
          %swap3A_1677 = vector.shape_cast %swap3A_1676 : vector<1x16xf32> to vector<16xf32>
          %swap3A_1678 = vector.shape_cast %mul3A_1673 : vector<16xf32> to vector<1x16xf32>
          tpu.vector_store %arg10[%swap3A_1674, %swap3A_1675], %swap3A_1678 {strides = array<i32>} : memref<240x128xf32, #tpu.memory_space<vmem>>, vector<1x16xf32>,
          %get3A_1679 = arith.index_cast %add3A_1610 : i32 to index
          %get3A_1680 = arith.constant 96 : index
          %get3A_1681 = tpu.vector_load %arg10[%get3A_1679, %get3A_1680] {strides = array<i32>} : memref<240x128xf32, #tpu.memory_space<vmem>>, vector<1x16xf32>,
          %get3A_1682 = vector.shape_cast %get3A_1681 : vector<1x16xf32> to vector<16xf32>
          %mul3A_1683 = vector.broadcast %squeeze3A_1612 : f32 to vector<16xf32>
          %mul3A_1684 = arith.mulf %get3A_1682, %mul3A_1683 : vector<16xf32>
          %swap3A_1685 = arith.index_cast %add3A_1610 : i32 to index
          %swap3A_1686 = arith.constant 96 : index
          %swap3A_1687 = tpu.vector_load %arg10[%swap3A_1685, %swap3A_1686] {strides = array<i32>} : memref<240x128xf32, #tpu.memory_space<vmem>>, vector<1x16xf32>,
          %swap3A_1688 = vector.shape_cast %swap3A_1687 : vector<1x16xf32> to vector<16xf32>
          %swap3A_1689 = vector.shape_cast %mul3A_1684 : vector<16xf32> to vector<1x16xf32>
          tpu.vector_store %arg10[%swap3A_1685, %swap3A_1686], %swap3A_1689 {strides = array<i32>} : memref<240x128xf32, #tpu.memory_space<vmem>>, vector<1x16xf32>,
          %get3A_1690 = arith.index_cast %add3A_1610 : i32 to index
          %get3A_1691 = arith.constant 112 : index
          %get3A_1692 = tpu.vector_load %arg10[%get3A_1690, %get3A_1691] {strides = array<i32>} : memref<240x128xf32, #tpu.memory_space<vmem>>, vector<1x16xf32>,
          %get3A_1693 = vector.shape_cast %get3A_1692 : vector<1x16xf32> to vector<16xf32>
          %mul3A_1694 = vector.broadcast %squeeze3A_1612 : f32 to vector<16xf32>
          %mul3A_1695 = arith.mulf %get3A_1693, %mul3A_1694 : vector<16xf32>
          %swap3A_1696 = arith.index_cast %add3A_1610 : i32 to index
          %swap3A_1697 = arith.constant 112 : index
          %swap3A_1698 = tpu.vector_load %arg10[%swap3A_1696, %swap3A_1697] {strides = array<i32>} : memref<240x128xf32, #tpu.memory_space<vmem>>, vector<1x16xf32>,
          %swap3A_1699 = vector.shape_cast %swap3A_1698 : vector<1x16xf32> to vector<16xf32>
          %swap3A_1700 = vector.shape_cast %mul3A_1695 : vector<16xf32> to vector<1x16xf32>
          tpu.vector_store %arg10[%swap3A_1696, %swap3A_1697], %swap3A_1700 {strides = array<i32>} : memref<240x128xf32, #tpu.memory_space<vmem>>, vector<1x16xf32>,
        }
        %scan3A_192 = arith.constant 15 : i32
        "tpu.region"() ({
          %run_scoped3A = tpu.sem_alloc : memref<!tpu.dma_semaphore, #tpu.memory_space<semaphore_mem>>
          %dma_start3A_193 = arith.constant 0 : i32
          %dma_start3A_194 = arith.constant 0 : i32
          %dma_start3A_195 = tpu.memref_slice %arg11[%dma_start3A_193, %dma_start3A_194] : memref<10000x128xf32, #tpu.memory_space<vmem_shared>> -> memref<10000x128xf32, #tpu.memory_space<vmem_shared>>
          tpu.enqueue_indirect_dma source(%arg10 : memref<240x128xf32, #tpu.memory_space<vmem>>) target(%dma_start3A_195 : memref<10000x128xf32, #tpu.memory_space<vmem_shared>>) offsets(%arg8 : memref<240xi32, #tpu.memory_space<vmem>>) semaphore(%run_scoped3A : memref<!tpu.dma_semaphore, #tpu.memory_space<semaphore_mem>>) {add = true}
          %dma_wait3A_196 = arith.constant 0 : i32
          %dma_wait3A_197 = arith.constant 0 : i32
          %dma_wait3A_198 = tpu.memref_slice %arg11[%dma_wait3A_196, %dma_wait3A_197] : memref<10000x128xf32, #tpu.memory_space<vmem_shared>> -> memref<10000x128xf32, #tpu.memory_space<vmem_shared>>
          tpu.wait_indirect_dma semaphore(%run_scoped3A : memref<!tpu.dma_semaphore, #tpu.memory_space<semaphore_mem>>) src(%arg10 : memref<240x128xf32, #tpu.memory_space<vmem>>) dst(%dma_wait3A_198 : memref<10000x128xf32, #tpu.memory_space<vmem_shared>>)
          tpu.yield
        }) : () -> ()
      } else {
      }
    }
    %scan3A_19 = arith.constant 79 : i32
    %barrier3A_20 = arith.constant 0 : index
    tpu.barrier barrier_id(%barrier3A_20)
    %mul3A_21 = arith.constant 10000 : i32
    %mul3A_22 = arith.muli %arg0, %mul3A_21 : i32
    %add3A_23 = arith.addi %mul3A_22, %mul3A_7 : i32
    "tpu.region"() ({
      %run_scoped3A = tpu.sem_alloc : memref<!tpu.dma_semaphore, #tpu.memory_space<semaphore_mem>>
      %dma_start3A = arith.constant 0 : i32
      %dma_start3A_24 = tpu.memref_slice %arg6[%add3A_23, %dma_start3A] : memref<20000x128xf32, #tpu.memory_space<hbm>> -> memref<640x128xf32, #tpu.memory_space<hbm>>
      %dma_start3A_25 = arith.constant 0 : i32
      %dma_start3A_26 = tpu.memref_slice %arg11[%mul3A_7, %dma_start3A_25] : memref<10000x128xf32, #tpu.memory_space<vmem_shared>> -> memref<640x128xf32, #tpu.memory_space<vmem_shared>>
      tpu.enqueue_dma source(%dma_start3A_26 : memref<640x128xf32, #tpu.memory_space<vmem_shared>>) target(%dma_start3A_24 : memref<640x128xf32, #tpu.memory_space<hbm>>) target_semaphore(%run_scoped3A : memref<!tpu.dma_semaphore, #tpu.memory_space<semaphore_mem>>)
      %dma_wait3A = arith.constant 0 : i32
      %dma_wait3A_27 = tpu.memref_slice %arg6[%add3A_23, %dma_wait3A] : memref<20000x128xf32, #tpu.memory_space<hbm>> -> memref<640x128xf32, #tpu.memory_space<hbm>>
      %dma_wait3A_28 = arith.constant 0 : i32
      %dma_wait3A_29 = tpu.memref_slice %arg11[%mul3A_7, %dma_wait3A_28] : memref<10000x128xf32, #tpu.memory_space<vmem_shared>> -> memref<640x128xf32, #tpu.memory_space<vmem_shared>>
      tpu.wait_dma2 semaphore(%run_scoped3A : memref<!tpu.dma_semaphore, #tpu.memory_space<semaphore_mem>>) src(%dma_wait3A_29 : memref<640x128xf32, #tpu.memory_space<vmem_shared>>) dst(%dma_wait3A_27 : memref<640x128xf32, #tpu.memory_space<hbm>>)
      tpu.yield
    }) : () -> ()
    return
  }
}

module attributes {stable_mosaic.version = 14 : i64} {
  func.func @_first_tables_body(%arg0: i32, %arg1: memref<1000x128xf32, #tpu.memory_space<vmem>>, %arg2: memref<128x128xf32, #tpu.memory_space<vmem>>, %arg3: memref<4x128x128xf32, #tpu.memory_space<vmem>>, %arg4: memref<4x1000x128xf32, #tpu.memory_space<vmem>>) attributes {dimension_semantics = [#tpu.dimension_semantics<arbitrary>], iteration_bounds = array<i64: 10>, scalar_prefetch = 0 : i64, scratch_operands = 0 : i64, tpu.core_type = #tpu.core_type<tc>, window_params = [{transform_indices = @transform_0, window_bounds = array<i64: 1000, 128>}, {pipeline_mode = #tpu.pipeline_mode<synchronous>, transform_indices = @transform_1, window_bounds = array<i64: 128, 128>}, {pipeline_mode = #tpu.pipeline_mode<synchronous>, transform_indices = @transform_2, window_bounds = array<i64: 4, 128, 128>}, {transform_indices = @transform_3, window_bounds = array<i64: 4, 1000, 128>}]} {
    %get3A = arith.constant 0 : index
    %get3A_0 = arith.constant 0 : index
    %get3A_1 = vector.load %arg1[%get3A, %get3A_0] : memref<1000x128xf32, #tpu.memory_space<vmem>>, vector<1000x128xf32>
    %get3A_2 = arith.constant 0 : index
    %get3A_3 = arith.constant 0 : index
    %get3A_4 = vector.load %arg2[%get3A_2, %get3A_3] : memref<128x128xf32, #tpu.memory_space<vmem>>, vector<128x128xf32>
    %dot_general3A = arith.constant dense<0.000000e+00> : vector<1000x128xf32>
    %dot_general3A_5 = tpu.matmul %get3A_1, %get3A_4, %dot_general3A {dimension_numbers = #tpu.dot_dimension_numbers<[1], [0], [0], [1], [0, 0, 1, 1], [], []>, transpose_lhs_hint = false} : vector<1000x128xf32>, vector<128x128xf32>, vector<1000x128xf32> -> vector<1000x128xf32>
    %get3A_6 = arith.constant 0 : index
    %get3A_7 = arith.constant 0 : index
    %get3A_8 = arith.constant 0 : index
    %get3A_9 = vector.load %arg3[%get3A_6, %get3A_7, %get3A_8] : memref<4x128x128xf32, #tpu.memory_space<vmem>>, vector<1x128x128xf32>
    %get3A_10 = vector.shape_cast %get3A_9 : vector<1x128x128xf32> to vector<128x128xf32>
    %dot_general3A_11 = arith.constant dense<0.000000e+00> : vector<1000x128xf32>
    %dot_general3A_12 = tpu.matmul %dot_general3A_5, %get3A_10, %dot_general3A_11 {dimension_numbers = #tpu.dot_dimension_numbers<[1], [1], [0], [0], [0, 0, 1, 0], [], []>, transpose_lhs_hint = false} : vector<1000x128xf32>, vector<128x128xf32>, vector<1000x128xf32> -> vector<1000x128xf32>
    %swap3A = arith.constant 0 : index
    %swap3A_13 = arith.constant 0 : index
    %swap3A_14 = arith.constant 0 : index
    %swap3A_15 = vector.load %arg4[%swap3A, %swap3A_13, %swap3A_14] : memref<4x1000x128xf32, #tpu.memory_space<vmem>>, vector<1x1000x128xf32>
    %swap3A_16 = vector.shape_cast %swap3A_15 : vector<1x1000x128xf32> to vector<1000x128xf32>
    %swap3A_17 = vector.shape_cast %dot_general3A_12 : vector<1000x128xf32> to vector<1x1000x128xf32>
    tpu.vector_store %arg4[%swap3A, %swap3A_13, %swap3A_14], %swap3A_17 {strides = array<i32>} : memref<4x1000x128xf32, #tpu.memory_space<vmem>>, vector<1x1000x128xf32>,
    %get3A_18 = arith.constant 1 : index
    %get3A_19 = arith.constant 0 : index
    %get3A_20 = arith.constant 0 : index
    %get3A_21 = vector.load %arg3[%get3A_18, %get3A_19, %get3A_20] : memref<4x128x128xf32, #tpu.memory_space<vmem>>, vector<1x128x128xf32>
    %get3A_22 = vector.shape_cast %get3A_21 : vector<1x128x128xf32> to vector<128x128xf32>
    %dot_general3A_23 = arith.constant dense<0.000000e+00> : vector<1000x128xf32>
    %dot_general3A_24 = tpu.matmul %dot_general3A_5, %get3A_22, %dot_general3A_23 {dimension_numbers = #tpu.dot_dimension_numbers<[1], [1], [0], [0], [0, 0, 1, 0], [], []>, transpose_lhs_hint = false} : vector<1000x128xf32>, vector<128x128xf32>, vector<1000x128xf32> -> vector<1000x128xf32>
    %swap3A_25 = arith.constant 1 : index
    %swap3A_26 = arith.constant 0 : index
    %swap3A_27 = arith.constant 0 : index
    %swap3A_28 = vector.load %arg4[%swap3A_25, %swap3A_26, %swap3A_27] : memref<4x1000x128xf32, #tpu.memory_space<vmem>>, vector<1x1000x128xf32>
    %swap3A_29 = vector.shape_cast %swap3A_28 : vector<1x1000x128xf32> to vector<1000x128xf32>
    %swap3A_30 = vector.shape_cast %dot_general3A_24 : vector<1000x128xf32> to vector<1x1000x128xf32>
    tpu.vector_store %arg4[%swap3A_25, %swap3A_26, %swap3A_27], %swap3A_30 {strides = array<i32>} : memref<4x1000x128xf32, #tpu.memory_space<vmem>>, vector<1x1000x128xf32>,
    %get3A_31 = arith.constant 2 : index
    %get3A_32 = arith.constant 0 : index
    %get3A_33 = arith.constant 0 : index
    %get3A_34 = vector.load %arg3[%get3A_31, %get3A_32, %get3A_33] : memref<4x128x128xf32, #tpu.memory_space<vmem>>, vector<1x128x128xf32>
    %get3A_35 = vector.shape_cast %get3A_34 : vector<1x128x128xf32> to vector<128x128xf32>
    %dot_general3A_36 = arith.constant dense<0.000000e+00> : vector<1000x128xf32>
    %dot_general3A_37 = tpu.matmul %dot_general3A_5, %get3A_35, %dot_general3A_36 {dimension_numbers = #tpu.dot_dimension_numbers<[1], [1], [0], [0], [0, 0, 1, 0], [], []>, transpose_lhs_hint = false} : vector<1000x128xf32>, vector<128x128xf32>, vector<1000x128xf32> -> vector<1000x128xf32>
    %swap3A_38 = arith.constant 2 : index
    %swap3A_39 = arith.constant 0 : index
    %swap3A_40 = arith.constant 0 : index
    %swap3A_41 = vector.load %arg4[%swap3A_38, %swap3A_39, %swap3A_40] : memref<4x1000x128xf32, #tpu.memory_space<vmem>>, vector<1x1000x128xf32>
    %swap3A_42 = vector.shape_cast %swap3A_41 : vector<1x1000x128xf32> to vector<1000x128xf32>
    %swap3A_43 = vector.shape_cast %dot_general3A_37 : vector<1000x128xf32> to vector<1x1000x128xf32>
    tpu.vector_store %arg4[%swap3A_38, %swap3A_39, %swap3A_40], %swap3A_43 {strides = array<i32>} : memref<4x1000x128xf32, #tpu.memory_space<vmem>>, vector<1x1000x128xf32>,
    %get3A_44 = arith.constant 3 : index
    %get3A_45 = arith.constant 0 : index
    %get3A_46 = arith.constant 0 : index
    %get3A_47 = vector.load %arg3[%get3A_44, %get3A_45, %get3A_46] : memref<4x128x128xf32, #tpu.memory_space<vmem>>, vector<1x128x128xf32>
    %get3A_48 = vector.shape_cast %get3A_47 : vector<1x128x128xf32> to vector<128x128xf32>
    %dot_general3A_49 = arith.constant dense<0.000000e+00> : vector<1000x128xf32>
    %dot_general3A_50 = tpu.matmul %dot_general3A_5, %get3A_48, %dot_general3A_49 {dimension_numbers = #tpu.dot_dimension_numbers<[1], [1], [0], [0], [0, 0, 1, 0], [], []>, transpose_lhs_hint = false} : vector<1000x128xf32>, vector<128x128xf32>, vector<1000x128xf32> -> vector<1000x128xf32>
    %swap3A_51 = arith.constant 3 : index
    %swap3A_52 = arith.constant 0 : index
    %swap3A_53 = arith.constant 0 : index
    %swap3A_54 = vector.load %arg4[%swap3A_51, %swap3A_52, %swap3A_53] : memref<4x1000x128xf32, #tpu.memory_space<vmem>>, vector<1x1000x128xf32>
    %swap3A_55 = vector.shape_cast %swap3A_54 : vector<1x1000x128xf32> to vector<1000x128xf32>
    %swap3A_56 = vector.shape_cast %dot_general3A_50 : vector<1000x128xf32> to vector<1x1000x128xf32>
    tpu.vector_store %arg4[%swap3A_51, %swap3A_52, %swap3A_53], %swap3A_56 {strides = array<i32>} : memref<4x1000x128xf32, #tpu.memory_space<vmem>>, vector<1x1000x128xf32>,
    return
  }
  func.func @transform_0(%arg0: i32) -> (i32, i32) {
    %c0_i32 = arith.constant 0 : i32
    %c0_i32_0 = arith.constant 0 : i32
    return %arg0, %c0_i32 : i32, i32
  }
  func.func @transform_1(%arg0: i32) -> (i32, i32) {
    %c0_i32 = arith.constant 0 : i32
    %c0_i32_0 = arith.constant 0 : i32
    %c0_i32_1 = arith.constant 0 : i32
    return %c0_i32, %c0_i32_0 : i32, i32
  }
  func.func @transform_2(%arg0: i32) -> (i32, i32, i32) {
    %c0_i32 = arith.constant 0 : i32
    %c0_i32_0 = arith.constant 0 : i32
    %c0_i32_1 = arith.constant 0 : i32
    %c0_i32_2 = arith.constant 0 : i32
    return %c0_i32, %c0_i32_0, %c0_i32_1 : i32, i32, i32
  }
  func.func @transform_3(%arg0: i32) -> (i32, i32, i32) {
    %c0_i32 = arith.constant 0 : i32
    %c0_i32_0 = arith.constant 0 : i32
    %c0_i32_1 = arith.constant 0 : i32
    return %c0_i32, %arg0, %c0_i32_0 : i32, i32, i32
  }
}

module attributes {stable_mosaic.version = 14 : i64} {
  func.func @_mid_tables_body(%arg0: i32, %arg1: memref<2x1000x128xf32, #tpu.memory_space<vmem>>, %arg2: memref<4x128x128xf32, #tpu.memory_space<vmem>>, %arg3: memref<4x1000x128xf32, #tpu.memory_space<vmem>>) attributes {dimension_semantics = [#tpu.dimension_semantics<arbitrary>], iteration_bounds = array<i64: 10>, scalar_prefetch = 0 : i64, scratch_operands = 0 : i64, tpu.core_type = #tpu.core_type<tc>, window_params = [{transform_indices = @transform_0, window_bounds = array<i64: 2, 1000, 128>}, {pipeline_mode = #tpu.pipeline_mode<synchronous>, transform_indices = @transform_1, window_bounds = array<i64: 4, 128, 128>}, {transform_indices = @transform_2, window_bounds = array<i64: 4, 1000, 128>}]} {
    %get3A = arith.constant 0 : index
    %get3A_0 = arith.constant 0 : index
    %get3A_1 = arith.constant 0 : index
    %get3A_2 = vector.load %arg1[%get3A, %get3A_0, %get3A_1] : memref<2x1000x128xf32, #tpu.memory_space<vmem>>, vector<1x1000x128xf32>
    %get3A_3 = vector.shape_cast %get3A_2 : vector<1x1000x128xf32> to vector<1000x128xf32>
    %get3A_4 = arith.constant 1 : index
    %get3A_5 = arith.constant 0 : index
    %get3A_6 = arith.constant 0 : index
    %get3A_7 = vector.load %arg1[%get3A_4, %get3A_5, %get3A_6] : memref<2x1000x128xf32, #tpu.memory_space<vmem>>, vector<1x1000x128xf32>
    %get3A_8 = vector.shape_cast %get3A_7 : vector<1x1000x128xf32> to vector<1000x128xf32>
    %add3A = arith.addf %get3A_3, %get3A_8 : vector<1000x128xf32>
    %max3A = arith.constant 0.000000e+00 : f32
    %max3A_9 = vector.broadcast %max3A : f32 to vector<1000x128xf32>
    %max3A_10 = arith.maximumf %add3A, %max3A_9 : vector<1000x128xf32>
    %get3A_11 = arith.constant 0 : index
    %get3A_12 = arith.constant 0 : index
    %get3A_13 = arith.constant 0 : index
    %get3A_14 = vector.load %arg2[%get3A_11, %get3A_12, %get3A_13] : memref<4x128x128xf32, #tpu.memory_space<vmem>>, vector<1x128x128xf32>
    %get3A_15 = vector.shape_cast %get3A_14 : vector<1x128x128xf32> to vector<128x128xf32>
    %dot_general3A = arith.constant dense<0.000000e+00> : vector<1000x128xf32>
    %dot_general3A_16 = tpu.matmul %max3A_10, %get3A_15, %dot_general3A {dimension_numbers = #tpu.dot_dimension_numbers<[1], [1], [0], [0], [0, 0, 1, 0], [], []>, transpose_lhs_hint = false} : vector<1000x128xf32>, vector<128x128xf32>, vector<1000x128xf32> -> vector<1000x128xf32>
    %swap3A = arith.constant 0 : index
    %swap3A_17 = arith.constant 0 : index
    %swap3A_18 = arith.constant 0 : index
    %swap3A_19 = vector.load %arg3[%swap3A, %swap3A_17, %swap3A_18] : memref<4x1000x128xf32, #tpu.memory_space<vmem>>, vector<1x1000x128xf32>
    %swap3A_20 = vector.shape_cast %swap3A_19 : vector<1x1000x128xf32> to vector<1000x128xf32>
    %swap3A_21 = vector.shape_cast %dot_general3A_16 : vector<1000x128xf32> to vector<1x1000x128xf32>
    tpu.vector_store %arg3[%swap3A, %swap3A_17, %swap3A_18], %swap3A_21 {strides = array<i32>} : memref<4x1000x128xf32, #tpu.memory_space<vmem>>, vector<1x1000x128xf32>,
    %get3A_22 = arith.constant 1 : index
    %get3A_23 = arith.constant 0 : index
    %get3A_24 = arith.constant 0 : index
    %get3A_25 = vector.load %arg2[%get3A_22, %get3A_23, %get3A_24] : memref<4x128x128xf32, #tpu.memory_space<vmem>>, vector<1x128x128xf32>
    %get3A_26 = vector.shape_cast %get3A_25 : vector<1x128x128xf32> to vector<128x128xf32>
    %dot_general3A_27 = arith.constant dense<0.000000e+00> : vector<1000x128xf32>
    %dot_general3A_28 = tpu.matmul %max3A_10, %get3A_26, %dot_general3A_27 {dimension_numbers = #tpu.dot_dimension_numbers<[1], [1], [0], [0], [0, 0, 1, 0], [], []>, transpose_lhs_hint = false} : vector<1000x128xf32>, vector<128x128xf32>, vector<1000x128xf32> -> vector<1000x128xf32>
    %swap3A_29 = arith.constant 1 : index
    %swap3A_30 = arith.constant 0 : index
    %swap3A_31 = arith.constant 0 : index
    %swap3A_32 = vector.load %arg3[%swap3A_29, %swap3A_30, %swap3A_31] : memref<4x1000x128xf32, #tpu.memory_space<vmem>>, vector<1x1000x128xf32>
    %swap3A_33 = vector.shape_cast %swap3A_32 : vector<1x1000x128xf32> to vector<1000x128xf32>
    %swap3A_34 = vector.shape_cast %dot_general3A_28 : vector<1000x128xf32> to vector<1x1000x128xf32>
    tpu.vector_store %arg3[%swap3A_29, %swap3A_30, %swap3A_31], %swap3A_34 {strides = array<i32>} : memref<4x1000x128xf32, #tpu.memory_space<vmem>>, vector<1x1000x128xf32>,
    %get3A_35 = arith.constant 2 : index
    %get3A_36 = arith.constant 0 : index
    %get3A_37 = arith.constant 0 : index
    %get3A_38 = vector.load %arg2[%get3A_35, %get3A_36, %get3A_37] : memref<4x128x128xf32, #tpu.memory_space<vmem>>, vector<1x128x128xf32>
    %get3A_39 = vector.shape_cast %get3A_38 : vector<1x128x128xf32> to vector<128x128xf32>
    %dot_general3A_40 = arith.constant dense<0.000000e+00> : vector<1000x128xf32>
    %dot_general3A_41 = tpu.matmul %max3A_10, %get3A_39, %dot_general3A_40 {dimension_numbers = #tpu.dot_dimension_numbers<[1], [1], [0], [0], [0, 0, 1, 0], [], []>, transpose_lhs_hint = false} : vector<1000x128xf32>, vector<128x128xf32>, vector<1000x128xf32> -> vector<1000x128xf32>
    %swap3A_42 = arith.constant 2 : index
    %swap3A_43 = arith.constant 0 : index
    %swap3A_44 = arith.constant 0 : index
    %swap3A_45 = vector.load %arg3[%swap3A_42, %swap3A_43, %swap3A_44] : memref<4x1000x128xf32, #tpu.memory_space<vmem>>, vector<1x1000x128xf32>
    %swap3A_46 = vector.shape_cast %swap3A_45 : vector<1x1000x128xf32> to vector<1000x128xf32>
    %swap3A_47 = vector.shape_cast %dot_general3A_41 : vector<1000x128xf32> to vector<1x1000x128xf32>
    tpu.vector_store %arg3[%swap3A_42, %swap3A_43, %swap3A_44], %swap3A_47 {strides = array<i32>} : memref<4x1000x128xf32, #tpu.memory_space<vmem>>, vector<1x1000x128xf32>,
    %get3A_48 = arith.constant 3 : index
    %get3A_49 = arith.constant 0 : index
    %get3A_50 = arith.constant 0 : index
    %get3A_51 = vector.load %arg2[%get3A_48, %get3A_49, %get3A_50] : memref<4x128x128xf32, #tpu.memory_space<vmem>>, vector<1x128x128xf32>
    %get3A_52 = vector.shape_cast %get3A_51 : vector<1x128x128xf32> to vector<128x128xf32>
    %dot_general3A_53 = arith.constant dense<0.000000e+00> : vector<1000x128xf32>
    %dot_general3A_54 = tpu.matmul %max3A_10, %get3A_52, %dot_general3A_53 {dimension_numbers = #tpu.dot_dimension_numbers<[1], [1], [0], [0], [0, 0, 1, 0], [], []>, transpose_lhs_hint = false} : vector<1000x128xf32>, vector<128x128xf32>, vector<1000x128xf32> -> vector<1000x128xf32>
    %swap3A_55 = arith.constant 3 : index
    %swap3A_56 = arith.constant 0 : index
    %swap3A_57 = arith.constant 0 : index
    %swap3A_58 = vector.load %arg3[%swap3A_55, %swap3A_56, %swap3A_57] : memref<4x1000x128xf32, #tpu.memory_space<vmem>>, vector<1x1000x128xf32>
    %swap3A_59 = vector.shape_cast %swap3A_58 : vector<1x1000x128xf32> to vector<1000x128xf32>
    %swap3A_60 = vector.shape_cast %dot_general3A_54 : vector<1000x128xf32> to vector<1x1000x128xf32>
    tpu.vector_store %arg3[%swap3A_55, %swap3A_56, %swap3A_57], %swap3A_60 {strides = array<i32>} : memref<4x1000x128xf32, #tpu.memory_space<vmem>>, vector<1x1000x128xf32>,
    return
  }
  func.func @transform_0(%arg0: i32) -> (i32, i32, i32) {
    %c0_i32 = arith.constant 0 : i32
    %c0_i32_0 = arith.constant 0 : i32
    %c0_i32_1 = arith.constant 0 : i32
    return %c0_i32, %arg0, %c0_i32_0 : i32, i32, i32
  }
  func.func @transform_1(%arg0: i32) -> (i32, i32, i32) {
    %c0_i32 = arith.constant 0 : i32
    %c0_i32_0 = arith.constant 0 : i32
    %c0_i32_1 = arith.constant 0 : i32
    %c0_i32_2 = arith.constant 0 : i32
    return %c0_i32, %c0_i32_0, %c0_i32_1 : i32, i32, i32
  }
  func.func @transform_2(%arg0: i32) -> (i32, i32, i32) {
    %c0_i32 = arith.constant 0 : i32
    %c0_i32_0 = arith.constant 0 : i32
    %c0_i32_1 = arith.constant 0 : i32
    return %c0_i32, %arg0, %c0_i32_0 : i32, i32, i32
  }
}

module attributes {stable_mosaic.version = 14 : i64} {
  func.func @_finalize_body(%arg0: i32, %arg1: memref<2x1000x128xf32, #tpu.memory_space<vmem>>, %arg2: memref<1000x128xf32, #tpu.memory_space<vmem>>) attributes {dimension_semantics = [#tpu.dimension_semantics<arbitrary>], iteration_bounds = array<i64: 10>, scalar_prefetch = 0 : i64, scratch_operands = 0 : i64, tpu.core_type = #tpu.core_type<tc>, window_params = [{transform_indices = @transform_0, window_bounds = array<i64: 2, 1000, 128>}, {transform_indices = @transform_1, window_bounds = array<i64: 1000, 128>}]} {
    %get3A = arith.constant 0 : index
    %get3A_0 = arith.constant 0 : index
    %get3A_1 = arith.constant 0 : index
    %get3A_2 = vector.load %arg1[%get3A, %get3A_0, %get3A_1] : memref<2x1000x128xf32, #tpu.memory_space<vmem>>, vector<1x1000x128xf32>
    %get3A_3 = vector.shape_cast %get3A_2 : vector<1x1000x128xf32> to vector<1000x128xf32>
    %get3A_4 = arith.constant 1 : index
    %get3A_5 = arith.constant 0 : index
    %get3A_6 = arith.constant 0 : index
    %get3A_7 = vector.load %arg1[%get3A_4, %get3A_5, %get3A_6] : memref<2x1000x128xf32, #tpu.memory_space<vmem>>, vector<1x1000x128xf32>
    %get3A_8 = vector.shape_cast %get3A_7 : vector<1x1000x128xf32> to vector<1000x128xf32>
    %add3A = arith.addf %get3A_3, %get3A_8 : vector<1000x128xf32>
    %max3A = arith.constant 0.000000e+00 : f32
    %max3A_9 = vector.broadcast %max3A : f32 to vector<1000x128xf32>
    %max3A_10 = arith.maximumf %add3A, %max3A_9 : vector<1000x128xf32>
    %mul3A = arith.mulf %max3A_10, %max3A_10 : vector<1000x128xf32>
    %reduce_sum3A = arith.constant dense<0.000000e+00> : vector<1000xf32>
    %reduce_sum3A_11 = vector.multi_reduction <add>, %mul3A, %reduce_sum3A [1] : vector<1000x128xf32> to vector<1000xf32>
    %broadcast_in_dim3A = vector.shape_cast %reduce_sum3A_11 : vector<1000xf32> to vector<1000x1xf32>
    %sqrt3A = math.sqrt %broadcast_in_dim3A : vector<1000x1xf32>
    %max3A_12 = arith.constant 9.99999996E-13 : f32
    %max3A_13 = vector.broadcast %max3A_12 : f32 to vector<1000x1xf32>
    %max3A_14 = arith.maximumf %sqrt3A, %max3A_13 : vector<1000x1xf32>
    %div3A = vector.broadcast %max3A_14 : vector<1000x1xf32> to vector<1000x128xf32>
    %div3A_15 = arith.divf %max3A_10, %div3A : vector<1000x128xf32>
    %swap3A = arith.constant 0 : index
    %swap3A_16 = arith.constant 0 : index
    %swap3A_17 = vector.load %arg2[%swap3A, %swap3A_16] : memref<1000x128xf32, #tpu.memory_space<vmem>>, vector<1000x128xf32>
    tpu.vector_store %arg2[%swap3A, %swap3A_16], %div3A_15 {strides = array<i32>} : memref<1000x128xf32, #tpu.memory_space<vmem>>, vector<1000x128xf32>,
    return
  }
  func.func @transform_0(%arg0: i32) -> (i32, i32, i32) {
    %c0_i32 = arith.constant 0 : i32
    %c0_i32_0 = arith.constant 0 : i32
    %c0_i32_1 = arith.constant 0 : i32
    return %c0_i32, %arg0, %c0_i32_0 : i32, i32, i32
  }
  func.func @transform_1(%arg0: i32) -> (i32, i32) {
    %c0_i32 = arith.constant 0 : i32
    %c0_i32_0 = arith.constant 0 : i32
    return %arg0, %c0_i32 : i32, i32
  }
}

</mosaic_0001>

<sc_bundles>
// kernel: kernel.10.cloned.1.call-start
scs
__scs_entry_jumppad:
0x0: {  	(pc) =	sbr.rel $0x88, $3  }
0x1: {  	(tag) =	ssettag $0x0;
	lr =	simm.s32 $0x1  }
0x2: {  	[smem:$0x3F9C] =	sst lr;
	_ =	strace $0xD0000000  }
0x3: {  	_ = 	snop  }
0x4: {  	_ = 	snop  }
0x5: {  	_ = 	snop  }
0x6: {  	_ = 	snop  }
0x7: {  	_ = 	snop  }
__scs_overlays_trampoline_lowered:
0x8: {  	[smem:$0x3FAB] =	sst s0  }
0x9: {  	[smem:$0x3FAC] =	sst s1  }
0xa: {  	[smem:$0x3FAD] =	sst s2  }
0xb: {  	[smem:$0x3FAE] =	sst s3  }
0xc: {  	[smem:$0x3FAF] =	sst s4  }
0xd: {  	[smem:$0x3FB0] =	sst s5  }
0xe: {  	[smem:$0x3FB1] =	sst s6  }
0xf: {  	[smem:$0x3FB2] =	sst s7  }
0x10: {  	[smem:$0x3FB3] =	sst s8  }
0x11: {  	[smem:$0x3FB4] =	sst s9;
	s0 =	simm.s32 @!p0 $0x0  }
0x12: {  	s1 =	sld [smem:$0x3F9A];
	s0 =	simm.s32 @p0 $0x1  }
0x13: {  	[smem:$0x3FB5] =	sst s0;
	s0 =	simm.s32 @!p1 $0x0  }
0x14: {  	s2 =	sld [smem:$0x3F99];
	s0 =	simm.s32 @p1 $0x1  }
0x15: {  	[smem:$0x3FB6] =	sst s0;
	s0 =	simm.s32 @!p2 $0x0  }
0x16: {  	s3 =	sld [smem:$0x3FDB];
	s0 =	simm.s32 @p2 $0x1  }
0x17: {  	s4 =	simm.s32 $0x1BF5;
	[smem:$0x3FB8] =	sst s0  }
0x18: {  	s0 =	sld [smem:$0x3F9B];
	_ =	swait.ge [sflag:s4], $0x0  }
0x19: {  	s7 =	sld [smem:$0x3F9C]  }
0x1a: {  	s8 =	sadd.s32 $0xFFFFE003, lr  }
0x1b: {  	s9 =	sadd.s32 $0xFFFFFEF7, lr;
	s5 =	simm.s32 $0xFFFFFFFF;
	p2 =	slt.u32 s8, $0xFFFFF086  }
0x1c: {  	p1 =	slt.u32 s9, $0xF7A;
	s5 =	simm.s32 @!p2 $0x0  }
0x1d: {  	s5 =	simm.s32 @p1 $0x1;
	p0 =	seq.s32 s7, s2  }
0x1e: {  	s7 =	smul.u32 @!p0 $0xF7A, s2;
	p2 =	seq.s32 @!p0 s5, $0x0  }
0x1f: {  	s9 =	smul.u32 $0xF7A, s1;
	s8 =	simm.s32 @!p0 $0x1BF5;
	p2 =	por !p2, p0  }
0x20: {  	[sflag:s8] =	ssyncset.s32 @!p0 $0xFFFFF086;
	s6 =	sadd.s32 @!p0 s3, s7;
	s7 =	simm.s32 @!p0 $0x108  }
0x21: {  	s3 =	sadd.s32 s3, s9;
	s6 =	sadd.s32 @!p0 $0x88, s6;
	s7 =	simm.s32 @p2 $0x1082  }
0x22: {  	[simem:s7], [sflag:s8] =	dma.local @!p0 [hbm:s6], $0xF7A  }
0x23: {  	s9 =	sor.u32 $0xD0000000, s2;
	s6 =	simm.s32 $0x108;
	_ =	swait.ge @!p0 [sflag:s8], $0x0  }
0x24: {  	s3 =	sadd.s32 $0x88, s3;
	s6 =	simm.s32 @!p1 $0x1082;
	[sflag:s4] =	ssyncset.s32 $0xFFFFF086  }
0x25: {  	[simem:s6], [sflag:s4] =	dma.local [hbm:s3], $0xF7A  }
0x26: {  	[smem:$0x3F9C] =	sst s1;
	(tag) =	ssettag s2;
	_ =	strace s9  }
0x27: {  	s1 =	sld [smem:$0x3FAC]  }
0x28: {  	s2 =	sld [smem:$0x3FAD]  }
0x29: {  	s4 =	sld [smem:$0x3FAF]  }
0x2a: {  	p0 =	seq.s32 s5, $0x0;
	s5 =	sld [smem:$0x3FB0]  }
0x2b: {  	s6 =	sld [smem:$0x3FB1]  }
0x2c: {  	s7 =	sld [smem:$0x3FB2]  }
0x2d: {  	s3 =	simm.s32 $0x108;
	s8 =	sld [smem:$0x3FB3]  }
0x2e: {  	s3 =	simm.s32 @!p0 $0x1082;
	s9 =	sld [smem:$0x3FB4]  }
0x2f: {  	lr =	sadd.s32 s0, s3;
	s0 =	sld [smem:$0x3FAB]  }
0x30: {  	s3 =	sld [smem:$0x3FAE]  }
0x31: {  	[smem:$0x3FB7] =	sst s10  }
0x32: {  	s10 =	sld [smem:$0x3FB5];
	_ =	sdelay $0x3  }
0x33: {  	p0 =	seq.s32 s10, $0x1;
	s10 =	sld [smem:$0x3FB7];
	_ =	sdelay $0x3  }
0x34: {  	[smem:$0x3FB7] =	sst s10  }
0x35: {  	s10 =	sld [smem:$0x3FB6];
	_ =	sdelay $0x3  }
0x36: {  	p1 =	seq.s32 s10, $0x1;
	s10 =	sld [smem:$0x3FB7];
	_ =	sdelay $0x3  }
0x37: {  	[smem:$0x3FB7] =	sst s10  }
0x38: {  	s10 =	sld [smem:$0x3FB8]  }
0x39: {  	_ = 	snop;
	(pc) =	sbr.ind lr, $3  }
0x3a: {  	_ = 	snop  }
0x3b: {  	_ = 	snop  }
0x3c: {  	p2 =	seq.s32 s10, $0x1;
	s10 =	sld [smem:$0x3FB7]  }
0x3d: {  	_ =	shalt  }
0x3e: {  	_ =	shalt  }
0x3f: {  	_ =	shalt  }
0x40: {  	_ =	shalt  }
0x41: {  	_ =	shalt  }
0x42: {  	_ =	shalt  }
0x43: {  	_ =	shalt  }
0x44: {  	_ =	shalt  }
0x45: {  	_ =	shalt  }
0x46: {  	_ =	shalt  }
0x47: {  	_ =	shalt  }
0x48: {  	_ =	shalt  }
0x49: {  	_ =	shalt  }
0x4a: {  	_ =	shalt  }
0x4b: {  	_ =	shalt  }
0x4c: {  	_ =	shalt  }
0x4d: {  	_ =	shalt  }
0x4e: {  	_ =	shalt  }
0x4f: {  	_ =	shalt  }
0x50: {  	_ =	shalt  }
0x51: {  	_ =	shalt  }
0x52: {  	_ =	shalt  }
0x53: {  	_ =	shalt  }
0x54: {  	_ =	shalt  }
0x55: {  	_ =	shalt  }
0x56: {  	_ =	shalt  }
0x57: {  	_ =	shalt  }
0x58: {  	_ =	shalt  }
0x59: {  	_ =	shalt  }
0x5a: {  	_ =	shalt  }
0x5b: {  	_ =	shalt  }
0x5c: {  	_ =	shalt  }
0x5d: {  	_ =	shalt  }
0x5e: {  	_ =	shalt  }
0x5f: {  	_ =	shalt  }
0x60: {  	_ =	shalt  }
0x61: {  	_ =	shalt  }
0x62: {  	_ =	shalt  }
0x63: {  	_ =	shalt  }
0x64: {  	_ =	shalt  }
0x65: {  	_ =	shalt  }
0x66: {  	_ =	shalt  }
0x67: {  	_ =	shalt  }
0x68: {  	_ =	shalt  }
0x69: {  	_ =	shalt  }
0x6a: {  	_ =	shalt  }
0x6b: {  	_ =	shalt  }
0x6c: {  	_ =	shalt  }
0x6d: {  	_ =	shalt  }
0x6e: {  	_ =	shalt  }
0x6f: {  	_ =	shalt  }
0x70: {  	_ =	shalt  }
0x71: {  	_ =	shalt  }
0x72: {  	_ =	shalt  }
0x73: {  	_ =	shalt  }
0x74: {  	_ =	shalt  }
0x75: {  	_ =	shalt  }
0x76: {  	_ =	shalt  }
0x77: {  	_ =	shalt  }
0x78: {  	_ =	shalt  }
0x79: {  	_ =	shalt  }
0x7a: {  	_ =	shalt  }
0x7b: {  	_ =	shalt  }
0x7c: {  	_ =	shalt  }
0x7d: {  	_ =	shalt  }
0x7e: {  	_ =	shalt  }
0x7f: {  	_ =	shalt  }
0x80: {  	_ =	shalt  }
0x81: {  	_ =	shalt  }
0x82: {  	_ =	shalt  }
0x83: {  	_ =	shalt  }
0x84: {  	_ =	shalt  }
0x85: {  	_ =	shalt  }
0x86: {  	_ =	shalt  }
0x87: {  	_ =	shalt  }
.Lfunc_end0:
.L_simem_size_0:
called_computation.1_lowered:
.L_overlay_start_0:
0x88: {  	s2 =	sld [smem:$0x3FD9]  }
0x89: {  	s3 =	sld [smem:$0x3FFE];
	_ =	sdelay $0x1  }
0x8a: {  	s1 =	srdreg.scid  }
0x8b: {  	s0 =	sand.u32 $0x1, s1  }
0x8c: {  	s17 =	sshll.u32 s0, $0xA;
	s2 =	sadd.s32 s3, s2  }
0x8d: {  	s2 =	sadd.s32 s2, s17  }
0x8e: {  	[smem:$0x3FC3] =	sst s2  }
0x8f: {  	_ = 	snop  }
0x90: {  	s2 =	sld [smem:$0x3FD0];
	(tm) =	ssettm $0x1  }
0x91: {  	s18 =	sld [smem:$0x3FFB];
	_ =	sdelay $0x3  }
0x92: {  	_ =	strace s18  }
0x93: {  	s3 =	sld [smem:$0x3FFC];
	_ =	sdelay $0x3  }
0x94: {  	_ =	strace s3  }
0x95: {  	s3 =	sld [smem:$0x3FFD];
	_ =	sdelay $0x3  }
0x96: {  	_ =	strace s3  }
0x97: {  	_ =	strace $0x8FFFFFFF  }
0x98: {  	s19 =	sld [smem:$0x3FDB];
	_ =	sdelay $0x1  }
0x99: {  	s4 =	simm.s32 $_scs_section_size  }
0x9a: {  	s5 =	simm.s32 $_size__tile_overlayer_lowered;
	s6 =	simm.s32 $_tile_overlayer_lowered  }
0x9b: {  	s22 =	simm.s32 $0x1BFF;
	s21 =	sshll.u32 s6, $0x1;
	s3 =	sadd.s32 s4, s19  }
0x9c: {  	s7 =	simm.s32 $0x0;
	s20 =	sshll.u32 s5, $0x1;
	s5 =	sadd.s32 s21, s3  }
0x9d: {  	[timem:s7], [sflag:s22] =	dma.local [hbm:s5], s20  }
0x9e: {  	_ =	swait.ge [sflag:s22], s20  }
0x9f: {  	s4 =	ssub.s32 $0x0, s20;
	[sflag:s22] =	ssyncset.done $0x0  }
0xa0: {  	[sflag:s22] =	ssyncadd.s32 s4;
	_ =	sdelay $0x1  }
0xa1: {  	s23 =	simm.s32 $0x1B8B  }
0xa2: {  	_ =	swait.ge [sflag:s23], $0x1  }
0xa3: {  	[sflag:s23] =	ssyncset.done $0x0  }
0xa4: {  	s25 =	simm.s32 $0x1B8E;
	s24 =	sld [smem:$0x3FFE];
	[sflag:s23] =	ssyncadd.s32 $0xFFFFFFFF  }
0xa5: {  	s26 =	simm.s32 $execute0_lowered;
	[smem:$0x3FD2] =	sst s25  }
0xa6: {  	s5 =	sshll.u32 s26, $0x1;
	_ =	strace $0x80000049;
	[dreg:$0x1] =	wrdreg $0xFFFFFFFF  }
0xa7: {  	s28 =	simm.s32 $_size_execute0_lowered;
	s3 =	sadd.s32 s3, s5;
	[dreg:$0x0] =	wrdreg $0x0  }
0xa8: {  	s5 =	sshll.u32 s28, $0x1;
	[dreg:$0x2] =	wrdreg s3  }
0xa9: {  	[dreg:$0x3] =	wrdreg s5  }
0xaa: {  	[dreg:$0x4] =	wrdreg $0xC0  }
0xab: {  	_ =	task [dreg:s7], $0x5FFFF  }
0xac: {  	[dreg:$0x1] =	wrdreg $0xFFFFFFFF  }
0xad: {  	[dreg:$0x0] =	wrdreg $0x60  }
0xae: {  	[dreg:$0x2] =	wrdreg s24  }
0xaf: {  	[dreg:$0x3] =	wrdreg s2  }
0xb0: {  	[dreg:$0x4] =	wrdreg $0x7B000  }
0xb1: {  	[dreg:$0x5] =	wrdreg $0x9  }
0xb2: {  	_ =	task.clear_ibuf [dreg:s7], $0x6FFFF;
	_ =	strace $0x90000049  }
0xb3: {  	s29 =	simm.s32 $0x9;
	_ =	strace $0x8000004B  }
0xb4: {  	_ =	swait.ge [sflag:s29], $0x1  }
0xb5: {  	[sflag:s29] =	ssyncadd.s32 $0xFFFFFFFF  }
0xb6: {  	_ =	strace $0x9000004B  }
0xb7: {  	_ =	sfence  }
0xb8: {  	s30 =	sld [smem:$0x0];
	_ =	sdelay $0x2  }
0xb9: {  	s31 =	sshll.u32 s1, $0xD;
	s1 =	sshrl.u32 s1, $0x2  }
0xba: {  	s3 =	sand.u32 $0x4000, s31;
	s1 =	sadd.s32 s1, s30  }
0xbb: {  	s0 =	sor.u32 s3, s0;
	s1 =	sshll.u32 s1, $0x11  }
0xbc: {  	s0 =	sor.u32 s1, s0  }
0xbd: {  	s0 =	sadd.s32 $0x8F2B, s0  }
0xbe: {  	[sflag:s0] =	ssyncadd.remote.s32 $0x1  }
0xbf: {  	_ =	sfence.sel $0xFFFF  }
0xc0: {  	[dreg:$0x0] =	wrdreg $0xFFFFFFFF;
	(pc) =	sbr.abs _section_cstart, $3  }
0xc1: {  	[dreg:$0x1] =	wrdreg $0xFFFFFFFF  }
0xc2: {  	_ =	task.clear_ibuf [dreg:s7], $0x2FFFF;
	_ =	strace $0x9FFFFFFF  }
0xc3: {  	(tm) =	ssettm $0x7FFFFFFF  }
tec
execute0_lowered:
.L_overlay_start_1:
0x0: {  	(tag) =	ssettag $0x1  }
0x1: {  	s9 =	rddreg [dreg:$0x0]  }
0x2: {  	s2 =	rddreg [dreg:$0x1]  }
0x3: {  	s3 =	rddreg [dreg:$0x2]  }
0x4: {  	s0 =	rddreg [dreg:$0x3];
	s5 =	srdreg.scid  }
0x5: {  	s1 =	stileid.u32;
	s4 =	simm.s32 $0x0;
	s15 =	simm.s32 $0x300  }
0x6: {  	s16 =	simm.s32 $0x2;
	s17 =	simm.s32 $0x3;
	s18 =	simm.s32 $0x100  }
0x7: {  	s19 =	simm.s32 $0x200;
	s20 =	simm.s32 $0xF0;
	s21 =	simm.s32 $0x1  }
0x8: {  	s5 =	sand.u32 $0x1, s5;
	s10 =	smul.u32 $0x2700, s1;
	[smem:$0x7FF] =	sst s4  }
0x9: {  	s12 =	smul.u32 $0x4E000, s1;
	s6 =	sadd.s32 $0x25E00, s9;
	s7 =	sadd.s32 $0x13800, s9  }
0xa: {  	s8 =	sadd.s32 $0x1200, s9;
	s22 =	sshll.u32 s1, $0x6;
	s11 =	smul.u32 $0x27100, s5  }
.Ltmp0:
0xb: {  	_ =	strace $0x8000004A;
	s30 =	ssub.s32 $0x2, s5;
	(pc) =	sbr.rel .LBB2_1-.Ltmp0, $4  }
0xc: {  	s22 =	sor.u32 $0x1C02, s22;
	s31 =	sshrl.u32 s30, $0x1;
	s10 =	sadd.s32 s10, s11  }
0xd: {  	s12 =	sshrl.u32 s12, $0x2;
	s14 =	ssub.s32 s30, s31;
	s13 =	sadd.s32 s10, s9  }
0xe: {  	s9 =	sadd.s32 s12, s3;
	s10 =	sshll.u32 s1, $0x1;
	s14 =	smax.u32 s14, $0x1  }
0xf: {  	v0 =	vimm.f32 $0.0e+00;
	s11 =	sadd.s32 $0x7800, s9;
	s12 =	sadd.s32 $0xF000, s9;
	s13 =	sadd.s32 $0xC2200, s13  }
.LBB2_9:
0x10: {  	s4 =	sadd.s32 $0x1, s4  }
0x11: {  	p0 =	sne.s32 s4, s14  }
.Ltmp1:
0x12: {  	[bflag:$0x0] =	sbarrier.arrive $0xFFFF;
	s23 =	sshrl.u32 s9, $0x3;
	(pc) =	sbr.rel @!p0 .LBB2_10-.Ltmp1, $4  }
0x13: {  	[hbm:s13], [sflag:s22] =	dma.local [spmem:s23], $0x2800  }
0x14: {  	_ =	swait.ge [sflag:s16], $0x2800  }
0x15: {  	[sflag:s16] =	ssyncset.done $0x0  }
0x16: {  	[sflag:s16] =	ssyncadd.s32 $0xFFFFD800  }
.LBB2_1:
0x17: {  	s23 =	simm.s32 $0x0;
	s24 =	simm.s32 $0x200  }
.LBB2_2:
0x18: {  	p0 =	sne.s32 s24, $0x1DE00;
	[tilespmem:s23+$0x370] =	vst v0  }
0x19: {  	[tilespmem:s23+$0x300] =	vst v0  }
0x1a: {  	[tilespmem:s23+$0x310] =	vst v0  }
.Ltmp2:
0x1b: {  	[tilespmem:s23+$0x320] =	vst v0;
	(pc) =	sbr.rel @p0 .LBB2_2-.Ltmp2, $4  }
0x1c: {  	[tilespmem:s23+$0x330] =	vst v0  }
0x1d: {  	[tilespmem:s23+$0x340] =	vst v0  }
0x1e: {  	[tilespmem:s23+$0x350] =	vst v0  }
0x1f: {  	[tilespmem:s23+$0x360] =	vst v0;
	s23 =	sshra.s32 s24, $0x2;
	s24 =	sadd.s32 $0x200, s24  }
0x20: {  	[tilespmem:s23+$0x370] =	vst v0  }
0x21: {  	[tilespmem:s23+$0x300] =	vst v0  }
0x22: {  	[tilespmem:s23+$0x310] =	vst v0  }
0x23: {  	[tilespmem:s23+$0x320] =	vst v0  }
0x24: {  	[tilespmem:s23+$0x330] =	vst v0  }
0x25: {  	[tilespmem:s23+$0x340] =	vst v0  }
0x26: {  	[tilespmem:s23+$0x350] =	vst v0  }
0x27: {  	[tilespmem:s23+$0x360] =	vst v0  }
0x28: {  	[spmem:s9] =	stream.linear.scatter [tilespmem:s15], [sflag:$0x2], $0x7800, $0x38;
	[tilespmem:$0x1B380] =	vst v63  }
0x29: {  	_ =	swait.ge [sflag:s16], $0x7800  }
0x2a: {  	[sflag:s16] =	ssyncset.done $0x0  }
0x2b: {  	[sflag:s16] =	ssyncadd.s32 $0xFFFF8800  }
0x2c: {  	[spmem:s11] =	stream.linear.scatter [tilespmem:s15], [sflag:$0x2], $0x7800, $0x38;
	[tilespmem:$0x1B380] =	vst v63  }
0x2d: {  	_ =	swait.ge [sflag:s16], $0x7800  }
0x2e: {  	[sflag:s16] =	ssyncset.done $0x0  }
0x2f: {  	[sflag:s16] =	ssyncadd.s32 $0xFFFF8800  }
0x30: {  	[spmem:s12] =	stream.linear.scatter [tilespmem:s15], [sflag:$0x2], $0x5000, $0x38;
	[tilespmem:$0x1B380] =	vst v63  }
.Ltmp3:
0x31: {  	_ =	swait.ge [sflag:s16], $0x5000;
	(pc) =	sbr.rel .LBB2_4-.Ltmp3, $4  }
0x32: {  	[sflag:s16] =	ssyncset.done $0x0  }
0x33: {  	[sflag:s16] =	ssyncadd.s32 $0xFFFFB000  }
0x34: {  	[bflag:$0x0] =	sbarrier.arrive $0xFFFF  }
0x35: {  	s23 =	simm.s32 $0x0  }
.LBB2_8:
0x36: {  	s23 =	sadd.s32 $0x1, s23  }
0x37: {  	p0 =	sne.s32 s23, $0x4F  }
.Ltmp4:
0x38: {  	_ = 	snop;
	(pc) =	sbr.rel @!p0 .LBB2_9-.Ltmp4, $1  }
0x39: {  	_ =	sdelay $0x3  }
.LBB2_4:
0x3a: {  	s24 =	sshll.u32 s23, $0x5  }
0x3b: {  	s24 =	sor.u32 s10, s24  }
0x3c: {  	p0 =	sgt.u32 s24, $0x9C3  }
.Ltmp5:
0x3d: {  	_ = 	snop;
	(pc) =	sbr.rel @p0 .LBB2_8-.Ltmp5, $1  }
0x3e: {  	_ =	sdelay $0x3  }
0x3f: {  	s25 =	sor.u32 s5, s24  }
0x40: {  	s26 =	smul.u32 $0x1E, s25;
	_ =	sdelay $0x1  }
0x41: {  	s31 =	simm.s32 $0x0;
	s28 =	sadd.s32 s2, s26  }
0x42: {  	[tilespmem:s31], [sflag:$0x3] =	stream.linear.gather [hbm4b:s28+s31], $0xF0, $0x38;
	[tilespmem:$0x1B380] =	vst v63  }
0x43: {  	_ =	swait.ge [sflag:s17], $0xF0  }
0x44: {  	[sflag:s17] =	ssyncset.done $0x0  }
0x45: {  	s29 =	sadd.s32 s7, s26;
	[sflag:s17] =	ssyncadd.s32 $0xFFFFFF10  }
0x46: {  	[tilespmem:s18], [sflag:$0x3] =	stream.linear.gather [hbm4b:s29+s31], $0xF0, $0x38;
	[tilespmem:$0x1B380] =	vst v63  }
0x47: {  	_ =	swait.ge [sflag:s17], $0xF0  }
0x48: {  	[sflag:s17] =	ssyncset.done $0x0  }
0x49: {  	s26 =	sadd.s32 s8, s26;
	[sflag:s17] =	ssyncadd.s32 $0xFFFFFF10  }
0x4a: {  	[tilespmem:s19], [sflag:$0x3] =	stream.linear.gather [hbm4b:s26+s31], $0xF0, $0x38;
	[tilespmem:$0x1B380] =	vst v63  }
0x4b: {  	_ =	swait.ge [sflag:s17], $0xF0  }
0x4c: {  	[sflag:s17] =	ssyncset.done $0x0  }
0x4d: {  	[sflag:s17] =	ssyncadd.s32 $0xFFFFFF10  }
0x4e: {  	s25 =	smulhi.u32 $0x68DB8BAD, s25;
	v1 =	vld [tilespmem:$0x0]  }
0x4f: {  	v2 =	vld [tilespmem:$0x10]  }
0x50: {  	s25 =	sshrl.u32 s25, $0x8;
	v3 =	vld [tilespmem:$0x20]  }
0x51: {  	s25 =	smul.u32 $0x2710, s25;
	v4 =	vld [tilespmem:$0x30]  }
0x52: {  	v5 =	vld [tilespmem:$0x40]  }
0x53: {  	v6 =	vld [tilespmem:$0x50];
	v1 =	vadd.s32 s25, v1  }
0x54: {  	[tilespmem:$0x0] =	vst v1;
	v1 =	vadd.s32 s25, v2;
	v2 =	vld [tilespmem:$0x60]  }
0x55: {  	[tilespmem:$0x10] =	vst v1;
	v1 =	vadd.s32 s25, v3;
	v3 =	vld [tilespmem:$0x70]  }
0x56: {  	v15 =	vld [tilespmem:$0x80];
	[tilespmem:$0x20] =	vst v1;
	v1 =	vadd.s32 s25, v4  }
0x57: {  	v16 =	vld [tilespmem:$0x90];
	[tilespmem:$0x30] =	vst v1;
	v1 =	vadd.s32 s25, v5  }
0x58: {  	v17 =	vld [tilespmem:$0xA0];
	[tilespmem:$0x40] =	vst v1;
	v1 =	vadd.s32 s25, v6  }
0x59: {  	[tilespmem:$0x50] =	vst v1;
	v1 =	vadd.s32 s25, v2;
	v2 =	vld [tilespmem:$0xB0]  }
0x5a: {  	[tilespmem:$0x60] =	vst v1;
	v1 =	vadd.s32 s25, v3;
	v3 =	vld [tilespmem:$0xC0]  }
0x5b: {  	v18 =	vld [tilespmem:$0xD0];
	[tilespmem:$0x70] =	vst v1;
	v1 =	vadd.s32 s25, v15  }
0x5c: {  	v19 =	vld [tilespmem:$0xE0];
	[tilespmem:$0x80] =	vst v1;
	v1 =	vadd.s32 s25, v16  }
0x5d: {  	[tilespmem:$0x90] =	vst v1;
	v1 =	vadd.s32 s25, v17  }
0x5e: {  	[tilespmem:$0xA0] =	vst v1;
	v1 =	vadd.s32 s25, v2  }
0x5f: {  	[tilespmem:$0xB0] =	vst v1;
	v1 =	vadd.s32 s25, v3  }
0x60: {  	[tilespmem:$0xC0] =	vst v1;
	v1 =	vadd.s32 s25, v18  }
0x61: {  	[tilespmem:$0xD0] =	vst v1;
	v1 =	vadd.s32 s25, v19  }
0x62: {  	[tilespmem:$0xE0] =	vst v1  }
0x63: {  	[tilespmem:s15], [sflag:$0x1] =	stream.indirect.gather [hbm4b:s6+s20], $0x80, s31, s20, $0xb8;
	[tilespmem:$0x1B380] =	vst v63  }
0x64: {  	_ =	swait.ge [sflag:s21], $0x7800  }
0x65: {  	s30 =	simm.s32 $0x0;
	[sflag:s21] =	ssyncset.done $0x0  }
0x66: {  	s24 =	sand.u32 $0x3FFFFFF0, s30;
	[sflag:s21] =	ssyncadd.s32 $0xFFFF8800  }
0x67: {  	s31 =	simm.s32 $0x0;
	v1 =	vld [tilespmem:s24+$0x200]  }
0x68: {  	s24 =	sand.u32 $0x3FFFF800, s31  }
0x69: {  	v3 =	vld [tilespmem:s24+$0x320]  }
0x6a: {  	v20 =	vld [tilespmem:s24+$0x330]  }
0x6b: {  	v10 =	vld [tilespmem:s24+$0x360]  }
0x6c: {  	v11 =	vld [tilespmem:s24+$0x370];
	v2 =	vbroadcast v1, $0x0  }
0x6d: {  	v12 =	vld [tilespmem:s24+$0x380]  }
0x6e: {  	v13 =	vld [tilespmem:s24+$0x390];
	v3 =	vmul.f32 v3, v2  }
0x6f: {  	v14 =	vld [tilespmem:s24+$0x3A0];
	v4 =	vmul.f32 v20, v2  }
0x70: {  	v9 =	vld [tilespmem:s24+$0x3B0];
	v23 =	vbroadcast v1, $0x1;
	v22 =	vmul.f32 v10, v2;
	[tilespmem:s24+$0x320] =	vst v3  }
0x71: {  	v7 =	vld [tilespmem:s24+$0x3C0];
	v11 =	vmul.f32 v11, v2;
	[tilespmem:s24+$0x330] =	vst v4  }
0x72: {  	v8 =	vld [tilespmem:s24+$0x3D0];
	v12 =	vmul.f32 v12, v23;
	[tilespmem:s24+$0x360] =	vst v22  }
0x73: {  	v25 =	vld [tilespmem:s24+$0x3F0];
	v13 =	vmul.f32 v13, v23;
	[tilespmem:s24+$0x370] =	vst v11  }
0x74: {  	v26 =	vld [tilespmem:s24+$0x400];
	v14 =	vmul.f32 v14, v23;
	[tilespmem:s24+$0x380] =	vst v12  }
0x75: {  	v27 =	vld [tilespmem:s24+$0x410];
	v9 =	vmul.f32 v9, v23;
	[tilespmem:s24+$0x390] =	vst v13  }
0x76: {  	v21 =	vld [tilespmem:s24+$0x870];
	v7 =	vmul.f32 v7, v23;
	[tilespmem:s24+$0x3A0] =	vst v14  }
0x77: {  	v24 =	vld [tilespmem:s24+$0x3E0];
	v15 =	vbroadcast v1, $0x2;
	v8 =	vmul.f32 v8, v23;
	[tilespmem:s24+$0x3B0] =	vst v9  }
0x78: {  	v28 =	vld [tilespmem:s24+$0x420];
	v10 =	vmul.f32 v25, v23;
	[tilespmem:s24+$0x3C0] =	vst v7  }
0x79: {  	v29 =	vld [tilespmem:s24+$0x430];
	v5 =	vbroadcast v1, $0xA;
	v32 =	vmul.f32 v26, v15;
	[tilespmem:s24+$0x3D0] =	vst v8  }
0x7a: {  	v30 =	vld [tilespmem:s24+$0x440];
	v34 =	vmul.f32 v27, v15;
	[tilespmem:s24+$0x3F0] =	vst v10  }
0x7b: {  	v33 =	vld [tilespmem:s24+$0x460];
	v3 =	vmul.f32 v21, v5;
	[tilespmem:s24+$0x400] =	vst v32  }
0x7c: {  	v35 =	vld [tilespmem:s24+$0x470];
	v11 =	vmul.f32 v24, v23;
	[tilespmem:s24+$0x410] =	vst v34  }
0x7d: {  	v36 =	vld [tilespmem:s24+$0x480];
	v9 =	vmul.f32 v28, v15;
	[tilespmem:s24+$0x870] =	vst v3  }
0x7e: {  	v31 =	vld [tilespmem:s24+$0x450];
	v7 =	vmul.f32 v29, v15;
	[tilespmem:s24+$0x3E0] =	vst v11  }
0x7f: {  	v37 =	vld [tilespmem:s24+$0x490];
	v8 =	vmul.f32 v30, v15;
	[tilespmem:s24+$0x420] =	vst v9  }
0x80: {  	v38 =	vld [tilespmem:s24+$0x4A0];
	v41 =	vbroadcast v1, $0x3;
	v10 =	vmul.f32 v33, v15;
	[tilespmem:s24+$0x430] =	vst v7  }
0x81: {  	v39 =	vld [tilespmem:s24+$0x4B0];
	v12 =	vmul.f32 v35, v15;
	[tilespmem:s24+$0x440] =	vst v8  }
0x82: {  	v42 =	vld [tilespmem:s24+$0x4D0];
	v13 =	vmul.f32 v36, v41;
	[tilespmem:s24+$0x460] =	vst v10  }
0x83: {  	v43 =	vld [tilespmem:s24+$0x4E0];
	v11 =	vmul.f32 v31, v15;
	[tilespmem:s24+$0x470] =	vst v12  }
0x84: {  	v44 =	vld [tilespmem:s24+$0x4F0];
	v9 =	vmul.f32 v37, v41;
	[tilespmem:s24+$0x480] =	vst v13  }
0x85: {  	v40 =	vld [tilespmem:s24+$0x4C0];
	v7 =	vmul.f32 v38, v41;
	[tilespmem:s24+$0x450] =	vst v11  }
0x86: {  	v45 =	vld [tilespmem:s24+$0x500];
	v8 =	vmul.f32 v39, v41;
	[tilespmem:s24+$0x490] =	vst v9  }
0x87: {  	v46 =	vld [tilespmem:s24+$0x510];
	v10 =	vmul.f32 v42, v41;
	[tilespmem:s24+$0x4A0] =	vst v7  }
0x88: {  	v47 =	vld [tilespmem:s24+$0x520];
	v12 =	vmul.f32 v43, v41;
	[tilespmem:s24+$0x4B0] =	vst v8  }
0x89: {  	v49 =	vld [tilespmem:s24+$0x540];
	v50 =	vbroadcast v1, $0x4;
	v13 =	vmul.f32 v44, v41;
	[tilespmem:s24+$0x4D0] =	vst v10  }
0x8a: {  	v51 =	vld [tilespmem:s24+$0x550];
	v11 =	vmul.f32 v40, v41;
	[tilespmem:s24+$0x4E0] =	vst v12  }
0x8b: {  	v52 =	vld [tilespmem:s24+$0x560];
	v9 =	vmul.f32 v45, v50;
	[tilespmem:s24+$0x4F0] =	vst v13  }
0x8c: {  	v48 =	vld [tilespmem:s24+$0x530];
	v7 =	vmul.f32 v46, v50;
	[tilespmem:s24+$0x4C0] =	vst v11  }
0x8d: {  	v53 =	vld [tilespmem:s24+$0x570];
	v8 =	vmul.f32 v47, v50;
	[tilespmem:s24+$0x500] =	vst v9  }
0x8e: {  	v54 =	vld [tilespmem:s24+$0x580];
	v10 =	vmul.f32 v49, v50;
	[tilespmem:s24+$0x510] =	vst v7  }
0x8f: {  	v55 =	vld [tilespmem:s24+$0x590];
	v12 =	vmul.f32 v51, v50;
	[tilespmem:s24+$0x520] =	vst v8  }
0x90: {  	v57 =	vld [tilespmem:s24+$0x5B0];
	v13 =	vmul.f32 v52, v50;
	[tilespmem:s24+$0x540] =	vst v10  }
0x91: {  	v58 =	vld [tilespmem:s24+$0x5C0];
	v59 =	vbroadcast v1, $0x5;
	v11 =	vmul.f32 v48, v50;
	[tilespmem:s24+$0x550] =	vst v12  }
0x92: {  	v60 =	vld [tilespmem:s24+$0x5D0];
	v9 =	vmul.f32 v53, v50;
	[tilespmem:s24+$0x560] =	vst v13  }
0x93: {  	v56 =	vld [tilespmem:s24+$0x5A0];
	v7 =	vmul.f32 v54, v59;
	[tilespmem:s24+$0x530] =	vst v11  }
0x94: {  	v61 =	vld [tilespmem:s24+$0x5E0];
	v8 =	vmul.f32 v55, v59;
	[tilespmem:s24+$0x570] =	vst v9  }
0x95: {  	v62 =	vld [tilespmem:s24+$0x5F0];
	v10 =	vmul.f32 v57, v59;
	[tilespmem:s24+$0x580] =	vst v7  }
0x96: {  	v63 =	vld [tilespmem:s24+$0x600];
	v12 =	vmul.f32 v58, v59;
	[tilespmem:s24+$0x590] =	vst v8  }
0x97: {  	v19 =	vld [tilespmem:s24+$0x620];
	v13 =	vmul.f32 v60, v59;
	[tilespmem:s24+$0x5B0] =	vst v10  }
0x98: {  	v20 =	vld [tilespmem:s24+$0x630];
	v11 =	vmul.f32 v56, v59;
	[tilespmem:s24+$0x5C0] =	vst v12  }
0x99: {  	v21 =	vld [tilespmem:s24+$0x640];
	v22 =	vbroadcast v1, $0x6;
	v9 =	vmul.f32 v61, v59;
	[tilespmem:s24+$0x5D0] =	vst v13  }
0x9a: {  	v18 =	vld [tilespmem:s24+$0x610];
	v7 =	vmul.f32 v62, v59;
	[tilespmem:s24+$0x5A0] =	vst v11  }
0x9b: {  	v23 =	vld [tilespmem:s24+$0x650];
	v8 =	vmul.f32 v63, v22;
	[tilespmem:s24+$0x5E0] =	vst v9  }
0x9c: {  	v24 =	vld [tilespmem:s24+$0x660];
	v10 =	vmul.f32 v19, v22;
	[tilespmem:s24+$0x5F0] =	vst v7  }
0x9d: {  	v25 =	vld [tilespmem:s24+$0x670];
	v12 =	vmul.f32 v20, v22;
	[tilespmem:s24+$0x600] =	vst v8  }
0x9e: {  	v27 =	vld [tilespmem:s24+$0x690];
	v13 =	vmul.f32 v21, v22;
	[tilespmem:s24+$0x620] =	vst v10  }
0x9f: {  	v28 =	vld [tilespmem:s24+$0x6A0];
	v11 =	vmul.f32 v18, v22;
	[tilespmem:s24+$0x630] =	vst v12  }
0xa0: {  	v29 =	vld [tilespmem:s24+$0x6B0];
	v9 =	vmul.f32 v23, v22;
	[tilespmem:s24+$0x640] =	vst v13  }
0xa1: {  	v31 =	vbroadcast v1, $0x7;
	v53 =	vld [tilespmem:s24+$0x800];
	v7 =	vmul.f32 v24, v22;
	[tilespmem:s24+$0x610] =	vst v11  }
0xa2: {  	v57 =	vld [tilespmem:s24+$0x840];
	v8 =	vmul.f32 v25, v22;
	[tilespmem:s24+$0x650] =	vst v9  }
0xa3: {  	v58 =	vld [tilespmem:s24+$0x850];
	v10 =	vmul.f32 v27, v31;
	[tilespmem:s24+$0x660] =	vst v7  }
0xa4: {  	v26 =	vld [tilespmem:s24+$0x680];
	v12 =	vmul.f32 v28, v31;
	[tilespmem:s24+$0x670] =	vst v8  }
0xa5: {  	v30 =	vld [tilespmem:s24+$0x6C0];
	v13 =	vmul.f32 v29, v31;
	[tilespmem:s24+$0x690] =	vst v10  }
0xa6: {  	v32 =	vld [tilespmem:s24+$0x6D0];
	v59 =	vmul.f32 v53, v5;
	[tilespmem:s24+$0x6A0] =	vst v12  }
0xa7: {  	v33 =	vld [tilespmem:s24+$0x6E0];
	v18 =	vmul.f32 v57, v5;
	[tilespmem:s24+$0x6B0] =	vst v13  }
0xa8: {  	v35 =	vld [tilespmem:s24+$0x700];
	v20 =	vmul.f32 v58, v5;
	[tilespmem:s24+$0x800] =	vst v59  }
0xa9: {  	v36 =	vld [tilespmem:s24+$0x710];
	v11 =	vmul.f32 v26, v31;
	[tilespmem:s24+$0x840] =	vst v18  }
0xaa: {  	v37 =	vld [tilespmem:s24+$0x720];
	v9 =	vmul.f32 v30, v31;
	[tilespmem:s24+$0x850] =	vst v20  }
0xab: {  	v4 =	vld [tilespmem:s24+$0x880];
	v40 =	vbroadcast v1, $0x8;
	v7 =	vmul.f32 v32, v31;
	[tilespmem:s24+$0x680] =	vst v11  }
0xac: {  	v6 =	vld [tilespmem:s24+$0x890];
	v8 =	vmul.f32 v33, v31;
	[tilespmem:s24+$0x6C0] =	vst v9  }
0xad: {  	v3 =	vld [tilespmem:s24+$0xAD0];
	v10 =	vmul.f32 v35, v40;
	[tilespmem:s24+$0x6D0] =	vst v7  }
0xae: {  	v61 =	vld [tilespmem:s24+$0x300];
	v23 =	vbroadcast v1, $0xB;
	v12 =	vmul.f32 v36, v40;
	[tilespmem:s24+$0x6E0] =	vst v8  }
0xaf: {  	v34 =	vld [tilespmem:s24+$0x6F0];
	v13 =	vmul.f32 v37, v40;
	[tilespmem:s24+$0x700] =	vst v10  }
0xb0: {  	v38 =	vld [tilespmem:s24+$0x730];
	v27 =	vbroadcast v1, $0xF;
	v4 =	vmul.f32 v4, v23;
	[tilespmem:s24+$0x710] =	vst v12  }
0xb1: {  	v39 =	vld [tilespmem:s24+$0x740];
	v6 =	vmul.f32 v6, v23;
	[tilespmem:s24+$0x720] =	vst v13  }
0xb2: {  	v41 =	vld [tilespmem:s24+$0x750];
	v3 =	vmul.f32 v3, v27;
	[tilespmem:s24+$0x880] =	vst v4  }
0xb3: {  	v43 =	vld [tilespmem:s24+$0x770];
	v24 =	vmul.f32 v2, v61;
	[tilespmem:s24+$0x890] =	vst v6  }
0xb4: {  	v44 =	vld [tilespmem:s24+$0x780];
	v11 =	vmul.f32 v34, v31;
	[tilespmem:s24+$0xAD0] =	vst v3  }
0xb5: {  	v45 =	vld [tilespmem:s24+$0x790];
	v9 =	vmul.f32 v38, v40;
	[tilespmem:s24+$0x300] =	vst v24  }
0xb6: {  	v63 =	vld [tilespmem:s24+$0x340];
	v7 =	vmul.f32 v39, v40;
	[tilespmem:s24+$0x6F0] =	vst v11  }
0xb7: {  	v49 =	vbroadcast v1, $0x9;
	v29 =	vld [tilespmem:s24+$0x8F0];
	v8 =	vmul.f32 v41, v40;
	[tilespmem:s24+$0x730] =	vst v9  }
0xb8: {  	v42 =	vld [tilespmem:s24+$0x760];
	v10 =	vmul.f32 v43, v40;
	[tilespmem:s24+$0x740] =	vst v7  }
0xb9: {  	v46 =	vld [tilespmem:s24+$0x7A0];
	v12 =	vmul.f32 v44, v49;
	[tilespmem:s24+$0x750] =	vst v8  }
0xba: {  	v47 =	vld [tilespmem:s24+$0x7B0];
	v13 =	vmul.f32 v45, v49;
	[tilespmem:s24+$0x770] =	vst v10  }
0xbb: {  	v48 =	vld [tilespmem:s24+$0x7C0];
	v3 =	vmul.f32 v63, v2;
	[tilespmem:s24+$0x780] =	vst v12  }
0xbc: {  	v51 =	vld [tilespmem:s24+$0x7E0];
	v6 =	vmul.f32 v29, v23;
	[tilespmem:s24+$0x790] =	vst v13  }
0xbd: {  	v52 =	vld [tilespmem:s24+$0x7F0];
	v11 =	vmul.f32 v42, v40;
	[tilespmem:s24+$0x340] =	vst v3  }
0xbe: {  	v28 =	vld [tilespmem:s24+$0x8E0];
	v9 =	vmul.f32 v46, v49;
	[tilespmem:s24+$0x8F0] =	vst v6  }
0xbf: {  	v26 =	vld [tilespmem:s24+$0x8D0];
	v7 =	vmul.f32 v47, v49;
	[tilespmem:s24+$0x760] =	vst v11  }
0xc0: {  	v30 =	vld [tilespmem:s24+$0x900];
	v8 =	vmul.f32 v48, v49;
	[tilespmem:s24+$0x7A0] =	vst v9  }
0xc1: {  	v50 =	vld [tilespmem:s24+$0x7D0];
	v10 =	vmul.f32 v51, v49;
	[tilespmem:s24+$0x7B0] =	vst v7  }
0xc2: {  	v54 =	vld [tilespmem:s24+$0x810];
	v12 =	vmul.f32 v52, v49;
	[tilespmem:s24+$0x7C0] =	vst v8  }
0xc3: {  	v55 =	vld [tilespmem:s24+$0x820];
	v35 =	vbroadcast v1, $0xC;
	v40 =	vmul.f32 v28, v23;
	[tilespmem:s24+$0x7E0] =	vst v10  }
0xc4: {  	v56 =	vld [tilespmem:s24+$0x830];
	v32 =	vmul.f32 v26, v23;
	[tilespmem:s24+$0x7F0] =	vst v12  }
0xc5: {  	v60 =	vld [tilespmem:s24+$0x860];
	v15 =	vmul.f32 v30, v35;
	[tilespmem:s24+$0x8E0] =	vst v40  }
0xc6: {  	v62 =	vld [tilespmem:s24+$0x310];
	v11 =	vmul.f32 v50, v49;
	[tilespmem:s24+$0x8D0] =	vst v32  }
0xc7: {  	v19 =	vld [tilespmem:s24+$0x350];
	v9 =	vmul.f32 v54, v5;
	[tilespmem:s24+$0x900] =	vst v15  }
0xc8: {  	v33 =	vld [tilespmem:s24+$0x930];
	v7 =	vmul.f32 v55, v5;
	[tilespmem:s24+$0x7D0] =	vst v11  }
0xc9: {  	v61 =	vld [tilespmem:s24+$0xAF0];
	v8 =	vmul.f32 v56, v5;
	[tilespmem:s24+$0x810] =	vst v9  }
0xca: {  	v38 =	vld [tilespmem:s24+$0x970];
	v5 =	vmul.f32 v60, v5;
	[tilespmem:s24+$0x820] =	vst v7  }
0xcb: {  	v21 =	vld [tilespmem:s24+$0x8A0];
	v12 =	vmul.f32 v62, v2;
	[tilespmem:s24+$0x830] =	vst v8  }
0xcc: {  	v22 =	vld [tilespmem:s24+$0x8B0];
	v2 =	vmul.f32 v19, v2;
	[tilespmem:s24+$0x860] =	vst v5  }
0xcd: {  	v25 =	vld [tilespmem:s24+$0x8C0];
	v62 =	vmul.f32 v33, v35;
	[tilespmem:s24+$0x310] =	vst v12  }
0xce: {  	v31 =	vld [tilespmem:s24+$0x910];
	v63 =	vmul.f32 v61, v27;
	[tilespmem:s24+$0x350] =	vst v2  }
0xcf: {  	v34 =	vld [tilespmem:s24+$0x940];
	v15 =	vmul.f32 v38, v35;
	[tilespmem:s24+$0x930] =	vst v62  }
0xd0: {  	v41 =	vld [tilespmem:s24+$0x9A0];
	v7 =	vmul.f32 v21, v23;
	[tilespmem:s24+$0xAF0] =	vst v63  }
0xd1: {  	v46 =	vld [tilespmem:s24+$0x9E0];
	v8 =	vmul.f32 v22, v23;
	[tilespmem:s24+$0x970] =	vst v15  }
0xd2: {  	v36 =	vld [tilespmem:s24+$0x950];
	v5 =	vmul.f32 v25, v23;
	[tilespmem:s24+$0x8A0] =	vst v7  }
0xd3: {  	v44 =	vbroadcast v1, $0xD;
	v9 =	vmul.f32 v31, v35;
	v2 =	vld [tilespmem:s24+$0x990];
	[tilespmem:s24+$0x8B0] =	vst v8  }
0xd4: {  	v37 =	vld [tilespmem:s24+$0x960];
	v12 =	vmul.f32 v34, v35;
	[tilespmem:s24+$0x8C0] =	vst v5  }
0xd5: {  	v39 =	vld [tilespmem:s24+$0x980];
	v11 =	vmul.f32 v41, v44;
	[tilespmem:s24+$0x910] =	vst v9  }
0xd6: {  	v42 =	vld [tilespmem:s24+$0x9B0];
	v51 =	vmul.f32 v46, v44;
	[tilespmem:s24+$0x940] =	vst v12  }
0xd7: {  	v48 =	vld [tilespmem:s24+$0xA10];
	v8 =	vmul.f32 v36, v35;
	[tilespmem:s24+$0x9A0] =	vst v11  }
0xd8: {  	v49 =	vld [tilespmem:s24+$0xA20];
	[tilespmem:s24+$0x9E0] =	vst v51;
	v2 =	vmul.f32 v2, v44  }
0xd9: {  	v50 =	vld [tilespmem:s24+$0xA30];
	v5 =	vmul.f32 v37, v35;
	[tilespmem:s24+$0x950] =	vst v8  }
0xda: {  	v1 =	vbroadcast v1, $0xE;
	v9 =	vmul.f32 v39, v44;
	[tilespmem:s24+$0x990] =	vst v2;
	v2 =	vld [tilespmem:s24+$0xA00]  }
0xdb: {  	v60 =	vld [tilespmem:s24+$0xAE0];
	v12 =	vmul.f32 v42, v44;
	[tilespmem:s24+$0x960] =	vst v5  }
0xdc: {  	v45 =	vld [tilespmem:s24+$0x9D0];
	v11 =	vmul.f32 v48, v1;
	[tilespmem:s24+$0x980] =	vst v9  }
0xdd: {  	v47 =	vld [tilespmem:s24+$0x9F0];
	v10 =	vmul.f32 v49, v1;
	[tilespmem:s24+$0x9B0] =	vst v12  }
0xde: {  	v43 =	vld [tilespmem:s24+$0x9C0];
	v6 =	vmul.f32 v50, v1;
	[tilespmem:s24+$0xA10] =	vst v11  }
0xdf: {  	v55 =	vld [tilespmem:s24+$0xA80];
	[tilespmem:s24+$0xA20] =	vst v10;
	v2 =	vmul.f32 v2, v1  }
0xe0: {  	v57 =	vld [tilespmem:s24+$0xAA0];
	v4 =	vmul.f32 v60, v27;
	[tilespmem:s24+$0xA30] =	vst v6  }
0xe1: {  	v5 =	vmul.f32 v45, v44;
	[tilespmem:s24+$0xA00] =	vst v2;
	v2 =	vld [tilespmem:s24+$0xA70]  }
0xe2: {  	v52 =	vld [tilespmem:s24+$0xA40];
	v9 =	vmul.f32 v47, v44;
	[tilespmem:s24+$0xAE0] =	vst v4  }
0xe3: {  	v56 =	vld [tilespmem:s24+$0xA90];
	v8 =	vmul.f32 v43, v44;
	[tilespmem:s24+$0x9D0] =	vst v5  }
0xe4: {  	v54 =	vld [tilespmem:s24+$0xA60];
	v11 =	vmul.f32 v55, v27;
	[tilespmem:s24+$0x9F0] =	vst v9  }
0xe5: {  	v58 =	vld [tilespmem:s24+$0xAB0];
	v6 =	vmul.f32 v57, v27;
	[tilespmem:s24+$0x9C0] =	vst v8  }
0xe6: {  	v53 =	vld [tilespmem:s24+$0xA50];
	[tilespmem:s24+$0xA80] =	vst v11;
	v2 =	vmul.f32 v2, v1  }
0xe7: {  	v59 =	vld [tilespmem:s24+$0xAC0];
	v5 =	vmul.f32 v52, v1;
	[tilespmem:s24+$0xAA0] =	vst v6  }
0xe8: {  	[tilespmem:s24+$0xA70] =	vst v2;
	v2 =	vmul.f32 v56, v27  }
0xe9: {  	v3 =	vld [tilespmem:s24+$0x920];
	v9 =	vmul.f32 v54, v1;
	[tilespmem:s24+$0xA40] =	vst v5  }
0xea: {  	[tilespmem:s24+$0xA90] =	vst v2;
	v2 =	vmul.f32 v58, v27  }
0xeb: {  	[tilespmem:s24+$0xA60] =	vst v9;
	v1 =	vmul.f32 v53, v1  }
0xec: {  	[tilespmem:s24+$0xAB0] =	vst v2;
	v2 =	vmul.f32 v59, v27  }
0xed: {  	[tilespmem:s24+$0xA50] =	vst v1  }
0xee: {  	s25 =	simm.s32 $0x1;
	[tilespmem:s24+$0xAC0] =	vst v2;
	v2 =	vmul.f32 v3, v35  }
.LBB2_6:
0xef: {  	s26 =	sshll.u32 s25, $0x4  }
0xf0: {  	p0 =	sne.s32 s25, $0xE;
	[tilespmem:s24+$0x920] =	vst v2;
	s24 =	smov.u32 s25;
	s25 =	sadd.s32 $0x1, s25  }
0xf1: {  	s26 =	sand.u32 $0x3FFFFFF0, s26  }
0xf2: {  	s24 =	sshll.u32 s24, $0xB;
	v1 =	vld [tilespmem:s26+$0x200]  }
0xf3: {  	s24 =	sand.u32 $0x3FFFF800, s24  }
0xf4: {  	v8 =	vld [tilespmem:s24+$0x3C0]  }
0xf5: {  	v9 =	vld [tilespmem:s24+$0x3D0]  }
0xf6: {  	v10 =	vld [tilespmem:s24+$0x3B0]  }
0xf7: {  	v2 =	vbroadcast v1, $0x0;
	v3 =	vld [tilespmem:s24+$0x320];
	v7 =	vbroadcast v1, $0x4  }
0xf8: {  	v5 =	vld [tilespmem:s24+$0x330]  }
0xf9: {  	v6 =	vld [tilespmem:s24+$0x870]  }
0xfa: {  	v11 =	vld [tilespmem:s24+$0x360]  }
0xfb: {  	v12 =	vld [tilespmem:s24+$0x370]  }
0xfc: {  	v4 =	vbroadcast v1, $0xA;
	v3 =	vmul.f32 v3, v2;
	v13 =	vld [tilespmem:s24+$0x380]  }
0xfd: {  	v5 =	vmul.f32 v5, v2;
	v14 =	vld [tilespmem:s24+$0x390]  }
0xfe: {  	[tilespmem:s24+$0x320] =	vst v3;
	v15 =	vld [tilespmem:s24+$0x3A0];
	v3 =	vmul.f32 v6, v4  }
0xff: {  	[tilespmem:s24+$0x330] =	vst v5;
	v6 =	vmul.f32 v11, v2;
	v11 =	vbroadcast v1, $0x1;
	v5 =	vld [tilespmem:s24+$0x880]  }
0x100: {  	v12 =	vmul.f32 v12, v2;
	[tilespmem:s24+$0x870] =	vst v3;
	v3 =	vld [tilespmem:s24+$0xAD0]  }
0x101: {  	[tilespmem:s24+$0x360] =	vst v6;
	v13 =	vmul.f32 v13, v11;
	v6 =	vld [tilespmem:s24+$0x890]  }
0x102: {  	[tilespmem:s24+$0x370] =	vst v12;
	v12 =	vmul.f32 v14, v11;
	v14 =	vld [tilespmem:s24+$0x3E0]  }
0x103: {  	[tilespmem:s24+$0x380] =	vst v13;
	v13 =	vmul.f32 v15, v11;
	v15 =	vld [tilespmem:s24+$0x3F0]  }
0x104: {  	v10 =	vmul.f32 v10, v11;
	[tilespmem:s24+$0x390] =	vst v12;
	v12 =	vld [tilespmem:s24+$0x400]  }
0x105: {  	v8 =	vmul.f32 v8, v11;
	[tilespmem:s24+$0x3A0] =	vst v13;
	v13 =	vld [tilespmem:s24+$0x410]  }
0x106: {  	v9 =	vmul.f32 v9, v11;
	[tilespmem:s24+$0x3B0] =	vst v10;
	v10 =	vld [tilespmem:s24+$0x420]  }
0x107: {  	[tilespmem:s24+$0x3C0] =	vst v8;
	v8 =	vmul.f32 v14, v11;
	v14 =	vbroadcast v1, $0x2;
	v16 =	vld [tilespmem:s24+$0x430]  }
0x108: {  	[tilespmem:s24+$0x3D0] =	vst v9;
	v9 =	vmul.f32 v15, v11;
	v11 =	vld [tilespmem:s24+$0x440]  }
0x109: {  	[tilespmem:s24+$0x3E0] =	vst v8;
	v8 =	vmul.f32 v12, v14;
	v12 =	vld [tilespmem:s24+$0x450]  }
0x10a: {  	[tilespmem:s24+$0x3F0] =	vst v9;
	v9 =	vmul.f32 v13, v14;
	v13 =	vld [tilespmem:s24+$0x460]  }
0x10b: {  	[tilespmem:s24+$0x400] =	vst v8;
	v8 =	vmul.f32 v10, v14;
	v10 =	vld [tilespmem:s24+$0x470]  }
0x10c: {  	[tilespmem:s24+$0x410] =	vst v9;
	v9 =	vmul.f32 v16, v14;
	v15 =	vld [tilespmem:s24+$0x480]  }
0x10d: {  	[tilespmem:s24+$0x420] =	vst v8;
	v8 =	vmul.f32 v11, v14;
	v11 =	vld [tilespmem:s24+$0x490]  }
0x10e: {  	[tilespmem:s24+$0x430] =	vst v9;
	v9 =	vmul.f32 v12, v14;
	v12 =	vld [tilespmem:s24+$0x4A0]  }
0x10f: {  	[tilespmem:s24+$0x440] =	vst v8;
	v8 =	vmul.f32 v13, v14;
	v13 =	vbroadcast v1, $0x3;
	v16 =	vld [tilespmem:s24+$0x4B0]  }
0x110: {  	[tilespmem:s24+$0x450] =	vst v9;
	v9 =	vmul.f32 v10, v14;
	v10 =	vld [tilespmem:s24+$0x4C0]  }
0x111: {  	[tilespmem:s24+$0x460] =	vst v8;
	v8 =	vmul.f32 v15, v13;
	v14 =	vld [tilespmem:s24+$0x4D0]  }
0x112: {  	[tilespmem:s24+$0x470] =	vst v9;
	v9 =	vmul.f32 v11, v13;
	v11 =	vld [tilespmem:s24+$0x4E0]  }
0x113: {  	[tilespmem:s24+$0x480] =	vst v8;
	v8 =	vmul.f32 v12, v13;
	v12 =	vld [tilespmem:s24+$0x4F0]  }
0x114: {  	[tilespmem:s24+$0x490] =	vst v9;
	v9 =	vmul.f32 v16, v13;
	v15 =	vld [tilespmem:s24+$0x500]  }
0x115: {  	[tilespmem:s24+$0x4A0] =	vst v8;
	v8 =	vmul.f32 v10, v13;
	v10 =	vld [tilespmem:s24+$0x510]  }
0x116: {  	[tilespmem:s24+$0x4B0] =	vst v9;
	v9 =	vmul.f32 v14, v13;
	v14 =	vld [tilespmem:s24+$0x520]  }
0x117: {  	[tilespmem:s24+$0x4C0] =	vst v8;
	v8 =	vmul.f32 v11, v13;
	v11 =	vld [tilespmem:s24+$0x530]  }
0x118: {  	[tilespmem:s24+$0x4D0] =	vst v9;
	v9 =	vmul.f32 v12, v13;
	v12 =	vld [tilespmem:s24+$0x540]  }
0x119: {  	[tilespmem:s24+$0x4E0] =	vst v8;
	v8 =	vmul.f32 v15, v7;
	v13 =	vld [tilespmem:s24+$0x550]  }
0x11a: {  	[tilespmem:s24+$0x4F0] =	vst v9;
	v9 =	vmul.f32 v10, v7;
	v10 =	vld [tilespmem:s24+$0x560]  }
0x11b: {  	[tilespmem:s24+$0x500] =	vst v8;
	v8 =	vmul.f32 v14, v7;
	v14 =	vld [tilespmem:s24+$0x570]  }
0x11c: {  	[tilespmem:s24+$0x510] =	vst v9;
	v9 =	vmul.f32 v11, v7;
	v11 =	vld [tilespmem:s24+$0x580]  }
0x11d: {  	[tilespmem:s24+$0x520] =	vst v8;
	v8 =	vmul.f32 v12, v7;
	v12 =	vld [tilespmem:s24+$0x590]  }
0x11e: {  	[tilespmem:s24+$0x530] =	vst v9;
	v9 =	vmul.f32 v13, v7;
	v13 =	vld [tilespmem:s24+$0x5A0]  }
0x11f: {  	[tilespmem:s24+$0x540] =	vst v8;
	v8 =	vmul.f32 v10, v7;
	v10 =	vbroadcast v1, $0x5;
	v15 =	vld [tilespmem:s24+$0x5B0]  }
0x120: {  	[tilespmem:s24+$0x550] =	vst v9;
	v7 =	vmul.f32 v14, v7;
	v9 =	vld [tilespmem:s24+$0x5C0]  }
0x121: {  	[tilespmem:s24+$0x560] =	vst v8;
	v8 =	vmul.f32 v11, v10;
	v11 =	vld [tilespmem:s24+$0x5D0]  }
0x122: {  	[tilespmem:s24+$0x570] =	vst v7;
	v7 =	vmul.f32 v12, v10;
	v12 =	vld [tilespmem:s24+$0x5E0]  }
0x123: {  	[tilespmem:s24+$0x580] =	vst v8;
	v8 =	vmul.f32 v13, v10;
	v13 =	vld [tilespmem:s24+$0x5F0]  }
0x124: {  	[tilespmem:s24+$0x590] =	vst v7;
	v7 =	vmul.f32 v15, v10;
	v14 =	vld [tilespmem:s24+$0x600]  }
0x125: {  	[tilespmem:s24+$0x5A0] =	vst v8;
	v8 =	vmul.f32 v9, v10;
	v9 =	vld [tilespmem:s24+$0x610]  }
0x126: {  	[tilespmem:s24+$0x5B0] =	vst v7;
	v7 =	vmul.f32 v11, v10;
	v11 =	vld [tilespmem:s24+$0x620]  }
0x127: {  	[tilespmem:s24+$0x5C0] =	vst v8;
	v8 =	vmul.f32 v12, v10;
	v12 =	vbroadcast v1, $0x6;
	v15 =	vld [tilespmem:s24+$0x630]  }
0x128: {  	[tilespmem:s24+$0x5D0] =	vst v7;
	v7 =	vmul.f32 v13, v10;
	v10 =	vld [tilespmem:s24+$0x640]  }
0x129: {  	[tilespmem:s24+$0x5E0] =	vst v8;
	v8 =	vmul.f32 v14, v12;
	v13 =	vld [tilespmem:s24+$0x650]  }
0x12a: {  	[tilespmem:s24+$0x5F0] =	vst v7;
	v7 =	vmul.f32 v9, v12;
	v9 =	vld [tilespmem:s24+$0x660]  }
0x12b: {  	[tilespmem:s24+$0x600] =	vst v8;
	v8 =	vmul.f32 v11, v12;
	v11 =	vld [tilespmem:s24+$0x670]  }
0x12c: {  	[tilespmem:s24+$0x610] =	vst v7;
	v7 =	vmul.f32 v15, v12;
	v14 =	vld [tilespmem:s24+$0x680]  }
0x12d: {  	[tilespmem:s24+$0x620] =	vst v8;
	v8 =	vmul.f32 v10, v12;
	v10 =	vld [tilespmem:s24+$0x690]  }
0x12e: {  	[tilespmem:s24+$0x630] =	vst v7;
	v7 =	vmul.f32 v13, v12;
	v13 =	vld [tilespmem:s24+$0x6A0]  }
0x12f: {  	[tilespmem:s24+$0x640] =	vst v8;
	v8 =	vmul.f32 v9, v12;
	v9 =	vbroadcast v1, $0x7;
	v15 =	vld [tilespmem:s24+$0x6B0]  }
0x130: {  	[tilespmem:s24+$0x650] =	vst v7;
	v7 =	vmul.f32 v11, v12;
	v11 =	vld [tilespmem:s24+$0x6C0]  }
0x131: {  	[tilespmem:s24+$0x660] =	vst v8;
	v8 =	vmul.f32 v14, v9;
	v12 =	vld [tilespmem:s24+$0x6D0]  }
0x132: {  	[tilespmem:s24+$0x670] =	vst v7;
	v7 =	vmul.f32 v10, v9;
	v10 =	vld [tilespmem:s24+$0x6E0]  }
0x133: {  	[tilespmem:s24+$0x680] =	vst v8;
	v8 =	vmul.f32 v13, v9;
	v13 =	vld [tilespmem:s24+$0x6F0]  }
0x134: {  	[tilespmem:s24+$0x690] =	vst v7;
	v7 =	vmul.f32 v15, v9;
	v14 =	vld [tilespmem:s24+$0x700]  }
0x135: {  	[tilespmem:s24+$0x6A0] =	vst v8;
	v8 =	vmul.f32 v11, v9;
	v11 =	vld [tilespmem:s24+$0x710]  }
0x136: {  	[tilespmem:s24+$0x6B0] =	vst v7;
	v7 =	vmul.f32 v12, v9;
	v12 =	vld [tilespmem:s24+$0x720]  }
0x137: {  	[tilespmem:s24+$0x6C0] =	vst v8;
	v8 =	vmul.f32 v10, v9;
	v10 =	vbroadcast v1, $0x8;
	v15 =	vld [tilespmem:s24+$0x730]  }
0x138: {  	[tilespmem:s24+$0x6D0] =	vst v7;
	v7 =	vmul.f32 v13, v9;
	v9 =	vld [tilespmem:s24+$0x740]  }
0x139: {  	[tilespmem:s24+$0x6E0] =	vst v8;
	v8 =	vmul.f32 v14, v10;
	v13 =	vld [tilespmem:s24+$0x750]  }
0x13a: {  	[tilespmem:s24+$0x6F0] =	vst v7;
	v7 =	vmul.f32 v11, v10;
	v11 =	vld [tilespmem:s24+$0x760]  }
0x13b: {  	[tilespmem:s24+$0x700] =	vst v8;
	v8 =	vmul.f32 v12, v10;
	v12 =	vld [tilespmem:s24+$0x770]  }
0x13c: {  	[tilespmem:s24+$0x710] =	vst v7;
	v7 =	vmul.f32 v15, v10;
	v14 =	vld [tilespmem:s24+$0x780]  }
0x13d: {  	[tilespmem:s24+$0x720] =	vst v8;
	v8 =	vmul.f32 v9, v10;
	v9 =	vld [tilespmem:s24+$0x790]  }
0x13e: {  	[tilespmem:s24+$0x730] =	vst v7;
	v7 =	vmul.f32 v13, v10;
	v13 =	vld [tilespmem:s24+$0x7A0]  }
0x13f: {  	[tilespmem:s24+$0x740] =	vst v8;
	v8 =	vmul.f32 v11, v10;
	v11 =	vbroadcast v1, $0x9;
	v15 =	vld [tilespmem:s24+$0x7B0]  }
0x140: {  	[tilespmem:s24+$0x750] =	vst v7;
	v7 =	vmul.f32 v12, v10;
	v10 =	vld [tilespmem:s24+$0x7C0]  }
0x141: {  	[tilespmem:s24+$0x760] =	vst v8;
	v8 =	vmul.f32 v14, v11;
	v12 =	vld [tilespmem:s24+$0x7D0]  }
0x142: {  	[tilespmem:s24+$0x770] =	vst v7;
	v7 =	vmul.f32 v9, v11;
	v9 =	vld [tilespmem:s24+$0x7E0]  }
0x143: {  	[tilespmem:s24+$0x780] =	vst v8;
	v8 =	vmul.f32 v13, v11;
	v13 =	vld [tilespmem:s24+$0x7F0]  }
0x144: {  	[tilespmem:s24+$0x790] =	vst v7;
	v7 =	vmul.f32 v15, v11;
	v14 =	vld [tilespmem:s24+$0x800]  }
0x145: {  	[tilespmem:s24+$0x7A0] =	vst v8;
	v8 =	vmul.f32 v10, v11;
	v10 =	vld [tilespmem:s24+$0x810]  }
0x146: {  	[tilespmem:s24+$0x7B0] =	vst v7;
	v7 =	vmul.f32 v12, v11;
	v12 =	vld [tilespmem:s24+$0x820]  }
0x147: {  	[tilespmem:s24+$0x7C0] =	vst v8;
	v8 =	vmul.f32 v9, v11;
	v9 =	vld [tilespmem:s24+$0x830]  }
0x148: {  	[tilespmem:s24+$0x7D0] =	vst v7;
	v7 =	vmul.f32 v13, v11;
	v11 =	vld [tilespmem:s24+$0x840]  }
0x149: {  	[tilespmem:s24+$0x7E0] =	vst v8;
	v8 =	vmul.f32 v14, v4;
	v13 =	vld [tilespmem:s24+$0x850]  }
0x14a: {  	[tilespmem:s24+$0x7F0] =	vst v7;
	v7 =	vmul.f32 v10, v4;
	v10 =	vld [tilespmem:s24+$0x860]  }
0x14b: {  	v14 =	vld [tilespmem:s24+$0x300];
	[tilespmem:s24+$0x800] =	vst v8;
	v8 =	vmul.f32 v12, v4  }
0x14c: {  	v12 =	vld [tilespmem:s24+$0x310];
	[tilespmem:s24+$0x810] =	vst v7;
	v7 =	vmul.f32 v9, v4  }
0x14d: {  	v9 =	vld [tilespmem:s24+$0x340];
	[tilespmem:s24+$0x820] =	vst v8;
	v8 =	vmul.f32 v11, v4  }
0x14e: {  	v11 =	vld [tilespmem:s24+$0x350];
	[tilespmem:s24+$0x830] =	vst v7;
	v7 =	vmul.f32 v13, v4  }
0x14f: {  	[tilespmem:s24+$0x840] =	vst v8;
	v8 =	vmul.f32 v10, v4;
	v10 =	vbroadcast v1, $0xB;
	v13 =	vld [tilespmem:s24+$0x8A0]  }
0x150: {  	v4 =	vbroadcast v1, $0xF;
	v14 =	vmul.f32 v2, v14;
	[tilespmem:s24+$0x850] =	vst v7;
	v7 =	vld [tilespmem:s24+$0x8B0]  }
0x151: {  	v12 =	vmul.f32 v12, v2;
	[tilespmem:s24+$0x860] =	vst v8;
	v5 =	vmul.f32 v5, v10;
	v8 =	vld [tilespmem:s24+$0x8C0]  }
0x152: {  	v6 =	vmul.f32 v6, v10;
	[tilespmem:s24+$0x300] =	vst v14;
	v9 =	vmul.f32 v9, v2;
	v14 =	vld [tilespmem:s24+$0x8D0]  }
0x153: {  	v3 =	vmul.f32 v3, v4;
	v11 =	vmul.f32 v11, v2;
	[tilespmem:s24+$0x880] =	vst v5;
	v2 =	vld [tilespmem:s24+$0x8E0]  }
0x154: {  	[tilespmem:s24+$0x890] =	vst v6;
	v5 =	vmul.f32 v13, v10;
	v6 =	vld [tilespmem:s24+$0x8F0]  }
0x155: {  	v7 =	vmul.f32 v7, v10;
	v13 =	vld [tilespmem:s24+$0x900];
	[tilespmem:s24+$0xAD0] =	vst v3  }
0x156: {  	[tilespmem:s24+$0x310] =	vst v12;
	v3 =	vmul.f32 v8, v10;
	v8 =	vld [tilespmem:s24+$0x910]  }
0x157: {  	[tilespmem:s24+$0x340] =	vst v9;
	v9 =	vmul.f32 v14, v10;
	v12 =	vld [tilespmem:s24+$0x920]  }
0x158: {  	v14 =	vbroadcast v1, $0xC;
	[tilespmem:s24+$0x8A0] =	vst v5;
	v5 =	vmul.f32 v2, v10;
	v15 =	vld [tilespmem:s24+$0x930]  }
0x159: {  	[tilespmem:s24+$0x8D0] =	vst v9;
	v6 =	vmul.f32 v6, v10;
	v9 =	vld [tilespmem:s24+$0x940]  }
0x15a: {  	[tilespmem:s24+$0x8B0] =	vst v7;
	v2 =	vmul.f32 v13, v14;
	v7 =	vld [tilespmem:s24+$0x950]  }
0x15b: {  	[tilespmem:s24+$0x8C0] =	vst v3;
	v3 =	vmul.f32 v8, v14;
	v8 =	vld [tilespmem:s24+$0x960]  }
0x15c: {  	[tilespmem:s24+$0x900] =	vst v2;
	v2 =	vmul.f32 v12, v14;
	v10 =	vld [tilespmem:s24+$0x970]  }
0x15d: {  	[tilespmem:s24+$0x910] =	vst v3;
	v3 =	vld [tilespmem:s24+$0x980]  }
0x15e: {  	[tilespmem:s24+$0x350] =	vst v11;
	v9 =	vmul.f32 v9, v14;
	v11 =	vld [tilespmem:s24+$0x990]  }
0x15f: {  	[tilespmem:s24+$0x8E0] =	vst v5;
	v5 =	vmul.f32 v7, v14;
	v7 =	vld [tilespmem:s24+$0x9A0]  }
0x160: {  	[tilespmem:s24+$0x940] =	vst v9;
	v8 =	vmul.f32 v8, v14;
	v9 =	vbroadcast v1, $0xD;
	v12 =	vld [tilespmem:s24+$0x9B0]  }
0x161: {  	[tilespmem:s24+$0x950] =	vst v5;
	v5 =	vmul.f32 v10, v14;
	v10 =	vld [tilespmem:s24+$0x9C0]  }
0x162: {  	[tilespmem:s24+$0x960] =	vst v8;
	v3 =	vmul.f32 v3, v9;
	v8 =	vld [tilespmem:s24+$0x9D0]  }
0x163: {  	[tilespmem:s24+$0x970] =	vst v5;
	v5 =	vmul.f32 v11, v9;
	v11 =	vld [tilespmem:s24+$0x9E0]  }
0x164: {  	[tilespmem:s24+$0x980] =	vst v3;
	v3 =	vmul.f32 v7, v9;
	v7 =	vld [tilespmem:s24+$0x9F0]  }
0x165: {  	[tilespmem:s24+$0x990] =	vst v5;
	v5 =	vmul.f32 v12, v9;
	v12 =	vld [tilespmem:s24+$0xA00]  }
0x166: {  	[tilespmem:s24+$0x9A0] =	vst v3;
	v3 =	vmul.f32 v10, v9;
	v10 =	vld [tilespmem:s24+$0xA10]  }
0x167: {  	[tilespmem:s24+$0x9B0] =	vst v5;
	v5 =	vmul.f32 v8, v9;
	v8 =	vld [tilespmem:s24+$0xA20]  }
0x168: {  	v1 =	vbroadcast v1, $0xE;
	[tilespmem:s24+$0x8F0] =	vst v6;
	v6 =	vmul.f32 v11, v9;
	v11 =	vld [tilespmem:s24+$0xA30]  }
0x169: {  	[tilespmem:s24+$0x9D0] =	vst v5;
	v5 =	vmul.f32 v7, v9;
	v7 =	vld [tilespmem:s24+$0xA40]  }
0x16a: {  	[tilespmem:s24+$0x9E0] =	vst v6;
	v6 =	vmul.f32 v12, v1;
	v9 =	vld [tilespmem:s24+$0xA50]  }
0x16b: {  	[tilespmem:s24+$0x9F0] =	vst v5;
	v5 =	vmul.f32 v10, v1;
	v10 =	vld [tilespmem:s24+$0xA60]  }
0x16c: {  	[tilespmem:s24+$0xA00] =	vst v6;
	v6 =	vmul.f32 v8, v1;
	v8 =	vld [tilespmem:s24+$0xA70]  }
0x16d: {  	[tilespmem:s24+$0xA10] =	vst v5;
	v5 =	vmul.f32 v11, v1;
	v11 =	vld [tilespmem:s24+$0xA80]  }
0x16e: {  	[tilespmem:s24+$0xA20] =	vst v6;
	v6 =	vmul.f32 v7, v1;
	v7 =	vld [tilespmem:s24+$0xA90]  }
0x16f: {  	[tilespmem:s24+$0xA30] =	vst v5;
	v5 =	vmul.f32 v9, v1;
	v9 =	vld [tilespmem:s24+$0xAA0]  }
0x170: {  	[tilespmem:s24+$0xA40] =	vst v6;
	v6 =	vmul.f32 v10, v1;
	v10 =	vld [tilespmem:s24+$0xAB0]  }
0x171: {  	[tilespmem:s24+$0x9C0] =	vst v3;
	v1 =	vmul.f32 v8, v1;
	v3 =	vld [tilespmem:s24+$0xAC0]  }
0x172: {  	[tilespmem:s24+$0xA60] =	vst v6;
	v6 =	vmul.f32 v11, v4;
	v8 =	vld [tilespmem:s24+$0xAE0]  }
0x173: {  	[tilespmem:s24+$0xA70] =	vst v1;
	v1 =	vmul.f32 v7, v4;
	v7 =	vld [tilespmem:s24+$0xAF0]  }
0x174: {  	[tilespmem:s24+$0xA80] =	vst v6;
	v6 =	vmul.f32 v9, v4  }
0x175: {  	[tilespmem:s24+$0xA90] =	vst v1;
	v1 =	vmul.f32 v10, v4  }
0x176: {  	v9 =	vmul.f32 v15, v14;
	[tilespmem:s24+$0xAA0] =	vst v6  }
0x177: {  	[tilespmem:s24+$0xAB0] =	vst v1;
	v1 =	vmul.f32 v3, v4  }
.Ltmp6:
0x178: {  	[tilespmem:s24+$0x930] =	vst v9;
	v3 =	vmul.f32 v7, v4;
	(pc) =	sbr.rel @p0 .LBB2_6-.Ltmp6, $4  }
0x179: {  	[tilespmem:s24+$0xAC0] =	vst v1  }
0x17a: {  	v1 =	vmul.f32 v8, v4;
	[tilespmem:s24+$0xAF0] =	vst v3  }
0x17b: {  	[tilespmem:s24+$0xA50] =	vst v5  }
0x17c: {  	[tilespmem:s24+$0xAE0] =	vst v1  }
.Ltmp7:
0x17d: {  	[tilespmem:s24+$0x920] =	vst v2;
	(pc) =	sbr.rel .LBB2_8-.Ltmp7, $4  }
0x17e: {  	[spmem:s3] =	stream.indirect.scatter.add.f32 [tilespmem:s15], [sflag:$0x2], $0x80, s18, s20, $0xb8;
	[tilespmem:$0x1B380] =	vst v63  }
0x17f: {  	_ =	swait.ge [sflag:s16], $0x7800  }
0x180: {  	[sflag:s16] =	ssyncset.done $0x0  }
0x181: {  	[sflag:s16] =	ssyncadd.s32 $0xFFFF8800  }
.LBB2_10:
0x182: {  	_ =	sfence.sel $0x180000  }
0x183: {  	[bflag:$0x0] =	sbarrier.arrive $0xFFFF  }
0x184: {  	p0 =	sne.s32 s1, $0x0;
	_ =	strace $0x9000004A  }
0x185: {  	s0 =	sadd.s32 @!p0 $0x100000, s0;
	[bflag:$0x2] =	sbarrier.arrive $0xFFFF  }
0x186: {  	[sflag:s0] =	ssyncadd.tile.s32 @!p0 $0x1;
	_ =	shalt  }
.Lfunc_end2:
_tile_overlayer_lowered:
.L_overlay_start_2:
0x187: {  	(tag) =	ssettag $0x2  }
0x188: {  	s0 =	rddreg [dreg:$0x0];
	s2 =	stileid.u32  }
0x189: {  	s1 =	rddreg [dreg:$0x1];
	p0 =	sne.s32 s2, $0x0  }
0x18a: {  	s3 =	rddreg [dreg:$0x2];
	[bflag:$0x3] =	sbarrier.arrive $0xFFFF;
	s2 =	simm.s32 @!p0 $0x1C02  }
0x18b: {  	[timem:s3], [sflag:s2] =	dma.local @!p0 [hbm:s0], s1  }
0x18c: {  	s0 =	simm.s32 @!p0 $0x2  }
0x18d: {  	_ =	swait.ge @!p0 [sflag:s0], s1  }
0x18e: {  	s1 =	ssub.s32 @!p0 $0x0, s1;
	[sflag:s0] =	ssyncset.done @!p0 $0x0  }
0x18f: {  	[sflag:s0] =	ssyncadd.s32 @!p0 s1  }
0x190: {  	[bflag:$0x3] =	sbarrier.arrive $0xFFFF  }
0x191: {  	_ =	shalt  }

// kernel: kernel.7.cloned.1.call-start
scs
__scs_entry_jumppad:
0x0: {  	(pc) =	sbr.rel $0x88, $3  }
0x1: {  	(tag) =	ssettag $0x0;
	lr =	simm.s32 $0x1  }
0x2: {  	[smem:$0x3F9C] =	sst lr;
	_ =	strace $0xD0000000  }
0x3: {  	_ = 	snop  }
0x4: {  	_ = 	snop  }
0x5: {  	_ = 	snop  }
0x6: {  	_ = 	snop  }
0x7: {  	_ = 	snop  }
__scs_overlays_trampoline_lowered:
0x8: {  	[smem:$0x3FAB] =	sst s0  }
0x9: {  	[smem:$0x3FAC] =	sst s1  }
0xa: {  	[smem:$0x3FAD] =	sst s2  }
0xb: {  	[smem:$0x3FAE] =	sst s3  }
0xc: {  	[smem:$0x3FAF] =	sst s4  }
0xd: {  	[smem:$0x3FB0] =	sst s5  }
0xe: {  	[smem:$0x3FB1] =	sst s6  }
0xf: {  	[smem:$0x3FB2] =	sst s7  }
0x10: {  	[smem:$0x3FB3] =	sst s8  }
0x11: {  	[smem:$0x3FB4] =	sst s9;
	s0 =	simm.s32 @!p0 $0x0  }
0x12: {  	s1 =	sld [smem:$0x3F9A];
	s0 =	simm.s32 @p0 $0x1  }
0x13: {  	[smem:$0x3FB5] =	sst s0;
	s0 =	simm.s32 @!p1 $0x0  }
0x14: {  	s2 =	sld [smem:$0x3F99];
	s0 =	simm.s32 @p1 $0x1  }
0x15: {  	[smem:$0x3FB6] =	sst s0;
	s0 =	simm.s32 @!p2 $0x0  }
0x16: {  	s3 =	sld [smem:$0x3FDB];
	s0 =	simm.s32 @p2 $0x1  }
0x17: {  	s4 =	simm.s32 $0x1BF5;
	[smem:$0x3FB8] =	sst s0  }
0x18: {  	s0 =	sld [smem:$0x3F9B];
	_ =	swait.ge [sflag:s4], $0x0  }
0x19: {  	s7 =	sld [smem:$0x3F9C]  }
0x1a: {  	s8 =	sadd.s32 $0xFFFFE003, lr  }
0x1b: {  	s9 =	sadd.s32 $0xFFFFFEF7, lr;
	s5 =	simm.s32 $0xFFFFFFFF;
	p2 =	slt.u32 s8, $0xFFFFF086  }
0x1c: {  	p1 =	slt.u32 s9, $0xF7A;
	s5 =	simm.s32 @!p2 $0x0  }
0x1d: {  	s5 =	simm.s32 @p1 $0x1;
	p0 =	seq.s32 s7, s2  }
0x1e: {  	s7 =	smul.u32 @!p0 $0xF7A, s2;
	p2 =	seq.s32 @!p0 s5, $0x0  }
0x1f: {  	s9 =	smul.u32 $0xF7A, s1;
	s8 =	simm.s32 @!p0 $0x1BF5;
	p2 =	por !p2, p0  }
0x20: {  	[sflag:s8] =	ssyncset.s32 @!p0 $0xFFFFF086;
	s6 =	sadd.s32 @!p0 s3, s7;
	s7 =	simm.s32 @!p0 $0x108  }
0x21: {  	s3 =	sadd.s32 s3, s9;
	s6 =	sadd.s32 @!p0 $0x88, s6;
	s7 =	simm.s32 @p2 $0x1082  }
0x22: {  	[simem:s7], [sflag:s8] =	dma.local @!p0 [hbm:s6], $0xF7A  }
0x23: {  	s9 =	sor.u32 $0xD0000000, s2;
	s6 =	simm.s32 $0x108;
	_ =	swait.ge @!p0 [sflag:s8], $0x0  }
0x24: {  	s3 =	sadd.s32 $0x88, s3;
	s6 =	simm.s32 @!p1 $0x1082;
	[sflag:s4] =	ssyncset.s32 $0xFFFFF086  }
0x25: {  	[simem:s6], [sflag:s4] =	dma.local [hbm:s3], $0xF7A  }
0x26: {  	[smem:$0x3F9C] =	sst s1;
	(tag) =	ssettag s2;
	_ =	strace s9  }
0x27: {  	s1 =	sld [smem:$0x3FAC]  }
0x28: {  	s2 =	sld [smem:$0x3FAD]  }
0x29: {  	s4 =	sld [smem:$0x3FAF]  }
0x2a: {  	p0 =	seq.s32 s5, $0x0;
	s5 =	sld [smem:$0x3FB0]  }
0x2b: {  	s6 =	sld [smem:$0x3FB1]  }
0x2c: {  	s7 =	sld [smem:$0x3FB2]  }
0x2d: {  	s3 =	simm.s32 $0x108;
	s8 =	sld [smem:$0x3FB3]  }
0x2e: {  	s3 =	simm.s32 @!p0 $0x1082;
	s9 =	sld [smem:$0x3FB4]  }
0x2f: {  	lr =	sadd.s32 s0, s3;
	s0 =	sld [smem:$0x3FAB]  }
0x30: {  	s3 =	sld [smem:$0x3FAE]  }
0x31: {  	[smem:$0x3FB7] =	sst s10  }
0x32: {  	s10 =	sld [smem:$0x3FB5];
	_ =	sdelay $0x3  }
0x33: {  	p0 =	seq.s32 s10, $0x1;
	s10 =	sld [smem:$0x3FB7];
	_ =	sdelay $0x3  }
0x34: {  	[smem:$0x3FB7] =	sst s10  }
0x35: {  	s10 =	sld [smem:$0x3FB6];
	_ =	sdelay $0x3  }
0x36: {  	p1 =	seq.s32 s10, $0x1;
	s10 =	sld [smem:$0x3FB7];
	_ =	sdelay $0x3  }
0x37: {  	[smem:$0x3FB7] =	sst s10  }
0x38: {  	s10 =	sld [smem:$0x3FB8]  }
0x39: {  	_ = 	snop;
	(pc) =	sbr.ind lr, $3  }
0x3a: {  	_ = 	snop  }
0x3b: {  	_ = 	snop  }
0x3c: {  	p2 =	seq.s32 s10, $0x1;
	s10 =	sld [smem:$0x3FB7]  }
0x3d: {  	_ =	shalt  }
0x3e: {  	_ =	shalt  }
0x3f: {  	_ =	shalt  }
0x40: {  	_ =	shalt  }
0x41: {  	_ =	shalt  }
0x42: {  	_ =	shalt  }
0x43: {  	_ =	shalt  }
0x44: {  	_ =	shalt  }
0x45: {  	_ =	shalt  }
0x46: {  	_ =	shalt  }
0x47: {  	_ =	shalt  }
0x48: {  	_ =	shalt  }
0x49: {  	_ =	shalt  }
0x4a: {  	_ =	shalt  }
0x4b: {  	_ =	shalt  }
0x4c: {  	_ =	shalt  }
0x4d: {  	_ =	shalt  }
0x4e: {  	_ =	shalt  }
0x4f: {  	_ =	shalt  }
0x50: {  	_ =	shalt  }
0x51: {  	_ =	shalt  }
0x52: {  	_ =	shalt  }
0x53: {  	_ =	shalt  }
0x54: {  	_ =	shalt  }
0x55: {  	_ =	shalt  }
0x56: {  	_ =	shalt  }
0x57: {  	_ =	shalt  }
0x58: {  	_ =	shalt  }
0x59: {  	_ =	shalt  }
0x5a: {  	_ =	shalt  }
0x5b: {  	_ =	shalt  }
0x5c: {  	_ =	shalt  }
0x5d: {  	_ =	shalt  }
0x5e: {  	_ =	shalt  }
0x5f: {  	_ =	shalt  }
0x60: {  	_ =	shalt  }
0x61: {  	_ =	shalt  }
0x62: {  	_ =	shalt  }
0x63: {  	_ =	shalt  }
0x64: {  	_ =	shalt  }
0x65: {  	_ =	shalt  }
0x66: {  	_ =	shalt  }
0x67: {  	_ =	shalt  }
0x68: {  	_ =	shalt  }
0x69: {  	_ =	shalt  }
0x6a: {  	_ =	shalt  }
0x6b: {  	_ =	shalt  }
0x6c: {  	_ =	shalt  }
0x6d: {  	_ =	shalt  }
0x6e: {  	_ =	shalt  }
0x6f: {  	_ =	shalt  }
0x70: {  	_ =	shalt  }
0x71: {  	_ =	shalt  }
0x72: {  	_ =	shalt  }
0x73: {  	_ =	shalt  }
0x74: {  	_ =	shalt  }
0x75: {  	_ =	shalt  }
0x76: {  	_ =	shalt  }
0x77: {  	_ =	shalt  }
0x78: {  	_ =	shalt  }
0x79: {  	_ =	shalt  }
0x7a: {  	_ =	shalt  }
0x7b: {  	_ =	shalt  }
0x7c: {  	_ =	shalt  }
0x7d: {  	_ =	shalt  }
0x7e: {  	_ =	shalt  }
0x7f: {  	_ =	shalt  }
0x80: {  	_ =	shalt  }
0x81: {  	_ =	shalt  }
0x82: {  	_ =	shalt  }
0x83: {  	_ =	shalt  }
0x84: {  	_ =	shalt  }
0x85: {  	_ =	shalt  }
0x86: {  	_ =	shalt  }
0x87: {  	_ =	shalt  }
.Lfunc_end0:
.L_simem_size_0:
called_computation_lowered:
.L_overlay_start_0:
0x88: {  	s2 =	sld [smem:$0x3FD9]  }
0x89: {  	s3 =	sld [smem:$0x3FFE];
	_ =	sdelay $0x1  }
0x8a: {  	s1 =	srdreg.scid  }
0x8b: {  	s0 =	sand.u32 $0x1, s1  }
0x8c: {  	s17 =	sshll.u32 s0, $0xA;
	s2 =	sadd.s32 s3, s2  }
0x8d: {  	s2 =	sadd.s32 s2, s17  }
0x8e: {  	[smem:$0x3FC3] =	sst s2  }
0x8f: {  	_ = 	snop  }
0x90: {  	s2 =	sld [smem:$0x3FD0];
	(tm) =	ssettm $0x1  }
0x91: {  	s18 =	sld [smem:$0x3FFB];
	_ =	sdelay $0x3  }
0x92: {  	_ =	strace s18  }
0x93: {  	s3 =	sld [smem:$0x3FFC];
	_ =	sdelay $0x3  }
0x94: {  	_ =	strace s3  }
0x95: {  	s3 =	sld [smem:$0x3FFD];
	_ =	sdelay $0x3  }
0x96: {  	_ =	strace s3  }
0x97: {  	_ =	strace $0x8FFFFFFF  }
0x98: {  	s19 =	sld [smem:$0x3FDB];
	_ =	sdelay $0x1  }
0x99: {  	s4 =	simm.s32 $_scs_section_size  }
0x9a: {  	s5 =	simm.s32 $_size__tile_overlayer_lowered;
	s6 =	simm.s32 $_tile_overlayer_lowered  }
0x9b: {  	s22 =	simm.s32 $0x1BFF;
	s21 =	sshll.u32 s6, $0x1;
	s3 =	sadd.s32 s4, s19  }
0x9c: {  	s7 =	simm.s32 $0x0;
	s20 =	sshll.u32 s5, $0x1;
	s5 =	sadd.s32 s21, s3  }
0x9d: {  	[timem:s7], [sflag:s22] =	dma.local [hbm:s5], s20  }
0x9e: {  	_ =	swait.ge [sflag:s22], s20  }
0x9f: {  	s4 =	ssub.s32 $0x0, s20;
	[sflag:s22] =	ssyncset.done $0x0  }
0xa0: {  	[sflag:s22] =	ssyncadd.s32 s4;
	_ =	sdelay $0x1  }
0xa1: {  	s23 =	simm.s32 $0x1B8B  }
0xa2: {  	_ =	swait.ge [sflag:s23], $0x1  }
0xa3: {  	[sflag:s23] =	ssyncset.done $0x0  }
0xa4: {  	s25 =	simm.s32 $0x1B8E;
	s24 =	sld [smem:$0x3FFE];
	[sflag:s23] =	ssyncadd.s32 $0xFFFFFFFF  }
0xa5: {  	s26 =	simm.s32 $execute0_lowered;
	[smem:$0x3FD2] =	sst s25  }
0xa6: {  	s5 =	sshll.u32 s26, $0x1;
	_ =	strace $0x80000046;
	[dreg:$0x1] =	wrdreg $0xFFFFFFFF  }
0xa7: {  	s28 =	simm.s32 $_size_execute0_lowered;
	s3 =	sadd.s32 s3, s5;
	[dreg:$0x0] =	wrdreg $0x0  }
0xa8: {  	s5 =	sshll.u32 s28, $0x1;
	[dreg:$0x2] =	wrdreg s3  }
0xa9: {  	[dreg:$0x3] =	wrdreg s5  }
0xaa: {  	[dreg:$0x4] =	wrdreg $0xC0  }
0xab: {  	_ =	task [dreg:s7], $0x5FFFF  }
0xac: {  	[dreg:$0x1] =	wrdreg $0xFFFFFFFF  }
0xad: {  	[dreg:$0x0] =	wrdreg $0x60  }
0xae: {  	[dreg:$0x2] =	wrdreg s24  }
0xaf: {  	[dreg:$0x3] =	wrdreg s2  }
0xb0: {  	[dreg:$0x4] =	wrdreg $0x7B000  }
0xb1: {  	[dreg:$0x5] =	wrdreg $0x9  }
0xb2: {  	_ =	task.clear_ibuf [dreg:s7], $0x6FFFF;
	_ =	strace $0x90000046  }
0xb3: {  	s29 =	simm.s32 $0x9;
	_ =	strace $0x80000048  }
0xb4: {  	_ =	swait.ge [sflag:s29], $0x1  }
0xb5: {  	[sflag:s29] =	ssyncadd.s32 $0xFFFFFFFF  }
0xb6: {  	_ =	strace $0x90000048  }
0xb7: {  	_ =	sfence  }
0xb8: {  	s30 =	sld [smem:$0x0];
	_ =	sdelay $0x2  }
0xb9: {  	s31 =	sshll.u32 s1, $0xD;
	s1 =	sshrl.u32 s1, $0x2  }
0xba: {  	s3 =	sand.u32 $0x4000, s31;
	s1 =	sadd.s32 s1, s30  }
0xbb: {  	s0 =	sor.u32 s3, s0;
	s1 =	sshll.u32 s1, $0x11  }
0xbc: {  	s0 =	sor.u32 s1, s0  }
0xbd: {  	s0 =	sadd.s32 $0x8F2B, s0  }
0xbe: {  	[sflag:s0] =	ssyncadd.remote.s32 $0x1  }
0xbf: {  	_ =	sfence.sel $0xFFFF  }
0xc0: {  	[dreg:$0x0] =	wrdreg $0xFFFFFFFF;
	(pc) =	sbr.abs _section_cstart, $3  }
0xc1: {  	[dreg:$0x1] =	wrdreg $0xFFFFFFFF  }
0xc2: {  	_ =	task.clear_ibuf [dreg:s7], $0x2FFFF;
	_ =	strace $0x9FFFFFFF  }
0xc3: {  	(tm) =	ssettm $0x7FFFFFFF  }
tec
execute0_lowered:
.L_overlay_start_1:
0x0: {  	(tag) =	ssettag $0x1  }
0x1: {  	s9 =	rddreg [dreg:$0x0]  }
0x2: {  	s2 =	rddreg [dreg:$0x1]  }
0x3: {  	s3 =	rddreg [dreg:$0x2]  }
0x4: {  	s0 =	rddreg [dreg:$0x3];
	s5 =	srdreg.scid  }
0x5: {  	s1 =	stileid.u32;
	s4 =	simm.s32 $0x0;
	s15 =	simm.s32 $0x300  }
0x6: {  	s16 =	simm.s32 $0x2;
	s17 =	simm.s32 $0x3;
	s18 =	simm.s32 $0x100  }
0x7: {  	s19 =	simm.s32 $0x200;
	s20 =	simm.s32 $0xF0;
	s21 =	simm.s32 $0x1  }
0x8: {  	s5 =	sand.u32 $0x1, s5;
	s10 =	smul.u32 $0x2700, s1;
	[smem:$0x7FF] =	sst s4  }
0x9: {  	s12 =	smul.u32 $0x4E000, s1;
	s6 =	sadd.s32 $0x25E00, s9;
	s7 =	sadd.s32 $0x13800, s9  }
0xa: {  	s8 =	sadd.s32 $0x1200, s9;
	s22 =	sshll.u32 s1, $0x6;
	s11 =	smul.u32 $0x27100, s5  }
.Ltmp0:
0xb: {  	_ =	strace $0x80000047;
	s30 =	ssub.s32 $0x2, s5;
	(pc) =	sbr.rel .LBB2_1-.Ltmp0, $4  }
0xc: {  	s22 =	sor.u32 $0x1C02, s22;
	s31 =	sshrl.u32 s30, $0x1;
	s10 =	sadd.s32 s10, s11  }
0xd: {  	s12 =	sshrl.u32 s12, $0x2;
	s14 =	ssub.s32 s30, s31;
	s13 =	sadd.s32 s10, s9  }
0xe: {  	s9 =	sadd.s32 s12, s3;
	s10 =	sshll.u32 s1, $0x1;
	s14 =	smax.u32 s14, $0x1  }
0xf: {  	v0 =	vimm.f32 $0.0e+00;
	s11 =	sadd.s32 $0x7800, s9;
	s12 =	sadd.s32 $0xF000, s9;
	s13 =	sadd.s32 $0xC2200, s13  }
.LBB2_9:
0x10: {  	s4 =	sadd.s32 $0x1, s4  }
0x11: {  	p0 =	sne.s32 s4, s14  }
.Ltmp1:
0x12: {  	[bflag:$0x0] =	sbarrier.arrive $0xFFFF;
	s23 =	sshrl.u32 s9, $0x3;
	(pc) =	sbr.rel @!p0 .LBB2_10-.Ltmp1, $4  }
0x13: {  	[hbm:s13], [sflag:s22] =	dma.local [spmem:s23], $0x2800  }
0x14: {  	_ =	swait.ge [sflag:s16], $0x2800  }
0x15: {  	[sflag:s16] =	ssyncset.done $0x0  }
0x16: {  	[sflag:s16] =	ssyncadd.s32 $0xFFFFD800  }
.LBB2_1:
0x17: {  	s23 =	simm.s32 $0x0;
	s24 =	simm.s32 $0x200  }
.LBB2_2:
0x18: {  	p0 =	sne.s32 s24, $0x1DE00;
	[tilespmem:s23+$0x370] =	vst v0  }
0x19: {  	[tilespmem:s23+$0x300] =	vst v0  }
0x1a: {  	[tilespmem:s23+$0x310] =	vst v0  }
.Ltmp2:
0x1b: {  	[tilespmem:s23+$0x320] =	vst v0;
	(pc) =	sbr.rel @p0 .LBB2_2-.Ltmp2, $4  }
0x1c: {  	[tilespmem:s23+$0x330] =	vst v0  }
0x1d: {  	[tilespmem:s23+$0x340] =	vst v0  }
0x1e: {  	[tilespmem:s23+$0x350] =	vst v0  }
0x1f: {  	[tilespmem:s23+$0x360] =	vst v0;
	s23 =	sshra.s32 s24, $0x2;
	s24 =	sadd.s32 $0x200, s24  }
0x20: {  	[tilespmem:s23+$0x370] =	vst v0  }
0x21: {  	[tilespmem:s23+$0x300] =	vst v0  }
0x22: {  	[tilespmem:s23+$0x310] =	vst v0  }
0x23: {  	[tilespmem:s23+$0x320] =	vst v0  }
0x24: {  	[tilespmem:s23+$0x330] =	vst v0  }
0x25: {  	[tilespmem:s23+$0x340] =	vst v0  }
0x26: {  	[tilespmem:s23+$0x350] =	vst v0  }
0x27: {  	[tilespmem:s23+$0x360] =	vst v0  }
0x28: {  	[spmem:s9] =	stream.linear.scatter [tilespmem:s15], [sflag:$0x2], $0x7800, $0x38;
	[tilespmem:$0x1B380] =	vst v63  }
0x29: {  	_ =	swait.ge [sflag:s16], $0x7800  }
0x2a: {  	[sflag:s16] =	ssyncset.done $0x0  }
0x2b: {  	[sflag:s16] =	ssyncadd.s32 $0xFFFF8800  }
0x2c: {  	[spmem:s11] =	stream.linear.scatter [tilespmem:s15], [sflag:$0x2], $0x7800, $0x38;
	[tilespmem:$0x1B380] =	vst v63  }
0x2d: {  	_ =	swait.ge [sflag:s16], $0x7800  }
0x2e: {  	[sflag:s16] =	ssyncset.done $0x0  }
0x2f: {  	[sflag:s16] =	ssyncadd.s32 $0xFFFF8800  }
0x30: {  	[spmem:s12] =	stream.linear.scatter [tilespmem:s15], [sflag:$0x2], $0x5000, $0x38;
	[tilespmem:$0x1B380] =	vst v63  }
.Ltmp3:
0x31: {  	_ =	swait.ge [sflag:s16], $0x5000;
	(pc) =	sbr.rel .LBB2_4-.Ltmp3, $4  }
0x32: {  	[sflag:s16] =	ssyncset.done $0x0  }
0x33: {  	[sflag:s16] =	ssyncadd.s32 $0xFFFFB000  }
0x34: {  	[bflag:$0x0] =	sbarrier.arrive $0xFFFF  }
0x35: {  	s23 =	simm.s32 $0x0  }
.LBB2_8:
0x36: {  	s23 =	sadd.s32 $0x1, s23  }
0x37: {  	p0 =	sne.s32 s23, $0x4F  }
.Ltmp4:
0x38: {  	_ = 	snop;
	(pc) =	sbr.rel @!p0 .LBB2_9-.Ltmp4, $1  }
0x39: {  	_ =	sdelay $0x3  }
.LBB2_4:
0x3a: {  	s24 =	sshll.u32 s23, $0x5  }
0x3b: {  	s24 =	sor.u32 s10, s24  }
0x3c: {  	p0 =	sgt.u32 s24, $0x9C3  }
.Ltmp5:
0x3d: {  	_ = 	snop;
	(pc) =	sbr.rel @p0 .LBB2_8-.Ltmp5, $1  }
0x3e: {  	_ =	sdelay $0x3  }
0x3f: {  	s25 =	sor.u32 s5, s24  }
0x40: {  	s26 =	smul.u32 $0x1E, s25;
	_ =	sdelay $0x1  }
0x41: {  	s31 =	simm.s32 $0x0;
	s28 =	sadd.s32 s2, s26  }
0x42: {  	[tilespmem:s31], [sflag:$0x3] =	stream.linear.gather [hbm4b:s28+s31], $0xF0, $0x38;
	[tilespmem:$0x1B380] =	vst v63  }
0x43: {  	_ =	swait.ge [sflag:s17], $0xF0  }
0x44: {  	[sflag:s17] =	ssyncset.done $0x0  }
0x45: {  	s29 =	sadd.s32 s7, s26;
	[sflag:s17] =	ssyncadd.s32 $0xFFFFFF10  }
0x46: {  	[tilespmem:s18], [sflag:$0x3] =	stream.linear.gather [hbm4b:s29+s31], $0xF0, $0x38;
	[tilespmem:$0x1B380] =	vst v63  }
0x47: {  	_ =	swait.ge [sflag:s17], $0xF0  }
0x48: {  	[sflag:s17] =	ssyncset.done $0x0  }
0x49: {  	s26 =	sadd.s32 s8, s26;
	[sflag:s17] =	ssyncadd.s32 $0xFFFFFF10  }
0x4a: {  	[tilespmem:s19], [sflag:$0x3] =	stream.linear.gather [hbm4b:s26+s31], $0xF0, $0x38;
	[tilespmem:$0x1B380] =	vst v63  }
0x4b: {  	_ =	swait.ge [sflag:s17], $0xF0  }
0x4c: {  	[sflag:s17] =	ssyncset.done $0x0  }
0x4d: {  	[sflag:s17] =	ssyncadd.s32 $0xFFFFFF10  }
0x4e: {  	s25 =	smulhi.u32 $0x68DB8BAD, s25;
	v1 =	vld [tilespmem:$0x0]  }
0x4f: {  	v2 =	vld [tilespmem:$0x10]  }
0x50: {  	s25 =	sshrl.u32 s25, $0x8;
	v3 =	vld [tilespmem:$0x20]  }
0x51: {  	s25 =	smul.u32 $0x2710, s25;
	v4 =	vld [tilespmem:$0x30]  }
0x52: {  	v5 =	vld [tilespmem:$0x40]  }
0x53: {  	v6 =	vld [tilespmem:$0x50];
	v1 =	vadd.s32 s25, v1  }
0x54: {  	[tilespmem:$0x0] =	vst v1;
	v1 =	vadd.s32 s25, v2;
	v2 =	vld [tilespmem:$0x60]  }
0x55: {  	[tilespmem:$0x10] =	vst v1;
	v1 =	vadd.s32 s25, v3;
	v3 =	vld [tilespmem:$0x70]  }
0x56: {  	v15 =	vld [tilespmem:$0x80];
	[tilespmem:$0x20] =	vst v1;
	v1 =	vadd.s32 s25, v4  }
0x57: {  	v16 =	vld [tilespmem:$0x90];
	[tilespmem:$0x30] =	vst v1;
	v1 =	vadd.s32 s25, v5  }
0x58: {  	v17 =	vld [tilespmem:$0xA0];
	[tilespmem:$0x40] =	vst v1;
	v1 =	vadd.s32 s25, v6  }
0x59: {  	[tilespmem:$0x50] =	vst v1;
	v1 =	vadd.s32 s25, v2;
	v2 =	vld [tilespmem:$0xB0]  }
0x5a: {  	[tilespmem:$0x60] =	vst v1;
	v1 =	vadd.s32 s25, v3;
	v3 =	vld [tilespmem:$0xC0]  }
0x5b: {  	v18 =	vld [tilespmem:$0xD0];
	[tilespmem:$0x70] =	vst v1;
	v1 =	vadd.s32 s25, v15  }
0x5c: {  	v19 =	vld [tilespmem:$0xE0];
	[tilespmem:$0x80] =	vst v1;
	v1 =	vadd.s32 s25, v16  }
0x5d: {  	[tilespmem:$0x90] =	vst v1;
	v1 =	vadd.s32 s25, v17  }
0x5e: {  	[tilespmem:$0xA0] =	vst v1;
	v1 =	vadd.s32 s25, v2  }
0x5f: {  	[tilespmem:$0xB0] =	vst v1;
	v1 =	vadd.s32 s25, v3  }
0x60: {  	[tilespmem:$0xC0] =	vst v1;
	v1 =	vadd.s32 s25, v18  }
0x61: {  	[tilespmem:$0xD0] =	vst v1;
	v1 =	vadd.s32 s25, v19  }
0x62: {  	[tilespmem:$0xE0] =	vst v1  }
0x63: {  	[tilespmem:s15], [sflag:$0x1] =	stream.indirect.gather [hbm4b:s6+s20], $0x80, s31, s20, $0xb8;
	[tilespmem:$0x1B380] =	vst v63  }
0x64: {  	_ =	swait.ge [sflag:s21], $0x7800  }
0x65: {  	s30 =	simm.s32 $0x0;
	[sflag:s21] =	ssyncset.done $0x0  }
0x66: {  	s24 =	sand.u32 $0x3FFFFFF0, s30;
	[sflag:s21] =	ssyncadd.s32 $0xFFFF8800  }
0x67: {  	s31 =	simm.s32 $0x0;
	v1 =	vld [tilespmem:s24+$0x200]  }
0x68: {  	s24 =	sand.u32 $0x3FFFF800, s31  }
0x69: {  	v3 =	vld [tilespmem:s24+$0x320]  }
0x6a: {  	v20 =	vld [tilespmem:s24+$0x330]  }
0x6b: {  	v10 =	vld [tilespmem:s24+$0x360]  }
0x6c: {  	v11 =	vld [tilespmem:s24+$0x370];
	v2 =	vbroadcast v1, $0x0  }
0x6d: {  	v12 =	vld [tilespmem:s24+$0x380]  }
0x6e: {  	v13 =	vld [tilespmem:s24+$0x390];
	v3 =	vmul.f32 v3, v2  }
0x6f: {  	v14 =	vld [tilespmem:s24+$0x3A0];
	v4 =	vmul.f32 v20, v2  }
0x70: {  	v9 =	vld [tilespmem:s24+$0x3B0];
	v23 =	vbroadcast v1, $0x1;
	v22 =	vmul.f32 v10, v2;
	[tilespmem:s24+$0x320] =	vst v3  }
0x71: {  	v7 =	vld [tilespmem:s24+$0x3C0];
	v11 =	vmul.f32 v11, v2;
	[tilespmem:s24+$0x330] =	vst v4  }
0x72: {  	v8 =	vld [tilespmem:s24+$0x3D0];
	v12 =	vmul.f32 v12, v23;
	[tilespmem:s24+$0x360] =	vst v22  }
0x73: {  	v25 =	vld [tilespmem:s24+$0x3F0];
	v13 =	vmul.f32 v13, v23;
	[tilespmem:s24+$0x370] =	vst v11  }
0x74: {  	v26 =	vld [tilespmem:s24+$0x400];
	v14 =	vmul.f32 v14, v23;
	[tilespmem:s24+$0x380] =	vst v12  }
0x75: {  	v27 =	vld [tilespmem:s24+$0x410];
	v9 =	vmul.f32 v9, v23;
	[tilespmem:s24+$0x390] =	vst v13  }
0x76: {  	v21 =	vld [tilespmem:s24+$0x870];
	v7 =	vmul.f32 v7, v23;
	[tilespmem:s24+$0x3A0] =	vst v14  }
0x77: {  	v24 =	vld [tilespmem:s24+$0x3E0];
	v15 =	vbroadcast v1, $0x2;
	v8 =	vmul.f32 v8, v23;
	[tilespmem:s24+$0x3B0] =	vst v9  }
0x78: {  	v28 =	vld [tilespmem:s24+$0x420];
	v10 =	vmul.f32 v25, v23;
	[tilespmem:s24+$0x3C0] =	vst v7  }
0x79: {  	v29 =	vld [tilespmem:s24+$0x430];
	v5 =	vbroadcast v1, $0xA;
	v32 =	vmul.f32 v26, v15;
	[tilespmem:s24+$0x3D0] =	vst v8  }
0x7a: {  	v30 =	vld [tilespmem:s24+$0x440];
	v34 =	vmul.f32 v27, v15;
	[tilespmem:s24+$0x3F0] =	vst v10  }
0x7b: {  	v33 =	vld [tilespmem:s24+$0x460];
	v3 =	vmul.f32 v21, v5;
	[tilespmem:s24+$0x400] =	vst v32  }
0x7c: {  	v35 =	vld [tilespmem:s24+$0x470];
	v11 =	vmul.f32 v24, v23;
	[tilespmem:s24+$0x410] =	vst v34  }
0x7d: {  	v36 =	vld [tilespmem:s24+$0x480];
	v9 =	vmul.f32 v28, v15;
	[tilespmem:s24+$0x870] =	vst v3  }
0x7e: {  	v31 =	vld [tilespmem:s24+$0x450];
	v7 =	vmul.f32 v29, v15;
	[tilespmem:s24+$0x3E0] =	vst v11  }
0x7f: {  	v37 =	vld [tilespmem:s24+$0x490];
	v8 =	vmul.f32 v30, v15;
	[tilespmem:s24+$0x420] =	vst v9  }
0x80: {  	v38 =	vld [tilespmem:s24+$0x4A0];
	v41 =	vbroadcast v1, $0x3;
	v10 =	vmul.f32 v33, v15;
	[tilespmem:s24+$0x430] =	vst v7  }
0x81: {  	v39 =	vld [tilespmem:s24+$0x4B0];
	v12 =	vmul.f32 v35, v15;
	[tilespmem:s24+$0x440] =	vst v8  }
0x82: {  	v42 =	vld [tilespmem:s24+$0x4D0];
	v13 =	vmul.f32 v36, v41;
	[tilespmem:s24+$0x460] =	vst v10  }
0x83: {  	v43 =	vld [tilespmem:s24+$0x4E0];
	v11 =	vmul.f32 v31, v15;
	[tilespmem:s24+$0x470] =	vst v12  }
0x84: {  	v44 =	vld [tilespmem:s24+$0x4F0];
	v9 =	vmul.f32 v37, v41;
	[tilespmem:s24+$0x480] =	vst v13  }
0x85: {  	v40 =	vld [tilespmem:s24+$0x4C0];
	v7 =	vmul.f32 v38, v41;
	[tilespmem:s24+$0x450] =	vst v11  }
0x86: {  	v45 =	vld [tilespmem:s24+$0x500];
	v8 =	vmul.f32 v39, v41;
	[tilespmem:s24+$0x490] =	vst v9  }
0x87: {  	v46 =	vld [tilespmem:s24+$0x510];
	v10 =	vmul.f32 v42, v41;
	[tilespmem:s24+$0x4A0] =	vst v7  }
0x88: {  	v47 =	vld [tilespmem:s24+$0x520];
	v12 =	vmul.f32 v43, v41;
	[tilespmem:s24+$0x4B0] =	vst v8  }
0x89: {  	v49 =	vld [tilespmem:s24+$0x540];
	v50 =	vbroadcast v1, $0x4;
	v13 =	vmul.f32 v44, v41;
	[tilespmem:s24+$0x4D0] =	vst v10  }
0x8a: {  	v51 =	vld [tilespmem:s24+$0x550];
	v11 =	vmul.f32 v40, v41;
	[tilespmem:s24+$0x4E0] =	vst v12  }
0x8b: {  	v52 =	vld [tilespmem:s24+$0x560];
	v9 =	vmul.f32 v45, v50;
	[tilespmem:s24+$0x4F0] =	vst v13  }
0x8c: {  	v48 =	vld [tilespmem:s24+$0x530];
	v7 =	vmul.f32 v46, v50;
	[tilespmem:s24+$0x4C0] =	vst v11  }
0x8d: {  	v53 =	vld [tilespmem:s24+$0x570];
	v8 =	vmul.f32 v47, v50;
	[tilespmem:s24+$0x500] =	vst v9  }
0x8e: {  	v54 =	vld [tilespmem:s24+$0x580];
	v10 =	vmul.f32 v49, v50;
	[tilespmem:s24+$0x510] =	vst v7  }
0x8f: {  	v55 =	vld [tilespmem:s24+$0x590];
	v12 =	vmul.f32 v51, v50;
	[tilespmem:s24+$0x520] =	vst v8  }
0x90: {  	v57 =	vld [tilespmem:s24+$0x5B0];
	v13 =	vmul.f32 v52, v50;
	[tilespmem:s24+$0x540] =	vst v10  }
0x91: {  	v58 =	vld [tilespmem:s24+$0x5C0];
	v59 =	vbroadcast v1, $0x5;
	v11 =	vmul.f32 v48, v50;
	[tilespmem:s24+$0x550] =	vst v12  }
0x92: {  	v60 =	vld [tilespmem:s24+$0x5D0];
	v9 =	vmul.f32 v53, v50;
	[tilespmem:s24+$0x560] =	vst v13  }
0x93: {  	v56 =	vld [tilespmem:s24+$0x5A0];
	v7 =	vmul.f32 v54, v59;
	[tilespmem:s24+$0x530] =	vst v11  }
0x94: {  	v61 =	vld [tilespmem:s24+$0x5E0];
	v8 =	vmul.f32 v55, v59;
	[tilespmem:s24+$0x570] =	vst v9  }
0x95: {  	v62 =	vld [tilespmem:s24+$0x5F0];
	v10 =	vmul.f32 v57, v59;
	[tilespmem:s24+$0x580] =	vst v7  }
0x96: {  	v63 =	vld [tilespmem:s24+$0x600];
	v12 =	vmul.f32 v58, v59;
	[tilespmem:s24+$0x590] =	vst v8  }
0x97: {  	v19 =	vld [tilespmem:s24+$0x620];
	v13 =	vmul.f32 v60, v59;
	[tilespmem:s24+$0x5B0] =	vst v10  }
0x98: {  	v20 =	vld [tilespmem:s24+$0x630];
	v11 =	vmul.f32 v56, v59;
	[tilespmem:s24+$0x5C0] =	vst v12  }
0x99: {  	v21 =	vld [tilespmem:s24+$0x640];
	v22 =	vbroadcast v1, $0x6;
	v9 =	vmul.f32 v61, v59;
	[tilespmem:s24+$0x5D0] =	vst v13  }
0x9a: {  	v18 =	vld [tilespmem:s24+$0x610];
	v7 =	vmul.f32 v62, v59;
	[tilespmem:s24+$0x5A0] =	vst v11  }
0x9b: {  	v23 =	vld [tilespmem:s24+$0x650];
	v8 =	vmul.f32 v63, v22;
	[tilespmem:s24+$0x5E0] =	vst v9  }
0x9c: {  	v24 =	vld [tilespmem:s24+$0x660];
	v10 =	vmul.f32 v19, v22;
	[tilespmem:s24+$0x5F0] =	vst v7  }
0x9d: {  	v25 =	vld [tilespmem:s24+$0x670];
	v12 =	vmul.f32 v20, v22;
	[tilespmem:s24+$0x600] =	vst v8  }
0x9e: {  	v27 =	vld [tilespmem:s24+$0x690];
	v13 =	vmul.f32 v21, v22;
	[tilespmem:s24+$0x620] =	vst v10  }
0x9f: {  	v28 =	vld [tilespmem:s24+$0x6A0];
	v11 =	vmul.f32 v18, v22;
	[tilespmem:s24+$0x630] =	vst v12  }
0xa0: {  	v29 =	vld [tilespmem:s24+$0x6B0];
	v9 =	vmul.f32 v23, v22;
	[tilespmem:s24+$0x640] =	vst v13  }
0xa1: {  	v31 =	vbroadcast v1, $0x7;
	v53 =	vld [tilespmem:s24+$0x800];
	v7 =	vmul.f32 v24, v22;
	[tilespmem:s24+$0x610] =	vst v11  }
0xa2: {  	v57 =	vld [tilespmem:s24+$0x840];
	v8 =	vmul.f32 v25, v22;
	[tilespmem:s24+$0x650] =	vst v9  }
0xa3: {  	v58 =	vld [tilespmem:s24+$0x850];
	v10 =	vmul.f32 v27, v31;
	[tilespmem:s24+$0x660] =	vst v7  }
0xa4: {  	v26 =	vld [tilespmem:s24+$0x680];
	v12 =	vmul.f32 v28, v31;
	[tilespmem:s24+$0x670] =	vst v8  }
0xa5: {  	v30 =	vld [tilespmem:s24+$0x6C0];
	v13 =	vmul.f32 v29, v31;
	[tilespmem:s24+$0x690] =	vst v10  }
0xa6: {  	v32 =	vld [tilespmem:s24+$0x6D0];
	v59 =	vmul.f32 v53, v5;
	[tilespmem:s24+$0x6A0] =	vst v12  }
0xa7: {  	v33 =	vld [tilespmem:s24+$0x6E0];
	v18 =	vmul.f32 v57, v5;
	[tilespmem:s24+$0x6B0] =	vst v13  }
0xa8: {  	v35 =	vld [tilespmem:s24+$0x700];
	v20 =	vmul.f32 v58, v5;
	[tilespmem:s24+$0x800] =	vst v59  }
0xa9: {  	v36 =	vld [tilespmem:s24+$0x710];
	v11 =	vmul.f32 v26, v31;
	[tilespmem:s24+$0x840] =	vst v18  }
0xaa: {  	v37 =	vld [tilespmem:s24+$0x720];
	v9 =	vmul.f32 v30, v31;
	[tilespmem:s24+$0x850] =	vst v20  }
0xab: {  	v4 =	vld [tilespmem:s24+$0x880];
	v40 =	vbroadcast v1, $0x8;
	v7 =	vmul.f32 v32, v31;
	[tilespmem:s24+$0x680] =	vst v11  }
0xac: {  	v6 =	vld [tilespmem:s24+$0x890];
	v8 =	vmul.f32 v33, v31;
	[tilespmem:s24+$0x6C0] =	vst v9  }
0xad: {  	v3 =	vld [tilespmem:s24+$0xAD0];
	v10 =	vmul.f32 v35, v40;
	[tilespmem:s24+$0x6D0] =	vst v7  }
0xae: {  	v61 =	vld [tilespmem:s24+$0x300];
	v23 =	vbroadcast v1, $0xB;
	v12 =	vmul.f32 v36, v40;
	[tilespmem:s24+$0x6E0] =	vst v8  }
0xaf: {  	v34 =	vld [tilespmem:s24+$0x6F0];
	v13 =	vmul.f32 v37, v40;
	[tilespmem:s24+$0x700] =	vst v10  }
0xb0: {  	v38 =	vld [tilespmem:s24+$0x730];
	v27 =	vbroadcast v1, $0xF;
	v4 =	vmul.f32 v4, v23;
	[tilespmem:s24+$0x710] =	vst v12  }
0xb1: {  	v39 =	vld [tilespmem:s24+$0x740];
	v6 =	vmul.f32 v6, v23;
	[tilespmem:s24+$0x720] =	vst v13  }
0xb2: {  	v41 =	vld [tilespmem:s24+$0x750];
	v3 =	vmul.f32 v3, v27;
	[tilespmem:s24+$0x880] =	vst v4  }
0xb3: {  	v43 =	vld [tilespmem:s24+$0x770];
	v24 =	vmul.f32 v2, v61;
	[tilespmem:s24+$0x890] =	vst v6  }
0xb4: {  	v44 =	vld [tilespmem:s24+$0x780];
	v11 =	vmul.f32 v34, v31;
	[tilespmem:s24+$0xAD0] =	vst v3  }
0xb5: {  	v45 =	vld [tilespmem:s24+$0x790];
	v9 =	vmul.f32 v38, v40;
	[tilespmem:s24+$0x300] =	vst v24  }
0xb6: {  	v63 =	vld [tilespmem:s24+$0x340];
	v7 =	vmul.f32 v39, v40;
	[tilespmem:s24+$0x6F0] =	vst v11  }
0xb7: {  	v49 =	vbroadcast v1, $0x9;
	v29 =	vld [tilespmem:s24+$0x8F0];
	v8 =	vmul.f32 v41, v40;
	[tilespmem:s24+$0x730] =	vst v9  }
0xb8: {  	v42 =	vld [tilespmem:s24+$0x760];
	v10 =	vmul.f32 v43, v40;
	[tilespmem:s24+$0x740] =	vst v7  }
0xb9: {  	v46 =	vld [tilespmem:s24+$0x7A0];
	v12 =	vmul.f32 v44, v49;
	[tilespmem:s24+$0x750] =	vst v8  }
0xba: {  	v47 =	vld [tilespmem:s24+$0x7B0];
	v13 =	vmul.f32 v45, v49;
	[tilespmem:s24+$0x770] =	vst v10  }
0xbb: {  	v48 =	vld [tilespmem:s24+$0x7C0];
	v3 =	vmul.f32 v63, v2;
	[tilespmem:s24+$0x780] =	vst v12  }
0xbc: {  	v51 =	vld [tilespmem:s24+$0x7E0];
	v6 =	vmul.f32 v29, v23;
	[tilespmem:s24+$0x790] =	vst v13  }
0xbd: {  	v52 =	vld [tilespmem:s24+$0x7F0];
	v11 =	vmul.f32 v42, v40;
	[tilespmem:s24+$0x340] =	vst v3  }
0xbe: {  	v28 =	vld [tilespmem:s24+$0x8E0];
	v9 =	vmul.f32 v46, v49;
	[tilespmem:s24+$0x8F0] =	vst v6  }
0xbf: {  	v26 =	vld [tilespmem:s24+$0x8D0];
	v7 =	vmul.f32 v47, v49;
	[tilespmem:s24+$0x760] =	vst v11  }
0xc0: {  	v30 =	vld [tilespmem:s24+$0x900];
	v8 =	vmul.f32 v48, v49;
	[tilespmem:s24+$0x7A0] =	vst v9  }
0xc1: {  	v50 =	vld [tilespmem:s24+$0x7D0];
	v10 =	vmul.f32 v51, v49;
	[tilespmem:s24+$0x7B0] =	vst v7  }
0xc2: {  	v54 =	vld [tilespmem:s24+$0x810];
	v12 =	vmul.f32 v52, v49;
	[tilespmem:s24+$0x7C0] =	vst v8  }
0xc3: {  	v55 =	vld [tilespmem:s24+$0x820];
	v35 =	vbroadcast v1, $0xC;
	v40 =	vmul.f32 v28, v23;
	[tilespmem:s24+$0x7E0] =	vst v10  }
0xc4: {  	v56 =	vld [tilespmem:s24+$0x830];
	v32 =	vmul.f32 v26, v23;
	[tilespmem:s24+$0x7F0] =	vst v12  }
0xc5: {  	v60 =	vld [tilespmem:s24+$0x860];
	v15 =	vmul.f32 v30, v35;
	[tilespmem:s24+$0x8E0] =	vst v40  }
0xc6: {  	v62 =	vld [tilespmem:s24+$0x310];
	v11 =	vmul.f32 v50, v49;
	[tilespmem:s24+$0x8D0] =	vst v32  }
0xc7: {  	v19 =	vld [tilespmem:s24+$0x350];
	v9 =	vmul.f32 v54, v5;
	[tilespmem:s24+$0x900] =	vst v15  }
0xc8: {  	v33 =	vld [tilespmem:s24+$0x930];
	v7 =	vmul.f32 v55, v5;
	[tilespmem:s24+$0x7D0] =	vst v11  }
0xc9: {  	v61 =	vld [tilespmem:s24+$0xAF0];
	v8 =	vmul.f32 v56, v5;
	[tilespmem:s24+$0x810] =	vst v9  }
0xca: {  	v38 =	vld [tilespmem:s24+$0x970];
	v5 =	vmul.f32 v60, v5;
	[tilespmem:s24+$0x820] =	vst v7  }
0xcb: {  	v21 =	vld [tilespmem:s24+$0x8A0];
	v12 =	vmul.f32 v62, v2;
	[tilespmem:s24+$0x830] =	vst v8  }
0xcc: {  	v22 =	vld [tilespmem:s24+$0x8B0];
	v2 =	vmul.f32 v19, v2;
	[tilespmem:s24+$0x860] =	vst v5  }
0xcd: {  	v25 =	vld [tilespmem:s24+$0x8C0];
	v62 =	vmul.f32 v33, v35;
	[tilespmem:s24+$0x310] =	vst v12  }
0xce: {  	v31 =	vld [tilespmem:s24+$0x910];
	v63 =	vmul.f32 v61, v27;
	[tilespmem:s24+$0x350] =	vst v2  }
0xcf: {  	v34 =	vld [tilespmem:s24+$0x940];
	v15 =	vmul.f32 v38, v35;
	[tilespmem:s24+$0x930] =	vst v62  }
0xd0: {  	v41 =	vld [tilespmem:s24+$0x9A0];
	v7 =	vmul.f32 v21, v23;
	[tilespmem:s24+$0xAF0] =	vst v63  }
0xd1: {  	v46 =	vld [tilespmem:s24+$0x9E0];
	v8 =	vmul.f32 v22, v23;
	[tilespmem:s24+$0x970] =	vst v15  }
0xd2: {  	v36 =	vld [tilespmem:s24+$0x950];
	v5 =	vmul.f32 v25, v23;
	[tilespmem:s24+$0x8A0] =	vst v7  }
0xd3: {  	v44 =	vbroadcast v1, $0xD;
	v9 =	vmul.f32 v31, v35;
	v2 =	vld [tilespmem:s24+$0x990];
	[tilespmem:s24+$0x8B0] =	vst v8  }
0xd4: {  	v37 =	vld [tilespmem:s24+$0x960];
	v12 =	vmul.f32 v34, v35;
	[tilespmem:s24+$0x8C0] =	vst v5  }
0xd5: {  	v39 =	vld [tilespmem:s24+$0x980];
	v11 =	vmul.f32 v41, v44;
	[tilespmem:s24+$0x910] =	vst v9  }
0xd6: {  	v42 =	vld [tilespmem:s24+$0x9B0];
	v51 =	vmul.f32 v46, v44;
	[tilespmem:s24+$0x940] =	vst v12  }
0xd7: {  	v48 =	vld [tilespmem:s24+$0xA10];
	v8 =	vmul.f32 v36, v35;
	[tilespmem:s24+$0x9A0] =	vst v11  }
0xd8: {  	v49 =	vld [tilespmem:s24+$0xA20];
	[tilespmem:s24+$0x9E0] =	vst v51;
	v2 =	vmul.f32 v2, v44  }
0xd9: {  	v50 =	vld [tilespmem:s24+$0xA30];
	v5 =	vmul.f32 v37, v35;
	[tilespmem:s24+$0x950] =	vst v8  }
0xda: {  	v1 =	vbroadcast v1, $0xE;
	v9 =	vmul.f32 v39, v44;
	[tilespmem:s24+$0x990] =	vst v2;
	v2 =	vld [tilespmem:s24+$0xA00]  }
0xdb: {  	v60 =	vld [tilespmem:s24+$0xAE0];
	v12 =	vmul.f32 v42, v44;
	[tilespmem:s24+$0x960] =	vst v5  }
0xdc: {  	v45 =	vld [tilespmem:s24+$0x9D0];
	v11 =	vmul.f32 v48, v1;
	[tilespmem:s24+$0x980] =	vst v9  }
0xdd: {  	v47 =	vld [tilespmem:s24+$0x9F0];
	v10 =	vmul.f32 v49, v1;
	[tilespmem:s24+$0x9B0] =	vst v12  }
0xde: {  	v43 =	vld [tilespmem:s24+$0x9C0];
	v6 =	vmul.f32 v50, v1;
	[tilespmem:s24+$0xA10] =	vst v11  }
0xdf: {  	v55 =	vld [tilespmem:s24+$0xA80];
	[tilespmem:s24+$0xA20] =	vst v10;
	v2 =	vmul.f32 v2, v1  }
0xe0: {  	v57 =	vld [tilespmem:s24+$0xAA0];
	v4 =	vmul.f32 v60, v27;
	[tilespmem:s24+$0xA30] =	vst v6  }
0xe1: {  	v5 =	vmul.f32 v45, v44;
	[tilespmem:s24+$0xA00] =	vst v2;
	v2 =	vld [tilespmem:s24+$0xA70]  }
0xe2: {  	v52 =	vld [tilespmem:s24+$0xA40];
	v9 =	vmul.f32 v47, v44;
	[tilespmem:s24+$0xAE0] =	vst v4  }
0xe3: {  	v56 =	vld [tilespmem:s24+$0xA90];
	v8 =	vmul.f32 v43, v44;
	[tilespmem:s24+$0x9D0] =	vst v5  }
0xe4: {  	v54 =	vld [tilespmem:s24+$0xA60];
	v11 =	vmul.f32 v55, v27;
	[tilespmem:s24+$0x9F0] =	vst v9  }
0xe5: {  	v58 =	vld [tilespmem:s24+$0xAB0];
	v6 =	vmul.f32 v57, v27;
	[tilespmem:s24+$0x9C0] =	vst v8  }
0xe6: {  	v53 =	vld [tilespmem:s24+$0xA50];
	[tilespmem:s24+$0xA80] =	vst v11;
	v2 =	vmul.f32 v2, v1  }
0xe7: {  	v59 =	vld [tilespmem:s24+$0xAC0];
	v5 =	vmul.f32 v52, v1;
	[tilespmem:s24+$0xAA0] =	vst v6  }
0xe8: {  	[tilespmem:s24+$0xA70] =	vst v2;
	v2 =	vmul.f32 v56, v27  }
0xe9: {  	v3 =	vld [tilespmem:s24+$0x920];
	v9 =	vmul.f32 v54, v1;
	[tilespmem:s24+$0xA40] =	vst v5  }
0xea: {  	[tilespmem:s24+$0xA90] =	vst v2;
	v2 =	vmul.f32 v58, v27  }
0xeb: {  	[tilespmem:s24+$0xA60] =	vst v9;
	v1 =	vmul.f32 v53, v1  }
0xec: {  	[tilespmem:s24+$0xAB0] =	vst v2;
	v2 =	vmul.f32 v59, v27  }
0xed: {  	[tilespmem:s24+$0xA50] =	vst v1  }
0xee: {  	s25 =	simm.s32 $0x1;
	[tilespmem:s24+$0xAC0] =	vst v2;
	v2 =	vmul.f32 v3, v35  }
.LBB2_6:
0xef: {  	s26 =	sshll.u32 s25, $0x4  }
0xf0: {  	p0 =	sne.s32 s25, $0xE;
	[tilespmem:s24+$0x920] =	vst v2;
	s24 =	smov.u32 s25;
	s25 =	sadd.s32 $0x1, s25  }
0xf1: {  	s26 =	sand.u32 $0x3FFFFFF0, s26  }
0xf2: {  	s24 =	sshll.u32 s24, $0xB;
	v1 =	vld [tilespmem:s26+$0x200]  }
0xf3: {  	s24 =	sand.u32 $0x3FFFF800, s24  }
0xf4: {  	v8 =	vld [tilespmem:s24+$0x3C0]  }
0xf5: {  	v9 =	vld [tilespmem:s24+$0x3D0]  }
0xf6: {  	v10 =	vld [tilespmem:s24+$0x3B0]  }
0xf7: {  	v2 =	vbroadcast v1, $0x0;
	v3 =	vld [tilespmem:s24+$0x320];
	v7 =	vbroadcast v1, $0x4  }
0xf8: {  	v5 =	vld [tilespmem:s24+$0x330]  }
0xf9: {  	v6 =	vld [tilespmem:s24+$0x870]  }
0xfa: {  	v11 =	vld [tilespmem:s24+$0x360]  }
0xfb: {  	v12 =	vld [tilespmem:s24+$0x370]  }
0xfc: {  	v4 =	vbroadcast v1, $0xA;
	v3 =	vmul.f32 v3, v2;
	v13 =	vld [tilespmem:s24+$0x380]  }
0xfd: {  	v5 =	vmul.f32 v5, v2;
	v14 =	vld [tilespmem:s24+$0x390]  }
0xfe: {  	[tilespmem:s24+$0x320] =	vst v3;
	v15 =	vld [tilespmem:s24+$0x3A0];
	v3 =	vmul.f32 v6, v4  }
0xff: {  	[tilespmem:s24+$0x330] =	vst v5;
	v6 =	vmul.f32 v11, v2;
	v11 =	vbroadcast v1, $0x1;
	v5 =	vld [tilespmem:s24+$0x880]  }
0x100: {  	v12 =	vmul.f32 v12, v2;
	[tilespmem:s24+$0x870] =	vst v3;
	v3 =	vld [tilespmem:s24+$0xAD0]  }
0x101: {  	[tilespmem:s24+$0x360] =	vst v6;
	v13 =	vmul.f32 v13, v11;
	v6 =	vld [tilespmem:s24+$0x890]  }
0x102: {  	[tilespmem:s24+$0x370] =	vst v12;
	v12 =	vmul.f32 v14, v11;
	v14 =	vld [tilespmem:s24+$0x3E0]  }
0x103: {  	[tilespmem:s24+$0x380] =	vst v13;
	v13 =	vmul.f32 v15, v11;
	v15 =	vld [tilespmem:s24+$0x3F0]  }
0x104: {  	v10 =	vmul.f32 v10, v11;
	[tilespmem:s24+$0x390] =	vst v12;
	v12 =	vld [tilespmem:s24+$0x400]  }
0x105: {  	v8 =	vmul.f32 v8, v11;
	[tilespmem:s24+$0x3A0] =	vst v13;
	v13 =	vld [tilespmem:s24+$0x410]  }
0x106: {  	v9 =	vmul.f32 v9, v11;
	[tilespmem:s24+$0x3B0] =	vst v10;
	v10 =	vld [tilespmem:s24+$0x420]  }
0x107: {  	[tilespmem:s24+$0x3C0] =	vst v8;
	v8 =	vmul.f32 v14, v11;
	v14 =	vbroadcast v1, $0x2;
	v16 =	vld [tilespmem:s24+$0x430]  }
0x108: {  	[tilespmem:s24+$0x3D0] =	vst v9;
	v9 =	vmul.f32 v15, v11;
	v11 =	vld [tilespmem:s24+$0x440]  }
0x109: {  	[tilespmem:s24+$0x3E0] =	vst v8;
	v8 =	vmul.f32 v12, v14;
	v12 =	vld [tilespmem:s24+$0x450]  }
0x10a: {  	[tilespmem:s24+$0x3F0] =	vst v9;
	v9 =	vmul.f32 v13, v14;
	v13 =	vld [tilespmem:s24+$0x460]  }
0x10b: {  	[tilespmem:s24+$0x400] =	vst v8;
	v8 =	vmul.f32 v10, v14;
	v10 =	vld [tilespmem:s24+$0x470]  }
0x10c: {  	[tilespmem:s24+$0x410] =	vst v9;
	v9 =	vmul.f32 v16, v14;
	v15 =	vld [tilespmem:s24+$0x480]  }
0x10d: {  	[tilespmem:s24+$0x420] =	vst v8;
	v8 =	vmul.f32 v11, v14;
	v11 =	vld [tilespmem:s24+$0x490]  }
0x10e: {  	[tilespmem:s24+$0x430] =	vst v9;
	v9 =	vmul.f32 v12, v14;
	v12 =	vld [tilespmem:s24+$0x4A0]  }
0x10f: {  	[tilespmem:s24+$0x440] =	vst v8;
	v8 =	vmul.f32 v13, v14;
	v13 =	vbroadcast v1, $0x3;
	v16 =	vld [tilespmem:s24+$0x4B0]  }
0x110: {  	[tilespmem:s24+$0x450] =	vst v9;
	v9 =	vmul.f32 v10, v14;
	v10 =	vld [tilespmem:s24+$0x4C0]  }
0x111: {  	[tilespmem:s24+$0x460] =	vst v8;
	v8 =	vmul.f32 v15, v13;
	v14 =	vld [tilespmem:s24+$0x4D0]  }
0x112: {  	[tilespmem:s24+$0x470] =	vst v9;
	v9 =	vmul.f32 v11, v13;
	v11 =	vld [tilespmem:s24+$0x4E0]  }
0x113: {  	[tilespmem:s24+$0x480] =	vst v8;
	v8 =	vmul.f32 v12, v13;
	v12 =	vld [tilespmem:s24+$0x4F0]  }
0x114: {  	[tilespmem:s24+$0x490] =	vst v9;
	v9 =	vmul.f32 v16, v13;
	v15 =	vld [tilespmem:s24+$0x500]  }
0x115: {  	[tilespmem:s24+$0x4A0] =	vst v8;
	v8 =	vmul.f32 v10, v13;
	v10 =	vld [tilespmem:s24+$0x510]  }
0x116: {  	[tilespmem:s24+$0x4B0] =	vst v9;
	v9 =	vmul.f32 v14, v13;
	v14 =	vld [tilespmem:s24+$0x520]  }
0x117: {  	[tilespmem:s24+$0x4C0] =	vst v8;
	v8 =	vmul.f32 v11, v13;
	v11 =	vld [tilespmem:s24+$0x530]  }
0x118: {  	[tilespmem:s24+$0x4D0] =	vst v9;
	v9 =	vmul.f32 v12, v13;
	v12 =	vld [tilespmem:s24+$0x540]  }
0x119: {  	[tilespmem:s24+$0x4E0] =	vst v8;
	v8 =	vmul.f32 v15, v7;
	v13 =	vld [tilespmem:s24+$0x550]  }
0x11a: {  	[tilespmem:s24+$0x4F0] =	vst v9;
	v9 =	vmul.f32 v10, v7;
	v10 =	vld [tilespmem:s24+$0x560]  }
0x11b: {  	[tilespmem:s24+$0x500] =	vst v8;
	v8 =	vmul.f32 v14, v7;
	v14 =	vld [tilespmem:s24+$0x570]  }
0x11c: {  	[tilespmem:s24+$0x510] =	vst v9;
	v9 =	vmul.f32 v11, v7;
	v11 =	vld [tilespmem:s24+$0x580]  }
0x11d: {  	[tilespmem:s24+$0x520] =	vst v8;
	v8 =	vmul.f32 v12, v7;
	v12 =	vld [tilespmem:s24+$0x590]  }
0x11e: {  	[tilespmem:s24+$0x530] =	vst v9;
	v9 =	vmul.f32 v13, v7;
	v13 =	vld [tilespmem:s24+$0x5A0]  }
0x11f: {  	[tilespmem:s24+$0x540] =	vst v8;
	v8 =	vmul.f32 v10, v7;
	v10 =	vbroadcast v1, $0x5;
	v15 =	vld [tilespmem:s24+$0x5B0]  }
0x120: {  	[tilespmem:s24+$0x550] =	vst v9;
	v7 =	vmul.f32 v14, v7;
	v9 =	vld [tilespmem:s24+$0x5C0]  }
0x121: {  	[tilespmem:s24+$0x560] =	vst v8;
	v8 =	vmul.f32 v11, v10;
	v11 =	vld [tilespmem:s24+$0x5D0]  }
0x122: {  	[tilespmem:s24+$0x570] =	vst v7;
	v7 =	vmul.f32 v12, v10;
	v12 =	vld [tilespmem:s24+$0x5E0]  }
0x123: {  	[tilespmem:s24+$0x580] =	vst v8;
	v8 =	vmul.f32 v13, v10;
	v13 =	vld [tilespmem:s24+$0x5F0]  }
0x124: {  	[tilespmem:s24+$0x590] =	vst v7;
	v7 =	vmul.f32 v15, v10;
	v14 =	vld [tilespmem:s24+$0x600]  }
0x125: {  	[tilespmem:s24+$0x5A0] =	vst v8;
	v8 =	vmul.f32 v9, v10;
	v9 =	vld [tilespmem:s24+$0x610]  }
0x126: {  	[tilespmem:s24+$0x5B0] =	vst v7;
	v7 =	vmul.f32 v11, v10;
	v11 =	vld [tilespmem:s24+$0x620]  }
0x127: {  	[tilespmem:s24+$0x5C0] =	vst v8;
	v8 =	vmul.f32 v12, v10;
	v12 =	vbroadcast v1, $0x6;
	v15 =	vld [tilespmem:s24+$0x630]  }
0x128: {  	[tilespmem:s24+$0x5D0] =	vst v7;
	v7 =	vmul.f32 v13, v10;
	v10 =	vld [tilespmem:s24+$0x640]  }
0x129: {  	[tilespmem:s24+$0x5E0] =	vst v8;
	v8 =	vmul.f32 v14, v12;
	v13 =	vld [tilespmem:s24+$0x650]  }
0x12a: {  	[tilespmem:s24+$0x5F0] =	vst v7;
	v7 =	vmul.f32 v9, v12;
	v9 =	vld [tilespmem:s24+$0x660]  }
0x12b: {  	[tilespmem:s24+$0x600] =	vst v8;
	v8 =	vmul.f32 v11, v12;
	v11 =	vld [tilespmem:s24+$0x670]  }
0x12c: {  	[tilespmem:s24+$0x610] =	vst v7;
	v7 =	vmul.f32 v15, v12;
	v14 =	vld [tilespmem:s24+$0x680]  }
0x12d: {  	[tilespmem:s24+$0x620] =	vst v8;
	v8 =	vmul.f32 v10, v12;
	v10 =	vld [tilespmem:s24+$0x690]  }
0x12e: {  	[tilespmem:s24+$0x630] =	vst v7;
	v7 =	vmul.f32 v13, v12;
	v13 =	vld [tilespmem:s24+$0x6A0]  }
0x12f: {  	[tilespmem:s24+$0x640] =	vst v8;
	v8 =	vmul.f32 v9, v12;
	v9 =	vbroadcast v1, $0x7;
	v15 =	vld [tilespmem:s24+$0x6B0]  }
0x130: {  	[tilespmem:s24+$0x650] =	vst v7;
	v7 =	vmul.f32 v11, v12;
	v11 =	vld [tilespmem:s24+$0x6C0]  }
0x131: {  	[tilespmem:s24+$0x660] =	vst v8;
	v8 =	vmul.f32 v14, v9;
	v12 =	vld [tilespmem:s24+$0x6D0]  }
0x132: {  	[tilespmem:s24+$0x670] =	vst v7;
	v7 =	vmul.f32 v10, v9;
	v10 =	vld [tilespmem:s24+$0x6E0]  }
0x133: {  	[tilespmem:s24+$0x680] =	vst v8;
	v8 =	vmul.f32 v13, v9;
	v13 =	vld [tilespmem:s24+$0x6F0]  }
0x134: {  	[tilespmem:s24+$0x690] =	vst v7;
	v7 =	vmul.f32 v15, v9;
	v14 =	vld [tilespmem:s24+$0x700]  }
0x135: {  	[tilespmem:s24+$0x6A0] =	vst v8;
	v8 =	vmul.f32 v11, v9;
	v11 =	vld [tilespmem:s24+$0x710]  }
0x136: {  	[tilespmem:s24+$0x6B0] =	vst v7;
	v7 =	vmul.f32 v12, v9;
	v12 =	vld [tilespmem:s24+$0x720]  }
0x137: {  	[tilespmem:s24+$0x6C0] =	vst v8;
	v8 =	vmul.f32 v10, v9;
	v10 =	vbroadcast v1, $0x8;
	v15 =	vld [tilespmem:s24+$0x730]  }
0x138: {  	[tilespmem:s24+$0x6D0] =	vst v7;
	v7 =	vmul.f32 v13, v9;
	v9 =	vld [tilespmem:s24+$0x740]  }
0x139: {  	[tilespmem:s24+$0x6E0] =	vst v8;
	v8 =	vmul.f32 v14, v10;
	v13 =	vld [tilespmem:s24+$0x750]  }
0x13a: {  	[tilespmem:s24+$0x6F0] =	vst v7;
	v7 =	vmul.f32 v11, v10;
	v11 =	vld [tilespmem:s24+$0x760]  }
0x13b: {  	[tilespmem:s24+$0x700] =	vst v8;
	v8 =	vmul.f32 v12, v10;
	v12 =	vld [tilespmem:s24+$0x770]  }
0x13c: {  	[tilespmem:s24+$0x710] =	vst v7;
	v7 =	vmul.f32 v15, v10;
	v14 =	vld [tilespmem:s24+$0x780]  }
0x13d: {  	[tilespmem:s24+$0x720] =	vst v8;
	v8 =	vmul.f32 v9, v10;
	v9 =	vld [tilespmem:s24+$0x790]  }
0x13e: {  	[tilespmem:s24+$0x730] =	vst v7;
	v7 =	vmul.f32 v13, v10;
	v13 =	vld [tilespmem:s24+$0x7A0]  }
0x13f: {  	[tilespmem:s24+$0x740] =	vst v8;
	v8 =	vmul.f32 v11, v10;
	v11 =	vbroadcast v1, $0x9;
	v15 =	vld [tilespmem:s24+$0x7B0]  }
0x140: {  	[tilespmem:s24+$0x750] =	vst v7;
	v7 =	vmul.f32 v12, v10;
	v10 =	vld [tilespmem:s24+$0x7C0]  }
0x141: {  	[tilespmem:s24+$0x760] =	vst v8;
	v8 =	vmul.f32 v14, v11;
	v12 =	vld [tilespmem:s24+$0x7D0]  }
0x142: {  	[tilespmem:s24+$0x770] =	vst v7;
	v7 =	vmul.f32 v9, v11;
	v9 =	vld [tilespmem:s24+$0x7E0]  }
0x143: {  	[tilespmem:s24+$0x780] =	vst v8;
	v8 =	vmul.f32 v13, v11;
	v13 =	vld [tilespmem:s24+$0x7F0]  }
0x144: {  	[tilespmem:s24+$0x790] =	vst v7;
	v7 =	vmul.f32 v15, v11;
	v14 =	vld [tilespmem:s24+$0x800]  }
0x145: {  	[tilespmem:s24+$0x7A0] =	vst v8;
	v8 =	vmul.f32 v10, v11;
	v10 =	vld [tilespmem:s24+$0x810]  }
0x146: {  	[tilespmem:s24+$0x7B0] =	vst v7;
	v7 =	vmul.f32 v12, v11;
	v12 =	vld [tilespmem:s24+$0x820]  }
0x147: {  	[tilespmem:s24+$0x7C0] =	vst v8;
	v8 =	vmul.f32 v9, v11;
	v9 =	vld [tilespmem:s24+$0x830]  }
0x148: {  	[tilespmem:s24+$0x7D0] =	vst v7;
	v7 =	vmul.f32 v13, v11;
	v11 =	vld [tilespmem:s24+$0x840]  }
0x149: {  	[tilespmem:s24+$0x7E0] =	vst v8;
	v8 =	vmul.f32 v14, v4;
	v13 =	vld [tilespmem:s24+$0x850]  }
0x14a: {  	[tilespmem:s24+$0x7F0] =	vst v7;
	v7 =	vmul.f32 v10, v4;
	v10 =	vld [tilespmem:s24+$0x860]  }
0x14b: {  	v14 =	vld [tilespmem:s24+$0x300];
	[tilespmem:s24+$0x800] =	vst v8;
	v8 =	vmul.f32 v12, v4  }
0x14c: {  	v12 =	vld [tilespmem:s24+$0x310];
	[tilespmem:s24+$0x810] =	vst v7;
	v7 =	vmul.f32 v9, v4  }
0x14d: {  	v9 =	vld [tilespmem:s24+$0x340];
	[tilespmem:s24+$0x820] =	vst v8;
	v8 =	vmul.f32 v11, v4  }
0x14e: {  	v11 =	vld [tilespmem:s24+$0x350];
	[tilespmem:s24+$0x830] =	vst v7;
	v7 =	vmul.f32 v13, v4  }
0x14f: {  	[tilespmem:s24+$0x840] =	vst v8;
	v8 =	vmul.f32 v10, v4;
	v10 =	vbroadcast v1, $0xB;
	v13 =	vld [tilespmem:s24+$0x8A0]  }
0x150: {  	v4 =	vbroadcast v1, $0xF;
	v14 =	vmul.f32 v2, v14;
	[tilespmem:s24+$0x850] =	vst v7;
	v7 =	vld [tilespmem:s24+$0x8B0]  }
0x151: {  	v12 =	vmul.f32 v12, v2;
	[tilespmem:s24+$0x860] =	vst v8;
	v5 =	vmul.f32 v5, v10;
	v8 =	vld [tilespmem:s24+$0x8C0]  }
0x152: {  	v6 =	vmul.f32 v6, v10;
	[tilespmem:s24+$0x300] =	vst v14;
	v9 =	vmul.f32 v9, v2;
	v14 =	vld [tilespmem:s24+$0x8D0]  }
0x153: {  	v3 =	vmul.f32 v3, v4;
	v11 =	vmul.f32 v11, v2;
	[tilespmem:s24+$0x880] =	vst v5;
	v2 =	vld [tilespmem:s24+$0x8E0]  }
0x154: {  	[tilespmem:s24+$0x890] =	vst v6;
	v5 =	vmul.f32 v13, v10;
	v6 =	vld [tilespmem:s24+$0x8F0]  }
0x155: {  	v7 =	vmul.f32 v7, v10;
	v13 =	vld [tilespmem:s24+$0x900];
	[tilespmem:s24+$0xAD0] =	vst v3  }
0x156: {  	[tilespmem:s24+$0x310] =	vst v12;
	v3 =	vmul.f32 v8, v10;
	v8 =	vld [tilespmem:s24+$0x910]  }
0x157: {  	[tilespmem:s24+$0x340] =	vst v9;
	v9 =	vmul.f32 v14, v10;
	v12 =	vld [tilespmem:s24+$0x920]  }
0x158: {  	v14 =	vbroadcast v1, $0xC;
	[tilespmem:s24+$0x8A0] =	vst v5;
	v5 =	vmul.f32 v2, v10;
	v15 =	vld [tilespmem:s24+$0x930]  }
0x159: {  	[tilespmem:s24+$0x8D0] =	vst v9;
	v6 =	vmul.f32 v6, v10;
	v9 =	vld [tilespmem:s24+$0x940]  }
0x15a: {  	[tilespmem:s24+$0x8B0] =	vst v7;
	v2 =	vmul.f32 v13, v14;
	v7 =	vld [tilespmem:s24+$0x950]  }
0x15b: {  	[tilespmem:s24+$0x8C0] =	vst v3;
	v3 =	vmul.f32 v8, v14;
	v8 =	vld [tilespmem:s24+$0x960]  }
0x15c: {  	[tilespmem:s24+$0x900] =	vst v2;
	v2 =	vmul.f32 v12, v14;
	v10 =	vld [tilespmem:s24+$0x970]  }
0x15d: {  	[tilespmem:s24+$0x910] =	vst v3;
	v3 =	vld [tilespmem:s24+$0x980]  }
0x15e: {  	[tilespmem:s24+$0x350] =	vst v11;
	v9 =	vmul.f32 v9, v14;
	v11 =	vld [tilespmem:s24+$0x990]  }
0x15f: {  	[tilespmem:s24+$0x8E0] =	vst v5;
	v5 =	vmul.f32 v7, v14;
	v7 =	vld [tilespmem:s24+$0x9A0]  }
0x160: {  	[tilespmem:s24+$0x940] =	vst v9;
	v8 =	vmul.f32 v8, v14;
	v9 =	vbroadcast v1, $0xD;
	v12 =	vld [tilespmem:s24+$0x9B0]  }
0x161: {  	[tilespmem:s24+$0x950] =	vst v5;
	v5 =	vmul.f32 v10, v14;
	v10 =	vld [tilespmem:s24+$0x9C0]  }
0x162: {  	[tilespmem:s24+$0x960] =	vst v8;
	v3 =	vmul.f32 v3, v9;
	v8 =	vld [tilespmem:s24+$0x9D0]  }
0x163: {  	[tilespmem:s24+$0x970] =	vst v5;
	v5 =	vmul.f32 v11, v9;
	v11 =	vld [tilespmem:s24+$0x9E0]  }
0x164: {  	[tilespmem:s24+$0x980] =	vst v3;
	v3 =	vmul.f32 v7, v9;
	v7 =	vld [tilespmem:s24+$0x9F0]  }
0x165: {  	[tilespmem:s24+$0x990] =	vst v5;
	v5 =	vmul.f32 v12, v9;
	v12 =	vld [tilespmem:s24+$0xA00]  }
0x166: {  	[tilespmem:s24+$0x9A0] =	vst v3;
	v3 =	vmul.f32 v10, v9;
	v10 =	vld [tilespmem:s24+$0xA10]  }
0x167: {  	[tilespmem:s24+$0x9B0] =	vst v5;
	v5 =	vmul.f32 v8, v9;
	v8 =	vld [tilespmem:s24+$0xA20]  }
0x168: {  	v1 =	vbroadcast v1, $0xE;
	[tilespmem:s24+$0x8F0] =	vst v6;
	v6 =	vmul.f32 v11, v9;
	v11 =	vld [tilespmem:s24+$0xA30]  }
0x169: {  	[tilespmem:s24+$0x9D0] =	vst v5;
	v5 =	vmul.f32 v7, v9;
	v7 =	vld [tilespmem:s24+$0xA40]  }
0x16a: {  	[tilespmem:s24+$0x9E0] =	vst v6;
	v6 =	vmul.f32 v12, v1;
	v9 =	vld [tilespmem:s24+$0xA50]  }
0x16b: {  	[tilespmem:s24+$0x9F0] =	vst v5;
	v5 =	vmul.f32 v10, v1;
	v10 =	vld [tilespmem:s24+$0xA60]  }
0x16c: {  	[tilespmem:s24+$0xA00] =	vst v6;
	v6 =	vmul.f32 v8, v1;
	v8 =	vld [tilespmem:s24+$0xA70]  }
0x16d: {  	[tilespmem:s24+$0xA10] =	vst v5;
	v5 =	vmul.f32 v11, v1;
	v11 =	vld [tilespmem:s24+$0xA80]  }
0x16e: {  	[tilespmem:s24+$0xA20] =	vst v6;
	v6 =	vmul.f32 v7, v1;
	v7 =	vld [tilespmem:s24+$0xA90]  }
0x16f: {  	[tilespmem:s24+$0xA30] =	vst v5;
	v5 =	vmul.f32 v9, v1;
	v9 =	vld [tilespmem:s24+$0xAA0]  }
0x170: {  	[tilespmem:s24+$0xA40] =	vst v6;
	v6 =	vmul.f32 v10, v1;
	v10 =	vld [tilespmem:s24+$0xAB0]  }
0x171: {  	[tilespmem:s24+$0x9C0] =	vst v3;
	v1 =	vmul.f32 v8, v1;
	v3 =	vld [tilespmem:s24+$0xAC0]  }
0x172: {  	[tilespmem:s24+$0xA60] =	vst v6;
	v6 =	vmul.f32 v11, v4;
	v8 =	vld [tilespmem:s24+$0xAE0]  }
0x173: {  	[tilespmem:s24+$0xA70] =	vst v1;
	v1 =	vmul.f32 v7, v4;
	v7 =	vld [tilespmem:s24+$0xAF0]  }
0x174: {  	[tilespmem:s24+$0xA80] =	vst v6;
	v6 =	vmul.f32 v9, v4  }
0x175: {  	[tilespmem:s24+$0xA90] =	vst v1;
	v1 =	vmul.f32 v10, v4  }
0x176: {  	v9 =	vmul.f32 v15, v14;
	[tilespmem:s24+$0xAA0] =	vst v6  }
0x177: {  	[tilespmem:s24+$0xAB0] =	vst v1;
	v1 =	vmul.f32 v3, v4  }
.Ltmp6:
0x178: {  	[tilespmem:s24+$0x930] =	vst v9;
	v3 =	vmul.f32 v7, v4;
	(pc) =	sbr.rel @p0 .LBB2_6-.Ltmp6, $4  }
0x179: {  	[tilespmem:s24+$0xAC0] =	vst v1  }
0x17a: {  	v1 =	vmul.f32 v8, v4;
	[tilespmem:s24+$0xAF0] =	vst v3  }
0x17b: {  	[tilespmem:s24+$0xA50] =	vst v5  }
0x17c: {  	[tilespmem:s24+$0xAE0] =	vst v1  }
.Ltmp7:
0x17d: {  	[tilespmem:s24+$0x920] =	vst v2;
	(pc) =	sbr.rel .LBB2_8-.Ltmp7, $4  }
0x17e: {  	[spmem:s3] =	stream.indirect.scatter.add.f32 [tilespmem:s15], [sflag:$0x2], $0x80, s18, s20, $0xb8;
	[tilespmem:$0x1B380] =	vst v63  }
0x17f: {  	_ =	swait.ge [sflag:s16], $0x7800  }
0x180: {  	[sflag:s16] =	ssyncset.done $0x0  }
0x181: {  	[sflag:s16] =	ssyncadd.s32 $0xFFFF8800  }
.LBB2_10:
0x182: {  	_ =	sfence.sel $0x180000  }
0x183: {  	[bflag:$0x0] =	sbarrier.arrive $0xFFFF  }
0x184: {  	p0 =	sne.s32 s1, $0x0;
	_ =	strace $0x90000047  }
0x185: {  	s0 =	sadd.s32 @!p0 $0x100000, s0;
	[bflag:$0x2] =	sbarrier.arrive $0xFFFF  }
0x186: {  	[sflag:s0] =	ssyncadd.tile.s32 @!p0 $0x1;
	_ =	shalt  }
.Lfunc_end2:
_tile_overlayer_lowered:
.L_overlay_start_2:
0x187: {  	(tag) =	ssettag $0x2  }
0x188: {  	s0 =	rddreg [dreg:$0x0];
	s2 =	stileid.u32  }
0x189: {  	s1 =	rddreg [dreg:$0x1];
	p0 =	sne.s32 s2, $0x0  }
0x18a: {  	s3 =	rddreg [dreg:$0x2];
	[bflag:$0x3] =	sbarrier.arrive $0xFFFF;
	s2 =	simm.s32 @!p0 $0x1C02  }
0x18b: {  	[timem:s3], [sflag:s2] =	dma.local @!p0 [hbm:s0], s1  }
0x18c: {  	s0 =	simm.s32 @!p0 $0x2  }
0x18d: {  	_ =	swait.ge @!p0 [sflag:s0], s1  }
0x18e: {  	s1 =	ssub.s32 @!p0 $0x0, s1;
	[sflag:s0] =	ssyncset.done @!p0 $0x0  }
0x18f: {  	[sflag:s0] =	ssyncadd.s32 @!p0 s1  }
0x190: {  	[bflag:$0x3] =	sbarrier.arrive $0xFFFF  }
0x191: {  	_ =	shalt  }

</sc_bundles>
